<compile_context>
chip_gen: v7x
topology: tpu7x:2x2x1
jax: 0.10.2.dev20260603
libtpu: 0.0.44.dev20260713+nightly
codegen_flags: <defaults>
</compile_context>

<pallas_src>
import functools

import jax
import jax.numpy as jnp
from jax import lax
from jax.experimental import pallas as pl
from jax.experimental.pallas import tpu as pltpu
from jax.experimental.pallas import tpu_sc as plsc

BATCH = 4096
DIM = 64
NUM_TABLES = 6

_info = plsc.get_sparse_core_info()
_NC, _NS = _info.num_cores, _info.num_subcores
_NW = _NC * _NS
_BPW = BATCH // _NW


def _make():
  mesh = plsc.VectorSubcoreMesh(core_axis_name="c", subcore_axis_name="s")

  @functools.partial(
      pl.kernel,
      mesh=mesh,
      out_type=jax.ShapeDtypeStruct((BATCH, NUM_TABLES * DIM), jnp.float32),
      compiler_params=pltpu.CompilerParams(
          use_tc_tiling_on_sc=True,
          disable_bounds_checks=True,
          disable_semaphore_checks=True,
      ),
      scratch_types=[
          pltpu.VMEM((_BPW,), jnp.int32),
          pltpu.VMEM((_BPW,), jnp.int32),
          pltpu.VMEM((NUM_TABLES // 2, _BPW, 2 * DIM), jnp.float32),
          pltpu.SemaphoreType.DMA,
          pltpu.SemaphoreType.DMA,
          pltpu.SemaphoreType.DMA,
          pltpu.SemaphoreType.DMA,
      ],
  )
  def lookup(u_hbm, i_hbm, t0, t1, t2, t3, t4, t5, out_hbm,
             uid_v, iid_v, gbuf, s0, s1, s2, wsem):
    wid = lax.axis_index("s") * _NC + lax.axis_index("c")
    base = wid * _BPW
    pltpu.sync_copy(u_hbm.at[pl.ds(base, _BPW)], uid_v)
    pltpu.sync_copy(i_hbm.at[pl.ds(base, _BPW)], iid_v)
    tables = (t0, t1, t2, t3, t4, t5)
    sems = (s0, s1, s2)

    def fire(p):
      def body(c, carry):
        uv = uid_v[pl.ds(c * 16, 16)]
        iv = iid_v[pl.ds(c * 16, 16)]
        for j in range(16):
          r = c * 16 + j
          for k in (2 * p, 2 * p + 1):
            idx = uv[j] if k % 2 == 0 else iv[j]
            pltpu.async_copy(
                tables[k].at[idx],
                gbuf.at[p, r, pl.ds((k % 2) * DIM, DIM)], sems[p])
        return carry

      lax.fori_loop(0, _BPW // 16, body, 0)

    for p in range(NUM_TABLES // 2):
      fire(p)

    for p in range(NUM_TABLES // 2):
      pltpu.make_async_copy(
          out_hbm.at[pl.ds(base, _BPW), pl.ds(p * 2 * DIM, 2 * DIM)],
          gbuf.at[p], sems[p]).wait()
      pltpu.async_copy(
          gbuf.at[p],
          out_hbm.at[pl.ds(base, _BPW), pl.ds(p * 2 * DIM, 2 * DIM)], wsem)
    for p in range(NUM_TABLES // 2):
      pltpu.make_async_copy(
          gbuf.at[p],
          out_hbm.at[pl.ds(base, _BPW), pl.ds(p * 2 * DIM, 2 * DIM)],
          wsem).wait()

  return lookup


_lookup = _make()


def kernel(uid, iid, user_table, item_table, src_user_0, src_item_0,
           src_user_1, src_item_1):
  return _lookup(uid.astype(jnp.int32), iid.astype(jnp.int32),
                 user_table, item_table, src_user_0, src_item_0,
                 src_user_1, src_item_1)

# --- scband reference (transcript-rebuilt; emitter-appended) ---
"""Pipeline reference for scband-lookup-embedding-pretrain-39848706572446 (READ-ONLY COPY).

The authoritative reference and input builder live on the scoring server;
editing this copy changes nothing except your own understanding.
"""

import jax, jax.numpy as jnp
import numpy as np

BATCH = 4096
VOCAB = 100000
DIM = 64
NUM_SRC = 2  # num_domains=3, one target domain, two source domains


def setup_inputs(seed: int = 0) -> dict:
    key = jax.random.key(seed)
    ks = jax.random.split(key, 8)
    inp = {}
    inp["uid"] = jax.random.randint(ks[0], (BATCH,), 0, VOCAB, dtype=jnp.int64) if jax.config.jax_enable_x64 else jax.random.randint(ks[0], (BATCH,), 0, VOCAB)
    inp["iid"] = jax.random.randint(ks[1], (BATCH,), 0, VOCAB)
    # target-domain pretrained tables (embedding_user / embedding_item)
    inp["user_table"] = jax.random.normal(ks[2], (VOCAB, DIM), dtype=jnp.float32) * 0.02
    inp["item_table"] = jax.random.normal(ks[3], (VOCAB, DIM), dtype=jnp.float32) * 0.02
    # source-domain pretrained tables (user_embedding_list / item_embedding_list)
    inp["src_user_0"] = jax.random.normal(ks[4], (VOCAB, DIM), dtype=jnp.float32) * 0.02
    inp["src_item_0"] = jax.random.normal(ks[5], (VOCAB, DIM), dtype=jnp.float32) * 0.02
    inp["src_user_1"] = jax.random.normal(ks[6], (VOCAB, DIM), dtype=jnp.float32) * 0.02
    inp["src_item_1"] = jax.random.normal(ks[7], (VOCAB, DIM), dtype=jnp.float32) * 0.02
    return inp


def reference(uid, iid, user_table, item_table, src_user_0, src_item_0, src_user_1, src_item_1):
    # Target-domain lookups: self.embedding_user(uid), self.embedding_item(iid)
    u = jnp.take(user_table, uid, axis=0)
    i = jnp.take(item_table, iid, axis=0)
    # Source-domain lookups: user_embedding_list[j](uid), item_embedding_list[j](iid)
    su0 = jnp.take(src_user_0, uid, axis=0)
    si0 = jnp.take(src_item_0, iid, axis=0)
    su1 = jnp.take(src_user_1, uid, axis=0)
    si1 = jnp.take(src_item_1, iid, axis=0)
    # Concatenate all looked-up embeddings: [BATCH, 6*DIM]
    return jnp.concatenate([u, i, su0, si0, su1, si1], axis=-1)

if __name__ == "__main__":
    import jax
    _d = setup_inputs()
    print(jax.jit(kernel)(*tuple(_d.values())))

</pallas_src>

<mosaic_0001>
#map = affine_map<(d0, d1) -> (0)>
#map1 = affine_map<(d0, d1) -> (0, 0)>
module attributes {stable_mosaic.version = 14 : i64} {
  func.func @lookup(%arg0: i32, %arg1: i32, %arg2: memref<4096xi32, #tpu.memory_space<hbm>>, %arg3: memref<4096xi32, #tpu.memory_space<hbm>>, %arg4: memref<100000x64xf32, #tpu.memory_space<hbm>>, %arg5: memref<100000x64xf32, #tpu.memory_space<hbm>>, %arg6: memref<100000x64xf32, #tpu.memory_space<hbm>>, %arg7: memref<100000x64xf32, #tpu.memory_space<hbm>>, %arg8: memref<100000x64xf32, #tpu.memory_space<hbm>>, %arg9: memref<100000x64xf32, #tpu.memory_space<hbm>>, %arg10: memref<4096x384xf32, #tpu.memory_space<hbm>>, %arg11: memref<128xi32, #tpu.memory_space<vmem>>, %arg12: memref<128xi32, #tpu.memory_space<vmem>>, %arg13: memref<3x128x128xf32, #tpu.memory_space<vmem>>, %arg14: memref<!tpu.dma_semaphore, #tpu.memory_space<semaphore_mem>>, %arg15: memref<!tpu.dma_semaphore, #tpu.memory_space<semaphore_mem>>, %arg16: memref<!tpu.dma_semaphore, #tpu.memory_space<semaphore_mem>>, %arg17: memref<!tpu.dma_semaphore, #tpu.memory_space<semaphore_mem>>) attributes {dimension_semantics = [#tpu.dimension_semantics<core_parallel>, #tpu.dimension_semantics<subcore_parallel>], iteration_bounds = array<i64: 2, 16>, scalar_prefetch = 0 : i64, scratch_operands = 7 : i64, tpu.core_type = #tpu.core_type<sc_vector_subcore>, window_params = [{transform_indices = #map}, {transform_indices = #map}, {transform_indices = #map1}, {transform_indices = #map1}, {transform_indices = #map1}, {transform_indices = #map1}, {transform_indices = #map1}, {transform_indices = #map1}, {transform_indices = #map1}]} {
    %mul3A = arith.constant 2 : i32
    %mul3A_0 = arith.muli %arg1, %mul3A : i32
    %add3A = arith.addi %mul3A_0, %arg0 : i32
    %mul3A_1 = arith.constant 128 : i32
    %mul3A_2 = arith.muli %add3A, %mul3A_1 : i32
    "tpu.region"() ({
      %run_scoped3A = tpu.sem_alloc : memref<!tpu.dma_semaphore, #tpu.memory_space<semaphore_mem>>
      %dma_start3A_135 = tpu.memref_slice %arg2[%mul3A_2] : memref<4096xi32, #tpu.memory_space<hbm>> -> memref<128xi32, #tpu.memory_space<hbm>>
      %dma_start3A_136 = tpu.memref_slice %arg2[%mul3A_2] : memref<4096xi32, #tpu.memory_space<hbm>> -> memref<128xi32, #tpu.memory_space<hbm>>
      tpu.enqueue_dma source(%dma_start3A_136 : memref<128xi32, #tpu.memory_space<hbm>>) target(%arg11 : memref<128xi32, #tpu.memory_space<vmem>>) target_semaphore(%run_scoped3A : memref<!tpu.dma_semaphore, #tpu.memory_space<semaphore_mem>>)
      %dma_wait3A_137 = tpu.memref_slice %arg2[%mul3A_2] : memref<4096xi32, #tpu.memory_space<hbm>> -> memref<128xi32, #tpu.memory_space<hbm>>
      %dma_wait3A_138 = tpu.memref_slice %arg2[%mul3A_2] : memref<4096xi32, #tpu.memory_space<hbm>> -> memref<128xi32, #tpu.memory_space<hbm>>
      tpu.wait_dma2 semaphore(%run_scoped3A : memref<!tpu.dma_semaphore, #tpu.memory_space<semaphore_mem>>) src(%dma_wait3A_138 : memref<128xi32, #tpu.memory_space<hbm>>) dst(%arg11 : memref<128xi32, #tpu.memory_space<vmem>>)
      tpu.yield
    }) : () -> ()
    "tpu.region"() ({
      %run_scoped3A = tpu.sem_alloc : memref<!tpu.dma_semaphore, #tpu.memory_space<semaphore_mem>>
      %dma_start3A_135 = tpu.memref_slice %arg3[%mul3A_2] : memref<4096xi32, #tpu.memory_space<hbm>> -> memref<128xi32, #tpu.memory_space<hbm>>
      %dma_start3A_136 = tpu.memref_slice %arg3[%mul3A_2] : memref<4096xi32, #tpu.memory_space<hbm>> -> memref<128xi32, #tpu.memory_space<hbm>>
      tpu.enqueue_dma source(%dma_start3A_136 : memref<128xi32, #tpu.memory_space<hbm>>) target(%arg12 : memref<128xi32, #tpu.memory_space<vmem>>) target_semaphore(%run_scoped3A : memref<!tpu.dma_semaphore, #tpu.memory_space<semaphore_mem>>)
      %dma_wait3A_137 = tpu.memref_slice %arg3[%mul3A_2] : memref<4096xi32, #tpu.memory_space<hbm>> -> memref<128xi32, #tpu.memory_space<hbm>>
      %dma_wait3A_138 = tpu.memref_slice %arg3[%mul3A_2] : memref<4096xi32, #tpu.memory_space<hbm>> -> memref<128xi32, #tpu.memory_space<hbm>>
      tpu.wait_dma2 semaphore(%run_scoped3A : memref<!tpu.dma_semaphore, #tpu.memory_space<semaphore_mem>>) src(%dma_wait3A_138 : memref<128xi32, #tpu.memory_space<hbm>>) dst(%arg12 : memref<128xi32, #tpu.memory_space<vmem>>)
      tpu.yield
    }) : () -> ()
    %scan3A = arith.constant 0 : i32
    %scan3A_3 = arith.constant 0 : i32
    %scan3A_4 = arith.constant 8 : i32
    %scan3A_5 = arith.addi %scan3A_3, %scan3A_4 : i32
    %scan3A_6 = arith.constant 1 : i32
    scf.for %scan3A_135 = %scan3A_3 to %scan3A_5 step %scan3A_6  : i32 {
      %mul3A_136 = arith.constant 16 : i32
      %mul3A_137 = arith.muli %scan3A_135, %mul3A_136 : i32
      %get3A = arith.index_cast %mul3A_137 : i32 to index
      %get3A_138 = tpu.vector_load %arg11[%get3A] {strides = array<i32>} : memref<128xi32, #tpu.memory_space<vmem>>, vector<16xi32>,
      %get3A_139 = vector.shape_cast %get3A_138 : vector<16xi32> to vector<16xi32>
      %mul3A_140 = arith.constant 16 : i32
      %mul3A_141 = arith.muli %scan3A_135, %mul3A_140 : i32
      %get3A_142 = arith.index_cast %mul3A_141 : i32 to index
      %get3A_143 = tpu.vector_load %arg12[%get3A_142] {strides = array<i32>} : memref<128xi32, #tpu.memory_space<vmem>>, vector<16xi32>,
      %get3A_144 = vector.shape_cast %get3A_143 : vector<16xi32> to vector<16xi32>
      %mul3A_145 = arith.constant 16 : i32
      %mul3A_146 = arith.muli %scan3A_135, %mul3A_145 : i32
      %add3A_147 = arith.constant 0 : i32
      %add3A_148 = arith.addi %mul3A_146, %add3A_147 : i32
      %slice3A = vector.extract_strided_slice %get3A_139 {offsets = [0], sizes = [1], strides = [1]} : vector<16xi32> to vector<1xi32>
      %squeeze3A = vector.extract %slice3A[0] : i32 from vector<1xi32>
      %dma_start3A_149 = arith.constant 0 : i32
      %dma_start3A_150 = arith.constant 0 : i32
      %dma_start3A_151 = tpu.memref_slice %arg13[%dma_start3A_149, %add3A_148, %dma_start3A_150] : memref<3x128x128xf32, #tpu.memory_space<vmem>> -> memref<1x1x64xf32, #tpu.memory_space<vmem>>
      %dma_start3A_152 = tpu.memref_squeeze %dma_start3A_151 : memref<1x1x64xf32, #tpu.memory_space<vmem>> -> memref<64xf32, #tpu.memory_space<vmem>>
      %dma_start3A_153 = arith.constant 0 : i32
      %dma_start3A_154 = tpu.memref_slice %arg4[%squeeze3A, %dma_start3A_153] : memref<100000x64xf32, #tpu.memory_space<hbm>> -> memref<1x64xf32, #tpu.memory_space<hbm>>
      %dma_start3A_155 = tpu.memref_squeeze %dma_start3A_154 : memref<1x64xf32, #tpu.memory_space<hbm>> -> memref<64xf32, #tpu.memory_space<hbm>>
      %dma_start3A_156 = arith.constant 0 : i32
      %dma_start3A_157 = tpu.memref_slice %arg13[%dma_start3A_149, %add3A_148, %dma_start3A_156] : memref<3x128x128xf32, #tpu.memory_space<vmem>> -> memref<1x1x64xf32, #tpu.memory_space<vmem>>
      %dma_start3A_158 = tpu.memref_squeeze %dma_start3A_157 : memref<1x1x64xf32, #tpu.memory_space<vmem>> -> memref<64xf32, #tpu.memory_space<vmem>>
      %dma_start3A_159 = arith.constant 0 : i32
      %dma_start3A_160 = tpu.memref_slice %arg4[%squeeze3A, %dma_start3A_159] : memref<100000x64xf32, #tpu.memory_space<hbm>> -> memref<1x64xf32, #tpu.memory_space<hbm>>
      %dma_start3A_161 = tpu.memref_squeeze %dma_start3A_160 : memref<1x64xf32, #tpu.memory_space<hbm>> -> memref<64xf32, #tpu.memory_space<hbm>>
      tpu.enqueue_dma source(%dma_start3A_161 : memref<64xf32, #tpu.memory_space<hbm>>) target(%dma_start3A_158 : memref<64xf32, #tpu.memory_space<vmem>>) target_semaphore(%arg14 : memref<!tpu.dma_semaphore, #tpu.memory_space<semaphore_mem>>)
      %slice3A_162 = vector.extract_strided_slice %get3A_144 {offsets = [0], sizes = [1], strides = [1]} : vector<16xi32> to vector<1xi32>
      %squeeze3A_163 = vector.extract %slice3A_162[0] : i32 from vector<1xi32>
      %dma_start3A_164 = arith.constant 0 : i32
      %dma_start3A_165 = arith.constant 64 : i32
      %dma_start3A_166 = tpu.memref_slice %arg13[%dma_start3A_164, %add3A_148, %dma_start3A_165] : memref<3x128x128xf32, #tpu.memory_space<vmem>> -> memref<1x1x64xf32, #tpu.memory_space<vmem>>
      %dma_start3A_167 = tpu.memref_squeeze %dma_start3A_166 : memref<1x1x64xf32, #tpu.memory_space<vmem>> -> memref<64xf32, #tpu.memory_space<vmem>>
      %dma_start3A_168 = arith.constant 0 : i32
      %dma_start3A_169 = tpu.memref_slice %arg5[%squeeze3A_163, %dma_start3A_168] : memref<100000x64xf32, #tpu.memory_space<hbm>> -> memref<1x64xf32, #tpu.memory_space<hbm>>
      %dma_start3A_170 = tpu.memref_squeeze %dma_start3A_169 : memref<1x64xf32, #tpu.memory_space<hbm>> -> memref<64xf32, #tpu.memory_space<hbm>>
      %dma_start3A_171 = arith.constant 64 : i32
      %dma_start3A_172 = tpu.memref_slice %arg13[%dma_start3A_164, %add3A_148, %dma_start3A_171] : memref<3x128x128xf32, #tpu.memory_space<vmem>> -> memref<1x1x64xf32, #tpu.memory_space<vmem>>
      %dma_start3A_173 = tpu.memref_squeeze %dma_start3A_172 : memref<1x1x64xf32, #tpu.memory_space<vmem>> -> memref<64xf32, #tpu.memory_space<vmem>>
      %dma_start3A_174 = arith.constant 0 : i32
      %dma_start3A_175 = tpu.memref_slice %arg5[%squeeze3A_163, %dma_start3A_174] : memref<100000x64xf32, #tpu.memory_space<hbm>> -> memref<1x64xf32, #tpu.memory_space<hbm>>
      %dma_start3A_176 = tpu.memref_squeeze %dma_start3A_175 : memref<1x64xf32, #tpu.memory_space<hbm>> -> memref<64xf32, #tpu.memory_space<hbm>>
      tpu.enqueue_dma source(%dma_start3A_176 : memref<64xf32, #tpu.memory_space<hbm>>) target(%dma_start3A_173 : memref<64xf32, #tpu.memory_space<vmem>>) target_semaphore(%arg14 : memref<!tpu.dma_semaphore, #tpu.memory_space<semaphore_mem>>)
      %mul3A_177 = arith.constant 16 : i32
      %mul3A_178 = arith.muli %scan3A_135, %mul3A_177 : i32
      %add3A_179 = arith.constant 1 : i32
      %add3A_180 = arith.addi %mul3A_178, %add3A_179 : i32
      %slice3A_181 = vector.extract_strided_slice %get3A_139 {offsets = [1], sizes = [1], strides = [1]} : vector<16xi32> to vector<1xi32>
      %squeeze3A_182 = vector.extract %slice3A_181[0] : i32 from vector<1xi32>
      %dma_start3A_183 = arith.constant 0 : i32
      %dma_start3A_184 = arith.constant 0 : i32
      %dma_start3A_185 = tpu.memref_slice %arg13[%dma_start3A_183, %add3A_180, %dma_start3A_184] : memref<3x128x128xf32, #tpu.memory_space<vmem>> -> memref<1x1x64xf32, #tpu.memory_space<vmem>>
      %dma_start3A_186 = tpu.memref_squeeze %dma_start3A_185 : memref<1x1x64xf32, #tpu.memory_space<vmem>> -> memref<64xf32, #tpu.memory_space<vmem>>
      %dma_start3A_187 = arith.constant 0 : i32
      %dma_start3A_188 = tpu.memref_slice %arg4[%squeeze3A_182, %dma_start3A_187] : memref<100000x64xf32, #tpu.memory_space<hbm>> -> memref<1x64xf32, #tpu.memory_space<hbm>>
      %dma_start3A_189 = tpu.memref_squeeze %dma_start3A_188 : memref<1x64xf32, #tpu.memory_space<hbm>> -> memref<64xf32, #tpu.memory_space<hbm>>
      %dma_start3A_190 = arith.constant 0 : i32
      %dma_start3A_191 = tpu.memref_slice %arg13[%dma_start3A_183, %add3A_180, %dma_start3A_190] : memref<3x128x128xf32, #tpu.memory_space<vmem>> -> memref<1x1x64xf32, #tpu.memory_space<vmem>>
      %dma_start3A_192 = tpu.memref_squeeze %dma_start3A_191 : memref<1x1x64xf32, #tpu.memory_space<vmem>> -> memref<64xf32, #tpu.memory_space<vmem>>
      %dma_start3A_193 = arith.constant 0 : i32
      %dma_start3A_194 = tpu.memref_slice %arg4[%squeeze3A_182, %dma_start3A_193] : memref<100000x64xf32, #tpu.memory_space<hbm>> -> memref<1x64xf32, #tpu.memory_space<hbm>>
      %dma_start3A_195 = tpu.memref_squeeze %dma_start3A_194 : memref<1x64xf32, #tpu.memory_space<hbm>> -> memref<64xf32, #tpu.memory_space<hbm>>
      tpu.enqueue_dma source(%dma_start3A_195 : memref<64xf32, #tpu.memory_space<hbm>>) target(%dma_start3A_192 : memref<64xf32, #tpu.memory_space<vmem>>) target_semaphore(%arg14 : memref<!tpu.dma_semaphore, #tpu.memory_space<semaphore_mem>>)
      %slice3A_196 = vector.extract_strided_slice %get3A_144 {offsets = [1], sizes = [1], strides = [1]} : vector<16xi32> to vector<1xi32>
      %squeeze3A_197 = vector.extract %slice3A_196[0] : i32 from vector<1xi32>
      %dma_start3A_198 = arith.constant 0 : i32
      %dma_start3A_199 = arith.constant 64 : i32
      %dma_start3A_200 = tpu.memref_slice %arg13[%dma_start3A_198, %add3A_180, %dma_start3A_199] : memref<3x128x128xf32, #tpu.memory_space<vmem>> -> memref<1x1x64xf32, #tpu.memory_space<vmem>>
      %dma_start3A_201 = tpu.memref_squeeze %dma_start3A_200 : memref<1x1x64xf32, #tpu.memory_space<vmem>> -> memref<64xf32, #tpu.memory_space<vmem>>
      %dma_start3A_202 = arith.constant 0 : i32
      %dma_start3A_203 = tpu.memref_slice %arg5[%squeeze3A_197, %dma_start3A_202] : memref<100000x64xf32, #tpu.memory_space<hbm>> -> memref<1x64xf32, #tpu.memory_space<hbm>>
      %dma_start3A_204 = tpu.memref_squeeze %dma_start3A_203 : memref<1x64xf32, #tpu.memory_space<hbm>> -> memref<64xf32, #tpu.memory_space<hbm>>
      %dma_start3A_205 = arith.constant 64 : i32
      %dma_start3A_206 = tpu.memref_slice %arg13[%dma_start3A_198, %add3A_180, %dma_start3A_205] : memref<3x128x128xf32, #tpu.memory_space<vmem>> -> memref<1x1x64xf32, #tpu.memory_space<vmem>>
      %dma_start3A_207 = tpu.memref_squeeze %dma_start3A_206 : memref<1x1x64xf32, #tpu.memory_space<vmem>> -> memref<64xf32, #tpu.memory_space<vmem>>
      %dma_start3A_208 = arith.constant 0 : i32
      %dma_start3A_209 = tpu.memref_slice %arg5[%squeeze3A_197, %dma_start3A_208] : memref<100000x64xf32, #tpu.memory_space<hbm>> -> memref<1x64xf32, #tpu.memory_space<hbm>>
      %dma_start3A_210 = tpu.memref_squeeze %dma_start3A_209 : memref<1x64xf32, #tpu.memory_space<hbm>> -> memref<64xf32, #tpu.memory_space<hbm>>
      tpu.enqueue_dma source(%dma_start3A_210 : memref<64xf32, #tpu.memory_space<hbm>>) target(%dma_start3A_207 : memref<64xf32, #tpu.memory_space<vmem>>) target_semaphore(%arg14 : memref<!tpu.dma_semaphore, #tpu.memory_space<semaphore_mem>>)
      %mul3A_211 = arith.constant 16 : i32
      %mul3A_212 = arith.muli %scan3A_135, %mul3A_211 : i32
      %add3A_213 = arith.constant 2 : i32
      %add3A_214 = arith.addi %mul3A_212, %add3A_213 : i32
      %slice3A_215 = vector.extract_strided_slice %get3A_139 {offsets = [2], sizes = [1], strides = [1]} : vector<16xi32> to vector<1xi32>
      %squeeze3A_216 = vector.extract %slice3A_215[0] : i32 from vector<1xi32>
      %dma_start3A_217 = arith.constant 0 : i32
      %dma_start3A_218 = arith.constant 0 : i32
      %dma_start3A_219 = tpu.memref_slice %arg13[%dma_start3A_217, %add3A_214, %dma_start3A_218] : memref<3x128x128xf32, #tpu.memory_space<vmem>> -> memref<1x1x64xf32, #tpu.memory_space<vmem>>
      %dma_start3A_220 = tpu.memref_squeeze %dma_start3A_219 : memref<1x1x64xf32, #tpu.memory_space<vmem>> -> memref<64xf32, #tpu.memory_space<vmem>>
      %dma_start3A_221 = arith.constant 0 : i32
      %dma_start3A_222 = tpu.memref_slice %arg4[%squeeze3A_216, %dma_start3A_221] : memref<100000x64xf32, #tpu.memory_space<hbm>> -> memref<1x64xf32, #tpu.memory_space<hbm>>
      %dma_start3A_223 = tpu.memref_squeeze %dma_start3A_222 : memref<1x64xf32, #tpu.memory_space<hbm>> -> memref<64xf32, #tpu.memory_space<hbm>>
      %dma_start3A_224 = arith.constant 0 : i32
      %dma_start3A_225 = tpu.memref_slice %arg13[%dma_start3A_217, %add3A_214, %dma_start3A_224] : memref<3x128x128xf32, #tpu.memory_space<vmem>> -> memref<1x1x64xf32, #tpu.memory_space<vmem>>
      %dma_start3A_226 = tpu.memref_squeeze %dma_start3A_225 : memref<1x1x64xf32, #tpu.memory_space<vmem>> -> memref<64xf32, #tpu.memory_space<vmem>>
      %dma_start3A_227 = arith.constant 0 : i32
      %dma_start3A_228 = tpu.memref_slice %arg4[%squeeze3A_216, %dma_start3A_227] : memref<100000x64xf32, #tpu.memory_space<hbm>> -> memref<1x64xf32, #tpu.memory_space<hbm>>
      %dma_start3A_229 = tpu.memref_squeeze %dma_start3A_228 : memref<1x64xf32, #tpu.memory_space<hbm>> -> memref<64xf32, #tpu.memory_space<hbm>>
      tpu.enqueue_dma source(%dma_start3A_229 : memref<64xf32, #tpu.memory_space<hbm>>) target(%dma_start3A_226 : memref<64xf32, #tpu.memory_space<vmem>>) target_semaphore(%arg14 : memref<!tpu.dma_semaphore, #tpu.memory_space<semaphore_mem>>)
      %slice3A_230 = vector.extract_strided_slice %get3A_144 {offsets = [2], sizes = [1], strides = [1]} : vector<16xi32> to vector<1xi32>
      %squeeze3A_231 = vector.extract %slice3A_230[0] : i32 from vector<1xi32>
      %dma_start3A_232 = arith.constant 0 : i32
      %dma_start3A_233 = arith.constant 64 : i32
      %dma_start3A_234 = tpu.memref_slice %arg13[%dma_start3A_232, %add3A_214, %dma_start3A_233] : memref<3x128x128xf32, #tpu.memory_space<vmem>> -> memref<1x1x64xf32, #tpu.memory_space<vmem>>
      %dma_start3A_235 = tpu.memref_squeeze %dma_start3A_234 : memref<1x1x64xf32, #tpu.memory_space<vmem>> -> memref<64xf32, #tpu.memory_space<vmem>>
      %dma_start3A_236 = arith.constant 0 : i32
      %dma_start3A_237 = tpu.memref_slice %arg5[%squeeze3A_231, %dma_start3A_236] : memref<100000x64xf32, #tpu.memory_space<hbm>> -> memref<1x64xf32, #tpu.memory_space<hbm>>
      %dma_start3A_238 = tpu.memref_squeeze %dma_start3A_237 : memref<1x64xf32, #tpu.memory_space<hbm>> -> memref<64xf32, #tpu.memory_space<hbm>>
      %dma_start3A_239 = arith.constant 64 : i32
      %dma_start3A_240 = tpu.memref_slice %arg13[%dma_start3A_232, %add3A_214, %dma_start3A_239] : memref<3x128x128xf32, #tpu.memory_space<vmem>> -> memref<1x1x64xf32, #tpu.memory_space<vmem>>
      %dma_start3A_241 = tpu.memref_squeeze %dma_start3A_240 : memref<1x1x64xf32, #tpu.memory_space<vmem>> -> memref<64xf32, #tpu.memory_space<vmem>>
      %dma_start3A_242 = arith.constant 0 : i32
      %dma_start3A_243 = tpu.memref_slice %arg5[%squeeze3A_231, %dma_start3A_242] : memref<100000x64xf32, #tpu.memory_space<hbm>> -> memref<1x64xf32, #tpu.memory_space<hbm>>
      %dma_start3A_244 = tpu.memref_squeeze %dma_start3A_243 : memref<1x64xf32, #tpu.memory_space<hbm>> -> memref<64xf32, #tpu.memory_space<hbm>>
      tpu.enqueue_dma source(%dma_start3A_244 : memref<64xf32, #tpu.memory_space<hbm>>) target(%dma_start3A_241 : memref<64xf32, #tpu.memory_space<vmem>>) target_semaphore(%arg14 : memref<!tpu.dma_semaphore, #tpu.memory_space<semaphore_mem>>)
      %mul3A_245 = arith.constant 16 : i32
      %mul3A_246 = arith.muli %scan3A_135, %mul3A_245 : i32
      %add3A_247 = arith.constant 3 : i32
      %add3A_248 = arith.addi %mul3A_246, %add3A_247 : i32
      %slice3A_249 = vector.extract_strided_slice %get3A_139 {offsets = [3], sizes = [1], strides = [1]} : vector<16xi32> to vector<1xi32>
      %squeeze3A_250 = vector.extract %slice3A_249[0] : i32 from vector<1xi32>
      %dma_start3A_251 = arith.constant 0 : i32
      %dma_start3A_252 = arith.constant 0 : i32
      %dma_start3A_253 = tpu.memref_slice %arg13[%dma_start3A_251, %add3A_248, %dma_start3A_252] : memref<3x128x128xf32, #tpu.memory_space<vmem>> -> memref<1x1x64xf32, #tpu.memory_space<vmem>>
      %dma_start3A_254 = tpu.memref_squeeze %dma_start3A_253 : memref<1x1x64xf32, #tpu.memory_space<vmem>> -> memref<64xf32, #tpu.memory_space<vmem>>
      %dma_start3A_255 = arith.constant 0 : i32
      %dma_start3A_256 = tpu.memref_slice %arg4[%squeeze3A_250, %dma_start3A_255] : memref<100000x64xf32, #tpu.memory_space<hbm>> -> memref<1x64xf32, #tpu.memory_space<hbm>>
      %dma_start3A_257 = tpu.memref_squeeze %dma_start3A_256 : memref<1x64xf32, #tpu.memory_space<hbm>> -> memref<64xf32, #tpu.memory_space<hbm>>
      %dma_start3A_258 = arith.constant 0 : i32
      %dma_start3A_259 = tpu.memref_slice %arg13[%dma_start3A_251, %add3A_248, %dma_start3A_258] : memref<3x128x128xf32, #tpu.memory_space<vmem>> -> memref<1x1x64xf32, #tpu.memory_space<vmem>>
      %dma_start3A_260 = tpu.memref_squeeze %dma_start3A_259 : memref<1x1x64xf32, #tpu.memory_space<vmem>> -> memref<64xf32, #tpu.memory_space<vmem>>
      %dma_start3A_261 = arith.constant 0 : i32
      %dma_start3A_262 = tpu.memref_slice %arg4[%squeeze3A_250, %dma_start3A_261] : memref<100000x64xf32, #tpu.memory_space<hbm>> -> memref<1x64xf32, #tpu.memory_space<hbm>>
      %dma_start3A_263 = tpu.memref_squeeze %dma_start3A_262 : memref<1x64xf32, #tpu.memory_space<hbm>> -> memref<64xf32, #tpu.memory_space<hbm>>
      tpu.enqueue_dma source(%dma_start3A_263 : memref<64xf32, #tpu.memory_space<hbm>>) target(%dma_start3A_260 : memref<64xf32, #tpu.memory_space<vmem>>) target_semaphore(%arg14 : memref<!tpu.dma_semaphore, #tpu.memory_space<semaphore_mem>>)
      %slice3A_264 = vector.extract_strided_slice %get3A_144 {offsets = [3], sizes = [1], strides = [1]} : vector<16xi32> to vector<1xi32>
      %squeeze3A_265 = vector.extract %slice3A_264[0] : i32 from vector<1xi32>
      %dma_start3A_266 = arith.constant 0 : i32
      %dma_start3A_267 = arith.constant 64 : i32
      %dma_start3A_268 = tpu.memref_slice %arg13[%dma_start3A_266, %add3A_248, %dma_start3A_267] : memref<3x128x128xf32, #tpu.memory_space<vmem>> -> memref<1x1x64xf32, #tpu.memory_space<vmem>>
      %dma_start3A_269 = tpu.memref_squeeze %dma_start3A_268 : memref<1x1x64xf32, #tpu.memory_space<vmem>> -> memref<64xf32, #tpu.memory_space<vmem>>
      %dma_start3A_270 = arith.constant 0 : i32
      %dma_start3A_271 = tpu.memref_slice %arg5[%squeeze3A_265, %dma_start3A_270] : memref<100000x64xf32, #tpu.memory_space<hbm>> -> memref<1x64xf32, #tpu.memory_space<hbm>>
      %dma_start3A_272 = tpu.memref_squeeze %dma_start3A_271 : memref<1x64xf32, #tpu.memory_space<hbm>> -> memref<64xf32, #tpu.memory_space<hbm>>
      %dma_start3A_273 = arith.constant 64 : i32
      %dma_start3A_274 = tpu.memref_slice %arg13[%dma_start3A_266, %add3A_248, %dma_start3A_273] : memref<3x128x128xf32, #tpu.memory_space<vmem>> -> memref<1x1x64xf32, #tpu.memory_space<vmem>>
      %dma_start3A_275 = tpu.memref_squeeze %dma_start3A_274 : memref<1x1x64xf32, #tpu.memory_space<vmem>> -> memref<64xf32, #tpu.memory_space<vmem>>
      %dma_start3A_276 = arith.constant 0 : i32
      %dma_start3A_277 = tpu.memref_slice %arg5[%squeeze3A_265, %dma_start3A_276] : memref<100000x64xf32, #tpu.memory_space<hbm>> -> memref<1x64xf32, #tpu.memory_space<hbm>>
      %dma_start3A_278 = tpu.memref_squeeze %dma_start3A_277 : memref<1x64xf32, #tpu.memory_space<hbm>> -> memref<64xf32, #tpu.memory_space<hbm>>
      tpu.enqueue_dma source(%dma_start3A_278 : memref<64xf32, #tpu.memory_space<hbm>>) target(%dma_start3A_275 : memref<64xf32, #tpu.memory_space<vmem>>) target_semaphore(%arg14 : memref<!tpu.dma_semaphore, #tpu.memory_space<semaphore_mem>>)
      %mul3A_279 = arith.constant 16 : i32
      %mul3A_280 = arith.muli %scan3A_135, %mul3A_279 : i32
      %add3A_281 = arith.constant 4 : i32
      %add3A_282 = arith.addi %mul3A_280, %add3A_281 : i32
      %slice3A_283 = vector.extract_strided_slice %get3A_139 {offsets = [4], sizes = [1], strides = [1]} : vector<16xi32> to vector<1xi32>
      %squeeze3A_284 = vector.extract %slice3A_283[0] : i32 from vector<1xi32>
      %dma_start3A_285 = arith.constant 0 : i32
      %dma_start3A_286 = arith.constant 0 : i32
      %dma_start3A_287 = tpu.memref_slice %arg13[%dma_start3A_285, %add3A_282, %dma_start3A_286] : memref<3x128x128xf32, #tpu.memory_space<vmem>> -> memref<1x1x64xf32, #tpu.memory_space<vmem>>
      %dma_start3A_288 = tpu.memref_squeeze %dma_start3A_287 : memref<1x1x64xf32, #tpu.memory_space<vmem>> -> memref<64xf32, #tpu.memory_space<vmem>>
      %dma_start3A_289 = arith.constant 0 : i32
      %dma_start3A_290 = tpu.memref_slice %arg4[%squeeze3A_284, %dma_start3A_289] : memref<100000x64xf32, #tpu.memory_space<hbm>> -> memref<1x64xf32, #tpu.memory_space<hbm>>
      %dma_start3A_291 = tpu.memref_squeeze %dma_start3A_290 : memref<1x64xf32, #tpu.memory_space<hbm>> -> memref<64xf32, #tpu.memory_space<hbm>>
      %dma_start3A_292 = arith.constant 0 : i32
      %dma_start3A_293 = tpu.memref_slice %arg13[%dma_start3A_285, %add3A_282, %dma_start3A_292] : memref<3x128x128xf32, #tpu.memory_space<vmem>> -> memref<1x1x64xf32, #tpu.memory_space<vmem>>
      %dma_start3A_294 = tpu.memref_squeeze %dma_start3A_293 : memref<1x1x64xf32, #tpu.memory_space<vmem>> -> memref<64xf32, #tpu.memory_space<vmem>>
      %dma_start3A_295 = arith.constant 0 : i32
      %dma_start3A_296 = tpu.memref_slice %arg4[%squeeze3A_284, %dma_start3A_295] : memref<100000x64xf32, #tpu.memory_space<hbm>> -> memref<1x64xf32, #tpu.memory_space<hbm>>
      %dma_start3A_297 = tpu.memref_squeeze %dma_start3A_296 : memref<1x64xf32, #tpu.memory_space<hbm>> -> memref<64xf32, #tpu.memory_space<hbm>>
      tpu.enqueue_dma source(%dma_start3A_297 : memref<64xf32, #tpu.memory_space<hbm>>) target(%dma_start3A_294 : memref<64xf32, #tpu.memory_space<vmem>>) target_semaphore(%arg14 : memref<!tpu.dma_semaphore, #tpu.memory_space<semaphore_mem>>)
      %slice3A_298 = vector.extract_strided_slice %get3A_144 {offsets = [4], sizes = [1], strides = [1]} : vector<16xi32> to vector<1xi32>
      %squeeze3A_299 = vector.extract %slice3A_298[0] : i32 from vector<1xi32>
      %dma_start3A_300 = arith.constant 0 : i32
      %dma_start3A_301 = arith.constant 64 : i32
      %dma_start3A_302 = tpu.memref_slice %arg13[%dma_start3A_300, %add3A_282, %dma_start3A_301] : memref<3x128x128xf32, #tpu.memory_space<vmem>> -> memref<1x1x64xf32, #tpu.memory_space<vmem>>
      %dma_start3A_303 = tpu.memref_squeeze %dma_start3A_302 : memref<1x1x64xf32, #tpu.memory_space<vmem>> -> memref<64xf32, #tpu.memory_space<vmem>>
      %dma_start3A_304 = arith.constant 0 : i32
      %dma_start3A_305 = tpu.memref_slice %arg5[%squeeze3A_299, %dma_start3A_304] : memref<100000x64xf32, #tpu.memory_space<hbm>> -> memref<1x64xf32, #tpu.memory_space<hbm>>
      %dma_start3A_306 = tpu.memref_squeeze %dma_start3A_305 : memref<1x64xf32, #tpu.memory_space<hbm>> -> memref<64xf32, #tpu.memory_space<hbm>>
      %dma_start3A_307 = arith.constant 64 : i32
      %dma_start3A_308 = tpu.memref_slice %arg13[%dma_start3A_300, %add3A_282, %dma_start3A_307] : memref<3x128x128xf32, #tpu.memory_space<vmem>> -> memref<1x1x64xf32, #tpu.memory_space<vmem>>
      %dma_start3A_309 = tpu.memref_squeeze %dma_start3A_308 : memref<1x1x64xf32, #tpu.memory_space<vmem>> -> memref<64xf32, #tpu.memory_space<vmem>>
      %dma_start3A_310 = arith.constant 0 : i32
      %dma_start3A_311 = tpu.memref_slice %arg5[%squeeze3A_299, %dma_start3A_310] : memref<100000x64xf32, #tpu.memory_space<hbm>> -> memref<1x64xf32, #tpu.memory_space<hbm>>
      %dma_start3A_312 = tpu.memref_squeeze %dma_start3A_311 : memref<1x64xf32, #tpu.memory_space<hbm>> -> memref<64xf32, #tpu.memory_space<hbm>>
      tpu.enqueue_dma source(%dma_start3A_312 : memref<64xf32, #tpu.memory_space<hbm>>) target(%dma_start3A_309 : memref<64xf32, #tpu.memory_space<vmem>>) target_semaphore(%arg14 : memref<!tpu.dma_semaphore, #tpu.memory_space<semaphore_mem>>)
      %mul3A_313 = arith.constant 16 : i32
      %mul3A_314 = arith.muli %scan3A_135, %mul3A_313 : i32
      %add3A_315 = arith.constant 5 : i32
      %add3A_316 = arith.addi %mul3A_314, %add3A_315 : i32
      %slice3A_317 = vector.extract_strided_slice %get3A_139 {offsets = [5], sizes = [1], strides = [1]} : vector<16xi32> to vector<1xi32>
      %squeeze3A_318 = vector.extract %slice3A_317[0] : i32 from vector<1xi32>
      %dma_start3A_319 = arith.constant 0 : i32
      %dma_start3A_320 = arith.constant 0 : i32
      %dma_start3A_321 = tpu.memref_slice %arg13[%dma_start3A_319, %add3A_316, %dma_start3A_320] : memref<3x128x128xf32, #tpu.memory_space<vmem>> -> memref<1x1x64xf32, #tpu.memory_space<vmem>>
      %dma_start3A_322 = tpu.memref_squeeze %dma_start3A_321 : memref<1x1x64xf32, #tpu.memory_space<vmem>> -> memref<64xf32, #tpu.memory_space<vmem>>
      %dma_start3A_323 = arith.constant 0 : i32
      %dma_start3A_324 = tpu.memref_slice %arg4[%squeeze3A_318, %dma_start3A_323] : memref<100000x64xf32, #tpu.memory_space<hbm>> -> memref<1x64xf32, #tpu.memory_space<hbm>>
      %dma_start3A_325 = tpu.memref_squeeze %dma_start3A_324 : memref<1x64xf32, #tpu.memory_space<hbm>> -> memref<64xf32, #tpu.memory_space<hbm>>
      %dma_start3A_326 = arith.constant 0 : i32
      %dma_start3A_327 = tpu.memref_slice %arg13[%dma_start3A_319, %add3A_316, %dma_start3A_326] : memref<3x128x128xf32, #tpu.memory_space<vmem>> -> memref<1x1x64xf32, #tpu.memory_space<vmem>>
      %dma_start3A_328 = tpu.memref_squeeze %dma_start3A_327 : memref<1x1x64xf32, #tpu.memory_space<vmem>> -> memref<64xf32, #tpu.memory_space<vmem>>
      %dma_start3A_329 = arith.constant 0 : i32
      %dma_start3A_330 = tpu.memref_slice %arg4[%squeeze3A_318, %dma_start3A_329] : memref<100000x64xf32, #tpu.memory_space<hbm>> -> memref<1x64xf32, #tpu.memory_space<hbm>>
      %dma_start3A_331 = tpu.memref_squeeze %dma_start3A_330 : memref<1x64xf32, #tpu.memory_space<hbm>> -> memref<64xf32, #tpu.memory_space<hbm>>
      tpu.enqueue_dma source(%dma_start3A_331 : memref<64xf32, #tpu.memory_space<hbm>>) target(%dma_start3A_328 : memref<64xf32, #tpu.memory_space<vmem>>) target_semaphore(%arg14 : memref<!tpu.dma_semaphore, #tpu.memory_space<semaphore_mem>>)
      %slice3A_332 = vector.extract_strided_slice %get3A_144 {offsets = [5], sizes = [1], strides = [1]} : vector<16xi32> to vector<1xi32>
      %squeeze3A_333 = vector.extract %slice3A_332[0] : i32 from vector<1xi32>
      %dma_start3A_334 = arith.constant 0 : i32
      %dma_start3A_335 = arith.constant 64 : i32
      %dma_start3A_336 = tpu.memref_slice %arg13[%dma_start3A_334, %add3A_316, %dma_start3A_335] : memref<3x128x128xf32, #tpu.memory_space<vmem>> -> memref<1x1x64xf32, #tpu.memory_space<vmem>>
      %dma_start3A_337 = tpu.memref_squeeze %dma_start3A_336 : memref<1x1x64xf32, #tpu.memory_space<vmem>> -> memref<64xf32, #tpu.memory_space<vmem>>
      %dma_start3A_338 = arith.constant 0 : i32
      %dma_start3A_339 = tpu.memref_slice %arg5[%squeeze3A_333, %dma_start3A_338] : memref<100000x64xf32, #tpu.memory_space<hbm>> -> memref<1x64xf32, #tpu.memory_space<hbm>>
      %dma_start3A_340 = tpu.memref_squeeze %dma_start3A_339 : memref<1x64xf32, #tpu.memory_space<hbm>> -> memref<64xf32, #tpu.memory_space<hbm>>
      %dma_start3A_341 = arith.constant 64 : i32
      %dma_start3A_342 = tpu.memref_slice %arg13[%dma_start3A_334, %add3A_316, %dma_start3A_341] : memref<3x128x128xf32, #tpu.memory_space<vmem>> -> memref<1x1x64xf32, #tpu.memory_space<vmem>>
      %dma_start3A_343 = tpu.memref_squeeze %dma_start3A_342 : memref<1x1x64xf32, #tpu.memory_space<vmem>> -> memref<64xf32, #tpu.memory_space<vmem>>
      %dma_start3A_344 = arith.constant 0 : i32
      %dma_start3A_345 = tpu.memref_slice %arg5[%squeeze3A_333, %dma_start3A_344] : memref<100000x64xf32, #tpu.memory_space<hbm>> -> memref<1x64xf32, #tpu.memory_space<hbm>>
      %dma_start3A_346 = tpu.memref_squeeze %dma_start3A_345 : memref<1x64xf32, #tpu.memory_space<hbm>> -> memref<64xf32, #tpu.memory_space<hbm>>
      tpu.enqueue_dma source(%dma_start3A_346 : memref<64xf32, #tpu.memory_space<hbm>>) target(%dma_start3A_343 : memref<64xf32, #tpu.memory_space<vmem>>) target_semaphore(%arg14 : memref<!tpu.dma_semaphore, #tpu.memory_space<semaphore_mem>>)
      %mul3A_347 = arith.constant 16 : i32
      %mul3A_348 = arith.muli %scan3A_135, %mul3A_347 : i32
      %add3A_349 = arith.constant 6 : i32
      %add3A_350 = arith.addi %mul3A_348, %add3A_349 : i32
      %slice3A_351 = vector.extract_strided_slice %get3A_139 {offsets = [6], sizes = [1], strides = [1]} : vector<16xi32> to vector<1xi32>
      %squeeze3A_352 = vector.extract %slice3A_351[0] : i32 from vector<1xi32>
      %dma_start3A_353 = arith.constant 0 : i32
      %dma_start3A_354 = arith.constant 0 : i32
      %dma_start3A_355 = tpu.memref_slice %arg13[%dma_start3A_353, %add3A_350, %dma_start3A_354] : memref<3x128x128xf32, #tpu.memory_space<vmem>> -> memref<1x1x64xf32, #tpu.memory_space<vmem>>
      %dma_start3A_356 = tpu.memref_squeeze %dma_start3A_355 : memref<1x1x64xf32, #tpu.memory_space<vmem>> -> memref<64xf32, #tpu.memory_space<vmem>>
      %dma_start3A_357 = arith.constant 0 : i32
      %dma_start3A_358 = tpu.memref_slice %arg4[%squeeze3A_352, %dma_start3A_357] : memref<100000x64xf32, #tpu.memory_space<hbm>> -> memref<1x64xf32, #tpu.memory_space<hbm>>
      %dma_start3A_359 = tpu.memref_squeeze %dma_start3A_358 : memref<1x64xf32, #tpu.memory_space<hbm>> -> memref<64xf32, #tpu.memory_space<hbm>>
      %dma_start3A_360 = arith.constant 0 : i32
      %dma_start3A_361 = tpu.memref_slice %arg13[%dma_start3A_353, %add3A_350, %dma_start3A_360] : memref<3x128x128xf32, #tpu.memory_space<vmem>> -> memref<1x1x64xf32, #tpu.memory_space<vmem>>
      %dma_start3A_362 = tpu.memref_squeeze %dma_start3A_361 : memref<1x1x64xf32, #tpu.memory_space<vmem>> -> memref<64xf32, #tpu.memory_space<vmem>>
      %dma_start3A_363 = arith.constant 0 : i32
      %dma_start3A_364 = tpu.memref_slice %arg4[%squeeze3A_352, %dma_start3A_363] : memref<100000x64xf32, #tpu.memory_space<hbm>> -> memref<1x64xf32, #tpu.memory_space<hbm>>
      %dma_start3A_365 = tpu.memref_squeeze %dma_start3A_364 : memref<1x64xf32, #tpu.memory_space<hbm>> -> memref<64xf32, #tpu.memory_space<hbm>>
      tpu.enqueue_dma source(%dma_start3A_365 : memref<64xf32, #tpu.memory_space<hbm>>) target(%dma_start3A_362 : memref<64xf32, #tpu.memory_space<vmem>>) target_semaphore(%arg14 : memref<!tpu.dma_semaphore, #tpu.memory_space<semaphore_mem>>)
      %slice3A_366 = vector.extract_strided_slice %get3A_144 {offsets = [6], sizes = [1], strides = [1]} : vector<16xi32> to vector<1xi32>
      %squeeze3A_367 = vector.extract %slice3A_366[0] : i32 from vector<1xi32>
      %dma_start3A_368 = arith.constant 0 : i32
      %dma_start3A_369 = arith.constant 64 : i32
      %dma_start3A_370 = tpu.memref_slice %arg13[%dma_start3A_368, %add3A_350, %dma_start3A_369] : memref<3x128x128xf32, #tpu.memory_space<vmem>> -> memref<1x1x64xf32, #tpu.memory_space<vmem>>
      %dma_start3A_371 = tpu.memref_squeeze %dma_start3A_370 : memref<1x1x64xf32, #tpu.memory_space<vmem>> -> memref<64xf32, #tpu.memory_space<vmem>>
      %dma_start3A_372 = arith.constant 0 : i32
      %dma_start3A_373 = tpu.memref_slice %arg5[%squeeze3A_367, %dma_start3A_372] : memref<100000x64xf32, #tpu.memory_space<hbm>> -> memref<1x64xf32, #tpu.memory_space<hbm>>
      %dma_start3A_374 = tpu.memref_squeeze %dma_start3A_373 : memref<1x64xf32, #tpu.memory_space<hbm>> -> memref<64xf32, #tpu.memory_space<hbm>>
      %dma_start3A_375 = arith.constant 64 : i32
      %dma_start3A_376 = tpu.memref_slice %arg13[%dma_start3A_368, %add3A_350, %dma_start3A_375] : memref<3x128x128xf32, #tpu.memory_space<vmem>> -> memref<1x1x64xf32, #tpu.memory_space<vmem>>
      %dma_start3A_377 = tpu.memref_squeeze %dma_start3A_376 : memref<1x1x64xf32, #tpu.memory_space<vmem>> -> memref<64xf32, #tpu.memory_space<vmem>>
      %dma_start3A_378 = arith.constant 0 : i32
      %dma_start3A_379 = tpu.memref_slice %arg5[%squeeze3A_367, %dma_start3A_378] : memref<100000x64xf32, #tpu.memory_space<hbm>> -> memref<1x64xf32, #tpu.memory_space<hbm>>
      %dma_start3A_380 = tpu.memref_squeeze %dma_start3A_379 : memref<1x64xf32, #tpu.memory_space<hbm>> -> memref<64xf32, #tpu.memory_space<hbm>>
      tpu.enqueue_dma source(%dma_start3A_380 : memref<64xf32, #tpu.memory_space<hbm>>) target(%dma_start3A_377 : memref<64xf32, #tpu.memory_space<vmem>>) target_semaphore(%arg14 : memref<!tpu.dma_semaphore, #tpu.memory_space<semaphore_mem>>)
      %mul3A_381 = arith.constant 16 : i32
      %mul3A_382 = arith.muli %scan3A_135, %mul3A_381 : i32
      %add3A_383 = arith.constant 7 : i32
      %add3A_384 = arith.addi %mul3A_382, %add3A_383 : i32
      %slice3A_385 = vector.extract_strided_slice %get3A_139 {offsets = [7], sizes = [1], strides = [1]} : vector<16xi32> to vector<1xi32>
      %squeeze3A_386 = vector.extract %slice3A_385[0] : i32 from vector<1xi32>
      %dma_start3A_387 = arith.constant 0 : i32
      %dma_start3A_388 = arith.constant 0 : i32
      %dma_start3A_389 = tpu.memref_slice %arg13[%dma_start3A_387, %add3A_384, %dma_start3A_388] : memref<3x128x128xf32, #tpu.memory_space<vmem>> -> memref<1x1x64xf32, #tpu.memory_space<vmem>>
      %dma_start3A_390 = tpu.memref_squeeze %dma_start3A_389 : memref<1x1x64xf32, #tpu.memory_space<vmem>> -> memref<64xf32, #tpu.memory_space<vmem>>
      %dma_start3A_391 = arith.constant 0 : i32
      %dma_start3A_392 = tpu.memref_slice %arg4[%squeeze3A_386, %dma_start3A_391] : memref<100000x64xf32, #tpu.memory_space<hbm>> -> memref<1x64xf32, #tpu.memory_space<hbm>>
      %dma_start3A_393 = tpu.memref_squeeze %dma_start3A_392 : memref<1x64xf32, #tpu.memory_space<hbm>> -> memref<64xf32, #tpu.memory_space<hbm>>
      %dma_start3A_394 = arith.constant 0 : i32
      %dma_start3A_395 = tpu.memref_slice %arg13[%dma_start3A_387, %add3A_384, %dma_start3A_394] : memref<3x128x128xf32, #tpu.memory_space<vmem>> -> memref<1x1x64xf32, #tpu.memory_space<vmem>>
      %dma_start3A_396 = tpu.memref_squeeze %dma_start3A_395 : memref<1x1x64xf32, #tpu.memory_space<vmem>> -> memref<64xf32, #tpu.memory_space<vmem>>
      %dma_start3A_397 = arith.constant 0 : i32
      %dma_start3A_398 = tpu.memref_slice %arg4[%squeeze3A_386, %dma_start3A_397] : memref<100000x64xf32, #tpu.memory_space<hbm>> -> memref<1x64xf32, #tpu.memory_space<hbm>>
      %dma_start3A_399 = tpu.memref_squeeze %dma_start3A_398 : memref<1x64xf32, #tpu.memory_space<hbm>> -> memref<64xf32, #tpu.memory_space<hbm>>
      tpu.enqueue_dma source(%dma_start3A_399 : memref<64xf32, #tpu.memory_space<hbm>>) target(%dma_start3A_396 : memref<64xf32, #tpu.memory_space<vmem>>) target_semaphore(%arg14 : memref<!tpu.dma_semaphore, #tpu.memory_space<semaphore_mem>>)
      %slice3A_400 = vector.extract_strided_slice %get3A_144 {offsets = [7], sizes = [1], strides = [1]} : vector<16xi32> to vector<1xi32>
      %squeeze3A_401 = vector.extract %slice3A_400[0] : i32 from vector<1xi32>
      %dma_start3A_402 = arith.constant 0 : i32
      %dma_start3A_403 = arith.constant 64 : i32
      %dma_start3A_404 = tpu.memref_slice %arg13[%dma_start3A_402, %add3A_384, %dma_start3A_403] : memref<3x128x128xf32, #tpu.memory_space<vmem>> -> memref<1x1x64xf32, #tpu.memory_space<vmem>>
      %dma_start3A_405 = tpu.memref_squeeze %dma_start3A_404 : memref<1x1x64xf32, #tpu.memory_space<vmem>> -> memref<64xf32, #tpu.memory_space<vmem>>
      %dma_start3A_406 = arith.constant 0 : i32
      %dma_start3A_407 = tpu.memref_slice %arg5[%squeeze3A_401, %dma_start3A_406] : memref<100000x64xf32, #tpu.memory_space<hbm>> -> memref<1x64xf32, #tpu.memory_space<hbm>>
      %dma_start3A_408 = tpu.memref_squeeze %dma_start3A_407 : memref<1x64xf32, #tpu.memory_space<hbm>> -> memref<64xf32, #tpu.memory_space<hbm>>
      %dma_start3A_409 = arith.constant 64 : i32
      %dma_start3A_410 = tpu.memref_slice %arg13[%dma_start3A_402, %add3A_384, %dma_start3A_409] : memref<3x128x128xf32, #tpu.memory_space<vmem>> -> memref<1x1x64xf32, #tpu.memory_space<vmem>>
      %dma_start3A_411 = tpu.memref_squeeze %dma_start3A_410 : memref<1x1x64xf32, #tpu.memory_space<vmem>> -> memref<64xf32, #tpu.memory_space<vmem>>
      %dma_start3A_412 = arith.constant 0 : i32
      %dma_start3A_413 = tpu.memref_slice %arg5[%squeeze3A_401, %dma_start3A_412] : memref<100000x64xf32, #tpu.memory_space<hbm>> -> memref<1x64xf32, #tpu.memory_space<hbm>>
      %dma_start3A_414 = tpu.memref_squeeze %dma_start3A_413 : memref<1x64xf32, #tpu.memory_space<hbm>> -> memref<64xf32, #tpu.memory_space<hbm>>
      tpu.enqueue_dma source(%dma_start3A_414 : memref<64xf32, #tpu.memory_space<hbm>>) target(%dma_start3A_411 : memref<64xf32, #tpu.memory_space<vmem>>) target_semaphore(%arg14 : memref<!tpu.dma_semaphore, #tpu.memory_space<semaphore_mem>>)
      %mul3A_415 = arith.constant 16 : i32
      %mul3A_416 = arith.muli %scan3A_135, %mul3A_415 : i32
      %add3A_417 = arith.constant 8 : i32
      %add3A_418 = arith.addi %mul3A_416, %add3A_417 : i32
      %slice3A_419 = vector.extract_strided_slice %get3A_139 {offsets = [8], sizes = [1], strides = [1]} : vector<16xi32> to vector<1xi32>
      %squeeze3A_420 = vector.extract %slice3A_419[0] : i32 from vector<1xi32>
      %dma_start3A_421 = arith.constant 0 : i32
      %dma_start3A_422 = arith.constant 0 : i32
      %dma_start3A_423 = tpu.memref_slice %arg13[%dma_start3A_421, %add3A_418, %dma_start3A_422] : memref<3x128x128xf32, #tpu.memory_space<vmem>> -> memref<1x1x64xf32, #tpu.memory_space<vmem>>
      %dma_start3A_424 = tpu.memref_squeeze %dma_start3A_423 : memref<1x1x64xf32, #tpu.memory_space<vmem>> -> memref<64xf32, #tpu.memory_space<vmem>>
      %dma_start3A_425 = arith.constant 0 : i32
      %dma_start3A_426 = tpu.memref_slice %arg4[%squeeze3A_420, %dma_start3A_425] : memref<100000x64xf32, #tpu.memory_space<hbm>> -> memref<1x64xf32, #tpu.memory_space<hbm>>
      %dma_start3A_427 = tpu.memref_squeeze %dma_start3A_426 : memref<1x64xf32, #tpu.memory_space<hbm>> -> memref<64xf32, #tpu.memory_space<hbm>>
      %dma_start3A_428 = arith.constant 0 : i32
      %dma_start3A_429 = tpu.memref_slice %arg13[%dma_start3A_421, %add3A_418, %dma_start3A_428] : memref<3x128x128xf32, #tpu.memory_space<vmem>> -> memref<1x1x64xf32, #tpu.memory_space<vmem>>
      %dma_start3A_430 = tpu.memref_squeeze %dma_start3A_429 : memref<1x1x64xf32, #tpu.memory_space<vmem>> -> memref<64xf32, #tpu.memory_space<vmem>>
      %dma_start3A_431 = arith.constant 0 : i32
      %dma_start3A_432 = tpu.memref_slice %arg4[%squeeze3A_420, %dma_start3A_431] : memref<100000x64xf32, #tpu.memory_space<hbm>> -> memref<1x64xf32, #tpu.memory_space<hbm>>
      %dma_start3A_433 = tpu.memref_squeeze %dma_start3A_432 : memref<1x64xf32, #tpu.memory_space<hbm>> -> memref<64xf32, #tpu.memory_space<hbm>>
      tpu.enqueue_dma source(%dma_start3A_433 : memref<64xf32, #tpu.memory_space<hbm>>) target(%dma_start3A_430 : memref<64xf32, #tpu.memory_space<vmem>>) target_semaphore(%arg14 : memref<!tpu.dma_semaphore, #tpu.memory_space<semaphore_mem>>)
      %slice3A_434 = vector.extract_strided_slice %get3A_144 {offsets = [8], sizes = [1], strides = [1]} : vector<16xi32> to vector<1xi32>
      %squeeze3A_435 = vector.extract %slice3A_434[0] : i32 from vector<1xi32>
      %dma_start3A_436 = arith.constant 0 : i32
      %dma_start3A_437 = arith.constant 64 : i32
      %dma_start3A_438 = tpu.memref_slice %arg13[%dma_start3A_436, %add3A_418, %dma_start3A_437] : memref<3x128x128xf32, #tpu.memory_space<vmem>> -> memref<1x1x64xf32, #tpu.memory_space<vmem>>
      %dma_start3A_439 = tpu.memref_squeeze %dma_start3A_438 : memref<1x1x64xf32, #tpu.memory_space<vmem>> -> memref<64xf32, #tpu.memory_space<vmem>>
      %dma_start3A_440 = arith.constant 0 : i32
      %dma_start3A_441 = tpu.memref_slice %arg5[%squeeze3A_435, %dma_start3A_440] : memref<100000x64xf32, #tpu.memory_space<hbm>> -> memref<1x64xf32, #tpu.memory_space<hbm>>
      %dma_start3A_442 = tpu.memref_squeeze %dma_start3A_441 : memref<1x64xf32, #tpu.memory_space<hbm>> -> memref<64xf32, #tpu.memory_space<hbm>>
      %dma_start3A_443 = arith.constant 64 : i32
      %dma_start3A_444 = tpu.memref_slice %arg13[%dma_start3A_436, %add3A_418, %dma_start3A_443] : memref<3x128x128xf32, #tpu.memory_space<vmem>> -> memref<1x1x64xf32, #tpu.memory_space<vmem>>
      %dma_start3A_445 = tpu.memref_squeeze %dma_start3A_444 : memref<1x1x64xf32, #tpu.memory_space<vmem>> -> memref<64xf32, #tpu.memory_space<vmem>>
      %dma_start3A_446 = arith.constant 0 : i32
      %dma_start3A_447 = tpu.memref_slice %arg5[%squeeze3A_435, %dma_start3A_446] : memref<100000x64xf32, #tpu.memory_space<hbm>> -> memref<1x64xf32, #tpu.memory_space<hbm>>
      %dma_start3A_448 = tpu.memref_squeeze %dma_start3A_447 : memref<1x64xf32, #tpu.memory_space<hbm>> -> memref<64xf32, #tpu.memory_space<hbm>>
      tpu.enqueue_dma source(%dma_start3A_448 : memref<64xf32, #tpu.memory_space<hbm>>) target(%dma_start3A_445 : memref<64xf32, #tpu.memory_space<vmem>>) target_semaphore(%arg14 : memref<!tpu.dma_semaphore, #tpu.memory_space<semaphore_mem>>)
      %mul3A_449 = arith.constant 16 : i32
      %mul3A_450 = arith.muli %scan3A_135, %mul3A_449 : i32
      %add3A_451 = arith.constant 9 : i32
      %add3A_452 = arith.addi %mul3A_450, %add3A_451 : i32
      %slice3A_453 = vector.extract_strided_slice %get3A_139 {offsets = [9], sizes = [1], strides = [1]} : vector<16xi32> to vector<1xi32>
      %squeeze3A_454 = vector.extract %slice3A_453[0] : i32 from vector<1xi32>
      %dma_start3A_455 = arith.constant 0 : i32
      %dma_start3A_456 = arith.constant 0 : i32
      %dma_start3A_457 = tpu.memref_slice %arg13[%dma_start3A_455, %add3A_452, %dma_start3A_456] : memref<3x128x128xf32, #tpu.memory_space<vmem>> -> memref<1x1x64xf32, #tpu.memory_space<vmem>>
      %dma_start3A_458 = tpu.memref_squeeze %dma_start3A_457 : memref<1x1x64xf32, #tpu.memory_space<vmem>> -> memref<64xf32, #tpu.memory_space<vmem>>
      %dma_start3A_459 = arith.constant 0 : i32
      %dma_start3A_460 = tpu.memref_slice %arg4[%squeeze3A_454, %dma_start3A_459] : memref<100000x64xf32, #tpu.memory_space<hbm>> -> memref<1x64xf32, #tpu.memory_space<hbm>>
      %dma_start3A_461 = tpu.memref_squeeze %dma_start3A_460 : memref<1x64xf32, #tpu.memory_space<hbm>> -> memref<64xf32, #tpu.memory_space<hbm>>
      %dma_start3A_462 = arith.constant 0 : i32
      %dma_start3A_463 = tpu.memref_slice %arg13[%dma_start3A_455, %add3A_452, %dma_start3A_462] : memref<3x128x128xf32, #tpu.memory_space<vmem>> -> memref<1x1x64xf32, #tpu.memory_space<vmem>>
      %dma_start3A_464 = tpu.memref_squeeze %dma_start3A_463 : memref<1x1x64xf32, #tpu.memory_space<vmem>> -> memref<64xf32, #tpu.memory_space<vmem>>
      %dma_start3A_465 = arith.constant 0 : i32
      %dma_start3A_466 = tpu.memref_slice %arg4[%squeeze3A_454, %dma_start3A_465] : memref<100000x64xf32, #tpu.memory_space<hbm>> -> memref<1x64xf32, #tpu.memory_space<hbm>>
      %dma_start3A_467 = tpu.memref_squeeze %dma_start3A_466 : memref<1x64xf32, #tpu.memory_space<hbm>> -> memref<64xf32, #tpu.memory_space<hbm>>
      tpu.enqueue_dma source(%dma_start3A_467 : memref<64xf32, #tpu.memory_space<hbm>>) target(%dma_start3A_464 : memref<64xf32, #tpu.memory_space<vmem>>) target_semaphore(%arg14 : memref<!tpu.dma_semaphore, #tpu.memory_space<semaphore_mem>>)
      %slice3A_468 = vector.extract_strided_slice %get3A_144 {offsets = [9], sizes = [1], strides = [1]} : vector<16xi32> to vector<1xi32>
      %squeeze3A_469 = vector.extract %slice3A_468[0] : i32 from vector<1xi32>
      %dma_start3A_470 = arith.constant 0 : i32
      %dma_start3A_471 = arith.constant 64 : i32
      %dma_start3A_472 = tpu.memref_slice %arg13[%dma_start3A_470, %add3A_452, %dma_start3A_471] : memref<3x128x128xf32, #tpu.memory_space<vmem>> -> memref<1x1x64xf32, #tpu.memory_space<vmem>>
      %dma_start3A_473 = tpu.memref_squeeze %dma_start3A_472 : memref<1x1x64xf32, #tpu.memory_space<vmem>> -> memref<64xf32, #tpu.memory_space<vmem>>
      %dma_start3A_474 = arith.constant 0 : i32
      %dma_start3A_475 = tpu.memref_slice %arg5[%squeeze3A_469, %dma_start3A_474] : memref<100000x64xf32, #tpu.memory_space<hbm>> -> memref<1x64xf32, #tpu.memory_space<hbm>>
      %dma_start3A_476 = tpu.memref_squeeze %dma_start3A_475 : memref<1x64xf32, #tpu.memory_space<hbm>> -> memref<64xf32, #tpu.memory_space<hbm>>
      %dma_start3A_477 = arith.constant 64 : i32
      %dma_start3A_478 = tpu.memref_slice %arg13[%dma_start3A_470, %add3A_452, %dma_start3A_477] : memref<3x128x128xf32, #tpu.memory_space<vmem>> -> memref<1x1x64xf32, #tpu.memory_space<vmem>>
      %dma_start3A_479 = tpu.memref_squeeze %dma_start3A_478 : memref<1x1x64xf32, #tpu.memory_space<vmem>> -> memref<64xf32, #tpu.memory_space<vmem>>
      %dma_start3A_480 = arith.constant 0 : i32
      %dma_start3A_481 = tpu.memref_slice %arg5[%squeeze3A_469, %dma_start3A_480] : memref<100000x64xf32, #tpu.memory_space<hbm>> -> memref<1x64xf32, #tpu.memory_space<hbm>>
      %dma_start3A_482 = tpu.memref_squeeze %dma_start3A_481 : memref<1x64xf32, #tpu.memory_space<hbm>> -> memref<64xf32, #tpu.memory_space<hbm>>
      tpu.enqueue_dma source(%dma_start3A_482 : memref<64xf32, #tpu.memory_space<hbm>>) target(%dma_start3A_479 : memref<64xf32, #tpu.memory_space<vmem>>) target_semaphore(%arg14 : memref<!tpu.dma_semaphore, #tpu.memory_space<semaphore_mem>>)
      %mul3A_483 = arith.constant 16 : i32
      %mul3A_484 = arith.muli %scan3A_135, %mul3A_483 : i32
      %add3A_485 = arith.constant 10 : i32
      %add3A_486 = arith.addi %mul3A_484, %add3A_485 : i32
      %slice3A_487 = vector.extract_strided_slice %get3A_139 {offsets = [10], sizes = [1], strides = [1]} : vector<16xi32> to vector<1xi32>
      %squeeze3A_488 = vector.extract %slice3A_487[0] : i32 from vector<1xi32>
      %dma_start3A_489 = arith.constant 0 : i32
      %dma_start3A_490 = arith.constant 0 : i32
      %dma_start3A_491 = tpu.memref_slice %arg13[%dma_start3A_489, %add3A_486, %dma_start3A_490] : memref<3x128x128xf32, #tpu.memory_space<vmem>> -> memref<1x1x64xf32, #tpu.memory_space<vmem>>
      %dma_start3A_492 = tpu.memref_squeeze %dma_start3A_491 : memref<1x1x64xf32, #tpu.memory_space<vmem>> -> memref<64xf32, #tpu.memory_space<vmem>>
      %dma_start3A_493 = arith.constant 0 : i32
      %dma_start3A_494 = tpu.memref_slice %arg4[%squeeze3A_488, %dma_start3A_493] : memref<100000x64xf32, #tpu.memory_space<hbm>> -> memref<1x64xf32, #tpu.memory_space<hbm>>
      %dma_start3A_495 = tpu.memref_squeeze %dma_start3A_494 : memref<1x64xf32, #tpu.memory_space<hbm>> -> memref<64xf32, #tpu.memory_space<hbm>>
      %dma_start3A_496 = arith.constant 0 : i32
      %dma_start3A_497 = tpu.memref_slice %arg13[%dma_start3A_489, %add3A_486, %dma_start3A_496] : memref<3x128x128xf32, #tpu.memory_space<vmem>> -> memref<1x1x64xf32, #tpu.memory_space<vmem>>
      %dma_start3A_498 = tpu.memref_squeeze %dma_start3A_497 : memref<1x1x64xf32, #tpu.memory_space<vmem>> -> memref<64xf32, #tpu.memory_space<vmem>>
      %dma_start3A_499 = arith.constant 0 : i32
      %dma_start3A_500 = tpu.memref_slice %arg4[%squeeze3A_488, %dma_start3A_499] : memref<100000x64xf32, #tpu.memory_space<hbm>> -> memref<1x64xf32, #tpu.memory_space<hbm>>
      %dma_start3A_501 = tpu.memref_squeeze %dma_start3A_500 : memref<1x64xf32, #tpu.memory_space<hbm>> -> memref<64xf32, #tpu.memory_space<hbm>>
      tpu.enqueue_dma source(%dma_start3A_501 : memref<64xf32, #tpu.memory_space<hbm>>) target(%dma_start3A_498 : memref<64xf32, #tpu.memory_space<vmem>>) target_semaphore(%arg14 : memref<!tpu.dma_semaphore, #tpu.memory_space<semaphore_mem>>)
      %slice3A_502 = vector.extract_strided_slice %get3A_144 {offsets = [10], sizes = [1], strides = [1]} : vector<16xi32> to vector<1xi32>
      %squeeze3A_503 = vector.extract %slice3A_502[0] : i32 from vector<1xi32>
      %dma_start3A_504 = arith.constant 0 : i32
      %dma_start3A_505 = arith.constant 64 : i32
      %dma_start3A_506 = tpu.memref_slice %arg13[%dma_start3A_504, %add3A_486, %dma_start3A_505] : memref<3x128x128xf32, #tpu.memory_space<vmem>> -> memref<1x1x64xf32, #tpu.memory_space<vmem>>
      %dma_start3A_507 = tpu.memref_squeeze %dma_start3A_506 : memref<1x1x64xf32, #tpu.memory_space<vmem>> -> memref<64xf32, #tpu.memory_space<vmem>>
      %dma_start3A_508 = arith.constant 0 : i32
      %dma_start3A_509 = tpu.memref_slice %arg5[%squeeze3A_503, %dma_start3A_508] : memref<100000x64xf32, #tpu.memory_space<hbm>> -> memref<1x64xf32, #tpu.memory_space<hbm>>
      %dma_start3A_510 = tpu.memref_squeeze %dma_start3A_509 : memref<1x64xf32, #tpu.memory_space<hbm>> -> memref<64xf32, #tpu.memory_space<hbm>>
      %dma_start3A_511 = arith.constant 64 : i32
      %dma_start3A_512 = tpu.memref_slice %arg13[%dma_start3A_504, %add3A_486, %dma_start3A_511] : memref<3x128x128xf32, #tpu.memory_space<vmem>> -> memref<1x1x64xf32, #tpu.memory_space<vmem>>
      %dma_start3A_513 = tpu.memref_squeeze %dma_start3A_512 : memref<1x1x64xf32, #tpu.memory_space<vmem>> -> memref<64xf32, #tpu.memory_space<vmem>>
      %dma_start3A_514 = arith.constant 0 : i32
      %dma_start3A_515 = tpu.memref_slice %arg5[%squeeze3A_503, %dma_start3A_514] : memref<100000x64xf32, #tpu.memory_space<hbm>> -> memref<1x64xf32, #tpu.memory_space<hbm>>
      %dma_start3A_516 = tpu.memref_squeeze %dma_start3A_515 : memref<1x64xf32, #tpu.memory_space<hbm>> -> memref<64xf32, #tpu.memory_space<hbm>>
      tpu.enqueue_dma source(%dma_start3A_516 : memref<64xf32, #tpu.memory_space<hbm>>) target(%dma_start3A_513 : memref<64xf32, #tpu.memory_space<vmem>>) target_semaphore(%arg14 : memref<!tpu.dma_semaphore, #tpu.memory_space<semaphore_mem>>)
      %mul3A_517 = arith.constant 16 : i32
      %mul3A_518 = arith.muli %scan3A_135, %mul3A_517 : i32
      %add3A_519 = arith.constant 11 : i32
      %add3A_520 = arith.addi %mul3A_518, %add3A_519 : i32
      %slice3A_521 = vector.extract_strided_slice %get3A_139 {offsets = [11], sizes = [1], strides = [1]} : vector<16xi32> to vector<1xi32>
      %squeeze3A_522 = vector.extract %slice3A_521[0] : i32 from vector<1xi32>
      %dma_start3A_523 = arith.constant 0 : i32
      %dma_start3A_524 = arith.constant 0 : i32
      %dma_start3A_525 = tpu.memref_slice %arg13[%dma_start3A_523, %add3A_520, %dma_start3A_524] : memref<3x128x128xf32, #tpu.memory_space<vmem>> -> memref<1x1x64xf32, #tpu.memory_space<vmem>>
      %dma_start3A_526 = tpu.memref_squeeze %dma_start3A_525 : memref<1x1x64xf32, #tpu.memory_space<vmem>> -> memref<64xf32, #tpu.memory_space<vmem>>
      %dma_start3A_527 = arith.constant 0 : i32
      %dma_start3A_528 = tpu.memref_slice %arg4[%squeeze3A_522, %dma_start3A_527] : memref<100000x64xf32, #tpu.memory_space<hbm>> -> memref<1x64xf32, #tpu.memory_space<hbm>>
      %dma_start3A_529 = tpu.memref_squeeze %dma_start3A_528 : memref<1x64xf32, #tpu.memory_space<hbm>> -> memref<64xf32, #tpu.memory_space<hbm>>
      %dma_start3A_530 = arith.constant 0 : i32
      %dma_start3A_531 = tpu.memref_slice %arg13[%dma_start3A_523, %add3A_520, %dma_start3A_530] : memref<3x128x128xf32, #tpu.memory_space<vmem>> -> memref<1x1x64xf32, #tpu.memory_space<vmem>>
      %dma_start3A_532 = tpu.memref_squeeze %dma_start3A_531 : memref<1x1x64xf32, #tpu.memory_space<vmem>> -> memref<64xf32, #tpu.memory_space<vmem>>
      %dma_start3A_533 = arith.constant 0 : i32
      %dma_start3A_534 = tpu.memref_slice %arg4[%squeeze3A_522, %dma_start3A_533] : memref<100000x64xf32, #tpu.memory_space<hbm>> -> memref<1x64xf32, #tpu.memory_space<hbm>>
      %dma_start3A_535 = tpu.memref_squeeze %dma_start3A_534 : memref<1x64xf32, #tpu.memory_space<hbm>> -> memref<64xf32, #tpu.memory_space<hbm>>
      tpu.enqueue_dma source(%dma_start3A_535 : memref<64xf32, #tpu.memory_space<hbm>>) target(%dma_start3A_532 : memref<64xf32, #tpu.memory_space<vmem>>) target_semaphore(%arg14 : memref<!tpu.dma_semaphore, #tpu.memory_space<semaphore_mem>>)
      %slice3A_536 = vector.extract_strided_slice %get3A_144 {offsets = [11], sizes = [1], strides = [1]} : vector<16xi32> to vector<1xi32>
      %squeeze3A_537 = vector.extract %slice3A_536[0] : i32 from vector<1xi32>
      %dma_start3A_538 = arith.constant 0 : i32
      %dma_start3A_539 = arith.constant 64 : i32
      %dma_start3A_540 = tpu.memref_slice %arg13[%dma_start3A_538, %add3A_520, %dma_start3A_539] : memref<3x128x128xf32, #tpu.memory_space<vmem>> -> memref<1x1x64xf32, #tpu.memory_space<vmem>>
      %dma_start3A_541 = tpu.memref_squeeze %dma_start3A_540 : memref<1x1x64xf32, #tpu.memory_space<vmem>> -> memref<64xf32, #tpu.memory_space<vmem>>
      %dma_start3A_542 = arith.constant 0 : i32
      %dma_start3A_543 = tpu.memref_slice %arg5[%squeeze3A_537, %dma_start3A_542] : memref<100000x64xf32, #tpu.memory_space<hbm>> -> memref<1x64xf32, #tpu.memory_space<hbm>>
      %dma_start3A_544 = tpu.memref_squeeze %dma_start3A_543 : memref<1x64xf32, #tpu.memory_space<hbm>> -> memref<64xf32, #tpu.memory_space<hbm>>
      %dma_start3A_545 = arith.constant 64 : i32
      %dma_start3A_546 = tpu.memref_slice %arg13[%dma_start3A_538, %add3A_520, %dma_start3A_545] : memref<3x128x128xf32, #tpu.memory_space<vmem>> -> memref<1x1x64xf32, #tpu.memory_space<vmem>>
      %dma_start3A_547 = tpu.memref_squeeze %dma_start3A_546 : memref<1x1x64xf32, #tpu.memory_space<vmem>> -> memref<64xf32, #tpu.memory_space<vmem>>
      %dma_start3A_548 = arith.constant 0 : i32
      %dma_start3A_549 = tpu.memref_slice %arg5[%squeeze3A_537, %dma_start3A_548] : memref<100000x64xf32, #tpu.memory_space<hbm>> -> memref<1x64xf32, #tpu.memory_space<hbm>>
      %dma_start3A_550 = tpu.memref_squeeze %dma_start3A_549 : memref<1x64xf32, #tpu.memory_space<hbm>> -> memref<64xf32, #tpu.memory_space<hbm>>
      tpu.enqueue_dma source(%dma_start3A_550 : memref<64xf32, #tpu.memory_space<hbm>>) target(%dma_start3A_547 : memref<64xf32, #tpu.memory_space<vmem>>) target_semaphore(%arg14 : memref<!tpu.dma_semaphore, #tpu.memory_space<semaphore_mem>>)
      %mul3A_551 = arith.constant 16 : i32
      %mul3A_552 = arith.muli %scan3A_135, %mul3A_551 : i32
      %add3A_553 = arith.constant 12 : i32
      %add3A_554 = arith.addi %mul3A_552, %add3A_553 : i32
      %slice3A_555 = vector.extract_strided_slice %get3A_139 {offsets = [12], sizes = [1], strides = [1]} : vector<16xi32> to vector<1xi32>
      %squeeze3A_556 = vector.extract %slice3A_555[0] : i32 from vector<1xi32>
      %dma_start3A_557 = arith.constant 0 : i32
      %dma_start3A_558 = arith.constant 0 : i32
      %dma_start3A_559 = tpu.memref_slice %arg13[%dma_start3A_557, %add3A_554, %dma_start3A_558] : memref<3x128x128xf32, #tpu.memory_space<vmem>> -> memref<1x1x64xf32, #tpu.memory_space<vmem>>
      %dma_start3A_560 = tpu.memref_squeeze %dma_start3A_559 : memref<1x1x64xf32, #tpu.memory_space<vmem>> -> memref<64xf32, #tpu.memory_space<vmem>>
      %dma_start3A_561 = arith.constant 0 : i32
      %dma_start3A_562 = tpu.memref_slice %arg4[%squeeze3A_556, %dma_start3A_561] : memref<100000x64xf32, #tpu.memory_space<hbm>> -> memref<1x64xf32, #tpu.memory_space<hbm>>
      %dma_start3A_563 = tpu.memref_squeeze %dma_start3A_562 : memref<1x64xf32, #tpu.memory_space<hbm>> -> memref<64xf32, #tpu.memory_space<hbm>>
      %dma_start3A_564 = arith.constant 0 : i32
      %dma_start3A_565 = tpu.memref_slice %arg13[%dma_start3A_557, %add3A_554, %dma_start3A_564] : memref<3x128x128xf32, #tpu.memory_space<vmem>> -> memref<1x1x64xf32, #tpu.memory_space<vmem>>
      %dma_start3A_566 = tpu.memref_squeeze %dma_start3A_565 : memref<1x1x64xf32, #tpu.memory_space<vmem>> -> memref<64xf32, #tpu.memory_space<vmem>>
      %dma_start3A_567 = arith.constant 0 : i32
      %dma_start3A_568 = tpu.memref_slice %arg4[%squeeze3A_556, %dma_start3A_567] : memref<100000x64xf32, #tpu.memory_space<hbm>> -> memref<1x64xf32, #tpu.memory_space<hbm>>
      %dma_start3A_569 = tpu.memref_squeeze %dma_start3A_568 : memref<1x64xf32, #tpu.memory_space<hbm>> -> memref<64xf32, #tpu.memory_space<hbm>>
      tpu.enqueue_dma source(%dma_start3A_569 : memref<64xf32, #tpu.memory_space<hbm>>) target(%dma_start3A_566 : memref<64xf32, #tpu.memory_space<vmem>>) target_semaphore(%arg14 : memref<!tpu.dma_semaphore, #tpu.memory_space<semaphore_mem>>)
      %slice3A_570 = vector.extract_strided_slice %get3A_144 {offsets = [12], sizes = [1], strides = [1]} : vector<16xi32> to vector<1xi32>
      %squeeze3A_571 = vector.extract %slice3A_570[0] : i32 from vector<1xi32>
      %dma_start3A_572 = arith.constant 0 : i32
      %dma_start3A_573 = arith.constant 64 : i32
      %dma_start3A_574 = tpu.memref_slice %arg13[%dma_start3A_572, %add3A_554, %dma_start3A_573] : memref<3x128x128xf32, #tpu.memory_space<vmem>> -> memref<1x1x64xf32, #tpu.memory_space<vmem>>
      %dma_start3A_575 = tpu.memref_squeeze %dma_start3A_574 : memref<1x1x64xf32, #tpu.memory_space<vmem>> -> memref<64xf32, #tpu.memory_space<vmem>>
      %dma_start3A_576 = arith.constant 0 : i32
      %dma_start3A_577 = tpu.memref_slice %arg5[%squeeze3A_571, %dma_start3A_576] : memref<100000x64xf32, #tpu.memory_space<hbm>> -> memref<1x64xf32, #tpu.memory_space<hbm>>
      %dma_start3A_578 = tpu.memref_squeeze %dma_start3A_577 : memref<1x64xf32, #tpu.memory_space<hbm>> -> memref<64xf32, #tpu.memory_space<hbm>>
      %dma_start3A_579 = arith.constant 64 : i32
      %dma_start3A_580 = tpu.memref_slice %arg13[%dma_start3A_572, %add3A_554, %dma_start3A_579] : memref<3x128x128xf32, #tpu.memory_space<vmem>> -> memref<1x1x64xf32, #tpu.memory_space<vmem>>
      %dma_start3A_581 = tpu.memref_squeeze %dma_start3A_580 : memref<1x1x64xf32, #tpu.memory_space<vmem>> -> memref<64xf32, #tpu.memory_space<vmem>>
      %dma_start3A_582 = arith.constant 0 : i32
      %dma_start3A_583 = tpu.memref_slice %arg5[%squeeze3A_571, %dma_start3A_582] : memref<100000x64xf32, #tpu.memory_space<hbm>> -> memref<1x64xf32, #tpu.memory_space<hbm>>
      %dma_start3A_584 = tpu.memref_squeeze %dma_start3A_583 : memref<1x64xf32, #tpu.memory_space<hbm>> -> memref<64xf32, #tpu.memory_space<hbm>>
      tpu.enqueue_dma source(%dma_start3A_584 : memref<64xf32, #tpu.memory_space<hbm>>) target(%dma_start3A_581 : memref<64xf32, #tpu.memory_space<vmem>>) target_semaphore(%arg14 : memref<!tpu.dma_semaphore, #tpu.memory_space<semaphore_mem>>)
      %mul3A_585 = arith.constant 16 : i32
      %mul3A_586 = arith.muli %scan3A_135, %mul3A_585 : i32
      %add3A_587 = arith.constant 13 : i32
      %add3A_588 = arith.addi %mul3A_586, %add3A_587 : i32
      %slice3A_589 = vector.extract_strided_slice %get3A_139 {offsets = [13], sizes = [1], strides = [1]} : vector<16xi32> to vector<1xi32>
      %squeeze3A_590 = vector.extract %slice3A_589[0] : i32 from vector<1xi32>
      %dma_start3A_591 = arith.constant 0 : i32
      %dma_start3A_592 = arith.constant 0 : i32
      %dma_start3A_593 = tpu.memref_slice %arg13[%dma_start3A_591, %add3A_588, %dma_start3A_592] : memref<3x128x128xf32, #tpu.memory_space<vmem>> -> memref<1x1x64xf32, #tpu.memory_space<vmem>>
      %dma_start3A_594 = tpu.memref_squeeze %dma_start3A_593 : memref<1x1x64xf32, #tpu.memory_space<vmem>> -> memref<64xf32, #tpu.memory_space<vmem>>
      %dma_start3A_595 = arith.constant 0 : i32
      %dma_start3A_596 = tpu.memref_slice %arg4[%squeeze3A_590, %dma_start3A_595] : memref<100000x64xf32, #tpu.memory_space<hbm>> -> memref<1x64xf32, #tpu.memory_space<hbm>>
      %dma_start3A_597 = tpu.memref_squeeze %dma_start3A_596 : memref<1x64xf32, #tpu.memory_space<hbm>> -> memref<64xf32, #tpu.memory_space<hbm>>
      %dma_start3A_598 = arith.constant 0 : i32
      %dma_start3A_599 = tpu.memref_slice %arg13[%dma_start3A_591, %add3A_588, %dma_start3A_598] : memref<3x128x128xf32, #tpu.memory_space<vmem>> -> memref<1x1x64xf32, #tpu.memory_space<vmem>>
      %dma_start3A_600 = tpu.memref_squeeze %dma_start3A_599 : memref<1x1x64xf32, #tpu.memory_space<vmem>> -> memref<64xf32, #tpu.memory_space<vmem>>
      %dma_start3A_601 = arith.constant 0 : i32
      %dma_start3A_602 = tpu.memref_slice %arg4[%squeeze3A_590, %dma_start3A_601] : memref<100000x64xf32, #tpu.memory_space<hbm>> -> memref<1x64xf32, #tpu.memory_space<hbm>>
      %dma_start3A_603 = tpu.memref_squeeze %dma_start3A_602 : memref<1x64xf32, #tpu.memory_space<hbm>> -> memref<64xf32, #tpu.memory_space<hbm>>
      tpu.enqueue_dma source(%dma_start3A_603 : memref<64xf32, #tpu.memory_space<hbm>>) target(%dma_start3A_600 : memref<64xf32, #tpu.memory_space<vmem>>) target_semaphore(%arg14 : memref<!tpu.dma_semaphore, #tpu.memory_space<semaphore_mem>>)
      %slice3A_604 = vector.extract_strided_slice %get3A_144 {offsets = [13], sizes = [1], strides = [1]} : vector<16xi32> to vector<1xi32>
      %squeeze3A_605 = vector.extract %slice3A_604[0] : i32 from vector<1xi32>
      %dma_start3A_606 = arith.constant 0 : i32
      %dma_start3A_607 = arith.constant 64 : i32
      %dma_start3A_608 = tpu.memref_slice %arg13[%dma_start3A_606, %add3A_588, %dma_start3A_607] : memref<3x128x128xf32, #tpu.memory_space<vmem>> -> memref<1x1x64xf32, #tpu.memory_space<vmem>>
      %dma_start3A_609 = tpu.memref_squeeze %dma_start3A_608 : memref<1x1x64xf32, #tpu.memory_space<vmem>> -> memref<64xf32, #tpu.memory_space<vmem>>
      %dma_start3A_610 = arith.constant 0 : i32
      %dma_start3A_611 = tpu.memref_slice %arg5[%squeeze3A_605, %dma_start3A_610] : memref<100000x64xf32, #tpu.memory_space<hbm>> -> memref<1x64xf32, #tpu.memory_space<hbm>>
      %dma_start3A_612 = tpu.memref_squeeze %dma_start3A_611 : memref<1x64xf32, #tpu.memory_space<hbm>> -> memref<64xf32, #tpu.memory_space<hbm>>
      %dma_start3A_613 = arith.constant 64 : i32
      %dma_start3A_614 = tpu.memref_slice %arg13[%dma_start3A_606, %add3A_588, %dma_start3A_613] : memref<3x128x128xf32, #tpu.memory_space<vmem>> -> memref<1x1x64xf32, #tpu.memory_space<vmem>>
      %dma_start3A_615 = tpu.memref_squeeze %dma_start3A_614 : memref<1x1x64xf32, #tpu.memory_space<vmem>> -> memref<64xf32, #tpu.memory_space<vmem>>
      %dma_start3A_616 = arith.constant 0 : i32
      %dma_start3A_617 = tpu.memref_slice %arg5[%squeeze3A_605, %dma_start3A_616] : memref<100000x64xf32, #tpu.memory_space<hbm>> -> memref<1x64xf32, #tpu.memory_space<hbm>>
      %dma_start3A_618 = tpu.memref_squeeze %dma_start3A_617 : memref<1x64xf32, #tpu.memory_space<hbm>> -> memref<64xf32, #tpu.memory_space<hbm>>
      tpu.enqueue_dma source(%dma_start3A_618 : memref<64xf32, #tpu.memory_space<hbm>>) target(%dma_start3A_615 : memref<64xf32, #tpu.memory_space<vmem>>) target_semaphore(%arg14 : memref<!tpu.dma_semaphore, #tpu.memory_space<semaphore_mem>>)
      %mul3A_619 = arith.constant 16 : i32
      %mul3A_620 = arith.muli %scan3A_135, %mul3A_619 : i32
      %add3A_621 = arith.constant 14 : i32
      %add3A_622 = arith.addi %mul3A_620, %add3A_621 : i32
      %slice3A_623 = vector.extract_strided_slice %get3A_139 {offsets = [14], sizes = [1], strides = [1]} : vector<16xi32> to vector<1xi32>
      %squeeze3A_624 = vector.extract %slice3A_623[0] : i32 from vector<1xi32>
      %dma_start3A_625 = arith.constant 0 : i32
      %dma_start3A_626 = arith.constant 0 : i32
      %dma_start3A_627 = tpu.memref_slice %arg13[%dma_start3A_625, %add3A_622, %dma_start3A_626] : memref<3x128x128xf32, #tpu.memory_space<vmem>> -> memref<1x1x64xf32, #tpu.memory_space<vmem>>
      %dma_start3A_628 = tpu.memref_squeeze %dma_start3A_627 : memref<1x1x64xf32, #tpu.memory_space<vmem>> -> memref<64xf32, #tpu.memory_space<vmem>>
      %dma_start3A_629 = arith.constant 0 : i32
      %dma_start3A_630 = tpu.memref_slice %arg4[%squeeze3A_624, %dma_start3A_629] : memref<100000x64xf32, #tpu.memory_space<hbm>> -> memref<1x64xf32, #tpu.memory_space<hbm>>
      %dma_start3A_631 = tpu.memref_squeeze %dma_start3A_630 : memref<1x64xf32, #tpu.memory_space<hbm>> -> memref<64xf32, #tpu.memory_space<hbm>>
      %dma_start3A_632 = arith.constant 0 : i32
      %dma_start3A_633 = tpu.memref_slice %arg13[%dma_start3A_625, %add3A_622, %dma_start3A_632] : memref<3x128x128xf32, #tpu.memory_space<vmem>> -> memref<1x1x64xf32, #tpu.memory_space<vmem>>
      %dma_start3A_634 = tpu.memref_squeeze %dma_start3A_633 : memref<1x1x64xf32, #tpu.memory_space<vmem>> -> memref<64xf32, #tpu.memory_space<vmem>>
      %dma_start3A_635 = arith.constant 0 : i32
      %dma_start3A_636 = tpu.memref_slice %arg4[%squeeze3A_624, %dma_start3A_635] : memref<100000x64xf32, #tpu.memory_space<hbm>> -> memref<1x64xf32, #tpu.memory_space<hbm>>
      %dma_start3A_637 = tpu.memref_squeeze %dma_start3A_636 : memref<1x64xf32, #tpu.memory_space<hbm>> -> memref<64xf32, #tpu.memory_space<hbm>>
      tpu.enqueue_dma source(%dma_start3A_637 : memref<64xf32, #tpu.memory_space<hbm>>) target(%dma_start3A_634 : memref<64xf32, #tpu.memory_space<vmem>>) target_semaphore(%arg14 : memref<!tpu.dma_semaphore, #tpu.memory_space<semaphore_mem>>)
      %slice3A_638 = vector.extract_strided_slice %get3A_144 {offsets = [14], sizes = [1], strides = [1]} : vector<16xi32> to vector<1xi32>
      %squeeze3A_639 = vector.extract %slice3A_638[0] : i32 from vector<1xi32>
      %dma_start3A_640 = arith.constant 0 : i32
      %dma_start3A_641 = arith.constant 64 : i32
      %dma_start3A_642 = tpu.memref_slice %arg13[%dma_start3A_640, %add3A_622, %dma_start3A_641] : memref<3x128x128xf32, #tpu.memory_space<vmem>> -> memref<1x1x64xf32, #tpu.memory_space<vmem>>
      %dma_start3A_643 = tpu.memref_squeeze %dma_start3A_642 : memref<1x1x64xf32, #tpu.memory_space<vmem>> -> memref<64xf32, #tpu.memory_space<vmem>>
      %dma_start3A_644 = arith.constant 0 : i32
      %dma_start3A_645 = tpu.memref_slice %arg5[%squeeze3A_639, %dma_start3A_644] : memref<100000x64xf32, #tpu.memory_space<hbm>> -> memref<1x64xf32, #tpu.memory_space<hbm>>
      %dma_start3A_646 = tpu.memref_squeeze %dma_start3A_645 : memref<1x64xf32, #tpu.memory_space<hbm>> -> memref<64xf32, #tpu.memory_space<hbm>>
      %dma_start3A_647 = arith.constant 64 : i32
      %dma_start3A_648 = tpu.memref_slice %arg13[%dma_start3A_640, %add3A_622, %dma_start3A_647] : memref<3x128x128xf32, #tpu.memory_space<vmem>> -> memref<1x1x64xf32, #tpu.memory_space<vmem>>
      %dma_start3A_649 = tpu.memref_squeeze %dma_start3A_648 : memref<1x1x64xf32, #tpu.memory_space<vmem>> -> memref<64xf32, #tpu.memory_space<vmem>>
      %dma_start3A_650 = arith.constant 0 : i32
      %dma_start3A_651 = tpu.memref_slice %arg5[%squeeze3A_639, %dma_start3A_650] : memref<100000x64xf32, #tpu.memory_space<hbm>> -> memref<1x64xf32, #tpu.memory_space<hbm>>
      %dma_start3A_652 = tpu.memref_squeeze %dma_start3A_651 : memref<1x64xf32, #tpu.memory_space<hbm>> -> memref<64xf32, #tpu.memory_space<hbm>>
      tpu.enqueue_dma source(%dma_start3A_652 : memref<64xf32, #tpu.memory_space<hbm>>) target(%dma_start3A_649 : memref<64xf32, #tpu.memory_space<vmem>>) target_semaphore(%arg14 : memref<!tpu.dma_semaphore, #tpu.memory_space<semaphore_mem>>)
      %mul3A_653 = arith.constant 16 : i32
      %mul3A_654 = arith.muli %scan3A_135, %mul3A_653 : i32
      %add3A_655 = arith.constant 15 : i32
      %add3A_656 = arith.addi %mul3A_654, %add3A_655 : i32
      %slice3A_657 = vector.extract_strided_slice %get3A_139 {offsets = [15], sizes = [1], strides = [1]} : vector<16xi32> to vector<1xi32>
      %squeeze3A_658 = vector.extract %slice3A_657[0] : i32 from vector<1xi32>
      %dma_start3A_659 = arith.constant 0 : i32
      %dma_start3A_660 = arith.constant 0 : i32
      %dma_start3A_661 = tpu.memref_slice %arg13[%dma_start3A_659, %add3A_656, %dma_start3A_660] : memref<3x128x128xf32, #tpu.memory_space<vmem>> -> memref<1x1x64xf32, #tpu.memory_space<vmem>>
      %dma_start3A_662 = tpu.memref_squeeze %dma_start3A_661 : memref<1x1x64xf32, #tpu.memory_space<vmem>> -> memref<64xf32, #tpu.memory_space<vmem>>
      %dma_start3A_663 = arith.constant 0 : i32
      %dma_start3A_664 = tpu.memref_slice %arg4[%squeeze3A_658, %dma_start3A_663] : memref<100000x64xf32, #tpu.memory_space<hbm>> -> memref<1x64xf32, #tpu.memory_space<hbm>>
      %dma_start3A_665 = tpu.memref_squeeze %dma_start3A_664 : memref<1x64xf32, #tpu.memory_space<hbm>> -> memref<64xf32, #tpu.memory_space<hbm>>
      %dma_start3A_666 = arith.constant 0 : i32
      %dma_start3A_667 = tpu.memref_slice %arg13[%dma_start3A_659, %add3A_656, %dma_start3A_666] : memref<3x128x128xf32, #tpu.memory_space<vmem>> -> memref<1x1x64xf32, #tpu.memory_space<vmem>>
      %dma_start3A_668 = tpu.memref_squeeze %dma_start3A_667 : memref<1x1x64xf32, #tpu.memory_space<vmem>> -> memref<64xf32, #tpu.memory_space<vmem>>
      %dma_start3A_669 = arith.constant 0 : i32
      %dma_start3A_670 = tpu.memref_slice %arg4[%squeeze3A_658, %dma_start3A_669] : memref<100000x64xf32, #tpu.memory_space<hbm>> -> memref<1x64xf32, #tpu.memory_space<hbm>>
      %dma_start3A_671 = tpu.memref_squeeze %dma_start3A_670 : memref<1x64xf32, #tpu.memory_space<hbm>> -> memref<64xf32, #tpu.memory_space<hbm>>
      tpu.enqueue_dma source(%dma_start3A_671 : memref<64xf32, #tpu.memory_space<hbm>>) target(%dma_start3A_668 : memref<64xf32, #tpu.memory_space<vmem>>) target_semaphore(%arg14 : memref<!tpu.dma_semaphore, #tpu.memory_space<semaphore_mem>>)
      %slice3A_672 = vector.extract_strided_slice %get3A_144 {offsets = [15], sizes = [1], strides = [1]} : vector<16xi32> to vector<1xi32>
      %squeeze3A_673 = vector.extract %slice3A_672[0] : i32 from vector<1xi32>
      %dma_start3A_674 = arith.constant 0 : i32
      %dma_start3A_675 = arith.constant 64 : i32
      %dma_start3A_676 = tpu.memref_slice %arg13[%dma_start3A_674, %add3A_656, %dma_start3A_675] : memref<3x128x128xf32, #tpu.memory_space<vmem>> -> memref<1x1x64xf32, #tpu.memory_space<vmem>>
      %dma_start3A_677 = tpu.memref_squeeze %dma_start3A_676 : memref<1x1x64xf32, #tpu.memory_space<vmem>> -> memref<64xf32, #tpu.memory_space<vmem>>
      %dma_start3A_678 = arith.constant 0 : i32
      %dma_start3A_679 = tpu.memref_slice %arg5[%squeeze3A_673, %dma_start3A_678] : memref<100000x64xf32, #tpu.memory_space<hbm>> -> memref<1x64xf32, #tpu.memory_space<hbm>>
      %dma_start3A_680 = tpu.memref_squeeze %dma_start3A_679 : memref<1x64xf32, #tpu.memory_space<hbm>> -> memref<64xf32, #tpu.memory_space<hbm>>
      %dma_start3A_681 = arith.constant 64 : i32
      %dma_start3A_682 = tpu.memref_slice %arg13[%dma_start3A_674, %add3A_656, %dma_start3A_681] : memref<3x128x128xf32, #tpu.memory_space<vmem>> -> memref<1x1x64xf32, #tpu.memory_space<vmem>>
      %dma_start3A_683 = tpu.memref_squeeze %dma_start3A_682 : memref<1x1x64xf32, #tpu.memory_space<vmem>> -> memref<64xf32, #tpu.memory_space<vmem>>
      %dma_start3A_684 = arith.constant 0 : i32
      %dma_start3A_685 = tpu.memref_slice %arg5[%squeeze3A_673, %dma_start3A_684] : memref<100000x64xf32, #tpu.memory_space<hbm>> -> memref<1x64xf32, #tpu.memory_space<hbm>>
      %dma_start3A_686 = tpu.memref_squeeze %dma_start3A_685 : memref<1x64xf32, #tpu.memory_space<hbm>> -> memref<64xf32, #tpu.memory_space<hbm>>
      tpu.enqueue_dma source(%dma_start3A_686 : memref<64xf32, #tpu.memory_space<hbm>>) target(%dma_start3A_683 : memref<64xf32, #tpu.memory_space<vmem>>) target_semaphore(%arg14 : memref<!tpu.dma_semaphore, #tpu.memory_space<semaphore_mem>>)
    }
    %scan3A_7 = arith.constant 8 : i32
    %scan3A_8 = arith.constant 0 : i32
    %scan3A_9 = arith.constant 0 : i32
    %scan3A_10 = arith.constant 8 : i32
    %scan3A_11 = arith.addi %scan3A_9, %scan3A_10 : i32
    %scan3A_12 = arith.constant 1 : i32
    scf.for %scan3A_135 = %scan3A_9 to %scan3A_11 step %scan3A_12  : i32 {
      %mul3A_136 = arith.constant 16 : i32
      %mul3A_137 = arith.muli %scan3A_135, %mul3A_136 : i32
      %get3A = arith.index_cast %mul3A_137 : i32 to index
      %get3A_138 = tpu.vector_load %arg11[%get3A] {strides = array<i32>} : memref<128xi32, #tpu.memory_space<vmem>>, vector<16xi32>,
      %get3A_139 = vector.shape_cast %get3A_138 : vector<16xi32> to vector<16xi32>
      %mul3A_140 = arith.constant 16 : i32
      %mul3A_141 = arith.muli %scan3A_135, %mul3A_140 : i32
      %get3A_142 = arith.index_cast %mul3A_141 : i32 to index
      %get3A_143 = tpu.vector_load %arg12[%get3A_142] {strides = array<i32>} : memref<128xi32, #tpu.memory_space<vmem>>, vector<16xi32>,
      %get3A_144 = vector.shape_cast %get3A_143 : vector<16xi32> to vector<16xi32>
      %mul3A_145 = arith.constant 16 : i32
      %mul3A_146 = arith.muli %scan3A_135, %mul3A_145 : i32
      %add3A_147 = arith.constant 0 : i32
      %add3A_148 = arith.addi %mul3A_146, %add3A_147 : i32
      %slice3A = vector.extract_strided_slice %get3A_139 {offsets = [0], sizes = [1], strides = [1]} : vector<16xi32> to vector<1xi32>
      %squeeze3A = vector.extract %slice3A[0] : i32 from vector<1xi32>
      %dma_start3A_149 = arith.constant 1 : i32
      %dma_start3A_150 = arith.constant 0 : i32
      %dma_start3A_151 = tpu.memref_slice %arg13[%dma_start3A_149, %add3A_148, %dma_start3A_150] : memref<3x128x128xf32, #tpu.memory_space<vmem>> -> memref<1x1x64xf32, #tpu.memory_space<vmem>>
      %dma_start3A_152 = tpu.memref_squeeze %dma_start3A_151 : memref<1x1x64xf32, #tpu.memory_space<vmem>> -> memref<64xf32, #tpu.memory_space<vmem>>
      %dma_start3A_153 = arith.constant 0 : i32
      %dma_start3A_154 = tpu.memref_slice %arg6[%squeeze3A, %dma_start3A_153] : memref<100000x64xf32, #tpu.memory_space<hbm>> -> memref<1x64xf32, #tpu.memory_space<hbm>>
      %dma_start3A_155 = tpu.memref_squeeze %dma_start3A_154 : memref<1x64xf32, #tpu.memory_space<hbm>> -> memref<64xf32, #tpu.memory_space<hbm>>
      %dma_start3A_156 = arith.constant 0 : i32
      %dma_start3A_157 = tpu.memref_slice %arg13[%dma_start3A_149, %add3A_148, %dma_start3A_156] : memref<3x128x128xf32, #tpu.memory_space<vmem>> -> memref<1x1x64xf32, #tpu.memory_space<vmem>>
      %dma_start3A_158 = tpu.memref_squeeze %dma_start3A_157 : memref<1x1x64xf32, #tpu.memory_space<vmem>> -> memref<64xf32, #tpu.memory_space<vmem>>
      %dma_start3A_159 = arith.constant 0 : i32
      %dma_start3A_160 = tpu.memref_slice %arg6[%squeeze3A, %dma_start3A_159] : memref<100000x64xf32, #tpu.memory_space<hbm>> -> memref<1x64xf32, #tpu.memory_space<hbm>>
      %dma_start3A_161 = tpu.memref_squeeze %dma_start3A_160 : memref<1x64xf32, #tpu.memory_space<hbm>> -> memref<64xf32, #tpu.memory_space<hbm>>
      tpu.enqueue_dma source(%dma_start3A_161 : memref<64xf32, #tpu.memory_space<hbm>>) target(%dma_start3A_158 : memref<64xf32, #tpu.memory_space<vmem>>) target_semaphore(%arg15 : memref<!tpu.dma_semaphore, #tpu.memory_space<semaphore_mem>>)
      %slice3A_162 = vector.extract_strided_slice %get3A_144 {offsets = [0], sizes = [1], strides = [1]} : vector<16xi32> to vector<1xi32>
      %squeeze3A_163 = vector.extract %slice3A_162[0] : i32 from vector<1xi32>
      %dma_start3A_164 = arith.constant 1 : i32
      %dma_start3A_165 = arith.constant 64 : i32
      %dma_start3A_166 = tpu.memref_slice %arg13[%dma_start3A_164, %add3A_148, %dma_start3A_165] : memref<3x128x128xf32, #tpu.memory_space<vmem>> -> memref<1x1x64xf32, #tpu.memory_space<vmem>>
      %dma_start3A_167 = tpu.memref_squeeze %dma_start3A_166 : memref<1x1x64xf32, #tpu.memory_space<vmem>> -> memref<64xf32, #tpu.memory_space<vmem>>
      %dma_start3A_168 = arith.constant 0 : i32
      %dma_start3A_169 = tpu.memref_slice %arg7[%squeeze3A_163, %dma_start3A_168] : memref<100000x64xf32, #tpu.memory_space<hbm>> -> memref<1x64xf32, #tpu.memory_space<hbm>>
      %dma_start3A_170 = tpu.memref_squeeze %dma_start3A_169 : memref<1x64xf32, #tpu.memory_space<hbm>> -> memref<64xf32, #tpu.memory_space<hbm>>
      %dma_start3A_171 = arith.constant 64 : i32
      %dma_start3A_172 = tpu.memref_slice %arg13[%dma_start3A_164, %add3A_148, %dma_start3A_171] : memref<3x128x128xf32, #tpu.memory_space<vmem>> -> memref<1x1x64xf32, #tpu.memory_space<vmem>>
      %dma_start3A_173 = tpu.memref_squeeze %dma_start3A_172 : memref<1x1x64xf32, #tpu.memory_space<vmem>> -> memref<64xf32, #tpu.memory_space<vmem>>
      %dma_start3A_174 = arith.constant 0 : i32
      %dma_start3A_175 = tpu.memref_slice %arg7[%squeeze3A_163, %dma_start3A_174] : memref<100000x64xf32, #tpu.memory_space<hbm>> -> memref<1x64xf32, #tpu.memory_space<hbm>>
      %dma_start3A_176 = tpu.memref_squeeze %dma_start3A_175 : memref<1x64xf32, #tpu.memory_space<hbm>> -> memref<64xf32, #tpu.memory_space<hbm>>
      tpu.enqueue_dma source(%dma_start3A_176 : memref<64xf32, #tpu.memory_space<hbm>>) target(%dma_start3A_173 : memref<64xf32, #tpu.memory_space<vmem>>) target_semaphore(%arg15 : memref<!tpu.dma_semaphore, #tpu.memory_space<semaphore_mem>>)
      %mul3A_177 = arith.constant 16 : i32
      %mul3A_178 = arith.muli %scan3A_135, %mul3A_177 : i32
      %add3A_179 = arith.constant 1 : i32
      %add3A_180 = arith.addi %mul3A_178, %add3A_179 : i32
      %slice3A_181 = vector.extract_strided_slice %get3A_139 {offsets = [1], sizes = [1], strides = [1]} : vector<16xi32> to vector<1xi32>
      %squeeze3A_182 = vector.extract %slice3A_181[0] : i32 from vector<1xi32>
      %dma_start3A_183 = arith.constant 1 : i32
      %dma_start3A_184 = arith.constant 0 : i32
      %dma_start3A_185 = tpu.memref_slice %arg13[%dma_start3A_183, %add3A_180, %dma_start3A_184] : memref<3x128x128xf32, #tpu.memory_space<vmem>> -> memref<1x1x64xf32, #tpu.memory_space<vmem>>
      %dma_start3A_186 = tpu.memref_squeeze %dma_start3A_185 : memref<1x1x64xf32, #tpu.memory_space<vmem>> -> memref<64xf32, #tpu.memory_space<vmem>>
      %dma_start3A_187 = arith.constant 0 : i32
      %dma_start3A_188 = tpu.memref_slice %arg6[%squeeze3A_182, %dma_start3A_187] : memref<100000x64xf32, #tpu.memory_space<hbm>> -> memref<1x64xf32, #tpu.memory_space<hbm>>
      %dma_start3A_189 = tpu.memref_squeeze %dma_start3A_188 : memref<1x64xf32, #tpu.memory_space<hbm>> -> memref<64xf32, #tpu.memory_space<hbm>>
      %dma_start3A_190 = arith.constant 0 : i32
      %dma_start3A_191 = tpu.memref_slice %arg13[%dma_start3A_183, %add3A_180, %dma_start3A_190] : memref<3x128x128xf32, #tpu.memory_space<vmem>> -> memref<1x1x64xf32, #tpu.memory_space<vmem>>
      %dma_start3A_192 = tpu.memref_squeeze %dma_start3A_191 : memref<1x1x64xf32, #tpu.memory_space<vmem>> -> memref<64xf32, #tpu.memory_space<vmem>>
      %dma_start3A_193 = arith.constant 0 : i32
      %dma_start3A_194 = tpu.memref_slice %arg6[%squeeze3A_182, %dma_start3A_193] : memref<100000x64xf32, #tpu.memory_space<hbm>> -> memref<1x64xf32, #tpu.memory_space<hbm>>
      %dma_start3A_195 = tpu.memref_squeeze %dma_start3A_194 : memref<1x64xf32, #tpu.memory_space<hbm>> -> memref<64xf32, #tpu.memory_space<hbm>>
      tpu.enqueue_dma source(%dma_start3A_195 : memref<64xf32, #tpu.memory_space<hbm>>) target(%dma_start3A_192 : memref<64xf32, #tpu.memory_space<vmem>>) target_semaphore(%arg15 : memref<!tpu.dma_semaphore, #tpu.memory_space<semaphore_mem>>)
      %slice3A_196 = vector.extract_strided_slice %get3A_144 {offsets = [1], sizes = [1], strides = [1]} : vector<16xi32> to vector<1xi32>
      %squeeze3A_197 = vector.extract %slice3A_196[0] : i32 from vector<1xi32>
      %dma_start3A_198 = arith.constant 1 : i32
      %dma_start3A_199 = arith.constant 64 : i32
      %dma_start3A_200 = tpu.memref_slice %arg13[%dma_start3A_198, %add3A_180, %dma_start3A_199] : memref<3x128x128xf32, #tpu.memory_space<vmem>> -> memref<1x1x64xf32, #tpu.memory_space<vmem>>
      %dma_start3A_201 = tpu.memref_squeeze %dma_start3A_200 : memref<1x1x64xf32, #tpu.memory_space<vmem>> -> memref<64xf32, #tpu.memory_space<vmem>>
      %dma_start3A_202 = arith.constant 0 : i32
      %dma_start3A_203 = tpu.memref_slice %arg7[%squeeze3A_197, %dma_start3A_202] : memref<100000x64xf32, #tpu.memory_space<hbm>> -> memref<1x64xf32, #tpu.memory_space<hbm>>
      %dma_start3A_204 = tpu.memref_squeeze %dma_start3A_203 : memref<1x64xf32, #tpu.memory_space<hbm>> -> memref<64xf32, #tpu.memory_space<hbm>>
      %dma_start3A_205 = arith.constant 64 : i32
      %dma_start3A_206 = tpu.memref_slice %arg13[%dma_start3A_198, %add3A_180, %dma_start3A_205] : memref<3x128x128xf32, #tpu.memory_space<vmem>> -> memref<1x1x64xf32, #tpu.memory_space<vmem>>
      %dma_start3A_207 = tpu.memref_squeeze %dma_start3A_206 : memref<1x1x64xf32, #tpu.memory_space<vmem>> -> memref<64xf32, #tpu.memory_space<vmem>>
      %dma_start3A_208 = arith.constant 0 : i32
      %dma_start3A_209 = tpu.memref_slice %arg7[%squeeze3A_197, %dma_start3A_208] : memref<100000x64xf32, #tpu.memory_space<hbm>> -> memref<1x64xf32, #tpu.memory_space<hbm>>
      %dma_start3A_210 = tpu.memref_squeeze %dma_start3A_209 : memref<1x64xf32, #tpu.memory_space<hbm>> -> memref<64xf32, #tpu.memory_space<hbm>>
      tpu.enqueue_dma source(%dma_start3A_210 : memref<64xf32, #tpu.memory_space<hbm>>) target(%dma_start3A_207 : memref<64xf32, #tpu.memory_space<vmem>>) target_semaphore(%arg15 : memref<!tpu.dma_semaphore, #tpu.memory_space<semaphore_mem>>)
      %mul3A_211 = arith.constant 16 : i32
      %mul3A_212 = arith.muli %scan3A_135, %mul3A_211 : i32
      %add3A_213 = arith.constant 2 : i32
      %add3A_214 = arith.addi %mul3A_212, %add3A_213 : i32
      %slice3A_215 = vector.extract_strided_slice %get3A_139 {offsets = [2], sizes = [1], strides = [1]} : vector<16xi32> to vector<1xi32>
      %squeeze3A_216 = vector.extract %slice3A_215[0] : i32 from vector<1xi32>
      %dma_start3A_217 = arith.constant 1 : i32
      %dma_start3A_218 = arith.constant 0 : i32
      %dma_start3A_219 = tpu.memref_slice %arg13[%dma_start3A_217, %add3A_214, %dma_start3A_218] : memref<3x128x128xf32, #tpu.memory_space<vmem>> -> memref<1x1x64xf32, #tpu.memory_space<vmem>>
      %dma_start3A_220 = tpu.memref_squeeze %dma_start3A_219 : memref<1x1x64xf32, #tpu.memory_space<vmem>> -> memref<64xf32, #tpu.memory_space<vmem>>
      %dma_start3A_221 = arith.constant 0 : i32
      %dma_start3A_222 = tpu.memref_slice %arg6[%squeeze3A_216, %dma_start3A_221] : memref<100000x64xf32, #tpu.memory_space<hbm>> -> memref<1x64xf32, #tpu.memory_space<hbm>>
      %dma_start3A_223 = tpu.memref_squeeze %dma_start3A_222 : memref<1x64xf32, #tpu.memory_space<hbm>> -> memref<64xf32, #tpu.memory_space<hbm>>
      %dma_start3A_224 = arith.constant 0 : i32
      %dma_start3A_225 = tpu.memref_slice %arg13[%dma_start3A_217, %add3A_214, %dma_start3A_224] : memref<3x128x128xf32, #tpu.memory_space<vmem>> -> memref<1x1x64xf32, #tpu.memory_space<vmem>>
      %dma_start3A_226 = tpu.memref_squeeze %dma_start3A_225 : memref<1x1x64xf32, #tpu.memory_space<vmem>> -> memref<64xf32, #tpu.memory_space<vmem>>
      %dma_start3A_227 = arith.constant 0 : i32
      %dma_start3A_228 = tpu.memref_slice %arg6[%squeeze3A_216, %dma_start3A_227] : memref<100000x64xf32, #tpu.memory_space<hbm>> -> memref<1x64xf32, #tpu.memory_space<hbm>>
      %dma_start3A_229 = tpu.memref_squeeze %dma_start3A_228 : memref<1x64xf32, #tpu.memory_space<hbm>> -> memref<64xf32, #tpu.memory_space<hbm>>
      tpu.enqueue_dma source(%dma_start3A_229 : memref<64xf32, #tpu.memory_space<hbm>>) target(%dma_start3A_226 : memref<64xf32, #tpu.memory_space<vmem>>) target_semaphore(%arg15 : memref<!tpu.dma_semaphore, #tpu.memory_space<semaphore_mem>>)
      %slice3A_230 = vector.extract_strided_slice %get3A_144 {offsets = [2], sizes = [1], strides = [1]} : vector<16xi32> to vector<1xi32>
      %squeeze3A_231 = vector.extract %slice3A_230[0] : i32 from vector<1xi32>
      %dma_start3A_232 = arith.constant 1 : i32
      %dma_start3A_233 = arith.constant 64 : i32
      %dma_start3A_234 = tpu.memref_slice %arg13[%dma_start3A_232, %add3A_214, %dma_start3A_233] : memref<3x128x128xf32, #tpu.memory_space<vmem>> -> memref<1x1x64xf32, #tpu.memory_space<vmem>>
      %dma_start3A_235 = tpu.memref_squeeze %dma_start3A_234 : memref<1x1x64xf32, #tpu.memory_space<vmem>> -> memref<64xf32, #tpu.memory_space<vmem>>
      %dma_start3A_236 = arith.constant 0 : i32
      %dma_start3A_237 = tpu.memref_slice %arg7[%squeeze3A_231, %dma_start3A_236] : memref<100000x64xf32, #tpu.memory_space<hbm>> -> memref<1x64xf32, #tpu.memory_space<hbm>>
      %dma_start3A_238 = tpu.memref_squeeze %dma_start3A_237 : memref<1x64xf32, #tpu.memory_space<hbm>> -> memref<64xf32, #tpu.memory_space<hbm>>
      %dma_start3A_239 = arith.constant 64 : i32
      %dma_start3A_240 = tpu.memref_slice %arg13[%dma_start3A_232, %add3A_214, %dma_start3A_239] : memref<3x128x128xf32, #tpu.memory_space<vmem>> -> memref<1x1x64xf32, #tpu.memory_space<vmem>>
      %dma_start3A_241 = tpu.memref_squeeze %dma_start3A_240 : memref<1x1x64xf32, #tpu.memory_space<vmem>> -> memref<64xf32, #tpu.memory_space<vmem>>
      %dma_start3A_242 = arith.constant 0 : i32
      %dma_start3A_243 = tpu.memref_slice %arg7[%squeeze3A_231, %dma_start3A_242] : memref<100000x64xf32, #tpu.memory_space<hbm>> -> memref<1x64xf32, #tpu.memory_space<hbm>>
      %dma_start3A_244 = tpu.memref_squeeze %dma_start3A_243 : memref<1x64xf32, #tpu.memory_space<hbm>> -> memref<64xf32, #tpu.memory_space<hbm>>
      tpu.enqueue_dma source(%dma_start3A_244 : memref<64xf32, #tpu.memory_space<hbm>>) target(%dma_start3A_241 : memref<64xf32, #tpu.memory_space<vmem>>) target_semaphore(%arg15 : memref<!tpu.dma_semaphore, #tpu.memory_space<semaphore_mem>>)
      %mul3A_245 = arith.constant 16 : i32
      %mul3A_246 = arith.muli %scan3A_135, %mul3A_245 : i32
      %add3A_247 = arith.constant 3 : i32
      %add3A_248 = arith.addi %mul3A_246, %add3A_247 : i32
      %slice3A_249 = vector.extract_strided_slice %get3A_139 {offsets = [3], sizes = [1], strides = [1]} : vector<16xi32> to vector<1xi32>
      %squeeze3A_250 = vector.extract %slice3A_249[0] : i32 from vector<1xi32>
      %dma_start3A_251 = arith.constant 1 : i32
      %dma_start3A_252 = arith.constant 0 : i32
      %dma_start3A_253 = tpu.memref_slice %arg13[%dma_start3A_251, %add3A_248, %dma_start3A_252] : memref<3x128x128xf32, #tpu.memory_space<vmem>> -> memref<1x1x64xf32, #tpu.memory_space<vmem>>
      %dma_start3A_254 = tpu.memref_squeeze %dma_start3A_253 : memref<1x1x64xf32, #tpu.memory_space<vmem>> -> memref<64xf32, #tpu.memory_space<vmem>>
      %dma_start3A_255 = arith.constant 0 : i32
      %dma_start3A_256 = tpu.memref_slice %arg6[%squeeze3A_250, %dma_start3A_255] : memref<100000x64xf32, #tpu.memory_space<hbm>> -> memref<1x64xf32, #tpu.memory_space<hbm>>
      %dma_start3A_257 = tpu.memref_squeeze %dma_start3A_256 : memref<1x64xf32, #tpu.memory_space<hbm>> -> memref<64xf32, #tpu.memory_space<hbm>>
      %dma_start3A_258 = arith.constant 0 : i32
      %dma_start3A_259 = tpu.memref_slice %arg13[%dma_start3A_251, %add3A_248, %dma_start3A_258] : memref<3x128x128xf32, #tpu.memory_space<vmem>> -> memref<1x1x64xf32, #tpu.memory_space<vmem>>
      %dma_start3A_260 = tpu.memref_squeeze %dma_start3A_259 : memref<1x1x64xf32, #tpu.memory_space<vmem>> -> memref<64xf32, #tpu.memory_space<vmem>>
      %dma_start3A_261 = arith.constant 0 : i32
      %dma_start3A_262 = tpu.memref_slice %arg6[%squeeze3A_250, %dma_start3A_261] : memref<100000x64xf32, #tpu.memory_space<hbm>> -> memref<1x64xf32, #tpu.memory_space<hbm>>
      %dma_start3A_263 = tpu.memref_squeeze %dma_start3A_262 : memref<1x64xf32, #tpu.memory_space<hbm>> -> memref<64xf32, #tpu.memory_space<hbm>>
      tpu.enqueue_dma source(%dma_start3A_263 : memref<64xf32, #tpu.memory_space<hbm>>) target(%dma_start3A_260 : memref<64xf32, #tpu.memory_space<vmem>>) target_semaphore(%arg15 : memref<!tpu.dma_semaphore, #tpu.memory_space<semaphore_mem>>)
      %slice3A_264 = vector.extract_strided_slice %get3A_144 {offsets = [3], sizes = [1], strides = [1]} : vector<16xi32> to vector<1xi32>
      %squeeze3A_265 = vector.extract %slice3A_264[0] : i32 from vector<1xi32>
      %dma_start3A_266 = arith.constant 1 : i32
      %dma_start3A_267 = arith.constant 64 : i32
      %dma_start3A_268 = tpu.memref_slice %arg13[%dma_start3A_266, %add3A_248, %dma_start3A_267] : memref<3x128x128xf32, #tpu.memory_space<vmem>> -> memref<1x1x64xf32, #tpu.memory_space<vmem>>
      %dma_start3A_269 = tpu.memref_squeeze %dma_start3A_268 : memref<1x1x64xf32, #tpu.memory_space<vmem>> -> memref<64xf32, #tpu.memory_space<vmem>>
      %dma_start3A_270 = arith.constant 0 : i32
      %dma_start3A_271 = tpu.memref_slice %arg7[%squeeze3A_265, %dma_start3A_270] : memref<100000x64xf32, #tpu.memory_space<hbm>> -> memref<1x64xf32, #tpu.memory_space<hbm>>
      %dma_start3A_272 = tpu.memref_squeeze %dma_start3A_271 : memref<1x64xf32, #tpu.memory_space<hbm>> -> memref<64xf32, #tpu.memory_space<hbm>>
      %dma_start3A_273 = arith.constant 64 : i32
      %dma_start3A_274 = tpu.memref_slice %arg13[%dma_start3A_266, %add3A_248, %dma_start3A_273] : memref<3x128x128xf32, #tpu.memory_space<vmem>> -> memref<1x1x64xf32, #tpu.memory_space<vmem>>
      %dma_start3A_275 = tpu.memref_squeeze %dma_start3A_274 : memref<1x1x64xf32, #tpu.memory_space<vmem>> -> memref<64xf32, #tpu.memory_space<vmem>>
      %dma_start3A_276 = arith.constant 0 : i32
      %dma_start3A_277 = tpu.memref_slice %arg7[%squeeze3A_265, %dma_start3A_276] : memref<100000x64xf32, #tpu.memory_space<hbm>> -> memref<1x64xf32, #tpu.memory_space<hbm>>
      %dma_start3A_278 = tpu.memref_squeeze %dma_start3A_277 : memref<1x64xf32, #tpu.memory_space<hbm>> -> memref<64xf32, #tpu.memory_space<hbm>>
      tpu.enqueue_dma source(%dma_start3A_278 : memref<64xf32, #tpu.memory_space<hbm>>) target(%dma_start3A_275 : memref<64xf32, #tpu.memory_space<vmem>>) target_semaphore(%arg15 : memref<!tpu.dma_semaphore, #tpu.memory_space<semaphore_mem>>)
      %mul3A_279 = arith.constant 16 : i32
      %mul3A_280 = arith.muli %scan3A_135, %mul3A_279 : i32
      %add3A_281 = arith.constant 4 : i32
      %add3A_282 = arith.addi %mul3A_280, %add3A_281 : i32
      %slice3A_283 = vector.extract_strided_slice %get3A_139 {offsets = [4], sizes = [1], strides = [1]} : vector<16xi32> to vector<1xi32>
      %squeeze3A_284 = vector.extract %slice3A_283[0] : i32 from vector<1xi32>
      %dma_start3A_285 = arith.constant 1 : i32
      %dma_start3A_286 = arith.constant 0 : i32
      %dma_start3A_287 = tpu.memref_slice %arg13[%dma_start3A_285, %add3A_282, %dma_start3A_286] : memref<3x128x128xf32, #tpu.memory_space<vmem>> -> memref<1x1x64xf32, #tpu.memory_space<vmem>>
      %dma_start3A_288 = tpu.memref_squeeze %dma_start3A_287 : memref<1x1x64xf32, #tpu.memory_space<vmem>> -> memref<64xf32, #tpu.memory_space<vmem>>
      %dma_start3A_289 = arith.constant 0 : i32
      %dma_start3A_290 = tpu.memref_slice %arg6[%squeeze3A_284, %dma_start3A_289] : memref<100000x64xf32, #tpu.memory_space<hbm>> -> memref<1x64xf32, #tpu.memory_space<hbm>>
      %dma_start3A_291 = tpu.memref_squeeze %dma_start3A_290 : memref<1x64xf32, #tpu.memory_space<hbm>> -> memref<64xf32, #tpu.memory_space<hbm>>
      %dma_start3A_292 = arith.constant 0 : i32
      %dma_start3A_293 = tpu.memref_slice %arg13[%dma_start3A_285, %add3A_282, %dma_start3A_292] : memref<3x128x128xf32, #tpu.memory_space<vmem>> -> memref<1x1x64xf32, #tpu.memory_space<vmem>>
      %dma_start3A_294 = tpu.memref_squeeze %dma_start3A_293 : memref<1x1x64xf32, #tpu.memory_space<vmem>> -> memref<64xf32, #tpu.memory_space<vmem>>
      %dma_start3A_295 = arith.constant 0 : i32
      %dma_start3A_296 = tpu.memref_slice %arg6[%squeeze3A_284, %dma_start3A_295] : memref<100000x64xf32, #tpu.memory_space<hbm>> -> memref<1x64xf32, #tpu.memory_space<hbm>>
      %dma_start3A_297 = tpu.memref_squeeze %dma_start3A_296 : memref<1x64xf32, #tpu.memory_space<hbm>> -> memref<64xf32, #tpu.memory_space<hbm>>
      tpu.enqueue_dma source(%dma_start3A_297 : memref<64xf32, #tpu.memory_space<hbm>>) target(%dma_start3A_294 : memref<64xf32, #tpu.memory_space<vmem>>) target_semaphore(%arg15 : memref<!tpu.dma_semaphore, #tpu.memory_space<semaphore_mem>>)
      %slice3A_298 = vector.extract_strided_slice %get3A_144 {offsets = [4], sizes = [1], strides = [1]} : vector<16xi32> to vector<1xi32>
      %squeeze3A_299 = vector.extract %slice3A_298[0] : i32 from vector<1xi32>
      %dma_start3A_300 = arith.constant 1 : i32
      %dma_start3A_301 = arith.constant 64 : i32
      %dma_start3A_302 = tpu.memref_slice %arg13[%dma_start3A_300, %add3A_282, %dma_start3A_301] : memref<3x128x128xf32, #tpu.memory_space<vmem>> -> memref<1x1x64xf32, #tpu.memory_space<vmem>>
      %dma_start3A_303 = tpu.memref_squeeze %dma_start3A_302 : memref<1x1x64xf32, #tpu.memory_space<vmem>> -> memref<64xf32, #tpu.memory_space<vmem>>
      %dma_start3A_304 = arith.constant 0 : i32
      %dma_start3A_305 = tpu.memref_slice %arg7[%squeeze3A_299, %dma_start3A_304] : memref<100000x64xf32, #tpu.memory_space<hbm>> -> memref<1x64xf32, #tpu.memory_space<hbm>>
      %dma_start3A_306 = tpu.memref_squeeze %dma_start3A_305 : memref<1x64xf32, #tpu.memory_space<hbm>> -> memref<64xf32, #tpu.memory_space<hbm>>
      %dma_start3A_307 = arith.constant 64 : i32
      %dma_start3A_308 = tpu.memref_slice %arg13[%dma_start3A_300, %add3A_282, %dma_start3A_307] : memref<3x128x128xf32, #tpu.memory_space<vmem>> -> memref<1x1x64xf32, #tpu.memory_space<vmem>>
      %dma_start3A_309 = tpu.memref_squeeze %dma_start3A_308 : memref<1x1x64xf32, #tpu.memory_space<vmem>> -> memref<64xf32, #tpu.memory_space<vmem>>
      %dma_start3A_310 = arith.constant 0 : i32
      %dma_start3A_311 = tpu.memref_slice %arg7[%squeeze3A_299, %dma_start3A_310] : memref<100000x64xf32, #tpu.memory_space<hbm>> -> memref<1x64xf32, #tpu.memory_space<hbm>>
      %dma_start3A_312 = tpu.memref_squeeze %dma_start3A_311 : memref<1x64xf32, #tpu.memory_space<hbm>> -> memref<64xf32, #tpu.memory_space<hbm>>
      tpu.enqueue_dma source(%dma_start3A_312 : memref<64xf32, #tpu.memory_space<hbm>>) target(%dma_start3A_309 : memref<64xf32, #tpu.memory_space<vmem>>) target_semaphore(%arg15 : memref<!tpu.dma_semaphore, #tpu.memory_space<semaphore_mem>>)
      %mul3A_313 = arith.constant 16 : i32
      %mul3A_314 = arith.muli %scan3A_135, %mul3A_313 : i32
      %add3A_315 = arith.constant 5 : i32
      %add3A_316 = arith.addi %mul3A_314, %add3A_315 : i32
      %slice3A_317 = vector.extract_strided_slice %get3A_139 {offsets = [5], sizes = [1], strides = [1]} : vector<16xi32> to vector<1xi32>
      %squeeze3A_318 = vector.extract %slice3A_317[0] : i32 from vector<1xi32>
      %dma_start3A_319 = arith.constant 1 : i32
      %dma_start3A_320 = arith.constant 0 : i32
      %dma_start3A_321 = tpu.memref_slice %arg13[%dma_start3A_319, %add3A_316, %dma_start3A_320] : memref<3x128x128xf32, #tpu.memory_space<vmem>> -> memref<1x1x64xf32, #tpu.memory_space<vmem>>
      %dma_start3A_322 = tpu.memref_squeeze %dma_start3A_321 : memref<1x1x64xf32, #tpu.memory_space<vmem>> -> memref<64xf32, #tpu.memory_space<vmem>>
      %dma_start3A_323 = arith.constant 0 : i32
      %dma_start3A_324 = tpu.memref_slice %arg6[%squeeze3A_318, %dma_start3A_323] : memref<100000x64xf32, #tpu.memory_space<hbm>> -> memref<1x64xf32, #tpu.memory_space<hbm>>
      %dma_start3A_325 = tpu.memref_squeeze %dma_start3A_324 : memref<1x64xf32, #tpu.memory_space<hbm>> -> memref<64xf32, #tpu.memory_space<hbm>>
      %dma_start3A_326 = arith.constant 0 : i32
      %dma_start3A_327 = tpu.memref_slice %arg13[%dma_start3A_319, %add3A_316, %dma_start3A_326] : memref<3x128x128xf32, #tpu.memory_space<vmem>> -> memref<1x1x64xf32, #tpu.memory_space<vmem>>
      %dma_start3A_328 = tpu.memref_squeeze %dma_start3A_327 : memref<1x1x64xf32, #tpu.memory_space<vmem>> -> memref<64xf32, #tpu.memory_space<vmem>>
      %dma_start3A_329 = arith.constant 0 : i32
      %dma_start3A_330 = tpu.memref_slice %arg6[%squeeze3A_318, %dma_start3A_329] : memref<100000x64xf32, #tpu.memory_space<hbm>> -> memref<1x64xf32, #tpu.memory_space<hbm>>
      %dma_start3A_331 = tpu.memref_squeeze %dma_start3A_330 : memref<1x64xf32, #tpu.memory_space<hbm>> -> memref<64xf32, #tpu.memory_space<hbm>>
      tpu.enqueue_dma source(%dma_start3A_331 : memref<64xf32, #tpu.memory_space<hbm>>) target(%dma_start3A_328 : memref<64xf32, #tpu.memory_space<vmem>>) target_semaphore(%arg15 : memref<!tpu.dma_semaphore, #tpu.memory_space<semaphore_mem>>)
      %slice3A_332 = vector.extract_strided_slice %get3A_144 {offsets = [5], sizes = [1], strides = [1]} : vector<16xi32> to vector<1xi32>
      %squeeze3A_333 = vector.extract %slice3A_332[0] : i32 from vector<1xi32>
      %dma_start3A_334 = arith.constant 1 : i32
      %dma_start3A_335 = arith.constant 64 : i32
      %dma_start3A_336 = tpu.memref_slice %arg13[%dma_start3A_334, %add3A_316, %dma_start3A_335] : memref<3x128x128xf32, #tpu.memory_space<vmem>> -> memref<1x1x64xf32, #tpu.memory_space<vmem>>
      %dma_start3A_337 = tpu.memref_squeeze %dma_start3A_336 : memref<1x1x64xf32, #tpu.memory_space<vmem>> -> memref<64xf32, #tpu.memory_space<vmem>>
      %dma_start3A_338 = arith.constant 0 : i32
      %dma_start3A_339 = tpu.memref_slice %arg7[%squeeze3A_333, %dma_start3A_338] : memref<100000x64xf32, #tpu.memory_space<hbm>> -> memref<1x64xf32, #tpu.memory_space<hbm>>
      %dma_start3A_340 = tpu.memref_squeeze %dma_start3A_339 : memref<1x64xf32, #tpu.memory_space<hbm>> -> memref<64xf32, #tpu.memory_space<hbm>>
      %dma_start3A_341 = arith.constant 64 : i32
      %dma_start3A_342 = tpu.memref_slice %arg13[%dma_start3A_334, %add3A_316, %dma_start3A_341] : memref<3x128x128xf32, #tpu.memory_space<vmem>> -> memref<1x1x64xf32, #tpu.memory_space<vmem>>
      %dma_start3A_343 = tpu.memref_squeeze %dma_start3A_342 : memref<1x1x64xf32, #tpu.memory_space<vmem>> -> memref<64xf32, #tpu.memory_space<vmem>>
      %dma_start3A_344 = arith.constant 0 : i32
      %dma_start3A_345 = tpu.memref_slice %arg7[%squeeze3A_333, %dma_start3A_344] : memref<100000x64xf32, #tpu.memory_space<hbm>> -> memref<1x64xf32, #tpu.memory_space<hbm>>
      %dma_start3A_346 = tpu.memref_squeeze %dma_start3A_345 : memref<1x64xf32, #tpu.memory_space<hbm>> -> memref<64xf32, #tpu.memory_space<hbm>>
      tpu.enqueue_dma source(%dma_start3A_346 : memref<64xf32, #tpu.memory_space<hbm>>) target(%dma_start3A_343 : memref<64xf32, #tpu.memory_space<vmem>>) target_semaphore(%arg15 : memref<!tpu.dma_semaphore, #tpu.memory_space<semaphore_mem>>)
      %mul3A_347 = arith.constant 16 : i32
      %mul3A_348 = arith.muli %scan3A_135, %mul3A_347 : i32
      %add3A_349 = arith.constant 6 : i32
      %add3A_350 = arith.addi %mul3A_348, %add3A_349 : i32
      %slice3A_351 = vector.extract_strided_slice %get3A_139 {offsets = [6], sizes = [1], strides = [1]} : vector<16xi32> to vector<1xi32>
      %squeeze3A_352 = vector.extract %slice3A_351[0] : i32 from vector<1xi32>
      %dma_start3A_353 = arith.constant 1 : i32
      %dma_start3A_354 = arith.constant 0 : i32
      %dma_start3A_355 = tpu.memref_slice %arg13[%dma_start3A_353, %add3A_350, %dma_start3A_354] : memref<3x128x128xf32, #tpu.memory_space<vmem>> -> memref<1x1x64xf32, #tpu.memory_space<vmem>>
      %dma_start3A_356 = tpu.memref_squeeze %dma_start3A_355 : memref<1x1x64xf32, #tpu.memory_space<vmem>> -> memref<64xf32, #tpu.memory_space<vmem>>
      %dma_start3A_357 = arith.constant 0 : i32
      %dma_start3A_358 = tpu.memref_slice %arg6[%squeeze3A_352, %dma_start3A_357] : memref<100000x64xf32, #tpu.memory_space<hbm>> -> memref<1x64xf32, #tpu.memory_space<hbm>>
      %dma_start3A_359 = tpu.memref_squeeze %dma_start3A_358 : memref<1x64xf32, #tpu.memory_space<hbm>> -> memref<64xf32, #tpu.memory_space<hbm>>
      %dma_start3A_360 = arith.constant 0 : i32
      %dma_start3A_361 = tpu.memref_slice %arg13[%dma_start3A_353, %add3A_350, %dma_start3A_360] : memref<3x128x128xf32, #tpu.memory_space<vmem>> -> memref<1x1x64xf32, #tpu.memory_space<vmem>>
      %dma_start3A_362 = tpu.memref_squeeze %dma_start3A_361 : memref<1x1x64xf32, #tpu.memory_space<vmem>> -> memref<64xf32, #tpu.memory_space<vmem>>
      %dma_start3A_363 = arith.constant 0 : i32
      %dma_start3A_364 = tpu.memref_slice %arg6[%squeeze3A_352, %dma_start3A_363] : memref<100000x64xf32, #tpu.memory_space<hbm>> -> memref<1x64xf32, #tpu.memory_space<hbm>>
      %dma_start3A_365 = tpu.memref_squeeze %dma_start3A_364 : memref<1x64xf32, #tpu.memory_space<hbm>> -> memref<64xf32, #tpu.memory_space<hbm>>
      tpu.enqueue_dma source(%dma_start3A_365 : memref<64xf32, #tpu.memory_space<hbm>>) target(%dma_start3A_362 : memref<64xf32, #tpu.memory_space<vmem>>) target_semaphore(%arg15 : memref<!tpu.dma_semaphore, #tpu.memory_space<semaphore_mem>>)
      %slice3A_366 = vector.extract_strided_slice %get3A_144 {offsets = [6], sizes = [1], strides = [1]} : vector<16xi32> to vector<1xi32>
      %squeeze3A_367 = vector.extract %slice3A_366[0] : i32 from vector<1xi32>
      %dma_start3A_368 = arith.constant 1 : i32
      %dma_start3A_369 = arith.constant 64 : i32
      %dma_start3A_370 = tpu.memref_slice %arg13[%dma_start3A_368, %add3A_350, %dma_start3A_369] : memref<3x128x128xf32, #tpu.memory_space<vmem>> -> memref<1x1x64xf32, #tpu.memory_space<vmem>>
      %dma_start3A_371 = tpu.memref_squeeze %dma_start3A_370 : memref<1x1x64xf32, #tpu.memory_space<vmem>> -> memref<64xf32, #tpu.memory_space<vmem>>
      %dma_start3A_372 = arith.constant 0 : i32
      %dma_start3A_373 = tpu.memref_slice %arg7[%squeeze3A_367, %dma_start3A_372] : memref<100000x64xf32, #tpu.memory_space<hbm>> -> memref<1x64xf32, #tpu.memory_space<hbm>>
      %dma_start3A_374 = tpu.memref_squeeze %dma_start3A_373 : memref<1x64xf32, #tpu.memory_space<hbm>> -> memref<64xf32, #tpu.memory_space<hbm>>
      %dma_start3A_375 = arith.constant 64 : i32
      %dma_start3A_376 = tpu.memref_slice %arg13[%dma_start3A_368, %add3A_350, %dma_start3A_375] : memref<3x128x128xf32, #tpu.memory_space<vmem>> -> memref<1x1x64xf32, #tpu.memory_space<vmem>>
      %dma_start3A_377 = tpu.memref_squeeze %dma_start3A_376 : memref<1x1x64xf32, #tpu.memory_space<vmem>> -> memref<64xf32, #tpu.memory_space<vmem>>
      %dma_start3A_378 = arith.constant 0 : i32
      %dma_start3A_379 = tpu.memref_slice %arg7[%squeeze3A_367, %dma_start3A_378] : memref<100000x64xf32, #tpu.memory_space<hbm>> -> memref<1x64xf32, #tpu.memory_space<hbm>>
      %dma_start3A_380 = tpu.memref_squeeze %dma_start3A_379 : memref<1x64xf32, #tpu.memory_space<hbm>> -> memref<64xf32, #tpu.memory_space<hbm>>
      tpu.enqueue_dma source(%dma_start3A_380 : memref<64xf32, #tpu.memory_space<hbm>>) target(%dma_start3A_377 : memref<64xf32, #tpu.memory_space<vmem>>) target_semaphore(%arg15 : memref<!tpu.dma_semaphore, #tpu.memory_space<semaphore_mem>>)
      %mul3A_381 = arith.constant 16 : i32
      %mul3A_382 = arith.muli %scan3A_135, %mul3A_381 : i32
      %add3A_383 = arith.constant 7 : i32
      %add3A_384 = arith.addi %mul3A_382, %add3A_383 : i32
      %slice3A_385 = vector.extract_strided_slice %get3A_139 {offsets = [7], sizes = [1], strides = [1]} : vector<16xi32> to vector<1xi32>
      %squeeze3A_386 = vector.extract %slice3A_385[0] : i32 from vector<1xi32>
      %dma_start3A_387 = arith.constant 1 : i32
      %dma_start3A_388 = arith.constant 0 : i32
      %dma_start3A_389 = tpu.memref_slice %arg13[%dma_start3A_387, %add3A_384, %dma_start3A_388] : memref<3x128x128xf32, #tpu.memory_space<vmem>> -> memref<1x1x64xf32, #tpu.memory_space<vmem>>
      %dma_start3A_390 = tpu.memref_squeeze %dma_start3A_389 : memref<1x1x64xf32, #tpu.memory_space<vmem>> -> memref<64xf32, #tpu.memory_space<vmem>>
      %dma_start3A_391 = arith.constant 0 : i32
      %dma_start3A_392 = tpu.memref_slice %arg6[%squeeze3A_386, %dma_start3A_391] : memref<100000x64xf32, #tpu.memory_space<hbm>> -> memref<1x64xf32, #tpu.memory_space<hbm>>
      %dma_start3A_393 = tpu.memref_squeeze %dma_start3A_392 : memref<1x64xf32, #tpu.memory_space<hbm>> -> memref<64xf32, #tpu.memory_space<hbm>>
      %dma_start3A_394 = arith.constant 0 : i32
      %dma_start3A_395 = tpu.memref_slice %arg13[%dma_start3A_387, %add3A_384, %dma_start3A_394] : memref<3x128x128xf32, #tpu.memory_space<vmem>> -> memref<1x1x64xf32, #tpu.memory_space<vmem>>
      %dma_start3A_396 = tpu.memref_squeeze %dma_start3A_395 : memref<1x1x64xf32, #tpu.memory_space<vmem>> -> memref<64xf32, #tpu.memory_space<vmem>>
      %dma_start3A_397 = arith.constant 0 : i32
      %dma_start3A_398 = tpu.memref_slice %arg6[%squeeze3A_386, %dma_start3A_397] : memref<100000x64xf32, #tpu.memory_space<hbm>> -> memref<1x64xf32, #tpu.memory_space<hbm>>
      %dma_start3A_399 = tpu.memref_squeeze %dma_start3A_398 : memref<1x64xf32, #tpu.memory_space<hbm>> -> memref<64xf32, #tpu.memory_space<hbm>>
      tpu.enqueue_dma source(%dma_start3A_399 : memref<64xf32, #tpu.memory_space<hbm>>) target(%dma_start3A_396 : memref<64xf32, #tpu.memory_space<vmem>>) target_semaphore(%arg15 : memref<!tpu.dma_semaphore, #tpu.memory_space<semaphore_mem>>)
      %slice3A_400 = vector.extract_strided_slice %get3A_144 {offsets = [7], sizes = [1], strides = [1]} : vector<16xi32> to vector<1xi32>
      %squeeze3A_401 = vector.extract %slice3A_400[0] : i32 from vector<1xi32>
      %dma_start3A_402 = arith.constant 1 : i32
      %dma_start3A_403 = arith.constant 64 : i32
      %dma_start3A_404 = tpu.memref_slice %arg13[%dma_start3A_402, %add3A_384, %dma_start3A_403] : memref<3x128x128xf32, #tpu.memory_space<vmem>> -> memref<1x1x64xf32, #tpu.memory_space<vmem>>
      %dma_start3A_405 = tpu.memref_squeeze %dma_start3A_404 : memref<1x1x64xf32, #tpu.memory_space<vmem>> -> memref<64xf32, #tpu.memory_space<vmem>>
      %dma_start3A_406 = arith.constant 0 : i32
      %dma_start3A_407 = tpu.memref_slice %arg7[%squeeze3A_401, %dma_start3A_406] : memref<100000x64xf32, #tpu.memory_space<hbm>> -> memref<1x64xf32, #tpu.memory_space<hbm>>
      %dma_start3A_408 = tpu.memref_squeeze %dma_start3A_407 : memref<1x64xf32, #tpu.memory_space<hbm>> -> memref<64xf32, #tpu.memory_space<hbm>>
      %dma_start3A_409 = arith.constant 64 : i32
      %dma_start3A_410 = tpu.memref_slice %arg13[%dma_start3A_402, %add3A_384, %dma_start3A_409] : memref<3x128x128xf32, #tpu.memory_space<vmem>> -> memref<1x1x64xf32, #tpu.memory_space<vmem>>
      %dma_start3A_411 = tpu.memref_squeeze %dma_start3A_410 : memref<1x1x64xf32, #tpu.memory_space<vmem>> -> memref<64xf32, #tpu.memory_space<vmem>>
      %dma_start3A_412 = arith.constant 0 : i32
      %dma_start3A_413 = tpu.memref_slice %arg7[%squeeze3A_401, %dma_start3A_412] : memref<100000x64xf32, #tpu.memory_space<hbm>> -> memref<1x64xf32, #tpu.memory_space<hbm>>
      %dma_start3A_414 = tpu.memref_squeeze %dma_start3A_413 : memref<1x64xf32, #tpu.memory_space<hbm>> -> memref<64xf32, #tpu.memory_space<hbm>>
      tpu.enqueue_dma source(%dma_start3A_414 : memref<64xf32, #tpu.memory_space<hbm>>) target(%dma_start3A_411 : memref<64xf32, #tpu.memory_space<vmem>>) target_semaphore(%arg15 : memref<!tpu.dma_semaphore, #tpu.memory_space<semaphore_mem>>)
      %mul3A_415 = arith.constant 16 : i32
      %mul3A_416 = arith.muli %scan3A_135, %mul3A_415 : i32
      %add3A_417 = arith.constant 8 : i32
      %add3A_418 = arith.addi %mul3A_416, %add3A_417 : i32
      %slice3A_419 = vector.extract_strided_slice %get3A_139 {offsets = [8], sizes = [1], strides = [1]} : vector<16xi32> to vector<1xi32>
      %squeeze3A_420 = vector.extract %slice3A_419[0] : i32 from vector<1xi32>
      %dma_start3A_421 = arith.constant 1 : i32
      %dma_start3A_422 = arith.constant 0 : i32
      %dma_start3A_423 = tpu.memref_slice %arg13[%dma_start3A_421, %add3A_418, %dma_start3A_422] : memref<3x128x128xf32, #tpu.memory_space<vmem>> -> memref<1x1x64xf32, #tpu.memory_space<vmem>>
      %dma_start3A_424 = tpu.memref_squeeze %dma_start3A_423 : memref<1x1x64xf32, #tpu.memory_space<vmem>> -> memref<64xf32, #tpu.memory_space<vmem>>
      %dma_start3A_425 = arith.constant 0 : i32
      %dma_start3A_426 = tpu.memref_slice %arg6[%squeeze3A_420, %dma_start3A_425] : memref<100000x64xf32, #tpu.memory_space<hbm>> -> memref<1x64xf32, #tpu.memory_space<hbm>>
      %dma_start3A_427 = tpu.memref_squeeze %dma_start3A_426 : memref<1x64xf32, #tpu.memory_space<hbm>> -> memref<64xf32, #tpu.memory_space<hbm>>
      %dma_start3A_428 = arith.constant 0 : i32
      %dma_start3A_429 = tpu.memref_slice %arg13[%dma_start3A_421, %add3A_418, %dma_start3A_428] : memref<3x128x128xf32, #tpu.memory_space<vmem>> -> memref<1x1x64xf32, #tpu.memory_space<vmem>>
      %dma_start3A_430 = tpu.memref_squeeze %dma_start3A_429 : memref<1x1x64xf32, #tpu.memory_space<vmem>> -> memref<64xf32, #tpu.memory_space<vmem>>
      %dma_start3A_431 = arith.constant 0 : i32
      %dma_start3A_432 = tpu.memref_slice %arg6[%squeeze3A_420, %dma_start3A_431] : memref<100000x64xf32, #tpu.memory_space<hbm>> -> memref<1x64xf32, #tpu.memory_space<hbm>>
      %dma_start3A_433 = tpu.memref_squeeze %dma_start3A_432 : memref<1x64xf32, #tpu.memory_space<hbm>> -> memref<64xf32, #tpu.memory_space<hbm>>
      tpu.enqueue_dma source(%dma_start3A_433 : memref<64xf32, #tpu.memory_space<hbm>>) target(%dma_start3A_430 : memref<64xf32, #tpu.memory_space<vmem>>) target_semaphore(%arg15 : memref<!tpu.dma_semaphore, #tpu.memory_space<semaphore_mem>>)
      %slice3A_434 = vector.extract_strided_slice %get3A_144 {offsets = [8], sizes = [1], strides = [1]} : vector<16xi32> to vector<1xi32>
      %squeeze3A_435 = vector.extract %slice3A_434[0] : i32 from vector<1xi32>
      %dma_start3A_436 = arith.constant 1 : i32
      %dma_start3A_437 = arith.constant 64 : i32
      %dma_start3A_438 = tpu.memref_slice %arg13[%dma_start3A_436, %add3A_418, %dma_start3A_437] : memref<3x128x128xf32, #tpu.memory_space<vmem>> -> memref<1x1x64xf32, #tpu.memory_space<vmem>>
      %dma_start3A_439 = tpu.memref_squeeze %dma_start3A_438 : memref<1x1x64xf32, #tpu.memory_space<vmem>> -> memref<64xf32, #tpu.memory_space<vmem>>
      %dma_start3A_440 = arith.constant 0 : i32
      %dma_start3A_441 = tpu.memref_slice %arg7[%squeeze3A_435, %dma_start3A_440] : memref<100000x64xf32, #tpu.memory_space<hbm>> -> memref<1x64xf32, #tpu.memory_space<hbm>>
      %dma_start3A_442 = tpu.memref_squeeze %dma_start3A_441 : memref<1x64xf32, #tpu.memory_space<hbm>> -> memref<64xf32, #tpu.memory_space<hbm>>
      %dma_start3A_443 = arith.constant 64 : i32
      %dma_start3A_444 = tpu.memref_slice %arg13[%dma_start3A_436, %add3A_418, %dma_start3A_443] : memref<3x128x128xf32, #tpu.memory_space<vmem>> -> memref<1x1x64xf32, #tpu.memory_space<vmem>>
      %dma_start3A_445 = tpu.memref_squeeze %dma_start3A_444 : memref<1x1x64xf32, #tpu.memory_space<vmem>> -> memref<64xf32, #tpu.memory_space<vmem>>
      %dma_start3A_446 = arith.constant 0 : i32
      %dma_start3A_447 = tpu.memref_slice %arg7[%squeeze3A_435, %dma_start3A_446] : memref<100000x64xf32, #tpu.memory_space<hbm>> -> memref<1x64xf32, #tpu.memory_space<hbm>>
      %dma_start3A_448 = tpu.memref_squeeze %dma_start3A_447 : memref<1x64xf32, #tpu.memory_space<hbm>> -> memref<64xf32, #tpu.memory_space<hbm>>
      tpu.enqueue_dma source(%dma_start3A_448 : memref<64xf32, #tpu.memory_space<hbm>>) target(%dma_start3A_445 : memref<64xf32, #tpu.memory_space<vmem>>) target_semaphore(%arg15 : memref<!tpu.dma_semaphore, #tpu.memory_space<semaphore_mem>>)
      %mul3A_449 = arith.constant 16 : i32
      %mul3A_450 = arith.muli %scan3A_135, %mul3A_449 : i32
      %add3A_451 = arith.constant 9 : i32
      %add3A_452 = arith.addi %mul3A_450, %add3A_451 : i32
      %slice3A_453 = vector.extract_strided_slice %get3A_139 {offsets = [9], sizes = [1], strides = [1]} : vector<16xi32> to vector<1xi32>
      %squeeze3A_454 = vector.extract %slice3A_453[0] : i32 from vector<1xi32>
      %dma_start3A_455 = arith.constant 1 : i32
      %dma_start3A_456 = arith.constant 0 : i32
      %dma_start3A_457 = tpu.memref_slice %arg13[%dma_start3A_455, %add3A_452, %dma_start3A_456] : memref<3x128x128xf32, #tpu.memory_space<vmem>> -> memref<1x1x64xf32, #tpu.memory_space<vmem>>
      %dma_start3A_458 = tpu.memref_squeeze %dma_start3A_457 : memref<1x1x64xf32, #tpu.memory_space<vmem>> -> memref<64xf32, #tpu.memory_space<vmem>>
      %dma_start3A_459 = arith.constant 0 : i32
      %dma_start3A_460 = tpu.memref_slice %arg6[%squeeze3A_454, %dma_start3A_459] : memref<100000x64xf32, #tpu.memory_space<hbm>> -> memref<1x64xf32, #tpu.memory_space<hbm>>
      %dma_start3A_461 = tpu.memref_squeeze %dma_start3A_460 : memref<1x64xf32, #tpu.memory_space<hbm>> -> memref<64xf32, #tpu.memory_space<hbm>>
      %dma_start3A_462 = arith.constant 0 : i32
      %dma_start3A_463 = tpu.memref_slice %arg13[%dma_start3A_455, %add3A_452, %dma_start3A_462] : memref<3x128x128xf32, #tpu.memory_space<vmem>> -> memref<1x1x64xf32, #tpu.memory_space<vmem>>
      %dma_start3A_464 = tpu.memref_squeeze %dma_start3A_463 : memref<1x1x64xf32, #tpu.memory_space<vmem>> -> memref<64xf32, #tpu.memory_space<vmem>>
      %dma_start3A_465 = arith.constant 0 : i32
      %dma_start3A_466 = tpu.memref_slice %arg6[%squeeze3A_454, %dma_start3A_465] : memref<100000x64xf32, #tpu.memory_space<hbm>> -> memref<1x64xf32, #tpu.memory_space<hbm>>
      %dma_start3A_467 = tpu.memref_squeeze %dma_start3A_466 : memref<1x64xf32, #tpu.memory_space<hbm>> -> memref<64xf32, #tpu.memory_space<hbm>>
      tpu.enqueue_dma source(%dma_start3A_467 : memref<64xf32, #tpu.memory_space<hbm>>) target(%dma_start3A_464 : memref<64xf32, #tpu.memory_space<vmem>>) target_semaphore(%arg15 : memref<!tpu.dma_semaphore, #tpu.memory_space<semaphore_mem>>)
      %slice3A_468 = vector.extract_strided_slice %get3A_144 {offsets = [9], sizes = [1], strides = [1]} : vector<16xi32> to vector<1xi32>
      %squeeze3A_469 = vector.extract %slice3A_468[0] : i32 from vector<1xi32>
      %dma_start3A_470 = arith.constant 1 : i32
      %dma_start3A_471 = arith.constant 64 : i32
      %dma_start3A_472 = tpu.memref_slice %arg13[%dma_start3A_470, %add3A_452, %dma_start3A_471] : memref<3x128x128xf32, #tpu.memory_space<vmem>> -> memref<1x1x64xf32, #tpu.memory_space<vmem>>
      %dma_start3A_473 = tpu.memref_squeeze %dma_start3A_472 : memref<1x1x64xf32, #tpu.memory_space<vmem>> -> memref<64xf32, #tpu.memory_space<vmem>>
      %dma_start3A_474 = arith.constant 0 : i32
      %dma_start3A_475 = tpu.memref_slice %arg7[%squeeze3A_469, %dma_start3A_474] : memref<100000x64xf32, #tpu.memory_space<hbm>> -> memref<1x64xf32, #tpu.memory_space<hbm>>
      %dma_start3A_476 = tpu.memref_squeeze %dma_start3A_475 : memref<1x64xf32, #tpu.memory_space<hbm>> -> memref<64xf32, #tpu.memory_space<hbm>>
      %dma_start3A_477 = arith.constant 64 : i32
      %dma_start3A_478 = tpu.memref_slice %arg13[%dma_start3A_470, %add3A_452, %dma_start3A_477] : memref<3x128x128xf32, #tpu.memory_space<vmem>> -> memref<1x1x64xf32, #tpu.memory_space<vmem>>
      %dma_start3A_479 = tpu.memref_squeeze %dma_start3A_478 : memref<1x1x64xf32, #tpu.memory_space<vmem>> -> memref<64xf32, #tpu.memory_space<vmem>>
      %dma_start3A_480 = arith.constant 0 : i32
      %dma_start3A_481 = tpu.memref_slice %arg7[%squeeze3A_469, %dma_start3A_480] : memref<100000x64xf32, #tpu.memory_space<hbm>> -> memref<1x64xf32, #tpu.memory_space<hbm>>
      %dma_start3A_482 = tpu.memref_squeeze %dma_start3A_481 : memref<1x64xf32, #tpu.memory_space<hbm>> -> memref<64xf32, #tpu.memory_space<hbm>>
      tpu.enqueue_dma source(%dma_start3A_482 : memref<64xf32, #tpu.memory_space<hbm>>) target(%dma_start3A_479 : memref<64xf32, #tpu.memory_space<vmem>>) target_semaphore(%arg15 : memref<!tpu.dma_semaphore, #tpu.memory_space<semaphore_mem>>)
      %mul3A_483 = arith.constant 16 : i32
      %mul3A_484 = arith.muli %scan3A_135, %mul3A_483 : i32
      %add3A_485 = arith.constant 10 : i32
      %add3A_486 = arith.addi %mul3A_484, %add3A_485 : i32
      %slice3A_487 = vector.extract_strided_slice %get3A_139 {offsets = [10], sizes = [1], strides = [1]} : vector<16xi32> to vector<1xi32>
      %squeeze3A_488 = vector.extract %slice3A_487[0] : i32 from vector<1xi32>
      %dma_start3A_489 = arith.constant 1 : i32
      %dma_start3A_490 = arith.constant 0 : i32
      %dma_start3A_491 = tpu.memref_slice %arg13[%dma_start3A_489, %add3A_486, %dma_start3A_490] : memref<3x128x128xf32, #tpu.memory_space<vmem>> -> memref<1x1x64xf32, #tpu.memory_space<vmem>>
      %dma_start3A_492 = tpu.memref_squeeze %dma_start3A_491 : memref<1x1x64xf32, #tpu.memory_space<vmem>> -> memref<64xf32, #tpu.memory_space<vmem>>
      %dma_start3A_493 = arith.constant 0 : i32
      %dma_start3A_494 = tpu.memref_slice %arg6[%squeeze3A_488, %dma_start3A_493] : memref<100000x64xf32, #tpu.memory_space<hbm>> -> memref<1x64xf32, #tpu.memory_space<hbm>>
      %dma_start3A_495 = tpu.memref_squeeze %dma_start3A_494 : memref<1x64xf32, #tpu.memory_space<hbm>> -> memref<64xf32, #tpu.memory_space<hbm>>
      %dma_start3A_496 = arith.constant 0 : i32
      %dma_start3A_497 = tpu.memref_slice %arg13[%dma_start3A_489, %add3A_486, %dma_start3A_496] : memref<3x128x128xf32, #tpu.memory_space<vmem>> -> memref<1x1x64xf32, #tpu.memory_space<vmem>>
      %dma_start3A_498 = tpu.memref_squeeze %dma_start3A_497 : memref<1x1x64xf32, #tpu.memory_space<vmem>> -> memref<64xf32, #tpu.memory_space<vmem>>
      %dma_start3A_499 = arith.constant 0 : i32
      %dma_start3A_500 = tpu.memref_slice %arg6[%squeeze3A_488, %dma_start3A_499] : memref<100000x64xf32, #tpu.memory_space<hbm>> -> memref<1x64xf32, #tpu.memory_space<hbm>>
      %dma_start3A_501 = tpu.memref_squeeze %dma_start3A_500 : memref<1x64xf32, #tpu.memory_space<hbm>> -> memref<64xf32, #tpu.memory_space<hbm>>
      tpu.enqueue_dma source(%dma_start3A_501 : memref<64xf32, #tpu.memory_space<hbm>>) target(%dma_start3A_498 : memref<64xf32, #tpu.memory_space<vmem>>) target_semaphore(%arg15 : memref<!tpu.dma_semaphore, #tpu.memory_space<semaphore_mem>>)
      %slice3A_502 = vector.extract_strided_slice %get3A_144 {offsets = [10], sizes = [1], strides = [1]} : vector<16xi32> to vector<1xi32>
      %squeeze3A_503 = vector.extract %slice3A_502[0] : i32 from vector<1xi32>
      %dma_start3A_504 = arith.constant 1 : i32
      %dma_start3A_505 = arith.constant 64 : i32
      %dma_start3A_506 = tpu.memref_slice %arg13[%dma_start3A_504, %add3A_486, %dma_start3A_505] : memref<3x128x128xf32, #tpu.memory_space<vmem>> -> memref<1x1x64xf32, #tpu.memory_space<vmem>>
      %dma_start3A_507 = tpu.memref_squeeze %dma_start3A_506 : memref<1x1x64xf32, #tpu.memory_space<vmem>> -> memref<64xf32, #tpu.memory_space<vmem>>
      %dma_start3A_508 = arith.constant 0 : i32
      %dma_start3A_509 = tpu.memref_slice %arg7[%squeeze3A_503, %dma_start3A_508] : memref<100000x64xf32, #tpu.memory_space<hbm>> -> memref<1x64xf32, #tpu.memory_space<hbm>>
      %dma_start3A_510 = tpu.memref_squeeze %dma_start3A_509 : memref<1x64xf32, #tpu.memory_space<hbm>> -> memref<64xf32, #tpu.memory_space<hbm>>
      %dma_start3A_511 = arith.constant 64 : i32
      %dma_start3A_512 = tpu.memref_slice %arg13[%dma_start3A_504, %add3A_486, %dma_start3A_511] : memref<3x128x128xf32, #tpu.memory_space<vmem>> -> memref<1x1x64xf32, #tpu.memory_space<vmem>>
      %dma_start3A_513 = tpu.memref_squeeze %dma_start3A_512 : memref<1x1x64xf32, #tpu.memory_space<vmem>> -> memref<64xf32, #tpu.memory_space<vmem>>
      %dma_start3A_514 = arith.constant 0 : i32
      %dma_start3A_515 = tpu.memref_slice %arg7[%squeeze3A_503, %dma_start3A_514] : memref<100000x64xf32, #tpu.memory_space<hbm>> -> memref<1x64xf32, #tpu.memory_space<hbm>>
      %dma_start3A_516 = tpu.memref_squeeze %dma_start3A_515 : memref<1x64xf32, #tpu.memory_space<hbm>> -> memref<64xf32, #tpu.memory_space<hbm>>
      tpu.enqueue_dma source(%dma_start3A_516 : memref<64xf32, #tpu.memory_space<hbm>>) target(%dma_start3A_513 : memref<64xf32, #tpu.memory_space<vmem>>) target_semaphore(%arg15 : memref<!tpu.dma_semaphore, #tpu.memory_space<semaphore_mem>>)
      %mul3A_517 = arith.constant 16 : i32
      %mul3A_518 = arith.muli %scan3A_135, %mul3A_517 : i32
      %add3A_519 = arith.constant 11 : i32
      %add3A_520 = arith.addi %mul3A_518, %add3A_519 : i32
      %slice3A_521 = vector.extract_strided_slice %get3A_139 {offsets = [11], sizes = [1], strides = [1]} : vector<16xi32> to vector<1xi32>
      %squeeze3A_522 = vector.extract %slice3A_521[0] : i32 from vector<1xi32>
      %dma_start3A_523 = arith.constant 1 : i32
      %dma_start3A_524 = arith.constant 0 : i32
      %dma_start3A_525 = tpu.memref_slice %arg13[%dma_start3A_523, %add3A_520, %dma_start3A_524] : memref<3x128x128xf32, #tpu.memory_space<vmem>> -> memref<1x1x64xf32, #tpu.memory_space<vmem>>
      %dma_start3A_526 = tpu.memref_squeeze %dma_start3A_525 : memref<1x1x64xf32, #tpu.memory_space<vmem>> -> memref<64xf32, #tpu.memory_space<vmem>>
      %dma_start3A_527 = arith.constant 0 : i32
      %dma_start3A_528 = tpu.memref_slice %arg6[%squeeze3A_522, %dma_start3A_527] : memref<100000x64xf32, #tpu.memory_space<hbm>> -> memref<1x64xf32, #tpu.memory_space<hbm>>
      %dma_start3A_529 = tpu.memref_squeeze %dma_start3A_528 : memref<1x64xf32, #tpu.memory_space<hbm>> -> memref<64xf32, #tpu.memory_space<hbm>>
      %dma_start3A_530 = arith.constant 0 : i32
      %dma_start3A_531 = tpu.memref_slice %arg13[%dma_start3A_523, %add3A_520, %dma_start3A_530] : memref<3x128x128xf32, #tpu.memory_space<vmem>> -> memref<1x1x64xf32, #tpu.memory_space<vmem>>
      %dma_start3A_532 = tpu.memref_squeeze %dma_start3A_531 : memref<1x1x64xf32, #tpu.memory_space<vmem>> -> memref<64xf32, #tpu.memory_space<vmem>>
      %dma_start3A_533 = arith.constant 0 : i32
      %dma_start3A_534 = tpu.memref_slice %arg6[%squeeze3A_522, %dma_start3A_533] : memref<100000x64xf32, #tpu.memory_space<hbm>> -> memref<1x64xf32, #tpu.memory_space<hbm>>
      %dma_start3A_535 = tpu.memref_squeeze %dma_start3A_534 : memref<1x64xf32, #tpu.memory_space<hbm>> -> memref<64xf32, #tpu.memory_space<hbm>>
      tpu.enqueue_dma source(%dma_start3A_535 : memref<64xf32, #tpu.memory_space<hbm>>) target(%dma_start3A_532 : memref<64xf32, #tpu.memory_space<vmem>>) target_semaphore(%arg15 : memref<!tpu.dma_semaphore, #tpu.memory_space<semaphore_mem>>)
      %slice3A_536 = vector.extract_strided_slice %get3A_144 {offsets = [11], sizes = [1], strides = [1]} : vector<16xi32> to vector<1xi32>
      %squeeze3A_537 = vector.extract %slice3A_536[0] : i32 from vector<1xi32>
      %dma_start3A_538 = arith.constant 1 : i32
      %dma_start3A_539 = arith.constant 64 : i32
      %dma_start3A_540 = tpu.memref_slice %arg13[%dma_start3A_538, %add3A_520, %dma_start3A_539] : memref<3x128x128xf32, #tpu.memory_space<vmem>> -> memref<1x1x64xf32, #tpu.memory_space<vmem>>
      %dma_start3A_541 = tpu.memref_squeeze %dma_start3A_540 : memref<1x1x64xf32, #tpu.memory_space<vmem>> -> memref<64xf32, #tpu.memory_space<vmem>>
      %dma_start3A_542 = arith.constant 0 : i32
      %dma_start3A_543 = tpu.memref_slice %arg7[%squeeze3A_537, %dma_start3A_542] : memref<100000x64xf32, #tpu.memory_space<hbm>> -> memref<1x64xf32, #tpu.memory_space<hbm>>
      %dma_start3A_544 = tpu.memref_squeeze %dma_start3A_543 : memref<1x64xf32, #tpu.memory_space<hbm>> -> memref<64xf32, #tpu.memory_space<hbm>>
      %dma_start3A_545 = arith.constant 64 : i32
      %dma_start3A_546 = tpu.memref_slice %arg13[%dma_start3A_538, %add3A_520, %dma_start3A_545] : memref<3x128x128xf32, #tpu.memory_space<vmem>> -> memref<1x1x64xf32, #tpu.memory_space<vmem>>
      %dma_start3A_547 = tpu.memref_squeeze %dma_start3A_546 : memref<1x1x64xf32, #tpu.memory_space<vmem>> -> memref<64xf32, #tpu.memory_space<vmem>>
      %dma_start3A_548 = arith.constant 0 : i32
      %dma_start3A_549 = tpu.memref_slice %arg7[%squeeze3A_537, %dma_start3A_548] : memref<100000x64xf32, #tpu.memory_space<hbm>> -> memref<1x64xf32, #tpu.memory_space<hbm>>
      %dma_start3A_550 = tpu.memref_squeeze %dma_start3A_549 : memref<1x64xf32, #tpu.memory_space<hbm>> -> memref<64xf32, #tpu.memory_space<hbm>>
      tpu.enqueue_dma source(%dma_start3A_550 : memref<64xf32, #tpu.memory_space<hbm>>) target(%dma_start3A_547 : memref<64xf32, #tpu.memory_space<vmem>>) target_semaphore(%arg15 : memref<!tpu.dma_semaphore, #tpu.memory_space<semaphore_mem>>)
      %mul3A_551 = arith.constant 16 : i32
      %mul3A_552 = arith.muli %scan3A_135, %mul3A_551 : i32
      %add3A_553 = arith.constant 12 : i32
      %add3A_554 = arith.addi %mul3A_552, %add3A_553 : i32
      %slice3A_555 = vector.extract_strided_slice %get3A_139 {offsets = [12], sizes = [1], strides = [1]} : vector<16xi32> to vector<1xi32>
      %squeeze3A_556 = vector.extract %slice3A_555[0] : i32 from vector<1xi32>
      %dma_start3A_557 = arith.constant 1 : i32
      %dma_start3A_558 = arith.constant 0 : i32
      %dma_start3A_559 = tpu.memref_slice %arg13[%dma_start3A_557, %add3A_554, %dma_start3A_558] : memref<3x128x128xf32, #tpu.memory_space<vmem>> -> memref<1x1x64xf32, #tpu.memory_space<vmem>>
      %dma_start3A_560 = tpu.memref_squeeze %dma_start3A_559 : memref<1x1x64xf32, #tpu.memory_space<vmem>> -> memref<64xf32, #tpu.memory_space<vmem>>
      %dma_start3A_561 = arith.constant 0 : i32
      %dma_start3A_562 = tpu.memref_slice %arg6[%squeeze3A_556, %dma_start3A_561] : memref<100000x64xf32, #tpu.memory_space<hbm>> -> memref<1x64xf32, #tpu.memory_space<hbm>>
      %dma_start3A_563 = tpu.memref_squeeze %dma_start3A_562 : memref<1x64xf32, #tpu.memory_space<hbm>> -> memref<64xf32, #tpu.memory_space<hbm>>
      %dma_start3A_564 = arith.constant 0 : i32
      %dma_start3A_565 = tpu.memref_slice %arg13[%dma_start3A_557, %add3A_554, %dma_start3A_564] : memref<3x128x128xf32, #tpu.memory_space<vmem>> -> memref<1x1x64xf32, #tpu.memory_space<vmem>>
      %dma_start3A_566 = tpu.memref_squeeze %dma_start3A_565 : memref<1x1x64xf32, #tpu.memory_space<vmem>> -> memref<64xf32, #tpu.memory_space<vmem>>
      %dma_start3A_567 = arith.constant 0 : i32
      %dma_start3A_568 = tpu.memref_slice %arg6[%squeeze3A_556, %dma_start3A_567] : memref<100000x64xf32, #tpu.memory_space<hbm>> -> memref<1x64xf32, #tpu.memory_space<hbm>>
      %dma_start3A_569 = tpu.memref_squeeze %dma_start3A_568 : memref<1x64xf32, #tpu.memory_space<hbm>> -> memref<64xf32, #tpu.memory_space<hbm>>
      tpu.enqueue_dma source(%dma_start3A_569 : memref<64xf32, #tpu.memory_space<hbm>>) target(%dma_start3A_566 : memref<64xf32, #tpu.memory_space<vmem>>) target_semaphore(%arg15 : memref<!tpu.dma_semaphore, #tpu.memory_space<semaphore_mem>>)
      %slice3A_570 = vector.extract_strided_slice %get3A_144 {offsets = [12], sizes = [1], strides = [1]} : vector<16xi32> to vector<1xi32>
      %squeeze3A_571 = vector.extract %slice3A_570[0] : i32 from vector<1xi32>
      %dma_start3A_572 = arith.constant 1 : i32
      %dma_start3A_573 = arith.constant 64 : i32
      %dma_start3A_574 = tpu.memref_slice %arg13[%dma_start3A_572, %add3A_554, %dma_start3A_573] : memref<3x128x128xf32, #tpu.memory_space<vmem>> -> memref<1x1x64xf32, #tpu.memory_space<vmem>>
      %dma_start3A_575 = tpu.memref_squeeze %dma_start3A_574 : memref<1x1x64xf32, #tpu.memory_space<vmem>> -> memref<64xf32, #tpu.memory_space<vmem>>
      %dma_start3A_576 = arith.constant 0 : i32
      %dma_start3A_577 = tpu.memref_slice %arg7[%squeeze3A_571, %dma_start3A_576] : memref<100000x64xf32, #tpu.memory_space<hbm>> -> memref<1x64xf32, #tpu.memory_space<hbm>>
      %dma_start3A_578 = tpu.memref_squeeze %dma_start3A_577 : memref<1x64xf32, #tpu.memory_space<hbm>> -> memref<64xf32, #tpu.memory_space<hbm>>
      %dma_start3A_579 = arith.constant 64 : i32
      %dma_start3A_580 = tpu.memref_slice %arg13[%dma_start3A_572, %add3A_554, %dma_start3A_579] : memref<3x128x128xf32, #tpu.memory_space<vmem>> -> memref<1x1x64xf32, #tpu.memory_space<vmem>>
      %dma_start3A_581 = tpu.memref_squeeze %dma_start3A_580 : memref<1x1x64xf32, #tpu.memory_space<vmem>> -> memref<64xf32, #tpu.memory_space<vmem>>
      %dma_start3A_582 = arith.constant 0 : i32
      %dma_start3A_583 = tpu.memref_slice %arg7[%squeeze3A_571, %dma_start3A_582] : memref<100000x64xf32, #tpu.memory_space<hbm>> -> memref<1x64xf32, #tpu.memory_space<hbm>>
      %dma_start3A_584 = tpu.memref_squeeze %dma_start3A_583 : memref<1x64xf32, #tpu.memory_space<hbm>> -> memref<64xf32, #tpu.memory_space<hbm>>
      tpu.enqueue_dma source(%dma_start3A_584 : memref<64xf32, #tpu.memory_space<hbm>>) target(%dma_start3A_581 : memref<64xf32, #tpu.memory_space<vmem>>) target_semaphore(%arg15 : memref<!tpu.dma_semaphore, #tpu.memory_space<semaphore_mem>>)
      %mul3A_585 = arith.constant 16 : i32
      %mul3A_586 = arith.muli %scan3A_135, %mul3A_585 : i32
      %add3A_587 = arith.constant 13 : i32
      %add3A_588 = arith.addi %mul3A_586, %add3A_587 : i32
      %slice3A_589 = vector.extract_strided_slice %get3A_139 {offsets = [13], sizes = [1], strides = [1]} : vector<16xi32> to vector<1xi32>
      %squeeze3A_590 = vector.extract %slice3A_589[0] : i32 from vector<1xi32>
      %dma_start3A_591 = arith.constant 1 : i32
      %dma_start3A_592 = arith.constant 0 : i32
      %dma_start3A_593 = tpu.memref_slice %arg13[%dma_start3A_591, %add3A_588, %dma_start3A_592] : memref<3x128x128xf32, #tpu.memory_space<vmem>> -> memref<1x1x64xf32, #tpu.memory_space<vmem>>
      %dma_start3A_594 = tpu.memref_squeeze %dma_start3A_593 : memref<1x1x64xf32, #tpu.memory_space<vmem>> -> memref<64xf32, #tpu.memory_space<vmem>>
      %dma_start3A_595 = arith.constant 0 : i32
      %dma_start3A_596 = tpu.memref_slice %arg6[%squeeze3A_590, %dma_start3A_595] : memref<100000x64xf32, #tpu.memory_space<hbm>> -> memref<1x64xf32, #tpu.memory_space<hbm>>
      %dma_start3A_597 = tpu.memref_squeeze %dma_start3A_596 : memref<1x64xf32, #tpu.memory_space<hbm>> -> memref<64xf32, #tpu.memory_space<hbm>>
      %dma_start3A_598 = arith.constant 0 : i32
      %dma_start3A_599 = tpu.memref_slice %arg13[%dma_start3A_591, %add3A_588, %dma_start3A_598] : memref<3x128x128xf32, #tpu.memory_space<vmem>> -> memref<1x1x64xf32, #tpu.memory_space<vmem>>
      %dma_start3A_600 = tpu.memref_squeeze %dma_start3A_599 : memref<1x1x64xf32, #tpu.memory_space<vmem>> -> memref<64xf32, #tpu.memory_space<vmem>>
      %dma_start3A_601 = arith.constant 0 : i32
      %dma_start3A_602 = tpu.memref_slice %arg6[%squeeze3A_590, %dma_start3A_601] : memref<100000x64xf32, #tpu.memory_space<hbm>> -> memref<1x64xf32, #tpu.memory_space<hbm>>
      %dma_start3A_603 = tpu.memref_squeeze %dma_start3A_602 : memref<1x64xf32, #tpu.memory_space<hbm>> -> memref<64xf32, #tpu.memory_space<hbm>>
      tpu.enqueue_dma source(%dma_start3A_603 : memref<64xf32, #tpu.memory_space<hbm>>) target(%dma_start3A_600 : memref<64xf32, #tpu.memory_space<vmem>>) target_semaphore(%arg15 : memref<!tpu.dma_semaphore, #tpu.memory_space<semaphore_mem>>)
      %slice3A_604 = vector.extract_strided_slice %get3A_144 {offsets = [13], sizes = [1], strides = [1]} : vector<16xi32> to vector<1xi32>
      %squeeze3A_605 = vector.extract %slice3A_604[0] : i32 from vector<1xi32>
      %dma_start3A_606 = arith.constant 1 : i32
      %dma_start3A_607 = arith.constant 64 : i32
      %dma_start3A_608 = tpu.memref_slice %arg13[%dma_start3A_606, %add3A_588, %dma_start3A_607] : memref<3x128x128xf32, #tpu.memory_space<vmem>> -> memref<1x1x64xf32, #tpu.memory_space<vmem>>
      %dma_start3A_609 = tpu.memref_squeeze %dma_start3A_608 : memref<1x1x64xf32, #tpu.memory_space<vmem>> -> memref<64xf32, #tpu.memory_space<vmem>>
      %dma_start3A_610 = arith.constant 0 : i32
      %dma_start3A_611 = tpu.memref_slice %arg7[%squeeze3A_605, %dma_start3A_610] : memref<100000x64xf32, #tpu.memory_space<hbm>> -> memref<1x64xf32, #tpu.memory_space<hbm>>
      %dma_start3A_612 = tpu.memref_squeeze %dma_start3A_611 : memref<1x64xf32, #tpu.memory_space<hbm>> -> memref<64xf32, #tpu.memory_space<hbm>>
      %dma_start3A_613 = arith.constant 64 : i32
      %dma_start3A_614 = tpu.memref_slice %arg13[%dma_start3A_606, %add3A_588, %dma_start3A_613] : memref<3x128x128xf32, #tpu.memory_space<vmem>> -> memref<1x1x64xf32, #tpu.memory_space<vmem>>
      %dma_start3A_615 = tpu.memref_squeeze %dma_start3A_614 : memref<1x1x64xf32, #tpu.memory_space<vmem>> -> memref<64xf32, #tpu.memory_space<vmem>>
      %dma_start3A_616 = arith.constant 0 : i32
      %dma_start3A_617 = tpu.memref_slice %arg7[%squeeze3A_605, %dma_start3A_616] : memref<100000x64xf32, #tpu.memory_space<hbm>> -> memref<1x64xf32, #tpu.memory_space<hbm>>
      %dma_start3A_618 = tpu.memref_squeeze %dma_start3A_617 : memref<1x64xf32, #tpu.memory_space<hbm>> -> memref<64xf32, #tpu.memory_space<hbm>>
      tpu.enqueue_dma source(%dma_start3A_618 : memref<64xf32, #tpu.memory_space<hbm>>) target(%dma_start3A_615 : memref<64xf32, #tpu.memory_space<vmem>>) target_semaphore(%arg15 : memref<!tpu.dma_semaphore, #tpu.memory_space<semaphore_mem>>)
      %mul3A_619 = arith.constant 16 : i32
      %mul3A_620 = arith.muli %scan3A_135, %mul3A_619 : i32
      %add3A_621 = arith.constant 14 : i32
      %add3A_622 = arith.addi %mul3A_620, %add3A_621 : i32
      %slice3A_623 = vector.extract_strided_slice %get3A_139 {offsets = [14], sizes = [1], strides = [1]} : vector<16xi32> to vector<1xi32>
      %squeeze3A_624 = vector.extract %slice3A_623[0] : i32 from vector<1xi32>
      %dma_start3A_625 = arith.constant 1 : i32
      %dma_start3A_626 = arith.constant 0 : i32
      %dma_start3A_627 = tpu.memref_slice %arg13[%dma_start3A_625, %add3A_622, %dma_start3A_626] : memref<3x128x128xf32, #tpu.memory_space<vmem>> -> memref<1x1x64xf32, #tpu.memory_space<vmem>>
      %dma_start3A_628 = tpu.memref_squeeze %dma_start3A_627 : memref<1x1x64xf32, #tpu.memory_space<vmem>> -> memref<64xf32, #tpu.memory_space<vmem>>
      %dma_start3A_629 = arith.constant 0 : i32
      %dma_start3A_630 = tpu.memref_slice %arg6[%squeeze3A_624, %dma_start3A_629] : memref<100000x64xf32, #tpu.memory_space<hbm>> -> memref<1x64xf32, #tpu.memory_space<hbm>>
      %dma_start3A_631 = tpu.memref_squeeze %dma_start3A_630 : memref<1x64xf32, #tpu.memory_space<hbm>> -> memref<64xf32, #tpu.memory_space<hbm>>
      %dma_start3A_632 = arith.constant 0 : i32
      %dma_start3A_633 = tpu.memref_slice %arg13[%dma_start3A_625, %add3A_622, %dma_start3A_632] : memref<3x128x128xf32, #tpu.memory_space<vmem>> -> memref<1x1x64xf32, #tpu.memory_space<vmem>>
      %dma_start3A_634 = tpu.memref_squeeze %dma_start3A_633 : memref<1x1x64xf32, #tpu.memory_space<vmem>> -> memref<64xf32, #tpu.memory_space<vmem>>
      %dma_start3A_635 = arith.constant 0 : i32
      %dma_start3A_636 = tpu.memref_slice %arg6[%squeeze3A_624, %dma_start3A_635] : memref<100000x64xf32, #tpu.memory_space<hbm>> -> memref<1x64xf32, #tpu.memory_space<hbm>>
      %dma_start3A_637 = tpu.memref_squeeze %dma_start3A_636 : memref<1x64xf32, #tpu.memory_space<hbm>> -> memref<64xf32, #tpu.memory_space<hbm>>
      tpu.enqueue_dma source(%dma_start3A_637 : memref<64xf32, #tpu.memory_space<hbm>>) target(%dma_start3A_634 : memref<64xf32, #tpu.memory_space<vmem>>) target_semaphore(%arg15 : memref<!tpu.dma_semaphore, #tpu.memory_space<semaphore_mem>>)
      %slice3A_638 = vector.extract_strided_slice %get3A_144 {offsets = [14], sizes = [1], strides = [1]} : vector<16xi32> to vector<1xi32>
      %squeeze3A_639 = vector.extract %slice3A_638[0] : i32 from vector<1xi32>
      %dma_start3A_640 = arith.constant 1 : i32
      %dma_start3A_641 = arith.constant 64 : i32
      %dma_start3A_642 = tpu.memref_slice %arg13[%dma_start3A_640, %add3A_622, %dma_start3A_641] : memref<3x128x128xf32, #tpu.memory_space<vmem>> -> memref<1x1x64xf32, #tpu.memory_space<vmem>>
      %dma_start3A_643 = tpu.memref_squeeze %dma_start3A_642 : memref<1x1x64xf32, #tpu.memory_space<vmem>> -> memref<64xf32, #tpu.memory_space<vmem>>
      %dma_start3A_644 = arith.constant 0 : i32
      %dma_start3A_645 = tpu.memref_slice %arg7[%squeeze3A_639, %dma_start3A_644] : memref<100000x64xf32, #tpu.memory_space<hbm>> -> memref<1x64xf32, #tpu.memory_space<hbm>>
      %dma_start3A_646 = tpu.memref_squeeze %dma_start3A_645 : memref<1x64xf32, #tpu.memory_space<hbm>> -> memref<64xf32, #tpu.memory_space<hbm>>
      %dma_start3A_647 = arith.constant 64 : i32
      %dma_start3A_648 = tpu.memref_slice %arg13[%dma_start3A_640, %add3A_622, %dma_start3A_647] : memref<3x128x128xf32, #tpu.memory_space<vmem>> -> memref<1x1x64xf32, #tpu.memory_space<vmem>>
      %dma_start3A_649 = tpu.memref_squeeze %dma_start3A_648 : memref<1x1x64xf32, #tpu.memory_space<vmem>> -> memref<64xf32, #tpu.memory_space<vmem>>
      %dma_start3A_650 = arith.constant 0 : i32
      %dma_start3A_651 = tpu.memref_slice %arg7[%squeeze3A_639, %dma_start3A_650] : memref<100000x64xf32, #tpu.memory_space<hbm>> -> memref<1x64xf32, #tpu.memory_space<hbm>>
      %dma_start3A_652 = tpu.memref_squeeze %dma_start3A_651 : memref<1x64xf32, #tpu.memory_space<hbm>> -> memref<64xf32, #tpu.memory_space<hbm>>
      tpu.enqueue_dma source(%dma_start3A_652 : memref<64xf32, #tpu.memory_space<hbm>>) target(%dma_start3A_649 : memref<64xf32, #tpu.memory_space<vmem>>) target_semaphore(%arg15 : memref<!tpu.dma_semaphore, #tpu.memory_space<semaphore_mem>>)
      %mul3A_653 = arith.constant 16 : i32
      %mul3A_654 = arith.muli %scan3A_135, %mul3A_653 : i32
      %add3A_655 = arith.constant 15 : i32
      %add3A_656 = arith.addi %mul3A_654, %add3A_655 : i32
      %slice3A_657 = vector.extract_strided_slice %get3A_139 {offsets = [15], sizes = [1], strides = [1]} : vector<16xi32> to vector<1xi32>
      %squeeze3A_658 = vector.extract %slice3A_657[0] : i32 from vector<1xi32>
      %dma_start3A_659 = arith.constant 1 : i32
      %dma_start3A_660 = arith.constant 0 : i32
      %dma_start3A_661 = tpu.memref_slice %arg13[%dma_start3A_659, %add3A_656, %dma_start3A_660] : memref<3x128x128xf32, #tpu.memory_space<vmem>> -> memref<1x1x64xf32, #tpu.memory_space<vmem>>
      %dma_start3A_662 = tpu.memref_squeeze %dma_start3A_661 : memref<1x1x64xf32, #tpu.memory_space<vmem>> -> memref<64xf32, #tpu.memory_space<vmem>>
      %dma_start3A_663 = arith.constant 0 : i32
      %dma_start3A_664 = tpu.memref_slice %arg6[%squeeze3A_658, %dma_start3A_663] : memref<100000x64xf32, #tpu.memory_space<hbm>> -> memref<1x64xf32, #tpu.memory_space<hbm>>
      %dma_start3A_665 = tpu.memref_squeeze %dma_start3A_664 : memref<1x64xf32, #tpu.memory_space<hbm>> -> memref<64xf32, #tpu.memory_space<hbm>>
      %dma_start3A_666 = arith.constant 0 : i32
      %dma_start3A_667 = tpu.memref_slice %arg13[%dma_start3A_659, %add3A_656, %dma_start3A_666] : memref<3x128x128xf32, #tpu.memory_space<vmem>> -> memref<1x1x64xf32, #tpu.memory_space<vmem>>
      %dma_start3A_668 = tpu.memref_squeeze %dma_start3A_667 : memref<1x1x64xf32, #tpu.memory_space<vmem>> -> memref<64xf32, #tpu.memory_space<vmem>>
      %dma_start3A_669 = arith.constant 0 : i32
      %dma_start3A_670 = tpu.memref_slice %arg6[%squeeze3A_658, %dma_start3A_669] : memref<100000x64xf32, #tpu.memory_space<hbm>> -> memref<1x64xf32, #tpu.memory_space<hbm>>
      %dma_start3A_671 = tpu.memref_squeeze %dma_start3A_670 : memref<1x64xf32, #tpu.memory_space<hbm>> -> memref<64xf32, #tpu.memory_space<hbm>>
      tpu.enqueue_dma source(%dma_start3A_671 : memref<64xf32, #tpu.memory_space<hbm>>) target(%dma_start3A_668 : memref<64xf32, #tpu.memory_space<vmem>>) target_semaphore(%arg15 : memref<!tpu.dma_semaphore, #tpu.memory_space<semaphore_mem>>)
      %slice3A_672 = vector.extract_strided_slice %get3A_144 {offsets = [15], sizes = [1], strides = [1]} : vector<16xi32> to vector<1xi32>
      %squeeze3A_673 = vector.extract %slice3A_672[0] : i32 from vector<1xi32>
      %dma_start3A_674 = arith.constant 1 : i32
      %dma_start3A_675 = arith.constant 64 : i32
      %dma_start3A_676 = tpu.memref_slice %arg13[%dma_start3A_674, %add3A_656, %dma_start3A_675] : memref<3x128x128xf32, #tpu.memory_space<vmem>> -> memref<1x1x64xf32, #tpu.memory_space<vmem>>
      %dma_start3A_677 = tpu.memref_squeeze %dma_start3A_676 : memref<1x1x64xf32, #tpu.memory_space<vmem>> -> memref<64xf32, #tpu.memory_space<vmem>>
      %dma_start3A_678 = arith.constant 0 : i32
      %dma_start3A_679 = tpu.memref_slice %arg7[%squeeze3A_673, %dma_start3A_678] : memref<100000x64xf32, #tpu.memory_space<hbm>> -> memref<1x64xf32, #tpu.memory_space<hbm>>
      %dma_start3A_680 = tpu.memref_squeeze %dma_start3A_679 : memref<1x64xf32, #tpu.memory_space<hbm>> -> memref<64xf32, #tpu.memory_space<hbm>>
      %dma_start3A_681 = arith.constant 64 : i32
      %dma_start3A_682 = tpu.memref_slice %arg13[%dma_start3A_674, %add3A_656, %dma_start3A_681] : memref<3x128x128xf32, #tpu.memory_space<vmem>> -> memref<1x1x64xf32, #tpu.memory_space<vmem>>
      %dma_start3A_683 = tpu.memref_squeeze %dma_start3A_682 : memref<1x1x64xf32, #tpu.memory_space<vmem>> -> memref<64xf32, #tpu.memory_space<vmem>>
      %dma_start3A_684 = arith.constant 0 : i32
      %dma_start3A_685 = tpu.memref_slice %arg7[%squeeze3A_673, %dma_start3A_684] : memref<100000x64xf32, #tpu.memory_space<hbm>> -> memref<1x64xf32, #tpu.memory_space<hbm>>
      %dma_start3A_686 = tpu.memref_squeeze %dma_start3A_685 : memref<1x64xf32, #tpu.memory_space<hbm>> -> memref<64xf32, #tpu.memory_space<hbm>>
      tpu.enqueue_dma source(%dma_start3A_686 : memref<64xf32, #tpu.memory_space<hbm>>) target(%dma_start3A_683 : memref<64xf32, #tpu.memory_space<vmem>>) target_semaphore(%arg15 : memref<!tpu.dma_semaphore, #tpu.memory_space<semaphore_mem>>)
    }
    %scan3A_13 = arith.constant 8 : i32
    %scan3A_14 = arith.constant 0 : i32
    %scan3A_15 = arith.constant 0 : i32
    %scan3A_16 = arith.constant 8 : i32
    %scan3A_17 = arith.addi %scan3A_15, %scan3A_16 : i32
    %scan3A_18 = arith.constant 1 : i32
    scf.for %scan3A_135 = %scan3A_15 to %scan3A_17 step %scan3A_18  : i32 {
      %mul3A_136 = arith.constant 16 : i32
      %mul3A_137 = arith.muli %scan3A_135, %mul3A_136 : i32
      %get3A = arith.index_cast %mul3A_137 : i32 to index
      %get3A_138 = tpu.vector_load %arg11[%get3A] {strides = array<i32>} : memref<128xi32, #tpu.memory_space<vmem>>, vector<16xi32>,
      %get3A_139 = vector.shape_cast %get3A_138 : vector<16xi32> to vector<16xi32>
      %mul3A_140 = arith.constant 16 : i32
      %mul3A_141 = arith.muli %scan3A_135, %mul3A_140 : i32
      %get3A_142 = arith.index_cast %mul3A_141 : i32 to index
      %get3A_143 = tpu.vector_load %arg12[%get3A_142] {strides = array<i32>} : memref<128xi32, #tpu.memory_space<vmem>>, vector<16xi32>,
      %get3A_144 = vector.shape_cast %get3A_143 : vector<16xi32> to vector<16xi32>
      %mul3A_145 = arith.constant 16 : i32
      %mul3A_146 = arith.muli %scan3A_135, %mul3A_145 : i32
      %add3A_147 = arith.constant 0 : i32
      %add3A_148 = arith.addi %mul3A_146, %add3A_147 : i32
      %slice3A = vector.extract_strided_slice %get3A_139 {offsets = [0], sizes = [1], strides = [1]} : vector<16xi32> to vector<1xi32>
      %squeeze3A = vector.extract %slice3A[0] : i32 from vector<1xi32>
      %dma_start3A_149 = arith.constant 2 : i32
      %dma_start3A_150 = arith.constant 0 : i32
      %dma_start3A_151 = tpu.memref_slice %arg13[%dma_start3A_149, %add3A_148, %dma_start3A_150] : memref<3x128x128xf32, #tpu.memory_space<vmem>> -> memref<1x1x64xf32, #tpu.memory_space<vmem>>
      %dma_start3A_152 = tpu.memref_squeeze %dma_start3A_151 : memref<1x1x64xf32, #tpu.memory_space<vmem>> -> memref<64xf32, #tpu.memory_space<vmem>>
      %dma_start3A_153 = arith.constant 0 : i32
      %dma_start3A_154 = tpu.memref_slice %arg8[%squeeze3A, %dma_start3A_153] : memref<100000x64xf32, #tpu.memory_space<hbm>> -> memref<1x64xf32, #tpu.memory_space<hbm>>
      %dma_start3A_155 = tpu.memref_squeeze %dma_start3A_154 : memref<1x64xf32, #tpu.memory_space<hbm>> -> memref<64xf32, #tpu.memory_space<hbm>>
      %dma_start3A_156 = arith.constant 0 : i32
      %dma_start3A_157 = tpu.memref_slice %arg13[%dma_start3A_149, %add3A_148, %dma_start3A_156] : memref<3x128x128xf32, #tpu.memory_space<vmem>> -> memref<1x1x64xf32, #tpu.memory_space<vmem>>
      %dma_start3A_158 = tpu.memref_squeeze %dma_start3A_157 : memref<1x1x64xf32, #tpu.memory_space<vmem>> -> memref<64xf32, #tpu.memory_space<vmem>>
      %dma_start3A_159 = arith.constant 0 : i32
      %dma_start3A_160 = tpu.memref_slice %arg8[%squeeze3A, %dma_start3A_159] : memref<100000x64xf32, #tpu.memory_space<hbm>> -> memref<1x64xf32, #tpu.memory_space<hbm>>
      %dma_start3A_161 = tpu.memref_squeeze %dma_start3A_160 : memref<1x64xf32, #tpu.memory_space<hbm>> -> memref<64xf32, #tpu.memory_space<hbm>>
      tpu.enqueue_dma source(%dma_start3A_161 : memref<64xf32, #tpu.memory_space<hbm>>) target(%dma_start3A_158 : memref<64xf32, #tpu.memory_space<vmem>>) target_semaphore(%arg16 : memref<!tpu.dma_semaphore, #tpu.memory_space<semaphore_mem>>)
      %slice3A_162 = vector.extract_strided_slice %get3A_144 {offsets = [0], sizes = [1], strides = [1]} : vector<16xi32> to vector<1xi32>
      %squeeze3A_163 = vector.extract %slice3A_162[0] : i32 from vector<1xi32>
      %dma_start3A_164 = arith.constant 2 : i32
      %dma_start3A_165 = arith.constant 64 : i32
      %dma_start3A_166 = tpu.memref_slice %arg13[%dma_start3A_164, %add3A_148, %dma_start3A_165] : memref<3x128x128xf32, #tpu.memory_space<vmem>> -> memref<1x1x64xf32, #tpu.memory_space<vmem>>
      %dma_start3A_167 = tpu.memref_squeeze %dma_start3A_166 : memref<1x1x64xf32, #tpu.memory_space<vmem>> -> memref<64xf32, #tpu.memory_space<vmem>>
      %dma_start3A_168 = arith.constant 0 : i32
      %dma_start3A_169 = tpu.memref_slice %arg9[%squeeze3A_163, %dma_start3A_168] : memref<100000x64xf32, #tpu.memory_space<hbm>> -> memref<1x64xf32, #tpu.memory_space<hbm>>
      %dma_start3A_170 = tpu.memref_squeeze %dma_start3A_169 : memref<1x64xf32, #tpu.memory_space<hbm>> -> memref<64xf32, #tpu.memory_space<hbm>>
      %dma_start3A_171 = arith.constant 64 : i32
      %dma_start3A_172 = tpu.memref_slice %arg13[%dma_start3A_164, %add3A_148, %dma_start3A_171] : memref<3x128x128xf32, #tpu.memory_space<vmem>> -> memref<1x1x64xf32, #tpu.memory_space<vmem>>
      %dma_start3A_173 = tpu.memref_squeeze %dma_start3A_172 : memref<1x1x64xf32, #tpu.memory_space<vmem>> -> memref<64xf32, #tpu.memory_space<vmem>>
      %dma_start3A_174 = arith.constant 0 : i32
      %dma_start3A_175 = tpu.memref_slice %arg9[%squeeze3A_163, %dma_start3A_174] : memref<100000x64xf32, #tpu.memory_space<hbm>> -> memref<1x64xf32, #tpu.memory_space<hbm>>
      %dma_start3A_176 = tpu.memref_squeeze %dma_start3A_175 : memref<1x64xf32, #tpu.memory_space<hbm>> -> memref<64xf32, #tpu.memory_space<hbm>>
      tpu.enqueue_dma source(%dma_start3A_176 : memref<64xf32, #tpu.memory_space<hbm>>) target(%dma_start3A_173 : memref<64xf32, #tpu.memory_space<vmem>>) target_semaphore(%arg16 : memref<!tpu.dma_semaphore, #tpu.memory_space<semaphore_mem>>)
      %mul3A_177 = arith.constant 16 : i32
      %mul3A_178 = arith.muli %scan3A_135, %mul3A_177 : i32
      %add3A_179 = arith.constant 1 : i32
      %add3A_180 = arith.addi %mul3A_178, %add3A_179 : i32
      %slice3A_181 = vector.extract_strided_slice %get3A_139 {offsets = [1], sizes = [1], strides = [1]} : vector<16xi32> to vector<1xi32>
      %squeeze3A_182 = vector.extract %slice3A_181[0] : i32 from vector<1xi32>
      %dma_start3A_183 = arith.constant 2 : i32
      %dma_start3A_184 = arith.constant 0 : i32
      %dma_start3A_185 = tpu.memref_slice %arg13[%dma_start3A_183, %add3A_180, %dma_start3A_184] : memref<3x128x128xf32, #tpu.memory_space<vmem>> -> memref<1x1x64xf32, #tpu.memory_space<vmem>>
      %dma_start3A_186 = tpu.memref_squeeze %dma_start3A_185 : memref<1x1x64xf32, #tpu.memory_space<vmem>> -> memref<64xf32, #tpu.memory_space<vmem>>
      %dma_start3A_187 = arith.constant 0 : i32
      %dma_start3A_188 = tpu.memref_slice %arg8[%squeeze3A_182, %dma_start3A_187] : memref<100000x64xf32, #tpu.memory_space<hbm>> -> memref<1x64xf32, #tpu.memory_space<hbm>>
      %dma_start3A_189 = tpu.memref_squeeze %dma_start3A_188 : memref<1x64xf32, #tpu.memory_space<hbm>> -> memref<64xf32, #tpu.memory_space<hbm>>
      %dma_start3A_190 = arith.constant 0 : i32
      %dma_start3A_191 = tpu.memref_slice %arg13[%dma_start3A_183, %add3A_180, %dma_start3A_190] : memref<3x128x128xf32, #tpu.memory_space<vmem>> -> memref<1x1x64xf32, #tpu.memory_space<vmem>>
      %dma_start3A_192 = tpu.memref_squeeze %dma_start3A_191 : memref<1x1x64xf32, #tpu.memory_space<vmem>> -> memref<64xf32, #tpu.memory_space<vmem>>
      %dma_start3A_193 = arith.constant 0 : i32
      %dma_start3A_194 = tpu.memref_slice %arg8[%squeeze3A_182, %dma_start3A_193] : memref<100000x64xf32, #tpu.memory_space<hbm>> -> memref<1x64xf32, #tpu.memory_space<hbm>>
      %dma_start3A_195 = tpu.memref_squeeze %dma_start3A_194 : memref<1x64xf32, #tpu.memory_space<hbm>> -> memref<64xf32, #tpu.memory_space<hbm>>
      tpu.enqueue_dma source(%dma_start3A_195 : memref<64xf32, #tpu.memory_space<hbm>>) target(%dma_start3A_192 : memref<64xf32, #tpu.memory_space<vmem>>) target_semaphore(%arg16 : memref<!tpu.dma_semaphore, #tpu.memory_space<semaphore_mem>>)
      %slice3A_196 = vector.extract_strided_slice %get3A_144 {offsets = [1], sizes = [1], strides = [1]} : vector<16xi32> to vector<1xi32>
      %squeeze3A_197 = vector.extract %slice3A_196[0] : i32 from vector<1xi32>
      %dma_start3A_198 = arith.constant 2 : i32
      %dma_start3A_199 = arith.constant 64 : i32
      %dma_start3A_200 = tpu.memref_slice %arg13[%dma_start3A_198, %add3A_180, %dma_start3A_199] : memref<3x128x128xf32, #tpu.memory_space<vmem>> -> memref<1x1x64xf32, #tpu.memory_space<vmem>>
      %dma_start3A_201 = tpu.memref_squeeze %dma_start3A_200 : memref<1x1x64xf32, #tpu.memory_space<vmem>> -> memref<64xf32, #tpu.memory_space<vmem>>
      %dma_start3A_202 = arith.constant 0 : i32
      %dma_start3A_203 = tpu.memref_slice %arg9[%squeeze3A_197, %dma_start3A_202] : memref<100000x64xf32, #tpu.memory_space<hbm>> -> memref<1x64xf32, #tpu.memory_space<hbm>>
      %dma_start3A_204 = tpu.memref_squeeze %dma_start3A_203 : memref<1x64xf32, #tpu.memory_space<hbm>> -> memref<64xf32, #tpu.memory_space<hbm>>
      %dma_start3A_205 = arith.constant 64 : i32
      %dma_start3A_206 = tpu.memref_slice %arg13[%dma_start3A_198, %add3A_180, %dma_start3A_205] : memref<3x128x128xf32, #tpu.memory_space<vmem>> -> memref<1x1x64xf32, #tpu.memory_space<vmem>>
      %dma_start3A_207 = tpu.memref_squeeze %dma_start3A_206 : memref<1x1x64xf32, #tpu.memory_space<vmem>> -> memref<64xf32, #tpu.memory_space<vmem>>
      %dma_start3A_208 = arith.constant 0 : i32
      %dma_start3A_209 = tpu.memref_slice %arg9[%squeeze3A_197, %dma_start3A_208] : memref<100000x64xf32, #tpu.memory_space<hbm>> -> memref<1x64xf32, #tpu.memory_space<hbm>>
      %dma_start3A_210 = tpu.memref_squeeze %dma_start3A_209 : memref<1x64xf32, #tpu.memory_space<hbm>> -> memref<64xf32, #tpu.memory_space<hbm>>
      tpu.enqueue_dma source(%dma_start3A_210 : memref<64xf32, #tpu.memory_space<hbm>>) target(%dma_start3A_207 : memref<64xf32, #tpu.memory_space<vmem>>) target_semaphore(%arg16 : memref<!tpu.dma_semaphore, #tpu.memory_space<semaphore_mem>>)
      %mul3A_211 = arith.constant 16 : i32
      %mul3A_212 = arith.muli %scan3A_135, %mul3A_211 : i32
      %add3A_213 = arith.constant 2 : i32
      %add3A_214 = arith.addi %mul3A_212, %add3A_213 : i32
      %slice3A_215 = vector.extract_strided_slice %get3A_139 {offsets = [2], sizes = [1], strides = [1]} : vector<16xi32> to vector<1xi32>
      %squeeze3A_216 = vector.extract %slice3A_215[0] : i32 from vector<1xi32>
      %dma_start3A_217 = arith.constant 2 : i32
      %dma_start3A_218 = arith.constant 0 : i32
      %dma_start3A_219 = tpu.memref_slice %arg13[%dma_start3A_217, %add3A_214, %dma_start3A_218] : memref<3x128x128xf32, #tpu.memory_space<vmem>> -> memref<1x1x64xf32, #tpu.memory_space<vmem>>
      %dma_start3A_220 = tpu.memref_squeeze %dma_start3A_219 : memref<1x1x64xf32, #tpu.memory_space<vmem>> -> memref<64xf32, #tpu.memory_space<vmem>>
      %dma_start3A_221 = arith.constant 0 : i32
      %dma_start3A_222 = tpu.memref_slice %arg8[%squeeze3A_216, %dma_start3A_221] : memref<100000x64xf32, #tpu.memory_space<hbm>> -> memref<1x64xf32, #tpu.memory_space<hbm>>
      %dma_start3A_223 = tpu.memref_squeeze %dma_start3A_222 : memref<1x64xf32, #tpu.memory_space<hbm>> -> memref<64xf32, #tpu.memory_space<hbm>>
      %dma_start3A_224 = arith.constant 0 : i32
      %dma_start3A_225 = tpu.memref_slice %arg13[%dma_start3A_217, %add3A_214, %dma_start3A_224] : memref<3x128x128xf32, #tpu.memory_space<vmem>> -> memref<1x1x64xf32, #tpu.memory_space<vmem>>
      %dma_start3A_226 = tpu.memref_squeeze %dma_start3A_225 : memref<1x1x64xf32, #tpu.memory_space<vmem>> -> memref<64xf32, #tpu.memory_space<vmem>>
      %dma_start3A_227 = arith.constant 0 : i32
      %dma_start3A_228 = tpu.memref_slice %arg8[%squeeze3A_216, %dma_start3A_227] : memref<100000x64xf32, #tpu.memory_space<hbm>> -> memref<1x64xf32, #tpu.memory_space<hbm>>
      %dma_start3A_229 = tpu.memref_squeeze %dma_start3A_228 : memref<1x64xf32, #tpu.memory_space<hbm>> -> memref<64xf32, #tpu.memory_space<hbm>>
      tpu.enqueue_dma source(%dma_start3A_229 : memref<64xf32, #tpu.memory_space<hbm>>) target(%dma_start3A_226 : memref<64xf32, #tpu.memory_space<vmem>>) target_semaphore(%arg16 : memref<!tpu.dma_semaphore, #tpu.memory_space<semaphore_mem>>)
      %slice3A_230 = vector.extract_strided_slice %get3A_144 {offsets = [2], sizes = [1], strides = [1]} : vector<16xi32> to vector<1xi32>
      %squeeze3A_231 = vector.extract %slice3A_230[0] : i32 from vector<1xi32>
      %dma_start3A_232 = arith.constant 2 : i32
      %dma_start3A_233 = arith.constant 64 : i32
      %dma_start3A_234 = tpu.memref_slice %arg13[%dma_start3A_232, %add3A_214, %dma_start3A_233] : memref<3x128x128xf32, #tpu.memory_space<vmem>> -> memref<1x1x64xf32, #tpu.memory_space<vmem>>
      %dma_start3A_235 = tpu.memref_squeeze %dma_start3A_234 : memref<1x1x64xf32, #tpu.memory_space<vmem>> -> memref<64xf32, #tpu.memory_space<vmem>>
      %dma_start3A_236 = arith.constant 0 : i32
      %dma_start3A_237 = tpu.memref_slice %arg9[%squeeze3A_231, %dma_start3A_236] : memref<100000x64xf32, #tpu.memory_space<hbm>> -> memref<1x64xf32, #tpu.memory_space<hbm>>
      %dma_start3A_238 = tpu.memref_squeeze %dma_start3A_237 : memref<1x64xf32, #tpu.memory_space<hbm>> -> memref<64xf32, #tpu.memory_space<hbm>>
      %dma_start3A_239 = arith.constant 64 : i32
      %dma_start3A_240 = tpu.memref_slice %arg13[%dma_start3A_232, %add3A_214, %dma_start3A_239] : memref<3x128x128xf32, #tpu.memory_space<vmem>> -> memref<1x1x64xf32, #tpu.memory_space<vmem>>
      %dma_start3A_241 = tpu.memref_squeeze %dma_start3A_240 : memref<1x1x64xf32, #tpu.memory_space<vmem>> -> memref<64xf32, #tpu.memory_space<vmem>>
      %dma_start3A_242 = arith.constant 0 : i32
      %dma_start3A_243 = tpu.memref_slice %arg9[%squeeze3A_231, %dma_start3A_242] : memref<100000x64xf32, #tpu.memory_space<hbm>> -> memref<1x64xf32, #tpu.memory_space<hbm>>
      %dma_start3A_244 = tpu.memref_squeeze %dma_start3A_243 : memref<1x64xf32, #tpu.memory_space<hbm>> -> memref<64xf32, #tpu.memory_space<hbm>>
      tpu.enqueue_dma source(%dma_start3A_244 : memref<64xf32, #tpu.memory_space<hbm>>) target(%dma_start3A_241 : memref<64xf32, #tpu.memory_space<vmem>>) target_semaphore(%arg16 : memref<!tpu.dma_semaphore, #tpu.memory_space<semaphore_mem>>)
      %mul3A_245 = arith.constant 16 : i32
      %mul3A_246 = arith.muli %scan3A_135, %mul3A_245 : i32
      %add3A_247 = arith.constant 3 : i32
      %add3A_248 = arith.addi %mul3A_246, %add3A_247 : i32
      %slice3A_249 = vector.extract_strided_slice %get3A_139 {offsets = [3], sizes = [1], strides = [1]} : vector<16xi32> to vector<1xi32>
      %squeeze3A_250 = vector.extract %slice3A_249[0] : i32 from vector<1xi32>
      %dma_start3A_251 = arith.constant 2 : i32
      %dma_start3A_252 = arith.constant 0 : i32
      %dma_start3A_253 = tpu.memref_slice %arg13[%dma_start3A_251, %add3A_248, %dma_start3A_252] : memref<3x128x128xf32, #tpu.memory_space<vmem>> -> memref<1x1x64xf32, #tpu.memory_space<vmem>>
      %dma_start3A_254 = tpu.memref_squeeze %dma_start3A_253 : memref<1x1x64xf32, #tpu.memory_space<vmem>> -> memref<64xf32, #tpu.memory_space<vmem>>
      %dma_start3A_255 = arith.constant 0 : i32
      %dma_start3A_256 = tpu.memref_slice %arg8[%squeeze3A_250, %dma_start3A_255] : memref<100000x64xf32, #tpu.memory_space<hbm>> -> memref<1x64xf32, #tpu.memory_space<hbm>>
      %dma_start3A_257 = tpu.memref_squeeze %dma_start3A_256 : memref<1x64xf32, #tpu.memory_space<hbm>> -> memref<64xf32, #tpu.memory_space<hbm>>
      %dma_start3A_258 = arith.constant 0 : i32
      %dma_start3A_259 = tpu.memref_slice %arg13[%dma_start3A_251, %add3A_248, %dma_start3A_258] : memref<3x128x128xf32, #tpu.memory_space<vmem>> -> memref<1x1x64xf32, #tpu.memory_space<vmem>>
      %dma_start3A_260 = tpu.memref_squeeze %dma_start3A_259 : memref<1x1x64xf32, #tpu.memory_space<vmem>> -> memref<64xf32, #tpu.memory_space<vmem>>
      %dma_start3A_261 = arith.constant 0 : i32
      %dma_start3A_262 = tpu.memref_slice %arg8[%squeeze3A_250, %dma_start3A_261] : memref<100000x64xf32, #tpu.memory_space<hbm>> -> memref<1x64xf32, #tpu.memory_space<hbm>>
      %dma_start3A_263 = tpu.memref_squeeze %dma_start3A_262 : memref<1x64xf32, #tpu.memory_space<hbm>> -> memref<64xf32, #tpu.memory_space<hbm>>
      tpu.enqueue_dma source(%dma_start3A_263 : memref<64xf32, #tpu.memory_space<hbm>>) target(%dma_start3A_260 : memref<64xf32, #tpu.memory_space<vmem>>) target_semaphore(%arg16 : memref<!tpu.dma_semaphore, #tpu.memory_space<semaphore_mem>>)
      %slice3A_264 = vector.extract_strided_slice %get3A_144 {offsets = [3], sizes = [1], strides = [1]} : vector<16xi32> to vector<1xi32>
      %squeeze3A_265 = vector.extract %slice3A_264[0] : i32 from vector<1xi32>
      %dma_start3A_266 = arith.constant 2 : i32
      %dma_start3A_267 = arith.constant 64 : i32
      %dma_start3A_268 = tpu.memref_slice %arg13[%dma_start3A_266, %add3A_248, %dma_start3A_267] : memref<3x128x128xf32, #tpu.memory_space<vmem>> -> memref<1x1x64xf32, #tpu.memory_space<vmem>>
      %dma_start3A_269 = tpu.memref_squeeze %dma_start3A_268 : memref<1x1x64xf32, #tpu.memory_space<vmem>> -> memref<64xf32, #tpu.memory_space<vmem>>
      %dma_start3A_270 = arith.constant 0 : i32
      %dma_start3A_271 = tpu.memref_slice %arg9[%squeeze3A_265, %dma_start3A_270] : memref<100000x64xf32, #tpu.memory_space<hbm>> -> memref<1x64xf32, #tpu.memory_space<hbm>>
      %dma_start3A_272 = tpu.memref_squeeze %dma_start3A_271 : memref<1x64xf32, #tpu.memory_space<hbm>> -> memref<64xf32, #tpu.memory_space<hbm>>
      %dma_start3A_273 = arith.constant 64 : i32
      %dma_start3A_274 = tpu.memref_slice %arg13[%dma_start3A_266, %add3A_248, %dma_start3A_273] : memref<3x128x128xf32, #tpu.memory_space<vmem>> -> memref<1x1x64xf32, #tpu.memory_space<vmem>>
      %dma_start3A_275 = tpu.memref_squeeze %dma_start3A_274 : memref<1x1x64xf32, #tpu.memory_space<vmem>> -> memref<64xf32, #tpu.memory_space<vmem>>
      %dma_start3A_276 = arith.constant 0 : i32
      %dma_start3A_277 = tpu.memref_slice %arg9[%squeeze3A_265, %dma_start3A_276] : memref<100000x64xf32, #tpu.memory_space<hbm>> -> memref<1x64xf32, #tpu.memory_space<hbm>>
      %dma_start3A_278 = tpu.memref_squeeze %dma_start3A_277 : memref<1x64xf32, #tpu.memory_space<hbm>> -> memref<64xf32, #tpu.memory_space<hbm>>
      tpu.enqueue_dma source(%dma_start3A_278 : memref<64xf32, #tpu.memory_space<hbm>>) target(%dma_start3A_275 : memref<64xf32, #tpu.memory_space<vmem>>) target_semaphore(%arg16 : memref<!tpu.dma_semaphore, #tpu.memory_space<semaphore_mem>>)
      %mul3A_279 = arith.constant 16 : i32
      %mul3A_280 = arith.muli %scan3A_135, %mul3A_279 : i32
      %add3A_281 = arith.constant 4 : i32
      %add3A_282 = arith.addi %mul3A_280, %add3A_281 : i32
      %slice3A_283 = vector.extract_strided_slice %get3A_139 {offsets = [4], sizes = [1], strides = [1]} : vector<16xi32> to vector<1xi32>
      %squeeze3A_284 = vector.extract %slice3A_283[0] : i32 from vector<1xi32>
      %dma_start3A_285 = arith.constant 2 : i32
      %dma_start3A_286 = arith.constant 0 : i32
      %dma_start3A_287 = tpu.memref_slice %arg13[%dma_start3A_285, %add3A_282, %dma_start3A_286] : memref<3x128x128xf32, #tpu.memory_space<vmem>> -> memref<1x1x64xf32, #tpu.memory_space<vmem>>
      %dma_start3A_288 = tpu.memref_squeeze %dma_start3A_287 : memref<1x1x64xf32, #tpu.memory_space<vmem>> -> memref<64xf32, #tpu.memory_space<vmem>>
      %dma_start3A_289 = arith.constant 0 : i32
      %dma_start3A_290 = tpu.memref_slice %arg8[%squeeze3A_284, %dma_start3A_289] : memref<100000x64xf32, #tpu.memory_space<hbm>> -> memref<1x64xf32, #tpu.memory_space<hbm>>
      %dma_start3A_291 = tpu.memref_squeeze %dma_start3A_290 : memref<1x64xf32, #tpu.memory_space<hbm>> -> memref<64xf32, #tpu.memory_space<hbm>>
      %dma_start3A_292 = arith.constant 0 : i32
      %dma_start3A_293 = tpu.memref_slice %arg13[%dma_start3A_285, %add3A_282, %dma_start3A_292] : memref<3x128x128xf32, #tpu.memory_space<vmem>> -> memref<1x1x64xf32, #tpu.memory_space<vmem>>
      %dma_start3A_294 = tpu.memref_squeeze %dma_start3A_293 : memref<1x1x64xf32, #tpu.memory_space<vmem>> -> memref<64xf32, #tpu.memory_space<vmem>>
      %dma_start3A_295 = arith.constant 0 : i32
      %dma_start3A_296 = tpu.memref_slice %arg8[%squeeze3A_284, %dma_start3A_295] : memref<100000x64xf32, #tpu.memory_space<hbm>> -> memref<1x64xf32, #tpu.memory_space<hbm>>
      %dma_start3A_297 = tpu.memref_squeeze %dma_start3A_296 : memref<1x64xf32, #tpu.memory_space<hbm>> -> memref<64xf32, #tpu.memory_space<hbm>>
      tpu.enqueue_dma source(%dma_start3A_297 : memref<64xf32, #tpu.memory_space<hbm>>) target(%dma_start3A_294 : memref<64xf32, #tpu.memory_space<vmem>>) target_semaphore(%arg16 : memref<!tpu.dma_semaphore, #tpu.memory_space<semaphore_mem>>)
      %slice3A_298 = vector.extract_strided_slice %get3A_144 {offsets = [4], sizes = [1], strides = [1]} : vector<16xi32> to vector<1xi32>
      %squeeze3A_299 = vector.extract %slice3A_298[0] : i32 from vector<1xi32>
      %dma_start3A_300 = arith.constant 2 : i32
      %dma_start3A_301 = arith.constant 64 : i32
      %dma_start3A_302 = tpu.memref_slice %arg13[%dma_start3A_300, %add3A_282, %dma_start3A_301] : memref<3x128x128xf32, #tpu.memory_space<vmem>> -> memref<1x1x64xf32, #tpu.memory_space<vmem>>
      %dma_start3A_303 = tpu.memref_squeeze %dma_start3A_302 : memref<1x1x64xf32, #tpu.memory_space<vmem>> -> memref<64xf32, #tpu.memory_space<vmem>>
      %dma_start3A_304 = arith.constant 0 : i32
      %dma_start3A_305 = tpu.memref_slice %arg9[%squeeze3A_299, %dma_start3A_304] : memref<100000x64xf32, #tpu.memory_space<hbm>> -> memref<1x64xf32, #tpu.memory_space<hbm>>
      %dma_start3A_306 = tpu.memref_squeeze %dma_start3A_305 : memref<1x64xf32, #tpu.memory_space<hbm>> -> memref<64xf32, #tpu.memory_space<hbm>>
      %dma_start3A_307 = arith.constant 64 : i32
      %dma_start3A_308 = tpu.memref_slice %arg13[%dma_start3A_300, %add3A_282, %dma_start3A_307] : memref<3x128x128xf32, #tpu.memory_space<vmem>> -> memref<1x1x64xf32, #tpu.memory_space<vmem>>
      %dma_start3A_309 = tpu.memref_squeeze %dma_start3A_308 : memref<1x1x64xf32, #tpu.memory_space<vmem>> -> memref<64xf32, #tpu.memory_space<vmem>>
      %dma_start3A_310 = arith.constant 0 : i32
      %dma_start3A_311 = tpu.memref_slice %arg9[%squeeze3A_299, %dma_start3A_310] : memref<100000x64xf32, #tpu.memory_space<hbm>> -> memref<1x64xf32, #tpu.memory_space<hbm>>
      %dma_start3A_312 = tpu.memref_squeeze %dma_start3A_311 : memref<1x64xf32, #tpu.memory_space<hbm>> -> memref<64xf32, #tpu.memory_space<hbm>>
      tpu.enqueue_dma source(%dma_start3A_312 : memref<64xf32, #tpu.memory_space<hbm>>) target(%dma_start3A_309 : memref<64xf32, #tpu.memory_space<vmem>>) target_semaphore(%arg16 : memref<!tpu.dma_semaphore, #tpu.memory_space<semaphore_mem>>)
      %mul3A_313 = arith.constant 16 : i32
      %mul3A_314 = arith.muli %scan3A_135, %mul3A_313 : i32
      %add3A_315 = arith.constant 5 : i32
      %add3A_316 = arith.addi %mul3A_314, %add3A_315 : i32
      %slice3A_317 = vector.extract_strided_slice %get3A_139 {offsets = [5], sizes = [1], strides = [1]} : vector<16xi32> to vector<1xi32>
      %squeeze3A_318 = vector.extract %slice3A_317[0] : i32 from vector<1xi32>
      %dma_start3A_319 = arith.constant 2 : i32
      %dma_start3A_320 = arith.constant 0 : i32
      %dma_start3A_321 = tpu.memref_slice %arg13[%dma_start3A_319, %add3A_316, %dma_start3A_320] : memref<3x128x128xf32, #tpu.memory_space<vmem>> -> memref<1x1x64xf32, #tpu.memory_space<vmem>>
      %dma_start3A_322 = tpu.memref_squeeze %dma_start3A_321 : memref<1x1x64xf32, #tpu.memory_space<vmem>> -> memref<64xf32, #tpu.memory_space<vmem>>
      %dma_start3A_323 = arith.constant 0 : i32
      %dma_start3A_324 = tpu.memref_slice %arg8[%squeeze3A_318, %dma_start3A_323] : memref<100000x64xf32, #tpu.memory_space<hbm>> -> memref<1x64xf32, #tpu.memory_space<hbm>>
      %dma_start3A_325 = tpu.memref_squeeze %dma_start3A_324 : memref<1x64xf32, #tpu.memory_space<hbm>> -> memref<64xf32, #tpu.memory_space<hbm>>
      %dma_start3A_326 = arith.constant 0 : i32
      %dma_start3A_327 = tpu.memref_slice %arg13[%dma_start3A_319, %add3A_316, %dma_start3A_326] : memref<3x128x128xf32, #tpu.memory_space<vmem>> -> memref<1x1x64xf32, #tpu.memory_space<vmem>>
      %dma_start3A_328 = tpu.memref_squeeze %dma_start3A_327 : memref<1x1x64xf32, #tpu.memory_space<vmem>> -> memref<64xf32, #tpu.memory_space<vmem>>
      %dma_start3A_329 = arith.constant 0 : i32
      %dma_start3A_330 = tpu.memref_slice %arg8[%squeeze3A_318, %dma_start3A_329] : memref<100000x64xf32, #tpu.memory_space<hbm>> -> memref<1x64xf32, #tpu.memory_space<hbm>>
      %dma_start3A_331 = tpu.memref_squeeze %dma_start3A_330 : memref<1x64xf32, #tpu.memory_space<hbm>> -> memref<64xf32, #tpu.memory_space<hbm>>
      tpu.enqueue_dma source(%dma_start3A_331 : memref<64xf32, #tpu.memory_space<hbm>>) target(%dma_start3A_328 : memref<64xf32, #tpu.memory_space<vmem>>) target_semaphore(%arg16 : memref<!tpu.dma_semaphore, #tpu.memory_space<semaphore_mem>>)
      %slice3A_332 = vector.extract_strided_slice %get3A_144 {offsets = [5], sizes = [1], strides = [1]} : vector<16xi32> to vector<1xi32>
      %squeeze3A_333 = vector.extract %slice3A_332[0] : i32 from vector<1xi32>
      %dma_start3A_334 = arith.constant 2 : i32
      %dma_start3A_335 = arith.constant 64 : i32
      %dma_start3A_336 = tpu.memref_slice %arg13[%dma_start3A_334, %add3A_316, %dma_start3A_335] : memref<3x128x128xf32, #tpu.memory_space<vmem>> -> memref<1x1x64xf32, #tpu.memory_space<vmem>>
      %dma_start3A_337 = tpu.memref_squeeze %dma_start3A_336 : memref<1x1x64xf32, #tpu.memory_space<vmem>> -> memref<64xf32, #tpu.memory_space<vmem>>
      %dma_start3A_338 = arith.constant 0 : i32
      %dma_start3A_339 = tpu.memref_slice %arg9[%squeeze3A_333, %dma_start3A_338] : memref<100000x64xf32, #tpu.memory_space<hbm>> -> memref<1x64xf32, #tpu.memory_space<hbm>>
      %dma_start3A_340 = tpu.memref_squeeze %dma_start3A_339 : memref<1x64xf32, #tpu.memory_space<hbm>> -> memref<64xf32, #tpu.memory_space<hbm>>
      %dma_start3A_341 = arith.constant 64 : i32
      %dma_start3A_342 = tpu.memref_slice %arg13[%dma_start3A_334, %add3A_316, %dma_start3A_341] : memref<3x128x128xf32, #tpu.memory_space<vmem>> -> memref<1x1x64xf32, #tpu.memory_space<vmem>>
      %dma_start3A_343 = tpu.memref_squeeze %dma_start3A_342 : memref<1x1x64xf32, #tpu.memory_space<vmem>> -> memref<64xf32, #tpu.memory_space<vmem>>
      %dma_start3A_344 = arith.constant 0 : i32
      %dma_start3A_345 = tpu.memref_slice %arg9[%squeeze3A_333, %dma_start3A_344] : memref<100000x64xf32, #tpu.memory_space<hbm>> -> memref<1x64xf32, #tpu.memory_space<hbm>>
      %dma_start3A_346 = tpu.memref_squeeze %dma_start3A_345 : memref<1x64xf32, #tpu.memory_space<hbm>> -> memref<64xf32, #tpu.memory_space<hbm>>
      tpu.enqueue_dma source(%dma_start3A_346 : memref<64xf32, #tpu.memory_space<hbm>>) target(%dma_start3A_343 : memref<64xf32, #tpu.memory_space<vmem>>) target_semaphore(%arg16 : memref<!tpu.dma_semaphore, #tpu.memory_space<semaphore_mem>>)
      %mul3A_347 = arith.constant 16 : i32
      %mul3A_348 = arith.muli %scan3A_135, %mul3A_347 : i32
      %add3A_349 = arith.constant 6 : i32
      %add3A_350 = arith.addi %mul3A_348, %add3A_349 : i32
      %slice3A_351 = vector.extract_strided_slice %get3A_139 {offsets = [6], sizes = [1], strides = [1]} : vector<16xi32> to vector<1xi32>
      %squeeze3A_352 = vector.extract %slice3A_351[0] : i32 from vector<1xi32>
      %dma_start3A_353 = arith.constant 2 : i32
      %dma_start3A_354 = arith.constant 0 : i32
      %dma_start3A_355 = tpu.memref_slice %arg13[%dma_start3A_353, %add3A_350, %dma_start3A_354] : memref<3x128x128xf32, #tpu.memory_space<vmem>> -> memref<1x1x64xf32, #tpu.memory_space<vmem>>
      %dma_start3A_356 = tpu.memref_squeeze %dma_start3A_355 : memref<1x1x64xf32, #tpu.memory_space<vmem>> -> memref<64xf32, #tpu.memory_space<vmem>>
      %dma_start3A_357 = arith.constant 0 : i32
      %dma_start3A_358 = tpu.memref_slice %arg8[%squeeze3A_352, %dma_start3A_357] : memref<100000x64xf32, #tpu.memory_space<hbm>> -> memref<1x64xf32, #tpu.memory_space<hbm>>
      %dma_start3A_359 = tpu.memref_squeeze %dma_start3A_358 : memref<1x64xf32, #tpu.memory_space<hbm>> -> memref<64xf32, #tpu.memory_space<hbm>>
      %dma_start3A_360 = arith.constant 0 : i32
      %dma_start3A_361 = tpu.memref_slice %arg13[%dma_start3A_353, %add3A_350, %dma_start3A_360] : memref<3x128x128xf32, #tpu.memory_space<vmem>> -> memref<1x1x64xf32, #tpu.memory_space<vmem>>
      %dma_start3A_362 = tpu.memref_squeeze %dma_start3A_361 : memref<1x1x64xf32, #tpu.memory_space<vmem>> -> memref<64xf32, #tpu.memory_space<vmem>>
      %dma_start3A_363 = arith.constant 0 : i32
      %dma_start3A_364 = tpu.memref_slice %arg8[%squeeze3A_352, %dma_start3A_363] : memref<100000x64xf32, #tpu.memory_space<hbm>> -> memref<1x64xf32, #tpu.memory_space<hbm>>
      %dma_start3A_365 = tpu.memref_squeeze %dma_start3A_364 : memref<1x64xf32, #tpu.memory_space<hbm>> -> memref<64xf32, #tpu.memory_space<hbm>>
      tpu.enqueue_dma source(%dma_start3A_365 : memref<64xf32, #tpu.memory_space<hbm>>) target(%dma_start3A_362 : memref<64xf32, #tpu.memory_space<vmem>>) target_semaphore(%arg16 : memref<!tpu.dma_semaphore, #tpu.memory_space<semaphore_mem>>)
      %slice3A_366 = vector.extract_strided_slice %get3A_144 {offsets = [6], sizes = [1], strides = [1]} : vector<16xi32> to vector<1xi32>
      %squeeze3A_367 = vector.extract %slice3A_366[0] : i32 from vector<1xi32>
      %dma_start3A_368 = arith.constant 2 : i32
      %dma_start3A_369 = arith.constant 64 : i32
      %dma_start3A_370 = tpu.memref_slice %arg13[%dma_start3A_368, %add3A_350, %dma_start3A_369] : memref<3x128x128xf32, #tpu.memory_space<vmem>> -> memref<1x1x64xf32, #tpu.memory_space<vmem>>
      %dma_start3A_371 = tpu.memref_squeeze %dma_start3A_370 : memref<1x1x64xf32, #tpu.memory_space<vmem>> -> memref<64xf32, #tpu.memory_space<vmem>>
      %dma_start3A_372 = arith.constant 0 : i32
      %dma_start3A_373 = tpu.memref_slice %arg9[%squeeze3A_367, %dma_start3A_372] : memref<100000x64xf32, #tpu.memory_space<hbm>> -> memref<1x64xf32, #tpu.memory_space<hbm>>
      %dma_start3A_374 = tpu.memref_squeeze %dma_start3A_373 : memref<1x64xf32, #tpu.memory_space<hbm>> -> memref<64xf32, #tpu.memory_space<hbm>>
      %dma_start3A_375 = arith.constant 64 : i32
      %dma_start3A_376 = tpu.memref_slice %arg13[%dma_start3A_368, %add3A_350, %dma_start3A_375] : memref<3x128x128xf32, #tpu.memory_space<vmem>> -> memref<1x1x64xf32, #tpu.memory_space<vmem>>
      %dma_start3A_377 = tpu.memref_squeeze %dma_start3A_376 : memref<1x1x64xf32, #tpu.memory_space<vmem>> -> memref<64xf32, #tpu.memory_space<vmem>>
      %dma_start3A_378 = arith.constant 0 : i32
      %dma_start3A_379 = tpu.memref_slice %arg9[%squeeze3A_367, %dma_start3A_378] : memref<100000x64xf32, #tpu.memory_space<hbm>> -> memref<1x64xf32, #tpu.memory_space<hbm>>
      %dma_start3A_380 = tpu.memref_squeeze %dma_start3A_379 : memref<1x64xf32, #tpu.memory_space<hbm>> -> memref<64xf32, #tpu.memory_space<hbm>>
      tpu.enqueue_dma source(%dma_start3A_380 : memref<64xf32, #tpu.memory_space<hbm>>) target(%dma_start3A_377 : memref<64xf32, #tpu.memory_space<vmem>>) target_semaphore(%arg16 : memref<!tpu.dma_semaphore, #tpu.memory_space<semaphore_mem>>)
      %mul3A_381 = arith.constant 16 : i32
      %mul3A_382 = arith.muli %scan3A_135, %mul3A_381 : i32
      %add3A_383 = arith.constant 7 : i32
      %add3A_384 = arith.addi %mul3A_382, %add3A_383 : i32
      %slice3A_385 = vector.extract_strided_slice %get3A_139 {offsets = [7], sizes = [1], strides = [1]} : vector<16xi32> to vector<1xi32>
      %squeeze3A_386 = vector.extract %slice3A_385[0] : i32 from vector<1xi32>
      %dma_start3A_387 = arith.constant 2 : i32
      %dma_start3A_388 = arith.constant 0 : i32
      %dma_start3A_389 = tpu.memref_slice %arg13[%dma_start3A_387, %add3A_384, %dma_start3A_388] : memref<3x128x128xf32, #tpu.memory_space<vmem>> -> memref<1x1x64xf32, #tpu.memory_space<vmem>>
      %dma_start3A_390 = tpu.memref_squeeze %dma_start3A_389 : memref<1x1x64xf32, #tpu.memory_space<vmem>> -> memref<64xf32, #tpu.memory_space<vmem>>
      %dma_start3A_391 = arith.constant 0 : i32
      %dma_start3A_392 = tpu.memref_slice %arg8[%squeeze3A_386, %dma_start3A_391] : memref<100000x64xf32, #tpu.memory_space<hbm>> -> memref<1x64xf32, #tpu.memory_space<hbm>>
      %dma_start3A_393 = tpu.memref_squeeze %dma_start3A_392 : memref<1x64xf32, #tpu.memory_space<hbm>> -> memref<64xf32, #tpu.memory_space<hbm>>
      %dma_start3A_394 = arith.constant 0 : i32
      %dma_start3A_395 = tpu.memref_slice %arg13[%dma_start3A_387, %add3A_384, %dma_start3A_394] : memref<3x128x128xf32, #tpu.memory_space<vmem>> -> memref<1x1x64xf32, #tpu.memory_space<vmem>>
      %dma_start3A_396 = tpu.memref_squeeze %dma_start3A_395 : memref<1x1x64xf32, #tpu.memory_space<vmem>> -> memref<64xf32, #tpu.memory_space<vmem>>
      %dma_start3A_397 = arith.constant 0 : i32
      %dma_start3A_398 = tpu.memref_slice %arg8[%squeeze3A_386, %dma_start3A_397] : memref<100000x64xf32, #tpu.memory_space<hbm>> -> memref<1x64xf32, #tpu.memory_space<hbm>>
      %dma_start3A_399 = tpu.memref_squeeze %dma_start3A_398 : memref<1x64xf32, #tpu.memory_space<hbm>> -> memref<64xf32, #tpu.memory_space<hbm>>
      tpu.enqueue_dma source(%dma_start3A_399 : memref<64xf32, #tpu.memory_space<hbm>>) target(%dma_start3A_396 : memref<64xf32, #tpu.memory_space<vmem>>) target_semaphore(%arg16 : memref<!tpu.dma_semaphore, #tpu.memory_space<semaphore_mem>>)
      %slice3A_400 = vector.extract_strided_slice %get3A_144 {offsets = [7], sizes = [1], strides = [1]} : vector<16xi32> to vector<1xi32>
      %squeeze3A_401 = vector.extract %slice3A_400[0] : i32 from vector<1xi32>
      %dma_start3A_402 = arith.constant 2 : i32
      %dma_start3A_403 = arith.constant 64 : i32
      %dma_start3A_404 = tpu.memref_slice %arg13[%dma_start3A_402, %add3A_384, %dma_start3A_403] : memref<3x128x128xf32, #tpu.memory_space<vmem>> -> memref<1x1x64xf32, #tpu.memory_space<vmem>>
      %dma_start3A_405 = tpu.memref_squeeze %dma_start3A_404 : memref<1x1x64xf32, #tpu.memory_space<vmem>> -> memref<64xf32, #tpu.memory_space<vmem>>
      %dma_start3A_406 = arith.constant 0 : i32
      %dma_start3A_407 = tpu.memref_slice %arg9[%squeeze3A_401, %dma_start3A_406] : memref<100000x64xf32, #tpu.memory_space<hbm>> -> memref<1x64xf32, #tpu.memory_space<hbm>>
      %dma_start3A_408 = tpu.memref_squeeze %dma_start3A_407 : memref<1x64xf32, #tpu.memory_space<hbm>> -> memref<64xf32, #tpu.memory_space<hbm>>
      %dma_start3A_409 = arith.constant 64 : i32
      %dma_start3A_410 = tpu.memref_slice %arg13[%dma_start3A_402, %add3A_384, %dma_start3A_409] : memref<3x128x128xf32, #tpu.memory_space<vmem>> -> memref<1x1x64xf32, #tpu.memory_space<vmem>>
      %dma_start3A_411 = tpu.memref_squeeze %dma_start3A_410 : memref<1x1x64xf32, #tpu.memory_space<vmem>> -> memref<64xf32, #tpu.memory_space<vmem>>
      %dma_start3A_412 = arith.constant 0 : i32
      %dma_start3A_413 = tpu.memref_slice %arg9[%squeeze3A_401, %dma_start3A_412] : memref<100000x64xf32, #tpu.memory_space<hbm>> -> memref<1x64xf32, #tpu.memory_space<hbm>>
      %dma_start3A_414 = tpu.memref_squeeze %dma_start3A_413 : memref<1x64xf32, #tpu.memory_space<hbm>> -> memref<64xf32, #tpu.memory_space<hbm>>
      tpu.enqueue_dma source(%dma_start3A_414 : memref<64xf32, #tpu.memory_space<hbm>>) target(%dma_start3A_411 : memref<64xf32, #tpu.memory_space<vmem>>) target_semaphore(%arg16 : memref<!tpu.dma_semaphore, #tpu.memory_space<semaphore_mem>>)
      %mul3A_415 = arith.constant 16 : i32
      %mul3A_416 = arith.muli %scan3A_135, %mul3A_415 : i32
      %add3A_417 = arith.constant 8 : i32
      %add3A_418 = arith.addi %mul3A_416, %add3A_417 : i32
      %slice3A_419 = vector.extract_strided_slice %get3A_139 {offsets = [8], sizes = [1], strides = [1]} : vector<16xi32> to vector<1xi32>
      %squeeze3A_420 = vector.extract %slice3A_419[0] : i32 from vector<1xi32>
      %dma_start3A_421 = arith.constant 2 : i32
      %dma_start3A_422 = arith.constant 0 : i32
      %dma_start3A_423 = tpu.memref_slice %arg13[%dma_start3A_421, %add3A_418, %dma_start3A_422] : memref<3x128x128xf32, #tpu.memory_space<vmem>> -> memref<1x1x64xf32, #tpu.memory_space<vmem>>
      %dma_start3A_424 = tpu.memref_squeeze %dma_start3A_423 : memref<1x1x64xf32, #tpu.memory_space<vmem>> -> memref<64xf32, #tpu.memory_space<vmem>>
      %dma_start3A_425 = arith.constant 0 : i32
      %dma_start3A_426 = tpu.memref_slice %arg8[%squeeze3A_420, %dma_start3A_425] : memref<100000x64xf32, #tpu.memory_space<hbm>> -> memref<1x64xf32, #tpu.memory_space<hbm>>
      %dma_start3A_427 = tpu.memref_squeeze %dma_start3A_426 : memref<1x64xf32, #tpu.memory_space<hbm>> -> memref<64xf32, #tpu.memory_space<hbm>>
      %dma_start3A_428 = arith.constant 0 : i32
      %dma_start3A_429 = tpu.memref_slice %arg13[%dma_start3A_421, %add3A_418, %dma_start3A_428] : memref<3x128x128xf32, #tpu.memory_space<vmem>> -> memref<1x1x64xf32, #tpu.memory_space<vmem>>
      %dma_start3A_430 = tpu.memref_squeeze %dma_start3A_429 : memref<1x1x64xf32, #tpu.memory_space<vmem>> -> memref<64xf32, #tpu.memory_space<vmem>>
      %dma_start3A_431 = arith.constant 0 : i32
      %dma_start3A_432 = tpu.memref_slice %arg8[%squeeze3A_420, %dma_start3A_431] : memref<100000x64xf32, #tpu.memory_space<hbm>> -> memref<1x64xf32, #tpu.memory_space<hbm>>
      %dma_start3A_433 = tpu.memref_squeeze %dma_start3A_432 : memref<1x64xf32, #tpu.memory_space<hbm>> -> memref<64xf32, #tpu.memory_space<hbm>>
      tpu.enqueue_dma source(%dma_start3A_433 : memref<64xf32, #tpu.memory_space<hbm>>) target(%dma_start3A_430 : memref<64xf32, #tpu.memory_space<vmem>>) target_semaphore(%arg16 : memref<!tpu.dma_semaphore, #tpu.memory_space<semaphore_mem>>)
      %slice3A_434 = vector.extract_strided_slice %get3A_144 {offsets = [8], sizes = [1], strides = [1]} : vector<16xi32> to vector<1xi32>
      %squeeze3A_435 = vector.extract %slice3A_434[0] : i32 from vector<1xi32>
      %dma_start3A_436 = arith.constant 2 : i32
      %dma_start3A_437 = arith.constant 64 : i32
      %dma_start3A_438 = tpu.memref_slice %arg13[%dma_start3A_436, %add3A_418, %dma_start3A_437] : memref<3x128x128xf32, #tpu.memory_space<vmem>> -> memref<1x1x64xf32, #tpu.memory_space<vmem>>
      %dma_start3A_439 = tpu.memref_squeeze %dma_start3A_438 : memref<1x1x64xf32, #tpu.memory_space<vmem>> -> memref<64xf32, #tpu.memory_space<vmem>>
      %dma_start3A_440 = arith.constant 0 : i32
      %dma_start3A_441 = tpu.memref_slice %arg9[%squeeze3A_435, %dma_start3A_440] : memref<100000x64xf32, #tpu.memory_space<hbm>> -> memref<1x64xf32, #tpu.memory_space<hbm>>
      %dma_start3A_442 = tpu.memref_squeeze %dma_start3A_441 : memref<1x64xf32, #tpu.memory_space<hbm>> -> memref<64xf32, #tpu.memory_space<hbm>>
      %dma_start3A_443 = arith.constant 64 : i32
      %dma_start3A_444 = tpu.memref_slice %arg13[%dma_start3A_436, %add3A_418, %dma_start3A_443] : memref<3x128x128xf32, #tpu.memory_space<vmem>> -> memref<1x1x64xf32, #tpu.memory_space<vmem>>
      %dma_start3A_445 = tpu.memref_squeeze %dma_start3A_444 : memref<1x1x64xf32, #tpu.memory_space<vmem>> -> memref<64xf32, #tpu.memory_space<vmem>>
      %dma_start3A_446 = arith.constant 0 : i32
      %dma_start3A_447 = tpu.memref_slice %arg9[%squeeze3A_435, %dma_start3A_446] : memref<100000x64xf32, #tpu.memory_space<hbm>> -> memref<1x64xf32, #tpu.memory_space<hbm>>
      %dma_start3A_448 = tpu.memref_squeeze %dma_start3A_447 : memref<1x64xf32, #tpu.memory_space<hbm>> -> memref<64xf32, #tpu.memory_space<hbm>>
      tpu.enqueue_dma source(%dma_start3A_448 : memref<64xf32, #tpu.memory_space<hbm>>) target(%dma_start3A_445 : memref<64xf32, #tpu.memory_space<vmem>>) target_semaphore(%arg16 : memref<!tpu.dma_semaphore, #tpu.memory_space<semaphore_mem>>)
      %mul3A_449 = arith.constant 16 : i32
      %mul3A_450 = arith.muli %scan3A_135, %mul3A_449 : i32
      %add3A_451 = arith.constant 9 : i32
      %add3A_452 = arith.addi %mul3A_450, %add3A_451 : i32
      %slice3A_453 = vector.extract_strided_slice %get3A_139 {offsets = [9], sizes = [1], strides = [1]} : vector<16xi32> to vector<1xi32>
      %squeeze3A_454 = vector.extract %slice3A_453[0] : i32 from vector<1xi32>
      %dma_start3A_455 = arith.constant 2 : i32
      %dma_start3A_456 = arith.constant 0 : i32
      %dma_start3A_457 = tpu.memref_slice %arg13[%dma_start3A_455, %add3A_452, %dma_start3A_456] : memref<3x128x128xf32, #tpu.memory_space<vmem>> -> memref<1x1x64xf32, #tpu.memory_space<vmem>>
      %dma_start3A_458 = tpu.memref_squeeze %dma_start3A_457 : memref<1x1x64xf32, #tpu.memory_space<vmem>> -> memref<64xf32, #tpu.memory_space<vmem>>
      %dma_start3A_459 = arith.constant 0 : i32
      %dma_start3A_460 = tpu.memref_slice %arg8[%squeeze3A_454, %dma_start3A_459] : memref<100000x64xf32, #tpu.memory_space<hbm>> -> memref<1x64xf32, #tpu.memory_space<hbm>>
      %dma_start3A_461 = tpu.memref_squeeze %dma_start3A_460 : memref<1x64xf32, #tpu.memory_space<hbm>> -> memref<64xf32, #tpu.memory_space<hbm>>
      %dma_start3A_462 = arith.constant 0 : i32
      %dma_start3A_463 = tpu.memref_slice %arg13[%dma_start3A_455, %add3A_452, %dma_start3A_462] : memref<3x128x128xf32, #tpu.memory_space<vmem>> -> memref<1x1x64xf32, #tpu.memory_space<vmem>>
      %dma_start3A_464 = tpu.memref_squeeze %dma_start3A_463 : memref<1x1x64xf32, #tpu.memory_space<vmem>> -> memref<64xf32, #tpu.memory_space<vmem>>
      %dma_start3A_465 = arith.constant 0 : i32
      %dma_start3A_466 = tpu.memref_slice %arg8[%squeeze3A_454, %dma_start3A_465] : memref<100000x64xf32, #tpu.memory_space<hbm>> -> memref<1x64xf32, #tpu.memory_space<hbm>>
      %dma_start3A_467 = tpu.memref_squeeze %dma_start3A_466 : memref<1x64xf32, #tpu.memory_space<hbm>> -> memref<64xf32, #tpu.memory_space<hbm>>
      tpu.enqueue_dma source(%dma_start3A_467 : memref<64xf32, #tpu.memory_space<hbm>>) target(%dma_start3A_464 : memref<64xf32, #tpu.memory_space<vmem>>) target_semaphore(%arg16 : memref<!tpu.dma_semaphore, #tpu.memory_space<semaphore_mem>>)
      %slice3A_468 = vector.extract_strided_slice %get3A_144 {offsets = [9], sizes = [1], strides = [1]} : vector<16xi32> to vector<1xi32>
      %squeeze3A_469 = vector.extract %slice3A_468[0] : i32 from vector<1xi32>
      %dma_start3A_470 = arith.constant 2 : i32
      %dma_start3A_471 = arith.constant 64 : i32
      %dma_start3A_472 = tpu.memref_slice %arg13[%dma_start3A_470, %add3A_452, %dma_start3A_471] : memref<3x128x128xf32, #tpu.memory_space<vmem>> -> memref<1x1x64xf32, #tpu.memory_space<vmem>>
      %dma_start3A_473 = tpu.memref_squeeze %dma_start3A_472 : memref<1x1x64xf32, #tpu.memory_space<vmem>> -> memref<64xf32, #tpu.memory_space<vmem>>
      %dma_start3A_474 = arith.constant 0 : i32
      %dma_start3A_475 = tpu.memref_slice %arg9[%squeeze3A_469, %dma_start3A_474] : memref<100000x64xf32, #tpu.memory_space<hbm>> -> memref<1x64xf32, #tpu.memory_space<hbm>>
      %dma_start3A_476 = tpu.memref_squeeze %dma_start3A_475 : memref<1x64xf32, #tpu.memory_space<hbm>> -> memref<64xf32, #tpu.memory_space<hbm>>
      %dma_start3A_477 = arith.constant 64 : i32
      %dma_start3A_478 = tpu.memref_slice %arg13[%dma_start3A_470, %add3A_452, %dma_start3A_477] : memref<3x128x128xf32, #tpu.memory_space<vmem>> -> memref<1x1x64xf32, #tpu.memory_space<vmem>>
      %dma_start3A_479 = tpu.memref_squeeze %dma_start3A_478 : memref<1x1x64xf32, #tpu.memory_space<vmem>> -> memref<64xf32, #tpu.memory_space<vmem>>
      %dma_start3A_480 = arith.constant 0 : i32
      %dma_start3A_481 = tpu.memref_slice %arg9[%squeeze3A_469, %dma_start3A_480] : memref<100000x64xf32, #tpu.memory_space<hbm>> -> memref<1x64xf32, #tpu.memory_space<hbm>>
      %dma_start3A_482 = tpu.memref_squeeze %dma_start3A_481 : memref<1x64xf32, #tpu.memory_space<hbm>> -> memref<64xf32, #tpu.memory_space<hbm>>
      tpu.enqueue_dma source(%dma_start3A_482 : memref<64xf32, #tpu.memory_space<hbm>>) target(%dma_start3A_479 : memref<64xf32, #tpu.memory_space<vmem>>) target_semaphore(%arg16 : memref<!tpu.dma_semaphore, #tpu.memory_space<semaphore_mem>>)
      %mul3A_483 = arith.constant 16 : i32
      %mul3A_484 = arith.muli %scan3A_135, %mul3A_483 : i32
      %add3A_485 = arith.constant 10 : i32
      %add3A_486 = arith.addi %mul3A_484, %add3A_485 : i32
      %slice3A_487 = vector.extract_strided_slice %get3A_139 {offsets = [10], sizes = [1], strides = [1]} : vector<16xi32> to vector<1xi32>
      %squeeze3A_488 = vector.extract %slice3A_487[0] : i32 from vector<1xi32>
      %dma_start3A_489 = arith.constant 2 : i32
      %dma_start3A_490 = arith.constant 0 : i32
      %dma_start3A_491 = tpu.memref_slice %arg13[%dma_start3A_489, %add3A_486, %dma_start3A_490] : memref<3x128x128xf32, #tpu.memory_space<vmem>> -> memref<1x1x64xf32, #tpu.memory_space<vmem>>
      %dma_start3A_492 = tpu.memref_squeeze %dma_start3A_491 : memref<1x1x64xf32, #tpu.memory_space<vmem>> -> memref<64xf32, #tpu.memory_space<vmem>>
      %dma_start3A_493 = arith.constant 0 : i32
      %dma_start3A_494 = tpu.memref_slice %arg8[%squeeze3A_488, %dma_start3A_493] : memref<100000x64xf32, #tpu.memory_space<hbm>> -> memref<1x64xf32, #tpu.memory_space<hbm>>
      %dma_start3A_495 = tpu.memref_squeeze %dma_start3A_494 : memref<1x64xf32, #tpu.memory_space<hbm>> -> memref<64xf32, #tpu.memory_space<hbm>>
      %dma_start3A_496 = arith.constant 0 : i32
      %dma_start3A_497 = tpu.memref_slice %arg13[%dma_start3A_489, %add3A_486, %dma_start3A_496] : memref<3x128x128xf32, #tpu.memory_space<vmem>> -> memref<1x1x64xf32, #tpu.memory_space<vmem>>
      %dma_start3A_498 = tpu.memref_squeeze %dma_start3A_497 : memref<1x1x64xf32, #tpu.memory_space<vmem>> -> memref<64xf32, #tpu.memory_space<vmem>>
      %dma_start3A_499 = arith.constant 0 : i32
      %dma_start3A_500 = tpu.memref_slice %arg8[%squeeze3A_488, %dma_start3A_499] : memref<100000x64xf32, #tpu.memory_space<hbm>> -> memref<1x64xf32, #tpu.memory_space<hbm>>
      %dma_start3A_501 = tpu.memref_squeeze %dma_start3A_500 : memref<1x64xf32, #tpu.memory_space<hbm>> -> memref<64xf32, #tpu.memory_space<hbm>>
      tpu.enqueue_dma source(%dma_start3A_501 : memref<64xf32, #tpu.memory_space<hbm>>) target(%dma_start3A_498 : memref<64xf32, #tpu.memory_space<vmem>>) target_semaphore(%arg16 : memref<!tpu.dma_semaphore, #tpu.memory_space<semaphore_mem>>)
      %slice3A_502 = vector.extract_strided_slice %get3A_144 {offsets = [10], sizes = [1], strides = [1]} : vector<16xi32> to vector<1xi32>
      %squeeze3A_503 = vector.extract %slice3A_502[0] : i32 from vector<1xi32>
      %dma_start3A_504 = arith.constant 2 : i32
      %dma_start3A_505 = arith.constant 64 : i32
      %dma_start3A_506 = tpu.memref_slice %arg13[%dma_start3A_504, %add3A_486, %dma_start3A_505] : memref<3x128x128xf32, #tpu.memory_space<vmem>> -> memref<1x1x64xf32, #tpu.memory_space<vmem>>
      %dma_start3A_507 = tpu.memref_squeeze %dma_start3A_506 : memref<1x1x64xf32, #tpu.memory_space<vmem>> -> memref<64xf32, #tpu.memory_space<vmem>>
      %dma_start3A_508 = arith.constant 0 : i32
      %dma_start3A_509 = tpu.memref_slice %arg9[%squeeze3A_503, %dma_start3A_508] : memref<100000x64xf32, #tpu.memory_space<hbm>> -> memref<1x64xf32, #tpu.memory_space<hbm>>
      %dma_start3A_510 = tpu.memref_squeeze %dma_start3A_509 : memref<1x64xf32, #tpu.memory_space<hbm>> -> memref<64xf32, #tpu.memory_space<hbm>>
      %dma_start3A_511 = arith.constant 64 : i32
      %dma_start3A_512 = tpu.memref_slice %arg13[%dma_start3A_504, %add3A_486, %dma_start3A_511] : memref<3x128x128xf32, #tpu.memory_space<vmem>> -> memref<1x1x64xf32, #tpu.memory_space<vmem>>
      %dma_start3A_513 = tpu.memref_squeeze %dma_start3A_512 : memref<1x1x64xf32, #tpu.memory_space<vmem>> -> memref<64xf32, #tpu.memory_space<vmem>>
      %dma_start3A_514 = arith.constant 0 : i32
      %dma_start3A_515 = tpu.memref_slice %arg9[%squeeze3A_503, %dma_start3A_514] : memref<100000x64xf32, #tpu.memory_space<hbm>> -> memref<1x64xf32, #tpu.memory_space<hbm>>
      %dma_start3A_516 = tpu.memref_squeeze %dma_start3A_515 : memref<1x64xf32, #tpu.memory_space<hbm>> -> memref<64xf32, #tpu.memory_space<hbm>>
      tpu.enqueue_dma source(%dma_start3A_516 : memref<64xf32, #tpu.memory_space<hbm>>) target(%dma_start3A_513 : memref<64xf32, #tpu.memory_space<vmem>>) target_semaphore(%arg16 : memref<!tpu.dma_semaphore, #tpu.memory_space<semaphore_mem>>)
      %mul3A_517 = arith.constant 16 : i32
      %mul3A_518 = arith.muli %scan3A_135, %mul3A_517 : i32
      %add3A_519 = arith.constant 11 : i32
      %add3A_520 = arith.addi %mul3A_518, %add3A_519 : i32
      %slice3A_521 = vector.extract_strided_slice %get3A_139 {offsets = [11], sizes = [1], strides = [1]} : vector<16xi32> to vector<1xi32>
      %squeeze3A_522 = vector.extract %slice3A_521[0] : i32 from vector<1xi32>
      %dma_start3A_523 = arith.constant 2 : i32
      %dma_start3A_524 = arith.constant 0 : i32
      %dma_start3A_525 = tpu.memref_slice %arg13[%dma_start3A_523, %add3A_520, %dma_start3A_524] : memref<3x128x128xf32, #tpu.memory_space<vmem>> -> memref<1x1x64xf32, #tpu.memory_space<vmem>>
      %dma_start3A_526 = tpu.memref_squeeze %dma_start3A_525 : memref<1x1x64xf32, #tpu.memory_space<vmem>> -> memref<64xf32, #tpu.memory_space<vmem>>
      %dma_start3A_527 = arith.constant 0 : i32
      %dma_start3A_528 = tpu.memref_slice %arg8[%squeeze3A_522, %dma_start3A_527] : memref<100000x64xf32, #tpu.memory_space<hbm>> -> memref<1x64xf32, #tpu.memory_space<hbm>>
      %dma_start3A_529 = tpu.memref_squeeze %dma_start3A_528 : memref<1x64xf32, #tpu.memory_space<hbm>> -> memref<64xf32, #tpu.memory_space<hbm>>
      %dma_start3A_530 = arith.constant 0 : i32
      %dma_start3A_531 = tpu.memref_slice %arg13[%dma_start3A_523, %add3A_520, %dma_start3A_530] : memref<3x128x128xf32, #tpu.memory_space<vmem>> -> memref<1x1x64xf32, #tpu.memory_space<vmem>>
      %dma_start3A_532 = tpu.memref_squeeze %dma_start3A_531 : memref<1x1x64xf32, #tpu.memory_space<vmem>> -> memref<64xf32, #tpu.memory_space<vmem>>
      %dma_start3A_533 = arith.constant 0 : i32
      %dma_start3A_534 = tpu.memref_slice %arg8[%squeeze3A_522, %dma_start3A_533] : memref<100000x64xf32, #tpu.memory_space<hbm>> -> memref<1x64xf32, #tpu.memory_space<hbm>>
      %dma_start3A_535 = tpu.memref_squeeze %dma_start3A_534 : memref<1x64xf32, #tpu.memory_space<hbm>> -> memref<64xf32, #tpu.memory_space<hbm>>
      tpu.enqueue_dma source(%dma_start3A_535 : memref<64xf32, #tpu.memory_space<hbm>>) target(%dma_start3A_532 : memref<64xf32, #tpu.memory_space<vmem>>) target_semaphore(%arg16 : memref<!tpu.dma_semaphore, #tpu.memory_space<semaphore_mem>>)
      %slice3A_536 = vector.extract_strided_slice %get3A_144 {offsets = [11], sizes = [1], strides = [1]} : vector<16xi32> to vector<1xi32>
      %squeeze3A_537 = vector.extract %slice3A_536[0] : i32 from vector<1xi32>
      %dma_start3A_538 = arith.constant 2 : i32
      %dma_start3A_539 = arith.constant 64 : i32
      %dma_start3A_540 = tpu.memref_slice %arg13[%dma_start3A_538, %add3A_520, %dma_start3A_539] : memref<3x128x128xf32, #tpu.memory_space<vmem>> -> memref<1x1x64xf32, #tpu.memory_space<vmem>>
      %dma_start3A_541 = tpu.memref_squeeze %dma_start3A_540 : memref<1x1x64xf32, #tpu.memory_space<vmem>> -> memref<64xf32, #tpu.memory_space<vmem>>
      %dma_start3A_542 = arith.constant 0 : i32
      %dma_start3A_543 = tpu.memref_slice %arg9[%squeeze3A_537, %dma_start3A_542] : memref<100000x64xf32, #tpu.memory_space<hbm>> -> memref<1x64xf32, #tpu.memory_space<hbm>>
      %dma_start3A_544 = tpu.memref_squeeze %dma_start3A_543 : memref<1x64xf32, #tpu.memory_space<hbm>> -> memref<64xf32, #tpu.memory_space<hbm>>
      %dma_start3A_545 = arith.constant 64 : i32
      %dma_start3A_546 = tpu.memref_slice %arg13[%dma_start3A_538, %add3A_520, %dma_start3A_545] : memref<3x128x128xf32, #tpu.memory_space<vmem>> -> memref<1x1x64xf32, #tpu.memory_space<vmem>>
      %dma_start3A_547 = tpu.memref_squeeze %dma_start3A_546 : memref<1x1x64xf32, #tpu.memory_space<vmem>> -> memref<64xf32, #tpu.memory_space<vmem>>
      %dma_start3A_548 = arith.constant 0 : i32
      %dma_start3A_549 = tpu.memref_slice %arg9[%squeeze3A_537, %dma_start3A_548] : memref<100000x64xf32, #tpu.memory_space<hbm>> -> memref<1x64xf32, #tpu.memory_space<hbm>>
      %dma_start3A_550 = tpu.memref_squeeze %dma_start3A_549 : memref<1x64xf32, #tpu.memory_space<hbm>> -> memref<64xf32, #tpu.memory_space<hbm>>
      tpu.enqueue_dma source(%dma_start3A_550 : memref<64xf32, #tpu.memory_space<hbm>>) target(%dma_start3A_547 : memref<64xf32, #tpu.memory_space<vmem>>) target_semaphore(%arg16 : memref<!tpu.dma_semaphore, #tpu.memory_space<semaphore_mem>>)
      %mul3A_551 = arith.constant 16 : i32
      %mul3A_552 = arith.muli %scan3A_135, %mul3A_551 : i32
      %add3A_553 = arith.constant 12 : i32
      %add3A_554 = arith.addi %mul3A_552, %add3A_553 : i32
      %slice3A_555 = vector.extract_strided_slice %get3A_139 {offsets = [12], sizes = [1], strides = [1]} : vector<16xi32> to vector<1xi32>
      %squeeze3A_556 = vector.extract %slice3A_555[0] : i32 from vector<1xi32>
      %dma_start3A_557 = arith.constant 2 : i32
      %dma_start3A_558 = arith.constant 0 : i32
      %dma_start3A_559 = tpu.memref_slice %arg13[%dma_start3A_557, %add3A_554, %dma_start3A_558] : memref<3x128x128xf32, #tpu.memory_space<vmem>> -> memref<1x1x64xf32, #tpu.memory_space<vmem>>
      %dma_start3A_560 = tpu.memref_squeeze %dma_start3A_559 : memref<1x1x64xf32, #tpu.memory_space<vmem>> -> memref<64xf32, #tpu.memory_space<vmem>>
      %dma_start3A_561 = arith.constant 0 : i32
      %dma_start3A_562 = tpu.memref_slice %arg8[%squeeze3A_556, %dma_start3A_561] : memref<100000x64xf32, #tpu.memory_space<hbm>> -> memref<1x64xf32, #tpu.memory_space<hbm>>
      %dma_start3A_563 = tpu.memref_squeeze %dma_start3A_562 : memref<1x64xf32, #tpu.memory_space<hbm>> -> memref<64xf32, #tpu.memory_space<hbm>>
      %dma_start3A_564 = arith.constant 0 : i32
      %dma_start3A_565 = tpu.memref_slice %arg13[%dma_start3A_557, %add3A_554, %dma_start3A_564] : memref<3x128x128xf32, #tpu.memory_space<vmem>> -> memref<1x1x64xf32, #tpu.memory_space<vmem>>
      %dma_start3A_566 = tpu.memref_squeeze %dma_start3A_565 : memref<1x1x64xf32, #tpu.memory_space<vmem>> -> memref<64xf32, #tpu.memory_space<vmem>>
      %dma_start3A_567 = arith.constant 0 : i32
      %dma_start3A_568 = tpu.memref_slice %arg8[%squeeze3A_556, %dma_start3A_567] : memref<100000x64xf32, #tpu.memory_space<hbm>> -> memref<1x64xf32, #tpu.memory_space<hbm>>
      %dma_start3A_569 = tpu.memref_squeeze %dma_start3A_568 : memref<1x64xf32, #tpu.memory_space<hbm>> -> memref<64xf32, #tpu.memory_space<hbm>>
      tpu.enqueue_dma source(%dma_start3A_569 : memref<64xf32, #tpu.memory_space<hbm>>) target(%dma_start3A_566 : memref<64xf32, #tpu.memory_space<vmem>>) target_semaphore(%arg16 : memref<!tpu.dma_semaphore, #tpu.memory_space<semaphore_mem>>)
      %slice3A_570 = vector.extract_strided_slice %get3A_144 {offsets = [12], sizes = [1], strides = [1]} : vector<16xi32> to vector<1xi32>
      %squeeze3A_571 = vector.extract %slice3A_570[0] : i32 from vector<1xi32>
      %dma_start3A_572 = arith.constant 2 : i32
      %dma_start3A_573 = arith.constant 64 : i32
      %dma_start3A_574 = tpu.memref_slice %arg13[%dma_start3A_572, %add3A_554, %dma_start3A_573] : memref<3x128x128xf32, #tpu.memory_space<vmem>> -> memref<1x1x64xf32, #tpu.memory_space<vmem>>
      %dma_start3A_575 = tpu.memref_squeeze %dma_start3A_574 : memref<1x1x64xf32, #tpu.memory_space<vmem>> -> memref<64xf32, #tpu.memory_space<vmem>>
      %dma_start3A_576 = arith.constant 0 : i32
      %dma_start3A_577 = tpu.memref_slice %arg9[%squeeze3A_571, %dma_start3A_576] : memref<100000x64xf32, #tpu.memory_space<hbm>> -> memref<1x64xf32, #tpu.memory_space<hbm>>
      %dma_start3A_578 = tpu.memref_squeeze %dma_start3A_577 : memref<1x64xf32, #tpu.memory_space<hbm>> -> memref<64xf32, #tpu.memory_space<hbm>>
      %dma_start3A_579 = arith.constant 64 : i32
      %dma_start3A_580 = tpu.memref_slice %arg13[%dma_start3A_572, %add3A_554, %dma_start3A_579] : memref<3x128x128xf32, #tpu.memory_space<vmem>> -> memref<1x1x64xf32, #tpu.memory_space<vmem>>
      %dma_start3A_581 = tpu.memref_squeeze %dma_start3A_580 : memref<1x1x64xf32, #tpu.memory_space<vmem>> -> memref<64xf32, #tpu.memory_space<vmem>>
      %dma_start3A_582 = arith.constant 0 : i32
      %dma_start3A_583 = tpu.memref_slice %arg9[%squeeze3A_571, %dma_start3A_582] : memref<100000x64xf32, #tpu.memory_space<hbm>> -> memref<1x64xf32, #tpu.memory_space<hbm>>
      %dma_start3A_584 = tpu.memref_squeeze %dma_start3A_583 : memref<1x64xf32, #tpu.memory_space<hbm>> -> memref<64xf32, #tpu.memory_space<hbm>>
      tpu.enqueue_dma source(%dma_start3A_584 : memref<64xf32, #tpu.memory_space<hbm>>) target(%dma_start3A_581 : memref<64xf32, #tpu.memory_space<vmem>>) target_semaphore(%arg16 : memref<!tpu.dma_semaphore, #tpu.memory_space<semaphore_mem>>)
      %mul3A_585 = arith.constant 16 : i32
      %mul3A_586 = arith.muli %scan3A_135, %mul3A_585 : i32
      %add3A_587 = arith.constant 13 : i32
      %add3A_588 = arith.addi %mul3A_586, %add3A_587 : i32
      %slice3A_589 = vector.extract_strided_slice %get3A_139 {offsets = [13], sizes = [1], strides = [1]} : vector<16xi32> to vector<1xi32>
      %squeeze3A_590 = vector.extract %slice3A_589[0] : i32 from vector<1xi32>
      %dma_start3A_591 = arith.constant 2 : i32
      %dma_start3A_592 = arith.constant 0 : i32
      %dma_start3A_593 = tpu.memref_slice %arg13[%dma_start3A_591, %add3A_588, %dma_start3A_592] : memref<3x128x128xf32, #tpu.memory_space<vmem>> -> memref<1x1x64xf32, #tpu.memory_space<vmem>>
      %dma_start3A_594 = tpu.memref_squeeze %dma_start3A_593 : memref<1x1x64xf32, #tpu.memory_space<vmem>> -> memref<64xf32, #tpu.memory_space<vmem>>
      %dma_start3A_595 = arith.constant 0 : i32
      %dma_start3A_596 = tpu.memref_slice %arg8[%squeeze3A_590, %dma_start3A_595] : memref<100000x64xf32, #tpu.memory_space<hbm>> -> memref<1x64xf32, #tpu.memory_space<hbm>>
      %dma_start3A_597 = tpu.memref_squeeze %dma_start3A_596 : memref<1x64xf32, #tpu.memory_space<hbm>> -> memref<64xf32, #tpu.memory_space<hbm>>
      %dma_start3A_598 = arith.constant 0 : i32
      %dma_start3A_599 = tpu.memref_slice %arg13[%dma_start3A_591, %add3A_588, %dma_start3A_598] : memref<3x128x128xf32, #tpu.memory_space<vmem>> -> memref<1x1x64xf32, #tpu.memory_space<vmem>>
      %dma_start3A_600 = tpu.memref_squeeze %dma_start3A_599 : memref<1x1x64xf32, #tpu.memory_space<vmem>> -> memref<64xf32, #tpu.memory_space<vmem>>
      %dma_start3A_601 = arith.constant 0 : i32
      %dma_start3A_602 = tpu.memref_slice %arg8[%squeeze3A_590, %dma_start3A_601] : memref<100000x64xf32, #tpu.memory_space<hbm>> -> memref<1x64xf32, #tpu.memory_space<hbm>>
      %dma_start3A_603 = tpu.memref_squeeze %dma_start3A_602 : memref<1x64xf32, #tpu.memory_space<hbm>> -> memref<64xf32, #tpu.memory_space<hbm>>
      tpu.enqueue_dma source(%dma_start3A_603 : memref<64xf32, #tpu.memory_space<hbm>>) target(%dma_start3A_600 : memref<64xf32, #tpu.memory_space<vmem>>) target_semaphore(%arg16 : memref<!tpu.dma_semaphore, #tpu.memory_space<semaphore_mem>>)
      %slice3A_604 = vector.extract_strided_slice %get3A_144 {offsets = [13], sizes = [1], strides = [1]} : vector<16xi32> to vector<1xi32>
      %squeeze3A_605 = vector.extract %slice3A_604[0] : i32 from vector<1xi32>
      %dma_start3A_606 = arith.constant 2 : i32
      %dma_start3A_607 = arith.constant 64 : i32
      %dma_start3A_608 = tpu.memref_slice %arg13[%dma_start3A_606, %add3A_588, %dma_start3A_607] : memref<3x128x128xf32, #tpu.memory_space<vmem>> -> memref<1x1x64xf32, #tpu.memory_space<vmem>>
      %dma_start3A_609 = tpu.memref_squeeze %dma_start3A_608 : memref<1x1x64xf32, #tpu.memory_space<vmem>> -> memref<64xf32, #tpu.memory_space<vmem>>
      %dma_start3A_610 = arith.constant 0 : i32
      %dma_start3A_611 = tpu.memref_slice %arg9[%squeeze3A_605, %dma_start3A_610] : memref<100000x64xf32, #tpu.memory_space<hbm>> -> memref<1x64xf32, #tpu.memory_space<hbm>>
      %dma_start3A_612 = tpu.memref_squeeze %dma_start3A_611 : memref<1x64xf32, #tpu.memory_space<hbm>> -> memref<64xf32, #tpu.memory_space<hbm>>
      %dma_start3A_613 = arith.constant 64 : i32
      %dma_start3A_614 = tpu.memref_slice %arg13[%dma_start3A_606, %add3A_588, %dma_start3A_613] : memref<3x128x128xf32, #tpu.memory_space<vmem>> -> memref<1x1x64xf32, #tpu.memory_space<vmem>>
      %dma_start3A_615 = tpu.memref_squeeze %dma_start3A_614 : memref<1x1x64xf32, #tpu.memory_space<vmem>> -> memref<64xf32, #tpu.memory_space<vmem>>
      %dma_start3A_616 = arith.constant 0 : i32
      %dma_start3A_617 = tpu.memref_slice %arg9[%squeeze3A_605, %dma_start3A_616] : memref<100000x64xf32, #tpu.memory_space<hbm>> -> memref<1x64xf32, #tpu.memory_space<hbm>>
      %dma_start3A_618 = tpu.memref_squeeze %dma_start3A_617 : memref<1x64xf32, #tpu.memory_space<hbm>> -> memref<64xf32, #tpu.memory_space<hbm>>
      tpu.enqueue_dma source(%dma_start3A_618 : memref<64xf32, #tpu.memory_space<hbm>>) target(%dma_start3A_615 : memref<64xf32, #tpu.memory_space<vmem>>) target_semaphore(%arg16 : memref<!tpu.dma_semaphore, #tpu.memory_space<semaphore_mem>>)
      %mul3A_619 = arith.constant 16 : i32
      %mul3A_620 = arith.muli %scan3A_135, %mul3A_619 : i32
      %add3A_621 = arith.constant 14 : i32
      %add3A_622 = arith.addi %mul3A_620, %add3A_621 : i32
      %slice3A_623 = vector.extract_strided_slice %get3A_139 {offsets = [14], sizes = [1], strides = [1]} : vector<16xi32> to vector<1xi32>
      %squeeze3A_624 = vector.extract %slice3A_623[0] : i32 from vector<1xi32>
      %dma_start3A_625 = arith.constant 2 : i32
      %dma_start3A_626 = arith.constant 0 : i32
      %dma_start3A_627 = tpu.memref_slice %arg13[%dma_start3A_625, %add3A_622, %dma_start3A_626] : memref<3x128x128xf32, #tpu.memory_space<vmem>> -> memref<1x1x64xf32, #tpu.memory_space<vmem>>
      %dma_start3A_628 = tpu.memref_squeeze %dma_start3A_627 : memref<1x1x64xf32, #tpu.memory_space<vmem>> -> memref<64xf32, #tpu.memory_space<vmem>>
      %dma_start3A_629 = arith.constant 0 : i32
      %dma_start3A_630 = tpu.memref_slice %arg8[%squeeze3A_624, %dma_start3A_629] : memref<100000x64xf32, #tpu.memory_space<hbm>> -> memref<1x64xf32, #tpu.memory_space<hbm>>
      %dma_start3A_631 = tpu.memref_squeeze %dma_start3A_630 : memref<1x64xf32, #tpu.memory_space<hbm>> -> memref<64xf32, #tpu.memory_space<hbm>>
      %dma_start3A_632 = arith.constant 0 : i32
      %dma_start3A_633 = tpu.memref_slice %arg13[%dma_start3A_625, %add3A_622, %dma_start3A_632] : memref<3x128x128xf32, #tpu.memory_space<vmem>> -> memref<1x1x64xf32, #tpu.memory_space<vmem>>
      %dma_start3A_634 = tpu.memref_squeeze %dma_start3A_633 : memref<1x1x64xf32, #tpu.memory_space<vmem>> -> memref<64xf32, #tpu.memory_space<vmem>>
      %dma_start3A_635 = arith.constant 0 : i32
      %dma_start3A_636 = tpu.memref_slice %arg8[%squeeze3A_624, %dma_start3A_635] : memref<100000x64xf32, #tpu.memory_space<hbm>> -> memref<1x64xf32, #tpu.memory_space<hbm>>
      %dma_start3A_637 = tpu.memref_squeeze %dma_start3A_636 : memref<1x64xf32, #tpu.memory_space<hbm>> -> memref<64xf32, #tpu.memory_space<hbm>>
      tpu.enqueue_dma source(%dma_start3A_637 : memref<64xf32, #tpu.memory_space<hbm>>) target(%dma_start3A_634 : memref<64xf32, #tpu.memory_space<vmem>>) target_semaphore(%arg16 : memref<!tpu.dma_semaphore, #tpu.memory_space<semaphore_mem>>)
      %slice3A_638 = vector.extract_strided_slice %get3A_144 {offsets = [14], sizes = [1], strides = [1]} : vector<16xi32> to vector<1xi32>
      %squeeze3A_639 = vector.extract %slice3A_638[0] : i32 from vector<1xi32>
      %dma_start3A_640 = arith.constant 2 : i32
      %dma_start3A_641 = arith.constant 64 : i32
      %dma_start3A_642 = tpu.memref_slice %arg13[%dma_start3A_640, %add3A_622, %dma_start3A_641] : memref<3x128x128xf32, #tpu.memory_space<vmem>> -> memref<1x1x64xf32, #tpu.memory_space<vmem>>
      %dma_start3A_643 = tpu.memref_squeeze %dma_start3A_642 : memref<1x1x64xf32, #tpu.memory_space<vmem>> -> memref<64xf32, #tpu.memory_space<vmem>>
      %dma_start3A_644 = arith.constant 0 : i32
      %dma_start3A_645 = tpu.memref_slice %arg9[%squeeze3A_639, %dma_start3A_644] : memref<100000x64xf32, #tpu.memory_space<hbm>> -> memref<1x64xf32, #tpu.memory_space<hbm>>
      %dma_start3A_646 = tpu.memref_squeeze %dma_start3A_645 : memref<1x64xf32, #tpu.memory_space<hbm>> -> memref<64xf32, #tpu.memory_space<hbm>>
      %dma_start3A_647 = arith.constant 64 : i32
      %dma_start3A_648 = tpu.memref_slice %arg13[%dma_start3A_640, %add3A_622, %dma_start3A_647] : memref<3x128x128xf32, #tpu.memory_space<vmem>> -> memref<1x1x64xf32, #tpu.memory_space<vmem>>
      %dma_start3A_649 = tpu.memref_squeeze %dma_start3A_648 : memref<1x1x64xf32, #tpu.memory_space<vmem>> -> memref<64xf32, #tpu.memory_space<vmem>>
      %dma_start3A_650 = arith.constant 0 : i32
      %dma_start3A_651 = tpu.memref_slice %arg9[%squeeze3A_639, %dma_start3A_650] : memref<100000x64xf32, #tpu.memory_space<hbm>> -> memref<1x64xf32, #tpu.memory_space<hbm>>
      %dma_start3A_652 = tpu.memref_squeeze %dma_start3A_651 : memref<1x64xf32, #tpu.memory_space<hbm>> -> memref<64xf32, #tpu.memory_space<hbm>>
      tpu.enqueue_dma source(%dma_start3A_652 : memref<64xf32, #tpu.memory_space<hbm>>) target(%dma_start3A_649 : memref<64xf32, #tpu.memory_space<vmem>>) target_semaphore(%arg16 : memref<!tpu.dma_semaphore, #tpu.memory_space<semaphore_mem>>)
      %mul3A_653 = arith.constant 16 : i32
      %mul3A_654 = arith.muli %scan3A_135, %mul3A_653 : i32
      %add3A_655 = arith.constant 15 : i32
      %add3A_656 = arith.addi %mul3A_654, %add3A_655 : i32
      %slice3A_657 = vector.extract_strided_slice %get3A_139 {offsets = [15], sizes = [1], strides = [1]} : vector<16xi32> to vector<1xi32>
      %squeeze3A_658 = vector.extract %slice3A_657[0] : i32 from vector<1xi32>
      %dma_start3A_659 = arith.constant 2 : i32
      %dma_start3A_660 = arith.constant 0 : i32
      %dma_start3A_661 = tpu.memref_slice %arg13[%dma_start3A_659, %add3A_656, %dma_start3A_660] : memref<3x128x128xf32, #tpu.memory_space<vmem>> -> memref<1x1x64xf32, #tpu.memory_space<vmem>>
      %dma_start3A_662 = tpu.memref_squeeze %dma_start3A_661 : memref<1x1x64xf32, #tpu.memory_space<vmem>> -> memref<64xf32, #tpu.memory_space<vmem>>
      %dma_start3A_663 = arith.constant 0 : i32
      %dma_start3A_664 = tpu.memref_slice %arg8[%squeeze3A_658, %dma_start3A_663] : memref<100000x64xf32, #tpu.memory_space<hbm>> -> memref<1x64xf32, #tpu.memory_space<hbm>>
      %dma_start3A_665 = tpu.memref_squeeze %dma_start3A_664 : memref<1x64xf32, #tpu.memory_space<hbm>> -> memref<64xf32, #tpu.memory_space<hbm>>
      %dma_start3A_666 = arith.constant 0 : i32
      %dma_start3A_667 = tpu.memref_slice %arg13[%dma_start3A_659, %add3A_656, %dma_start3A_666] : memref<3x128x128xf32, #tpu.memory_space<vmem>> -> memref<1x1x64xf32, #tpu.memory_space<vmem>>
      %dma_start3A_668 = tpu.memref_squeeze %dma_start3A_667 : memref<1x1x64xf32, #tpu.memory_space<vmem>> -> memref<64xf32, #tpu.memory_space<vmem>>
      %dma_start3A_669 = arith.constant 0 : i32
      %dma_start3A_670 = tpu.memref_slice %arg8[%squeeze3A_658, %dma_start3A_669] : memref<100000x64xf32, #tpu.memory_space<hbm>> -> memref<1x64xf32, #tpu.memory_space<hbm>>
      %dma_start3A_671 = tpu.memref_squeeze %dma_start3A_670 : memref<1x64xf32, #tpu.memory_space<hbm>> -> memref<64xf32, #tpu.memory_space<hbm>>
      tpu.enqueue_dma source(%dma_start3A_671 : memref<64xf32, #tpu.memory_space<hbm>>) target(%dma_start3A_668 : memref<64xf32, #tpu.memory_space<vmem>>) target_semaphore(%arg16 : memref<!tpu.dma_semaphore, #tpu.memory_space<semaphore_mem>>)
      %slice3A_672 = vector.extract_strided_slice %get3A_144 {offsets = [15], sizes = [1], strides = [1]} : vector<16xi32> to vector<1xi32>
      %squeeze3A_673 = vector.extract %slice3A_672[0] : i32 from vector<1xi32>
      %dma_start3A_674 = arith.constant 2 : i32
      %dma_start3A_675 = arith.constant 64 : i32
      %dma_start3A_676 = tpu.memref_slice %arg13[%dma_start3A_674, %add3A_656, %dma_start3A_675] : memref<3x128x128xf32, #tpu.memory_space<vmem>> -> memref<1x1x64xf32, #tpu.memory_space<vmem>>
      %dma_start3A_677 = tpu.memref_squeeze %dma_start3A_676 : memref<1x1x64xf32, #tpu.memory_space<vmem>> -> memref<64xf32, #tpu.memory_space<vmem>>
      %dma_start3A_678 = arith.constant 0 : i32
      %dma_start3A_679 = tpu.memref_slice %arg9[%squeeze3A_673, %dma_start3A_678] : memref<100000x64xf32, #tpu.memory_space<hbm>> -> memref<1x64xf32, #tpu.memory_space<hbm>>
      %dma_start3A_680 = tpu.memref_squeeze %dma_start3A_679 : memref<1x64xf32, #tpu.memory_space<hbm>> -> memref<64xf32, #tpu.memory_space<hbm>>
      %dma_start3A_681 = arith.constant 64 : i32
      %dma_start3A_682 = tpu.memref_slice %arg13[%dma_start3A_674, %add3A_656, %dma_start3A_681] : memref<3x128x128xf32, #tpu.memory_space<vmem>> -> memref<1x1x64xf32, #tpu.memory_space<vmem>>
      %dma_start3A_683 = tpu.memref_squeeze %dma_start3A_682 : memref<1x1x64xf32, #tpu.memory_space<vmem>> -> memref<64xf32, #tpu.memory_space<vmem>>
      %dma_start3A_684 = arith.constant 0 : i32
      %dma_start3A_685 = tpu.memref_slice %arg9[%squeeze3A_673, %dma_start3A_684] : memref<100000x64xf32, #tpu.memory_space<hbm>> -> memref<1x64xf32, #tpu.memory_space<hbm>>
      %dma_start3A_686 = tpu.memref_squeeze %dma_start3A_685 : memref<1x64xf32, #tpu.memory_space<hbm>> -> memref<64xf32, #tpu.memory_space<hbm>>
      tpu.enqueue_dma source(%dma_start3A_686 : memref<64xf32, #tpu.memory_space<hbm>>) target(%dma_start3A_683 : memref<64xf32, #tpu.memory_space<vmem>>) target_semaphore(%arg16 : memref<!tpu.dma_semaphore, #tpu.memory_space<semaphore_mem>>)
    }
    %scan3A_19 = arith.constant 8 : i32
    %dma_wait3A = arith.constant 0 : i32
    %dma_wait3A_20 = arith.constant 0 : i32
    %dma_wait3A_21 = arith.constant 0 : i32
    %dma_wait3A_22 = tpu.memref_slice %arg13[%dma_wait3A, %dma_wait3A_20, %dma_wait3A_21] : memref<3x128x128xf32, #tpu.memory_space<vmem>> -> memref<1x128x128xf32, #tpu.memory_space<vmem>>
    %dma_wait3A_23 = tpu.memref_squeeze %dma_wait3A_22 : memref<1x128x128xf32, #tpu.memory_space<vmem>> -> memref<128x128xf32, #tpu.memory_space<vmem>>
    %dma_wait3A_24 = arith.constant 0 : i32
    %dma_wait3A_25 = tpu.memref_slice %arg10[%mul3A_2, %dma_wait3A_24] : memref<4096x384xf32, #tpu.memory_space<hbm>> -> memref<128x128xf32, #tpu.memory_space<hbm>>
    %dma_wait3A_26 = arith.constant 0 : i32
    %dma_wait3A_27 = arith.constant 0 : i32
    %dma_wait3A_28 = tpu.memref_slice %arg13[%dma_wait3A, %dma_wait3A_26, %dma_wait3A_27] : memref<3x128x128xf32, #tpu.memory_space<vmem>> -> memref<1x128x128xf32, #tpu.memory_space<vmem>>
    %dma_wait3A_29 = tpu.memref_squeeze %dma_wait3A_28 : memref<1x128x128xf32, #tpu.memory_space<vmem>> -> memref<128x128xf32, #tpu.memory_space<vmem>>
    %dma_wait3A_30 = arith.constant 0 : i32
    %dma_wait3A_31 = tpu.memref_slice %arg10[%mul3A_2, %dma_wait3A_30] : memref<4096x384xf32, #tpu.memory_space<hbm>> -> memref<128x128xf32, #tpu.memory_space<hbm>>
    tpu.wait_dma2 semaphore(%arg14 : memref<!tpu.dma_semaphore, #tpu.memory_space<semaphore_mem>>) src(%dma_wait3A_31 : memref<128x128xf32, #tpu.memory_space<hbm>>) dst(%dma_wait3A_29 : memref<128x128xf32, #tpu.memory_space<vmem>>)
    %dma_start3A = arith.constant 0 : i32
    %dma_start3A_32 = arith.constant 0 : i32
    %dma_start3A_33 = arith.constant 0 : i32
    %dma_start3A_34 = tpu.memref_slice %arg13[%dma_start3A, %dma_start3A_32, %dma_start3A_33] : memref<3x128x128xf32, #tpu.memory_space<vmem>> -> memref<1x128x128xf32, #tpu.memory_space<vmem>>
    %dma_start3A_35 = tpu.memref_squeeze %dma_start3A_34 : memref<1x128x128xf32, #tpu.memory_space<vmem>> -> memref<128x128xf32, #tpu.memory_space<vmem>>
    %dma_start3A_36 = arith.constant 0 : i32
    %dma_start3A_37 = tpu.memref_slice %arg10[%mul3A_2, %dma_start3A_36] : memref<4096x384xf32, #tpu.memory_space<hbm>> -> memref<128x128xf32, #tpu.memory_space<hbm>>
    %dma_start3A_38 = arith.constant 0 : i32
    %dma_start3A_39 = tpu.memref_slice %arg10[%mul3A_2, %dma_start3A_38] : memref<4096x384xf32, #tpu.memory_space<hbm>> -> memref<128x128xf32, #tpu.memory_space<hbm>>
    %dma_start3A_40 = arith.constant 0 : i32
    %dma_start3A_41 = arith.constant 0 : i32
    %dma_start3A_42 = tpu.memref_slice %arg13[%dma_start3A, %dma_start3A_40, %dma_start3A_41] : memref<3x128x128xf32, #tpu.memory_space<vmem>> -> memref<1x128x128xf32, #tpu.memory_space<vmem>>
    %dma_start3A_43 = tpu.memref_squeeze %dma_start3A_42 : memref<1x128x128xf32, #tpu.memory_space<vmem>> -> memref<128x128xf32, #tpu.memory_space<vmem>>
    tpu.enqueue_dma source(%dma_start3A_43 : memref<128x128xf32, #tpu.memory_space<vmem>>) target(%dma_start3A_39 : memref<128x128xf32, #tpu.memory_space<hbm>>) target_semaphore(%arg17 : memref<!tpu.dma_semaphore, #tpu.memory_space<semaphore_mem>>)
    %dma_wait3A_44 = arith.constant 1 : i32
    %dma_wait3A_45 = arith.constant 0 : i32
    %dma_wait3A_46 = arith.constant 0 : i32
    %dma_wait3A_47 = tpu.memref_slice %arg13[%dma_wait3A_44, %dma_wait3A_45, %dma_wait3A_46] : memref<3x128x128xf32, #tpu.memory_space<vmem>> -> memref<1x128x128xf32, #tpu.memory_space<vmem>>
    %dma_wait3A_48 = tpu.memref_squeeze %dma_wait3A_47 : memref<1x128x128xf32, #tpu.memory_space<vmem>> -> memref<128x128xf32, #tpu.memory_space<vmem>>
    %dma_wait3A_49 = arith.constant 128 : i32
    %dma_wait3A_50 = tpu.memref_slice %arg10[%mul3A_2, %dma_wait3A_49] : memref<4096x384xf32, #tpu.memory_space<hbm>> -> memref<128x128xf32, #tpu.memory_space<hbm>>
    %dma_wait3A_51 = arith.constant 0 : i32
    %dma_wait3A_52 = arith.constant 0 : i32
    %dma_wait3A_53 = tpu.memref_slice %arg13[%dma_wait3A_44, %dma_wait3A_51, %dma_wait3A_52] : memref<3x128x128xf32, #tpu.memory_space<vmem>> -> memref<1x128x128xf32, #tpu.memory_space<vmem>>
    %dma_wait3A_54 = tpu.memref_squeeze %dma_wait3A_53 : memref<1x128x128xf32, #tpu.memory_space<vmem>> -> memref<128x128xf32, #tpu.memory_space<vmem>>
    %dma_wait3A_55 = arith.constant 128 : i32
    %dma_wait3A_56 = tpu.memref_slice %arg10[%mul3A_2, %dma_wait3A_55] : memref<4096x384xf32, #tpu.memory_space<hbm>> -> memref<128x128xf32, #tpu.memory_space<hbm>>
    tpu.wait_dma2 semaphore(%arg15 : memref<!tpu.dma_semaphore, #tpu.memory_space<semaphore_mem>>) src(%dma_wait3A_56 : memref<128x128xf32, #tpu.memory_space<hbm>>) dst(%dma_wait3A_54 : memref<128x128xf32, #tpu.memory_space<vmem>>)
    %dma_start3A_57 = arith.constant 1 : i32
    %dma_start3A_58 = arith.constant 0 : i32
    %dma_start3A_59 = arith.constant 0 : i32
    %dma_start3A_60 = tpu.memref_slice %arg13[%dma_start3A_57, %dma_start3A_58, %dma_start3A_59] : memref<3x128x128xf32, #tpu.memory_space<vmem>> -> memref<1x128x128xf32, #tpu.memory_space<vmem>>
    %dma_start3A_61 = tpu.memref_squeeze %dma_start3A_60 : memref<1x128x128xf32, #tpu.memory_space<vmem>> -> memref<128x128xf32, #tpu.memory_space<vmem>>
    %dma_start3A_62 = arith.constant 128 : i32
    %dma_start3A_63 = tpu.memref_slice %arg10[%mul3A_2, %dma_start3A_62] : memref<4096x384xf32, #tpu.memory_space<hbm>> -> memref<128x128xf32, #tpu.memory_space<hbm>>
    %dma_start3A_64 = arith.constant 128 : i32
    %dma_start3A_65 = tpu.memref_slice %arg10[%mul3A_2, %dma_start3A_64] : memref<4096x384xf32, #tpu.memory_space<hbm>> -> memref<128x128xf32, #tpu.memory_space<hbm>>
    %dma_start3A_66 = arith.constant 0 : i32
    %dma_start3A_67 = arith.constant 0 : i32
    %dma_start3A_68 = tpu.memref_slice %arg13[%dma_start3A_57, %dma_start3A_66, %dma_start3A_67] : memref<3x128x128xf32, #tpu.memory_space<vmem>> -> memref<1x128x128xf32, #tpu.memory_space<vmem>>
    %dma_start3A_69 = tpu.memref_squeeze %dma_start3A_68 : memref<1x128x128xf32, #tpu.memory_space<vmem>> -> memref<128x128xf32, #tpu.memory_space<vmem>>
    tpu.enqueue_dma source(%dma_start3A_69 : memref<128x128xf32, #tpu.memory_space<vmem>>) target(%dma_start3A_65 : memref<128x128xf32, #tpu.memory_space<hbm>>) target_semaphore(%arg17 : memref<!tpu.dma_semaphore, #tpu.memory_space<semaphore_mem>>)
    %dma_wait3A_70 = arith.constant 2 : i32
    %dma_wait3A_71 = arith.constant 0 : i32
    %dma_wait3A_72 = arith.constant 0 : i32
    %dma_wait3A_73 = tpu.memref_slice %arg13[%dma_wait3A_70, %dma_wait3A_71, %dma_wait3A_72] : memref<3x128x128xf32, #tpu.memory_space<vmem>> -> memref<1x128x128xf32, #tpu.memory_space<vmem>>
    %dma_wait3A_74 = tpu.memref_squeeze %dma_wait3A_73 : memref<1x128x128xf32, #tpu.memory_space<vmem>> -> memref<128x128xf32, #tpu.memory_space<vmem>>
    %dma_wait3A_75 = arith.constant 256 : i32
    %dma_wait3A_76 = tpu.memref_slice %arg10[%mul3A_2, %dma_wait3A_75] : memref<4096x384xf32, #tpu.memory_space<hbm>> -> memref<128x128xf32, #tpu.memory_space<hbm>>
    %dma_wait3A_77 = arith.constant 0 : i32
    %dma_wait3A_78 = arith.constant 0 : i32
    %dma_wait3A_79 = tpu.memref_slice %arg13[%dma_wait3A_70, %dma_wait3A_77, %dma_wait3A_78] : memref<3x128x128xf32, #tpu.memory_space<vmem>> -> memref<1x128x128xf32, #tpu.memory_space<vmem>>
    %dma_wait3A_80 = tpu.memref_squeeze %dma_wait3A_79 : memref<1x128x128xf32, #tpu.memory_space<vmem>> -> memref<128x128xf32, #tpu.memory_space<vmem>>
    %dma_wait3A_81 = arith.constant 256 : i32
    %dma_wait3A_82 = tpu.memref_slice %arg10[%mul3A_2, %dma_wait3A_81] : memref<4096x384xf32, #tpu.memory_space<hbm>> -> memref<128x128xf32, #tpu.memory_space<hbm>>
    tpu.wait_dma2 semaphore(%arg16 : memref<!tpu.dma_semaphore, #tpu.memory_space<semaphore_mem>>) src(%dma_wait3A_82 : memref<128x128xf32, #tpu.memory_space<hbm>>) dst(%dma_wait3A_80 : memref<128x128xf32, #tpu.memory_space<vmem>>)
    %dma_start3A_83 = arith.constant 2 : i32
    %dma_start3A_84 = arith.constant 0 : i32
    %dma_start3A_85 = arith.constant 0 : i32
    %dma_start3A_86 = tpu.memref_slice %arg13[%dma_start3A_83, %dma_start3A_84, %dma_start3A_85] : memref<3x128x128xf32, #tpu.memory_space<vmem>> -> memref<1x128x128xf32, #tpu.memory_space<vmem>>
    %dma_start3A_87 = tpu.memref_squeeze %dma_start3A_86 : memref<1x128x128xf32, #tpu.memory_space<vmem>> -> memref<128x128xf32, #tpu.memory_space<vmem>>
    %dma_start3A_88 = arith.constant 256 : i32
    %dma_start3A_89 = tpu.memref_slice %arg10[%mul3A_2, %dma_start3A_88] : memref<4096x384xf32, #tpu.memory_space<hbm>> -> memref<128x128xf32, #tpu.memory_space<hbm>>
    %dma_start3A_90 = arith.constant 256 : i32
    %dma_start3A_91 = tpu.memref_slice %arg10[%mul3A_2, %dma_start3A_90] : memref<4096x384xf32, #tpu.memory_space<hbm>> -> memref<128x128xf32, #tpu.memory_space<hbm>>
    %dma_start3A_92 = arith.constant 0 : i32
    %dma_start3A_93 = arith.constant 0 : i32
    %dma_start3A_94 = tpu.memref_slice %arg13[%dma_start3A_83, %dma_start3A_92, %dma_start3A_93] : memref<3x128x128xf32, #tpu.memory_space<vmem>> -> memref<1x128x128xf32, #tpu.memory_space<vmem>>
    %dma_start3A_95 = tpu.memref_squeeze %dma_start3A_94 : memref<1x128x128xf32, #tpu.memory_space<vmem>> -> memref<128x128xf32, #tpu.memory_space<vmem>>
    tpu.enqueue_dma source(%dma_start3A_95 : memref<128x128xf32, #tpu.memory_space<vmem>>) target(%dma_start3A_91 : memref<128x128xf32, #tpu.memory_space<hbm>>) target_semaphore(%arg17 : memref<!tpu.dma_semaphore, #tpu.memory_space<semaphore_mem>>)
    %dma_wait3A_96 = arith.constant 0 : i32
    %dma_wait3A_97 = arith.constant 0 : i32
    %dma_wait3A_98 = arith.constant 0 : i32
    %dma_wait3A_99 = tpu.memref_slice %arg13[%dma_wait3A_96, %dma_wait3A_97, %dma_wait3A_98] : memref<3x128x128xf32, #tpu.memory_space<vmem>> -> memref<1x128x128xf32, #tpu.memory_space<vmem>>
    %dma_wait3A_100 = tpu.memref_squeeze %dma_wait3A_99 : memref<1x128x128xf32, #tpu.memory_space<vmem>> -> memref<128x128xf32, #tpu.memory_space<vmem>>
    %dma_wait3A_101 = arith.constant 0 : i32
    %dma_wait3A_102 = tpu.memref_slice %arg10[%mul3A_2, %dma_wait3A_101] : memref<4096x384xf32, #tpu.memory_space<hbm>> -> memref<128x128xf32, #tpu.memory_space<hbm>>
    %dma_wait3A_103 = arith.constant 0 : i32
    %dma_wait3A_104 = tpu.memref_slice %arg10[%mul3A_2, %dma_wait3A_103] : memref<4096x384xf32, #tpu.memory_space<hbm>> -> memref<128x128xf32, #tpu.memory_space<hbm>>
    %dma_wait3A_105 = arith.constant 0 : i32
    %dma_wait3A_106 = arith.constant 0 : i32
    %dma_wait3A_107 = tpu.memref_slice %arg13[%dma_wait3A_96, %dma_wait3A_105, %dma_wait3A_106] : memref<3x128x128xf32, #tpu.memory_space<vmem>> -> memref<1x128x128xf32, #tpu.memory_space<vmem>>
    %dma_wait3A_108 = tpu.memref_squeeze %dma_wait3A_107 : memref<1x128x128xf32, #tpu.memory_space<vmem>> -> memref<128x128xf32, #tpu.memory_space<vmem>>
    tpu.wait_dma2 semaphore(%arg17 : memref<!tpu.dma_semaphore, #tpu.memory_space<semaphore_mem>>) src(%dma_wait3A_108 : memref<128x128xf32, #tpu.memory_space<vmem>>) dst(%dma_wait3A_104 : memref<128x128xf32, #tpu.memory_space<hbm>>)
    %dma_wait3A_109 = arith.constant 1 : i32
    %dma_wait3A_110 = arith.constant 0 : i32
    %dma_wait3A_111 = arith.constant 0 : i32
    %dma_wait3A_112 = tpu.memref_slice %arg13[%dma_wait3A_109, %dma_wait3A_110, %dma_wait3A_111] : memref<3x128x128xf32, #tpu.memory_space<vmem>> -> memref<1x128x128xf32, #tpu.memory_space<vmem>>
    %dma_wait3A_113 = tpu.memref_squeeze %dma_wait3A_112 : memref<1x128x128xf32, #tpu.memory_space<vmem>> -> memref<128x128xf32, #tpu.memory_space<vmem>>
    %dma_wait3A_114 = arith.constant 128 : i32
    %dma_wait3A_115 = tpu.memref_slice %arg10[%mul3A_2, %dma_wait3A_114] : memref<4096x384xf32, #tpu.memory_space<hbm>> -> memref<128x128xf32, #tpu.memory_space<hbm>>
    %dma_wait3A_116 = arith.constant 128 : i32
    %dma_wait3A_117 = tpu.memref_slice %arg10[%mul3A_2, %dma_wait3A_116] : memref<4096x384xf32, #tpu.memory_space<hbm>> -> memref<128x128xf32, #tpu.memory_space<hbm>>
    %dma_wait3A_118 = arith.constant 0 : i32
    %dma_wait3A_119 = arith.constant 0 : i32
    %dma_wait3A_120 = tpu.memref_slice %arg13[%dma_wait3A_109, %dma_wait3A_118, %dma_wait3A_119] : memref<3x128x128xf32, #tpu.memory_space<vmem>> -> memref<1x128x128xf32, #tpu.memory_space<vmem>>
    %dma_wait3A_121 = tpu.memref_squeeze %dma_wait3A_120 : memref<1x128x128xf32, #tpu.memory_space<vmem>> -> memref<128x128xf32, #tpu.memory_space<vmem>>
    tpu.wait_dma2 semaphore(%arg17 : memref<!tpu.dma_semaphore, #tpu.memory_space<semaphore_mem>>) src(%dma_wait3A_121 : memref<128x128xf32, #tpu.memory_space<vmem>>) dst(%dma_wait3A_117 : memref<128x128xf32, #tpu.memory_space<hbm>>)
    %dma_wait3A_122 = arith.constant 2 : i32
    %dma_wait3A_123 = arith.constant 0 : i32
    %dma_wait3A_124 = arith.constant 0 : i32
    %dma_wait3A_125 = tpu.memref_slice %arg13[%dma_wait3A_122, %dma_wait3A_123, %dma_wait3A_124] : memref<3x128x128xf32, #tpu.memory_space<vmem>> -> memref<1x128x128xf32, #tpu.memory_space<vmem>>
    %dma_wait3A_126 = tpu.memref_squeeze %dma_wait3A_125 : memref<1x128x128xf32, #tpu.memory_space<vmem>> -> memref<128x128xf32, #tpu.memory_space<vmem>>
    %dma_wait3A_127 = arith.constant 256 : i32
    %dma_wait3A_128 = tpu.memref_slice %arg10[%mul3A_2, %dma_wait3A_127] : memref<4096x384xf32, #tpu.memory_space<hbm>> -> memref<128x128xf32, #tpu.memory_space<hbm>>
    %dma_wait3A_129 = arith.constant 256 : i32
    %dma_wait3A_130 = tpu.memref_slice %arg10[%mul3A_2, %dma_wait3A_129] : memref<4096x384xf32, #tpu.memory_space<hbm>> -> memref<128x128xf32, #tpu.memory_space<hbm>>
    %dma_wait3A_131 = arith.constant 0 : i32
    %dma_wait3A_132 = arith.constant 0 : i32
    %dma_wait3A_133 = tpu.memref_slice %arg13[%dma_wait3A_122, %dma_wait3A_131, %dma_wait3A_132] : memref<3x128x128xf32, #tpu.memory_space<vmem>> -> memref<1x128x128xf32, #tpu.memory_space<vmem>>
    %dma_wait3A_134 = tpu.memref_squeeze %dma_wait3A_133 : memref<1x128x128xf32, #tpu.memory_space<vmem>> -> memref<128x128xf32, #tpu.memory_space<vmem>>
    tpu.wait_dma2 semaphore(%arg17 : memref<!tpu.dma_semaphore, #tpu.memory_space<semaphore_mem>>) src(%dma_wait3A_134 : memref<128x128xf32, #tpu.memory_space<vmem>>) dst(%dma_wait3A_130 : memref<128x128xf32, #tpu.memory_space<hbm>>)
    return
  }
}

</mosaic_0001>

<sc_bundles>
// kernel: kernel.3.cloned.1.call-start
scs
__scs_entry_jumppad:
0x0: {  	(pc) =	sbr.rel $0x88, $3  }
0x1: {  	(tag) =	ssettag $0x0;
	lr =	simm.s32 $0x1  }
0x2: {  	[smem:$0x3F99] =	sst lr;
	_ =	strace $0xD0000000  }
0x3: {  	_ = 	snop  }
0x4: {  	_ = 	snop  }
0x5: {  	_ = 	snop  }
0x6: {  	_ = 	snop  }
0x7: {  	_ = 	snop  }
__scs_overlays_trampoline_lowered:
0x8: {  	[smem:$0x3FA8] =	sst s0  }
0x9: {  	[smem:$0x3FA9] =	sst s1  }
0xa: {  	[smem:$0x3FAA] =	sst s2  }
0xb: {  	[smem:$0x3FAB] =	sst s3  }
0xc: {  	[smem:$0x3FAC] =	sst s4  }
0xd: {  	[smem:$0x3FAD] =	sst s5  }
0xe: {  	[smem:$0x3FAE] =	sst s6  }
0xf: {  	[smem:$0x3FAF] =	sst s7  }
0x10: {  	[smem:$0x3FB0] =	sst s8  }
0x11: {  	[smem:$0x3FB1] =	sst s9;
	s0 =	simm.s32 @!p0 $0x0  }
0x12: {  	s1 =	sld [smem:$0x3F97];
	s0 =	simm.s32 @p0 $0x1  }
0x13: {  	[smem:$0x3FB2] =	sst s0;
	s0 =	simm.s32 @!p1 $0x0  }
0x14: {  	s2 =	sld [smem:$0x3F96];
	s0 =	simm.s32 @p1 $0x1  }
0x15: {  	[smem:$0x3FB3] =	sst s0;
	s0 =	simm.s32 @!p2 $0x0  }
0x16: {  	s3 =	sld [smem:$0x3FDB];
	s0 =	simm.s32 @p2 $0x1  }
0x17: {  	s4 =	simm.s32 $0x1BF5;
	[smem:$0x3FB5] =	sst s0  }
0x18: {  	s0 =	sld [smem:$0x3F98];
	_ =	swait.ge [sflag:s4], $0x0  }
0x19: {  	s7 =	sld [smem:$0x3F99]  }
0x1a: {  	s8 =	sadd.s32 $0xFFFFE003, lr  }
0x1b: {  	s9 =	sadd.s32 $0xFFFFFEF7, lr;
	s5 =	simm.s32 $0xFFFFFFFF;
	p2 =	slt.u32 s8, $0xFFFFF086  }
0x1c: {  	p1 =	slt.u32 s9, $0xF7A;
	s5 =	simm.s32 @!p2 $0x0  }
0x1d: {  	s5 =	simm.s32 @p1 $0x1;
	p0 =	seq.s32 s7, s2  }
0x1e: {  	s7 =	smul.u32 @!p0 $0xF7A, s2;
	p2 =	seq.s32 @!p0 s5, $0x0  }
0x1f: {  	s9 =	smul.u32 $0xF7A, s1;
	s8 =	simm.s32 @!p0 $0x1BF5;
	p2 =	por !p2, p0  }
0x20: {  	[sflag:s8] =	ssyncset.s32 @!p0 $0xFFFFF086;
	s6 =	sadd.s32 @!p0 s3, s7;
	s7 =	simm.s32 @!p0 $0x108  }
0x21: {  	s3 =	sadd.s32 s3, s9;
	s6 =	sadd.s32 @!p0 $0x88, s6;
	s7 =	simm.s32 @p2 $0x1082  }
0x22: {  	[simem:s7], [sflag:s8] =	dma.local @!p0 [hbm:s6], $0xF7A  }
0x23: {  	s9 =	sor.u32 $0xD0000000, s2;
	s6 =	simm.s32 $0x108;
	_ =	swait.ge @!p0 [sflag:s8], $0x0  }
0x24: {  	s3 =	sadd.s32 $0x88, s3;
	s6 =	simm.s32 @!p1 $0x1082;
	[sflag:s4] =	ssyncset.s32 $0xFFFFF086  }
0x25: {  	[simem:s6], [sflag:s4] =	dma.local [hbm:s3], $0xF7A  }
0x26: {  	[smem:$0x3F99] =	sst s1;
	(tag) =	ssettag s2;
	_ =	strace s9  }
0x27: {  	s1 =	sld [smem:$0x3FA9]  }
0x28: {  	s2 =	sld [smem:$0x3FAA]  }
0x29: {  	s4 =	sld [smem:$0x3FAC]  }
0x2a: {  	p0 =	seq.s32 s5, $0x0;
	s5 =	sld [smem:$0x3FAD]  }
0x2b: {  	s6 =	sld [smem:$0x3FAE]  }
0x2c: {  	s7 =	sld [smem:$0x3FAF]  }
0x2d: {  	s3 =	simm.s32 $0x108;
	s8 =	sld [smem:$0x3FB0]  }
0x2e: {  	s3 =	simm.s32 @!p0 $0x1082;
	s9 =	sld [smem:$0x3FB1]  }
0x2f: {  	lr =	sadd.s32 s0, s3;
	s0 =	sld [smem:$0x3FA8]  }
0x30: {  	s3 =	sld [smem:$0x3FAB]  }
0x31: {  	[smem:$0x3FB4] =	sst s10  }
0x32: {  	s10 =	sld [smem:$0x3FB2];
	_ =	sdelay $0x3  }
0x33: {  	p0 =	seq.s32 s10, $0x1;
	s10 =	sld [smem:$0x3FB4];
	_ =	sdelay $0x3  }
0x34: {  	[smem:$0x3FB4] =	sst s10  }
0x35: {  	s10 =	sld [smem:$0x3FB3];
	_ =	sdelay $0x3  }
0x36: {  	p1 =	seq.s32 s10, $0x1;
	s10 =	sld [smem:$0x3FB4];
	_ =	sdelay $0x3  }
0x37: {  	[smem:$0x3FB4] =	sst s10  }
0x38: {  	s10 =	sld [smem:$0x3FB5]  }
0x39: {  	_ = 	snop;
	(pc) =	sbr.ind lr, $3  }
0x3a: {  	_ = 	snop  }
0x3b: {  	_ = 	snop  }
0x3c: {  	p2 =	seq.s32 s10, $0x1;
	s10 =	sld [smem:$0x3FB4]  }
0x3d: {  	_ =	shalt  }
0x3e: {  	_ =	shalt  }
0x3f: {  	_ =	shalt  }
0x40: {  	_ =	shalt  }
0x41: {  	_ =	shalt  }
0x42: {  	_ =	shalt  }
0x43: {  	_ =	shalt  }
0x44: {  	_ =	shalt  }
0x45: {  	_ =	shalt  }
0x46: {  	_ =	shalt  }
0x47: {  	_ =	shalt  }
0x48: {  	_ =	shalt  }
0x49: {  	_ =	shalt  }
0x4a: {  	_ =	shalt  }
0x4b: {  	_ =	shalt  }
0x4c: {  	_ =	shalt  }
0x4d: {  	_ =	shalt  }
0x4e: {  	_ =	shalt  }
0x4f: {  	_ =	shalt  }
0x50: {  	_ =	shalt  }
0x51: {  	_ =	shalt  }
0x52: {  	_ =	shalt  }
0x53: {  	_ =	shalt  }
0x54: {  	_ =	shalt  }
0x55: {  	_ =	shalt  }
0x56: {  	_ =	shalt  }
0x57: {  	_ =	shalt  }
0x58: {  	_ =	shalt  }
0x59: {  	_ =	shalt  }
0x5a: {  	_ =	shalt  }
0x5b: {  	_ =	shalt  }
0x5c: {  	_ =	shalt  }
0x5d: {  	_ =	shalt  }
0x5e: {  	_ =	shalt  }
0x5f: {  	_ =	shalt  }
0x60: {  	_ =	shalt  }
0x61: {  	_ =	shalt  }
0x62: {  	_ =	shalt  }
0x63: {  	_ =	shalt  }
0x64: {  	_ =	shalt  }
0x65: {  	_ =	shalt  }
0x66: {  	_ =	shalt  }
0x67: {  	_ =	shalt  }
0x68: {  	_ =	shalt  }
0x69: {  	_ =	shalt  }
0x6a: {  	_ =	shalt  }
0x6b: {  	_ =	shalt  }
0x6c: {  	_ =	shalt  }
0x6d: {  	_ =	shalt  }
0x6e: {  	_ =	shalt  }
0x6f: {  	_ =	shalt  }
0x70: {  	_ =	shalt  }
0x71: {  	_ =	shalt  }
0x72: {  	_ =	shalt  }
0x73: {  	_ =	shalt  }
0x74: {  	_ =	shalt  }
0x75: {  	_ =	shalt  }
0x76: {  	_ =	shalt  }
0x77: {  	_ =	shalt  }
0x78: {  	_ =	shalt  }
0x79: {  	_ =	shalt  }
0x7a: {  	_ =	shalt  }
0x7b: {  	_ =	shalt  }
0x7c: {  	_ =	shalt  }
0x7d: {  	_ =	shalt  }
0x7e: {  	_ =	shalt  }
0x7f: {  	_ =	shalt  }
0x80: {  	_ =	shalt  }
0x81: {  	_ =	shalt  }
0x82: {  	_ =	shalt  }
0x83: {  	_ =	shalt  }
0x84: {  	_ =	shalt  }
0x85: {  	_ =	shalt  }
0x86: {  	_ =	shalt  }
0x87: {  	_ =	shalt  }
.Lfunc_end0:
.L_simem_size_0:
called_computation_lowered:
.L_overlay_start_0:
0x88: {  	s2 =	sld [smem:$0x3FD9]  }
0x89: {  	s3 =	sld [smem:$0x3FFE];
	_ =	sdelay $0x1  }
0x8a: {  	s1 =	srdreg.scid  }
0x8b: {  	s0 =	sand.u32 $0x1, s1  }
0x8c: {  	s17 =	sshll.u32 s0, $0xA;
	s2 =	sadd.s32 s3, s2  }
0x8d: {  	s2 =	sadd.s32 s2, s17  }
0x8e: {  	[smem:$0x3FC0] =	sst s2  }
0x8f: {  	_ = 	snop  }
0x90: {  	s2 =	sld [smem:$0x3FC9]  }
0x91: {  	s18 =	sld [smem:$0x3FC8]  }
0x92: {  	s4 =	sld [smem:$0x3FD0];
	(tm) =	ssettm $0x1  }
0x93: {  	s5 =	sld [smem:$0x3FFB];
	_ =	sdelay $0x3  }
0x94: {  	_ =	strace s5  }
0x95: {  	s5 =	sld [smem:$0x3FFC];
	_ =	sdelay $0x3  }
0x96: {  	_ =	strace s5  }
0x97: {  	s5 =	sld [smem:$0x3FFD];
	_ =	sdelay $0x3  }
0x98: {  	_ =	strace s5  }
0x99: {  	_ =	strace $0x8FFFFFFF  }
0x9a: {  	s19 =	sld [smem:$0x3FDB];
	_ =	sdelay $0x1  }
0x9b: {  	s6 =	simm.s32 $_scs_section_size  }
0x9c: {  	s7 =	simm.s32 $_size__tile_overlayer_lowered;
	s8 =	simm.s32 $_tile_overlayer_lowered  }
0x9d: {  	s22 =	simm.s32 $0x1BFF;
	s21 =	sshll.u32 s8, $0x1;
	s5 =	sadd.s32 s6, s19  }
0x9e: {  	s9 =	simm.s32 $0x0;
	s20 =	sshll.u32 s7, $0x1;
	s7 =	sadd.s32 s21, s5  }
0x9f: {  	[timem:s9], [sflag:s22] =	dma.local [hbm:s7], s20  }
0xa0: {  	_ =	swait.ge [sflag:s22], s20  }
0xa1: {  	s6 =	ssub.s32 $0x0, s20;
	[sflag:s22] =	ssyncset.done $0x0  }
0xa2: {  	[sflag:s22] =	ssyncadd.s32 s6;
	_ =	sdelay $0x1  }
0xa3: {  	s23 =	simm.s32 $0x1B8B  }
0xa4: {  	_ =	swait.ge [sflag:s23], $0x1  }
0xa5: {  	[sflag:s23] =	ssyncset.done $0x0  }
0xa6: {  	s25 =	simm.s32 $0x1B8E;
	s24 =	sld [smem:$0x3FFE];
	[sflag:s23] =	ssyncadd.s32 $0xFFFFFFFF  }
0xa7: {  	s26 =	simm.s32 $execute0_lowered;
	[smem:$0x3FD2] =	sst s25  }
0xa8: {  	s7 =	sshll.u32 s26, $0x1;
	_ =	strace $0x80000046;
	[dreg:$0x1] =	wrdreg $0xFFFFFFFF  }
0xa9: {  	s28 =	simm.s32 $_size_execute0_lowered;
	s5 =	sadd.s32 s5, s7;
	[dreg:$0x0] =	wrdreg $0x0  }
0xaa: {  	s7 =	sshll.u32 s28, $0x1;
	[dreg:$0x2] =	wrdreg s5  }
0xab: {  	[dreg:$0x3] =	wrdreg s7  }
0xac: {  	[dreg:$0x4] =	wrdreg $0xC0  }
0xad: {  	_ =	task [dreg:s9], $0x5FFFF  }
0xae: {  	[dreg:$0x1] =	wrdreg $0xFFFFFFFF  }
0xaf: {  	[dreg:$0x0] =	wrdreg $0x60  }
0xb0: {  	[dreg:$0x2] =	wrdreg s2  }
0xb1: {  	[dreg:$0x3] =	wrdreg s18  }
0xb2: {  	[dreg:$0x4] =	wrdreg s24  }
0xb3: {  	[dreg:$0x5] =	wrdreg s4  }
0xb4: {  	[dreg:$0x6] =	wrdreg $0x9  }
0xb5: {  	_ =	task.clear_ibuf [dreg:s9], $0x7FFFF;
	_ =	strace $0x90000046  }
0xb6: {  	s29 =	simm.s32 $0x9;
	_ =	strace $0x80000048  }
0xb7: {  	_ =	swait.ge [sflag:s29], $0x1  }
0xb8: {  	[sflag:s29] =	ssyncadd.s32 $0xFFFFFFFF  }
0xb9: {  	_ =	strace $0x90000048  }
0xba: {  	_ =	sfence  }
0xbb: {  	s30 =	sld [smem:$0x0];
	_ =	sdelay $0x2  }
0xbc: {  	s31 =	sshll.u32 s1, $0xD;
	s1 =	sshrl.u32 s1, $0x2  }
0xbd: {  	s3 =	sand.u32 $0x4000, s31;
	s1 =	sadd.s32 s1, s30  }
0xbe: {  	s0 =	sor.u32 s3, s0;
	s1 =	sshll.u32 s1, $0x11  }
0xbf: {  	s0 =	sor.u32 s1, s0  }
0xc0: {  	s0 =	sadd.s32 $0x8F2B, s0  }
0xc1: {  	[sflag:s0] =	ssyncadd.remote.s32 $0x1  }
0xc2: {  	_ =	sfence.sel $0xFFFF  }
0xc3: {  	[dreg:$0x0] =	wrdreg $0xFFFFFFFF;
	(pc) =	sbr.abs _section_cstart, $3  }
0xc4: {  	[dreg:$0x1] =	wrdreg $0xFFFFFFFF  }
0xc5: {  	_ =	task.clear_ibuf [dreg:s9], $0x2FFFF;
	_ =	strace $0x9FFFFFFF  }
0xc6: {  	(tm) =	ssettm $0x7FFFFFFF  }
0xc7: {  	_ =	shalt  }
tec
execute0_lowered:
.L_overlay_start_1:
0x0: {  	(tag) =	ssettag $0x1  }
0x1: {  	s0 =	rddreg [dreg:$0x0]  }
0x2: {  	s2 =	rddreg [dreg:$0x1]  }
0x3: {  	s8 =	rddreg [dreg:$0x2]  }
0x4: {  	s9 =	rddreg [dreg:$0x3]  }
0x5: {  	s30 =	simm.s32 $0x0;
	s4 =	srdreg.scid;
	s25 =	stileid.u32  }
0x6: {  	s16 =	simm.s32 $0x400;
	[smem:$0x7FF] =	sst s30;
	s1 =	sadd.s32 $0x2200, s8  }
0x7: {  	s6 =	sand.u32 $0x1, s4;
	s3 =	sadd.s32 $0x188C00, s8;
	s7 =	sshll.u32 s25, $0x5  }
0x8: {  	_ =	strace $0x80000047;
	[dreg:$0x6] =	wrdreg s1;
	s10 =	sshll.u32 s6, $0x4  }
0x9: {  	s11 =	ssub.s32 $0x2, s6;
	[dreg:$0x5] =	wrdreg s3;
	s10 =	sor.u32 s10, s7  }
0xa: {  	s12 =	sshrl.u32 s11, $0x1;
	s13 =	smul.u32 $0x180, s10;
	s0 =	sadd.s32 s0, s10  }
0xb: {  	s11 =	ssub.s32 s11, s12;
	s26 =	sadd.s32 s2, s10;
	[dreg:$0x7] =	wrdreg s0  }
0xc: {  	s17 =	simm.s32 $0x80;
	[dreg:$0x8] =	wrdreg s26;
	s31 =	smax.u32 s11, $0x1  }
0xd: {  	s5 =	sadd.s32 $0x30F600, s8;
	s28 =	sadd.s32 s9, s13;
	[dreg:$0xc] =	wrdreg s31  }
0xe: {  	s6 =	sadd.s32 $0x496000, s8;
	s29 =	sadd.s32 $0x80, s28;
	[dreg:$0x9] =	wrdreg s28  }
0xf: {  	s7 =	sadd.s32 $0x61CA00, s8;
	s0 =	sadd.s32 $0x100, s28;
	[dreg:$0xa] =	wrdreg s29  }
0x10: {  	s8 =	sadd.s32 $0x7A3400, s8;
	s2 =	simm.s32 $0x0;
	[dreg:$0xb] =	wrdreg s0  }
.LBB2_1:
0x11: {  	[dreg:$0xd] =	wrdreg s2  }
0x12: {  	s0 =	rddreg [dreg:$0x7];
	s1 =	simm.s32 $0x5  }
0x13: {  	[tilespmem:s30], [sflag:$0x5] =	stream.linear.gather [hbm4b:s0+s30], $0x80, $0x38;
	[tilespmem:$0xC100] =	vst v63  }
0x14: {  	_ =	swait.ge [sflag:s1], $0x80  }
0x15: {  	[sflag:s1] =	ssyncset.done $0x0  }
0x16: {  	s18 =	rddreg [dreg:$0x8];
	[sflag:s1] =	ssyncadd.s32 $0xFFFFFF80  }
0x17: {  	[tilespmem:s17], [sflag:$0x5] =	stream.linear.gather [hbm4b:s18+s30], $0x80, $0x38;
	[tilespmem:$0xC100] =	vst v63  }
0x18: {  	_ =	swait.ge [sflag:s1], $0x80  }
0x19: {  	[sflag:s1] =	ssyncset.done $0x0  }
0x1a: {  	[sflag:s1] =	ssyncadd.s32 $0xFFFFFF80  }
0x1b: {  	v0 =	vld [tilespmem:s30+$0x0];
	_ =	sdelay $0x3  }
0x1c: {  	v2 =	vld [tilespmem:s17+$0x0]  }
0x1d: {  	v1 =	vshll.u32 v0, $0x4  }
0x1e: {  	(v2sf) =	vpush v1, $0x0  }
0x1f: {  	(v2sf) =	vpush v1, $0x1  }
0x20: {  	(v2sf) =	vpush v1, $0x2  }
0x21: {  	v63 =	vshll.u32 v2, $0x4  }
0x22: {  	(v2sf) =	vpush v63, $0x0;
	_ =	sdelay $0x6  }
0x23: {  	(v2sf) =	vpush v63, $0x1;
	_ =	sdelay $0x3  }
0x24: {  	s19 =	spop (v2sf)  }
0x25: {  	s4 =	rddreg [dreg:$0x6];
	s0 =	sand.u32 $0x1FFFFFF0, s19;
	s20 =	spop (v2sf)  }
0x26: {  	s9 =	simm.s32 $0x100;
	s0 =	sadd.s32 s4, s0;
	s10 =	spop (v2sf)  }
0x27: {  	[tilespmem:s9], [sflag:$0x1] =	stream.strided.gather [hbm4b:s0+s17], $0x0, s16, s17, $0x38;
	[tilespmem:$0xC100] =	vst v63  }
0x28: {  	(v2sf) =	vpush v63, $0x2;
	s11 =	spop (v2sf)  }
0x29: {  	s21 =	sand.u32 $0x1FFFFFF0, s11  }
0x2a: {  	[tilespmem:s9], [sflag:$0x1] =	stream.linear.gather [hbm4b:s0+s30], $0x40, $0x38;
	[tilespmem:$0xC100] =	vst v63  }
0x2b: {  	s22 =	simm.s32 $0x140;
	s0 =	sadd.s32 s3, s21  }
0x2c: {  	(v2sf) =	vpush v1, $0x3;
	[tilespmem:s22], [sflag:$0x1] =	stream.strided.gather [hbm4b:s0+s17], $0x0, s16, s17, $0x38;
	[tilespmem:$0xC100] =	vst v63  }
0x2d: {  	s2 =	sand.u32 $0x1FFFFFF0, s20  }
0x2e: {  	(v2sf) =	vpush v63, $0x3;
	[tilespmem:s22], [sflag:$0x1] =	stream.linear.gather [hbm4b:s0+s30], $0x40, $0x38;
	[tilespmem:$0xC100] =	vst v63  }
0x2f: {  	s24 =	simm.s32 $0x180;
	s2 =	sadd.s32 s4, s2;
	s23 =	spop (v2sf)  }
0x30: {  	[tilespmem:s24], [sflag:$0x1] =	stream.strided.gather [hbm4b:s2+s17], $0x0, s16, s17, $0x38;
	[tilespmem:$0xC100] =	vst v63  }
0x31: {  	s0 =	sand.u32 $0x1FFFFFF0, s23  }
0x32: {  	[tilespmem:s24], [sflag:$0x1] =	stream.linear.gather [hbm4b:s2+s30], $0x40, $0x38;
	[tilespmem:$0xC100] =	vst v63  }
0x33: {  	s25 =	simm.s32 $0x1C0;
	s0 =	sadd.s32 s3, s0  }
0x34: {  	(v2sf) =	vpush v1, $0x4;
	[tilespmem:s25], [sflag:$0x1] =	stream.strided.gather [hbm4b:s0+s17], $0x0, s16, s17, $0x38;
	[tilespmem:$0xC100] =	vst v63  }
0x35: {  	s26 =	sand.u32 $0x1FFFFFF0, s10  }
0x36: {  	[tilespmem:s25], [sflag:$0x1] =	stream.linear.gather [hbm4b:s0+s30], $0x40, $0x38;
	[tilespmem:$0xC100] =	vst v63  }
0x37: {  	s1 =	simm.s32 $0x200;
	s9 =	sadd.s32 s4, s26;
	s28 =	spop (v2sf)  }
0x38: {  	(v2sf) =	vpush v63, $0x4;
	[tilespmem:s1], [sflag:$0x1] =	stream.strided.gather [hbm4b:s9+s17], $0x0, s16, s17, $0x38;
	[tilespmem:$0xC100] =	vst v63  }
0x39: {  	s0 =	sand.u32 $0x1FFFFFF0, s28  }
0x3a: {  	[tilespmem:s1], [sflag:$0x1] =	stream.linear.gather [hbm4b:s9+s30], $0x40, $0x38;
	[tilespmem:$0xC100] =	vst v63  }
0x3b: {  	s10 =	simm.s32 $0x240;
	s0 =	sadd.s32 s3, s0;
	s9 =	spop (v2sf)  }
0x3c: {  	(v2sf) =	vpush v1, $0x5;
	[tilespmem:s10], [sflag:$0x1] =	stream.strided.gather [hbm4b:s0+s17], $0x0, s16, s17, $0x38;
	[tilespmem:$0xC100] =	vst v63  }
0x3d: {  	s2 =	sand.u32 $0x1FFFFFF0, s9;
	s11 =	spop (v2sf)  }
0x3e: {  	(v2sf) =	vpush v63, $0x5;
	[tilespmem:s10], [sflag:$0x1] =	stream.linear.gather [hbm4b:s0+s30], $0x40, $0x38;
	[tilespmem:$0xC100] =	vst v63  }
0x3f: {  	s12 =	simm.s32 $0x280;
	s2 =	sadd.s32 s4, s2  }
0x40: {  	[tilespmem:s12], [sflag:$0x1] =	stream.strided.gather [hbm4b:s2+s17], $0x0, s16, s17, $0x38;
	[tilespmem:$0xC100] =	vst v63  }
0x41: {  	s0 =	sand.u32 $0x1FFFFFF0, s11  }
0x42: {  	[tilespmem:s12], [sflag:$0x1] =	stream.linear.gather [hbm4b:s2+s30], $0x40, $0x38;
	[tilespmem:$0xC100] =	vst v63  }
0x43: {  	s14 =	simm.s32 $0x2C0;
	s13 =	spop (v2sf);
	s0 =	sadd.s32 s3, s0  }
0x44: {  	(v2sf) =	vpush v1, $0x6;
	[tilespmem:s14], [sflag:$0x1] =	stream.strided.gather [hbm4b:s0+s17], $0x0, s16, s17, $0x38;
	[tilespmem:$0xC100] =	vst v63  }
0x45: {  	s2 =	sand.u32 $0x1FFFFFF0, s13  }
0x46: {  	[tilespmem:s14], [sflag:$0x1] =	stream.linear.gather [hbm4b:s0+s30], $0x40, $0x38;
	[tilespmem:$0xC100] =	vst v63  }
0x47: {  	s18 =	simm.s32 $0x300;
	s15 =	spop (v2sf);
	s2 =	sadd.s32 s4, s2  }
0x48: {  	(v2sf) =	vpush v63, $0x6;
	[tilespmem:s18], [sflag:$0x1] =	stream.strided.gather [hbm4b:s2+s17], $0x0, s16, s17, $0x38;
	[tilespmem:$0xC100] =	vst v63  }
0x49: {  	s0 =	sand.u32 $0x1FFFFFF0, s15  }
0x4a: {  	[tilespmem:s18], [sflag:$0x1] =	stream.linear.gather [hbm4b:s2+s30], $0x40, $0x38;
	[tilespmem:$0xC100] =	vst v63  }
0x4b: {  	s20 =	simm.s32 $0x340;
	s0 =	sadd.s32 s3, s0;
	s19 =	spop (v2sf)  }
0x4c: {  	(v2sf) =	vpush v1, $0x7;
	[tilespmem:s20], [sflag:$0x1] =	stream.strided.gather [hbm4b:s0+s17], $0x0, s16, s17, $0x38;
	[tilespmem:$0xC100] =	vst v63  }
0x4d: {  	s2 =	sand.u32 $0x1FFFFFF0, s19;
	s21 =	spop (v2sf)  }
0x4e: {  	(v2sf) =	vpush v63, $0x7;
	[tilespmem:s20], [sflag:$0x1] =	stream.linear.gather [hbm4b:s0+s30], $0x40, $0x38;
	[tilespmem:$0xC100] =	vst v63  }
0x4f: {  	s22 =	simm.s32 $0x380;
	s2 =	sadd.s32 s4, s2  }
0x50: {  	[tilespmem:s22], [sflag:$0x1] =	stream.strided.gather [hbm4b:s2+s17], $0x0, s16, s17, $0x38;
	[tilespmem:$0xC100] =	vst v63  }
0x51: {  	s0 =	sand.u32 $0x1FFFFFF0, s21  }
0x52: {  	[tilespmem:s22], [sflag:$0x1] =	stream.linear.gather [hbm4b:s2+s30], $0x40, $0x38;
	[tilespmem:$0xC100] =	vst v63  }
0x53: {  	s24 =	simm.s32 $0x3C0;
	s23 =	spop (v2sf);
	s0 =	sadd.s32 s3, s0  }
0x54: {  	(v2sf) =	vpush v1, $0x8;
	[tilespmem:s24], [sflag:$0x1] =	stream.strided.gather [hbm4b:s0+s17], $0x0, s16, s17, $0x38;
	[tilespmem:$0xC100] =	vst v63  }
0x55: {  	s2 =	sand.u32 $0x1FFFFFF0, s23  }
0x56: {  	[tilespmem:s24], [sflag:$0x1] =	stream.linear.gather [hbm4b:s0+s30], $0x40, $0x38;
	[tilespmem:$0xC100] =	vst v63  }
0x57: {  	s26 =	simm.s32 $0x400;
	s25 =	spop (v2sf);
	s2 =	sadd.s32 s4, s2  }
0x58: {  	(v2sf) =	vpush v63, $0x8;
	[tilespmem:s26], [sflag:$0x1] =	stream.strided.gather [hbm4b:s2+s17], $0x0, s16, s17, $0x38;
	[tilespmem:$0xC100] =	vst v63  }
0x59: {  	s0 =	sand.u32 $0x1FFFFFF0, s25  }
0x5a: {  	[tilespmem:s26], [sflag:$0x1] =	stream.linear.gather [hbm4b:s2+s30], $0x40, $0x38;
	[tilespmem:$0xC100] =	vst v63  }
0x5b: {  	s1 =	simm.s32 $0x440;
	s0 =	sadd.s32 s3, s0;
	s28 =	spop (v2sf)  }
0x5c: {  	(v2sf) =	vpush v1, $0x9;
	[tilespmem:s1], [sflag:$0x1] =	stream.strided.gather [hbm4b:s0+s17], $0x0, s16, s17, $0x38;
	[tilespmem:$0xC100] =	vst v63  }
0x5d: {  	s9 =	spop (v2sf);
	s2 =	sand.u32 $0x1FFFFFF0, s28  }
0x5e: {  	(v2sf) =	vpush v63, $0x9;
	[tilespmem:s1], [sflag:$0x1] =	stream.linear.gather [hbm4b:s0+s30], $0x40, $0x38;
	[tilespmem:$0xC100] =	vst v63  }
0x5f: {  	s10 =	simm.s32 $0x480;
	s2 =	sadd.s32 s4, s2  }
0x60: {  	[tilespmem:s10], [sflag:$0x1] =	stream.strided.gather [hbm4b:s2+s17], $0x0, s16, s17, $0x38;
	[tilespmem:$0xC100] =	vst v63  }
0x61: {  	s0 =	sand.u32 $0x1FFFFFF0, s9  }
0x62: {  	[tilespmem:s10], [sflag:$0x1] =	stream.linear.gather [hbm4b:s2+s30], $0x40, $0x38;
	[tilespmem:$0xC100] =	vst v63  }
0x63: {  	s12 =	simm.s32 $0x4C0;
	s11 =	spop (v2sf);
	s0 =	sadd.s32 s3, s0  }
0x64: {  	(v2sf) =	vpush v1, $0xA;
	[tilespmem:s12], [sflag:$0x1] =	stream.strided.gather [hbm4b:s0+s17], $0x0, s16, s17, $0x38;
	[tilespmem:$0xC100] =	vst v63  }
0x65: {  	s2 =	sand.u32 $0x1FFFFFF0, s11  }
0x66: {  	[tilespmem:s12], [sflag:$0x1] =	stream.linear.gather [hbm4b:s0+s30], $0x40, $0x38;
	[tilespmem:$0xC100] =	vst v63  }
0x67: {  	s14 =	simm.s32 $0x500;
	s13 =	spop (v2sf);
	s2 =	sadd.s32 s4, s2  }
0x68: {  	(v2sf) =	vpush v63, $0xA;
	[tilespmem:s14], [sflag:$0x1] =	stream.strided.gather [hbm4b:s2+s17], $0x0, s16, s17, $0x38;
	[tilespmem:$0xC100] =	vst v63  }
0x69: {  	s0 =	sand.u32 $0x1FFFFFF0, s13  }
0x6a: {  	[tilespmem:s14], [sflag:$0x1] =	stream.linear.gather [hbm4b:s2+s30], $0x40, $0x38;
	[tilespmem:$0xC100] =	vst v63  }
0x6b: {  	s18 =	simm.s32 $0x540;
	s15 =	spop (v2sf);
	s0 =	sadd.s32 s3, s0  }
0x6c: {  	(v2sf) =	vpush v1, $0xB;
	[tilespmem:s18], [sflag:$0x1] =	stream.strided.gather [hbm4b:s0+s17], $0x0, s16, s17, $0x38;
	[tilespmem:$0xC100] =	vst v63  }
0x6d: {  	s19 =	spop (v2sf);
	s2 =	sand.u32 $0x1FFFFFF0, s15  }
0x6e: {  	(v2sf) =	vpush v63, $0xB;
	[tilespmem:s18], [sflag:$0x1] =	stream.linear.gather [hbm4b:s0+s30], $0x40, $0x38;
	[tilespmem:$0xC100] =	vst v63  }
0x6f: {  	s20 =	simm.s32 $0x580;
	s2 =	sadd.s32 s4, s2  }
0x70: {  	[tilespmem:s20], [sflag:$0x1] =	stream.strided.gather [hbm4b:s2+s17], $0x0, s16, s17, $0x38;
	[tilespmem:$0xC100] =	vst v63  }
0x71: {  	s0 =	sand.u32 $0x1FFFFFF0, s19  }
0x72: {  	[tilespmem:s20], [sflag:$0x1] =	stream.linear.gather [hbm4b:s2+s30], $0x40, $0x38;
	[tilespmem:$0xC100] =	vst v63  }
0x73: {  	s22 =	simm.s32 $0x5C0;
	s21 =	spop (v2sf);
	s0 =	sadd.s32 s3, s0  }
0x74: {  	(v2sf) =	vpush v1, $0xC;
	[tilespmem:s22], [sflag:$0x1] =	stream.strided.gather [hbm4b:s0+s17], $0x0, s16, s17, $0x38;
	[tilespmem:$0xC100] =	vst v63  }
0x75: {  	s2 =	sand.u32 $0x1FFFFFF0, s21  }
0x76: {  	[tilespmem:s22], [sflag:$0x1] =	stream.linear.gather [hbm4b:s0+s30], $0x40, $0x38;
	[tilespmem:$0xC100] =	vst v63  }
0x77: {  	s24 =	simm.s32 $0x600;
	s23 =	spop (v2sf);
	s2 =	sadd.s32 s4, s2  }
0x78: {  	(v2sf) =	vpush v63, $0xC;
	[tilespmem:s24], [sflag:$0x1] =	stream.strided.gather [hbm4b:s2+s17], $0x0, s16, s17, $0x38;
	[tilespmem:$0xC100] =	vst v63  }
0x79: {  	s0 =	sand.u32 $0x1FFFFFF0, s23  }
0x7a: {  	[tilespmem:s24], [sflag:$0x1] =	stream.linear.gather [hbm4b:s2+s30], $0x40, $0x38;
	[tilespmem:$0xC100] =	vst v63  }
0x7b: {  	s26 =	simm.s32 $0x640;
	s25 =	spop (v2sf);
	s0 =	sadd.s32 s3, s0  }
0x7c: {  	(v2sf) =	vpush v1, $0xD;
	[tilespmem:s26], [sflag:$0x1] =	stream.strided.gather [hbm4b:s0+s17], $0x0, s16, s17, $0x38;
	[tilespmem:$0xC100] =	vst v63  }
0x7d: {  	s28 =	spop (v2sf);
	s2 =	sand.u32 $0x1FFFFFF0, s25  }
0x7e: {  	(v2sf) =	vpush v63, $0xD;
	[tilespmem:s26], [sflag:$0x1] =	stream.linear.gather [hbm4b:s0+s30], $0x40, $0x38;
	[tilespmem:$0xC100] =	vst v63  }
0x7f: {  	s1 =	simm.s32 $0x680;
	s2 =	sadd.s32 s4, s2  }
0x80: {  	[tilespmem:s1], [sflag:$0x1] =	stream.strided.gather [hbm4b:s2+s17], $0x0, s16, s17, $0x38;
	[tilespmem:$0xC100] =	vst v63  }
0x81: {  	s0 =	sand.u32 $0x1FFFFFF0, s28  }
0x82: {  	[tilespmem:s1], [sflag:$0x1] =	stream.linear.gather [hbm4b:s2+s30], $0x40, $0x38;
	[tilespmem:$0xC100] =	vst v63  }
0x83: {  	s11 =	simm.s32 $0x6C0;
	s10 =	spop (v2sf);
	s0 =	sadd.s32 s3, s0  }
0x84: {  	(v2sf) =	vpush v1, $0xE;
	[tilespmem:s11], [sflag:$0x1] =	stream.strided.gather [hbm4b:s0+s17], $0x0, s16, s17, $0x38;
	[tilespmem:$0xC100] =	vst v63  }
0x85: {  	s2 =	sand.u32 $0x1FFFFFF0, s10  }
0x86: {  	[tilespmem:s11], [sflag:$0x1] =	stream.linear.gather [hbm4b:s0+s30], $0x40, $0x38;
	[tilespmem:$0xC100] =	vst v63  }
0x87: {  	s13 =	simm.s32 $0x700;
	s12 =	spop (v2sf);
	s2 =	sadd.s32 s4, s2  }
0x88: {  	(v2sf) =	vpush v63, $0xE;
	[tilespmem:s13], [sflag:$0x1] =	stream.strided.gather [hbm4b:s2+s17], $0x0, s16, s17, $0x38;
	[tilespmem:$0xC100] =	vst v63  }
0x89: {  	s0 =	sand.u32 $0x1FFFFFF0, s12  }
0x8a: {  	[tilespmem:s13], [sflag:$0x1] =	stream.linear.gather [hbm4b:s2+s30], $0x40, $0x38;
	[tilespmem:$0xC100] =	vst v63  }
0x8b: {  	s15 =	simm.s32 $0x740;
	s14 =	spop (v2sf);
	s0 =	sadd.s32 s3, s0  }
0x8c: {  	(v2sf) =	vpush v1, $0xF;
	[tilespmem:s15], [sflag:$0x1] =	stream.strided.gather [hbm4b:s0+s17], $0x0, s16, s17, $0x38;
	[tilespmem:$0xC100] =	vst v63  }
0x8d: {  	s18 =	spop (v2sf);
	s2 =	sand.u32 $0x1FFFFFF0, s14  }
0x8e: {  	(v2sf) =	vpush v63, $0xF;
	[tilespmem:s15], [sflag:$0x1] =	stream.linear.gather [hbm4b:s0+s30], $0x40, $0x38;
	[tilespmem:$0xC100] =	vst v63  }
0x8f: {  	s19 =	simm.s32 $0x780;
	s2 =	sadd.s32 s4, s2  }
0x90: {  	[tilespmem:s19], [sflag:$0x1] =	stream.strided.gather [hbm4b:s2+s17], $0x0, s16, s17, $0x38;
	[tilespmem:$0xC100] =	vst v63  }
0x91: {  	s0 =	sand.u32 $0x1FFFFFF0, s18  }
0x92: {  	[tilespmem:s19], [sflag:$0x1] =	stream.linear.gather [hbm4b:s2+s30], $0x40, $0x38;
	[tilespmem:$0xC100] =	vst v63  }
0x93: {  	s21 =	simm.s32 $0x7C0;
	s20 =	spop (v2sf);
	s0 =	sadd.s32 s3, s0  }
0x94: {  	[tilespmem:s21], [sflag:$0x1] =	stream.strided.gather [hbm4b:s0+s17], $0x0, s16, s17, $0x38;
	[tilespmem:$0xC100] =	vst v63  }
0x95: {  	s2 =	sand.u32 $0x1FFFFFF0, s20  }
0x96: {  	[tilespmem:s21], [sflag:$0x1] =	stream.linear.gather [hbm4b:s0+s30], $0x40, $0x38;
	[tilespmem:$0xC100] =	vst v63  }
0x97: {  	s23 =	simm.s32 $0x800;
	s22 =	spop (v2sf);
	s2 =	sadd.s32 s4, s2  }
0x98: {  	[tilespmem:s23], [sflag:$0x1] =	stream.strided.gather [hbm4b:s2+s17], $0x0, s16, s17, $0x38;
	[tilespmem:$0xC100] =	vst v63  }
0x99: {  	s0 =	sand.u32 $0x1FFFFFF0, s22  }
0x9a: {  	[tilespmem:s23], [sflag:$0x1] =	stream.linear.gather [hbm4b:s2+s30], $0x40, $0x38;
	[tilespmem:$0xC100] =	vst v63  }
0x9b: {  	s25 =	simm.s32 $0x840;
	s24 =	spop (v2sf);
	s0 =	sadd.s32 s3, s0  }
0x9c: {  	[tilespmem:s25], [sflag:$0x1] =	stream.strided.gather [hbm4b:s0+s17], $0x0, s16, s17, $0x38;
	[tilespmem:$0xC100] =	vst v63  }
0x9d: {  	s26 =	spop (v2sf);
	s2 =	sand.u32 $0x1FFFFFF0, s24  }
0x9e: {  	[tilespmem:s25], [sflag:$0x1] =	stream.linear.gather [hbm4b:s0+s30], $0x40, $0x38;
	[tilespmem:$0xC100] =	vst v63  }
0x9f: {  	s28 =	simm.s32 $0x880;
	s2 =	sadd.s32 s4, s2;
	s0 =	sand.u32 $0x1FFFFFF0, s26  }
0xa0: {  	[tilespmem:s28], [sflag:$0x1] =	stream.strided.gather [hbm4b:s2+s17], $0x0, s16, s17, $0x38;
	[tilespmem:$0xC100] =	vst v63  }
0xa1: {  	s31 =	simm.s32 $0x0;
	s29 =	simm.s32 $0x0;
	s9 =	sadd.s32 s3, s0  }
0xa2: {  	[tilespmem:s28], [sflag:$0x1] =	stream.linear.gather [hbm4b:s2+s30], $0x40, $0x38;
	[tilespmem:$0xC100] =	vst v63  }
0xa3: {  	s0 =	simm.s32 $0x80;
	s2 =	simm.s32 $0x8C0;
	s30 =	simm.s32 $0x2000  }
0xa4: {  	[tilespmem:s2], [sflag:$0x1] =	stream.strided.gather [hbm4b:s9+s17], $0x0, s16, s17, $0x38;
	[tilespmem:$0xC100] =	vst v63  }
.LBB2_2:
0xa5: {  	s31 =	sadd.s32 $0x10, s31  }
0xa6: {  	[tilespmem:s2], [sflag:$0x1] =	stream.linear.gather [hbm4b:s9+s29], $0x40, $0x38;
	[tilespmem:$0xC100] =	vst v63  }
0xa7: {  	v0 =	vld [tilespmem:s31+$0x0];
	_ =	sdelay $0x2  }
0xa8: {  	s0 =	sadd.s32 $0x10, s0  }
0xa9: {  	v2 =	vld [tilespmem:s0+$0x0]  }
0xaa: {  	v1 =	vshll.u32 v0, $0x4  }
0xab: {  	(v2sf) =	vpush v1, $0x0  }
0xac: {  	(v2sf) =	vpush v1, $0x1  }
0xad: {  	(v2sf) =	vpush v1, $0x2  }
0xae: {  	v63 =	vshll.u32 v2, $0x4  }
0xaf: {  	(v2sf) =	vpush v63, $0x0;
	_ =	sdelay $0x4  }
0xb0: {  	(v2sf) =	vpush v63, $0x1;
	_ =	sdelay $0x1  }
0xb1: {  	(v2sf) =	vpush v63, $0x2;
	_ =	sdelay $0x1  }
0xb2: {  	(v2sf) =	vpush v1, $0x3;
	_ =	sdelay $0x1  }
0xb3: {  	s14 =	smov.u32 s30;
	s28 =	simm.s32 $0x80;
	(v2sf) =	vpush v63, $0x3;
	s15 =	spop (v2sf)  }
0xb4: {  	s2 =	sshra.s32 s14, $0x2;
	s9 =	sand.u32 $0x1FFFFFF0, s15;
	s10 =	spop (v2sf)  }
0xb5: {  	s11 =	sadd.s32 $0x100, s2;
	(v2sf) =	vpush v1, $0x4;
	s9 =	sadd.s32 s4, s9;
	s12 =	spop (v2sf)  }
0xb6: {  	[tilespmem:s11], [sflag:$0x1] =	stream.strided.gather [hbm4b:s9+s28], $0x0, s16, s28, $0x38;
	[tilespmem:$0xC100] =	vst v63  }
0xb7: {  	s13 =	spop (v2sf)  }
0xb8: {  	s29 =	simm.s32 $0x0;
	s19 =	sand.u32 $0x1FFFFFF0, s13  }
0xb9: {  	(v2sf) =	vpush v63, $0x4;
	[tilespmem:s11], [sflag:$0x1] =	stream.linear.gather [hbm4b:s9+s29], $0x40, $0x38;
	[tilespmem:$0xC100] =	vst v63  }
0xba: {  	s18 =	sadd.s32 $0x140, s2;
	s11 =	sadd.s32 s3, s19  }
0xbb: {  	[tilespmem:s18], [sflag:$0x1] =	stream.strided.gather [hbm4b:s11+s28], $0x0, s16, s28, $0x38;
	[tilespmem:$0xC100] =	vst v63  }
0xbc: {  	s10 =	sand.u32 $0x1FFFFFF0, s10;
	s20 =	spop (v2sf)  }
0xbd: {  	(v2sf) =	vpush v1, $0x5;
	[tilespmem:s18], [sflag:$0x1] =	stream.linear.gather [hbm4b:s11+s29], $0x40, $0x38;
	[tilespmem:$0xC100] =	vst v63  }
0xbe: {  	s14 =	sadd.s32 $0x180, s2;
	s10 =	sadd.s32 s4, s10;
	s15 =	spop (v2sf)  }
0xbf: {  	(v2sf) =	vpush v63, $0x5;
	[tilespmem:s14], [sflag:$0x1] =	stream.strided.gather [hbm4b:s10+s28], $0x0, s16, s28, $0x38;
	[tilespmem:$0xC100] =	vst v63  }
0xc0: {  	s13 =	sand.u32 $0x1FFFFFF0, s20;
	s23 =	spop (v2sf)  }
0xc1: {  	(v2sf) =	vpush v1, $0x6;
	[tilespmem:s14], [sflag:$0x1] =	stream.linear.gather [hbm4b:s10+s29], $0x40, $0x38;
	[tilespmem:$0xC100] =	vst v63  }
0xc2: {  	s21 =	sadd.s32 $0x1C0, s2;
	s13 =	sadd.s32 s3, s13;
	s18 =	spop (v2sf)  }
0xc3: {  	(v2sf) =	vpush v63, $0x6;
	[tilespmem:s21], [sflag:$0x1] =	stream.strided.gather [hbm4b:s13+s28], $0x0, s16, s28, $0x38;
	[tilespmem:$0xC100] =	vst v63  }
0xc4: {  	s12 =	sand.u32 $0x1FFFFFF0, s12;
	s24 =	spop (v2sf)  }
0xc5: {  	(v2sf) =	vpush v1, $0x7;
	[tilespmem:s21], [sflag:$0x1] =	stream.linear.gather [hbm4b:s13+s29], $0x40, $0x38;
	[tilespmem:$0xC100] =	vst v63  }
0xc6: {  	s25 =	sadd.s32 $0x200, s2;
	s12 =	sadd.s32 s4, s12  }
0xc7: {  	(v2sf) =	vpush v63, $0x7;
	[tilespmem:s25], [sflag:$0x1] =	stream.strided.gather [hbm4b:s12+s28], $0x0, s16, s28, $0x38;
	[tilespmem:$0xC100] =	vst v63  }
0xc8: {  	s22 =	sand.u32 $0x1FFFFFF0, s15;
	s26 =	spop (v2sf)  }
0xc9: {  	(v2sf) =	vpush v1, $0x8;
	[tilespmem:s25], [sflag:$0x1] =	stream.linear.gather [hbm4b:s12+s29], $0x40, $0x38;
	[tilespmem:$0xC100] =	vst v63  }
0xca: {  	s1 =	sadd.s32 $0x240, s2;
	s11 =	sadd.s32 s3, s22  }
0xcb: {  	[tilespmem:s1], [sflag:$0x1] =	stream.strided.gather [hbm4b:s11+s28], $0x0, s16, s28, $0x38;
	[tilespmem:$0xC100] =	vst v63  }
0xcc: {  	s15 =	sand.u32 $0x1FFFFFF0, s23;
	s21 =	spop (v2sf)  }
0xcd: {  	[tilespmem:s1], [sflag:$0x1] =	stream.linear.gather [hbm4b:s11+s29], $0x40, $0x38;
	[tilespmem:$0xC100] =	vst v63  }
0xce: {  	s20 =	sadd.s32 $0x280, s2;
	s15 =	sadd.s32 s4, s15;
	s22 =	spop (v2sf)  }
0xcf: {  	(v2sf) =	vpush v63, $0x8;
	[tilespmem:s20], [sflag:$0x1] =	stream.strided.gather [hbm4b:s15+s28], $0x0, s16, s28, $0x38;
	[tilespmem:$0xC100] =	vst v63  }
0xd0: {  	s10 =	sand.u32 $0x1FFFFFF0, s18;
	s14 =	sand.u32 $0x1FFFFFF0, s24;
	s24 =	spop (v2sf)  }
0xd1: {  	(v2sf) =	vpush v1, $0x9;
	[tilespmem:s20], [sflag:$0x1] =	stream.linear.gather [hbm4b:s15+s29], $0x40, $0x38;
	[tilespmem:$0xC100] =	vst v63  }
0xd2: {  	s23 =	sadd.s32 $0x2C0, s2;
	s10 =	sadd.s32 s3, s10;
	s12 =	spop (v2sf)  }
0xd3: {  	(v2sf) =	vpush v63, $0x9;
	[tilespmem:s23], [sflag:$0x1] =	stream.strided.gather [hbm4b:s10+s28], $0x0, s16, s28, $0x38;
	[tilespmem:$0xC100] =	vst v63  }
0xd4: {  	s14 =	sadd.s32 s4, s14;
	s25 =	spop (v2sf)  }
0xd5: {  	(v2sf) =	vpush v1, $0xA;
	[tilespmem:s23], [sflag:$0x1] =	stream.linear.gather [hbm4b:s10+s29], $0x40, $0x38;
	[tilespmem:$0xC100] =	vst v63  }
0xd6: {  	s9 =	sand.u32 $0x1FFFFFF0, s26;
	s26 =	sadd.s32 $0x300, s2;
	s20 =	spop (v2sf)  }
0xd7: {  	(v2sf) =	vpush v63, $0xA;
	[tilespmem:s26], [sflag:$0x1] =	stream.strided.gather [hbm4b:s14+s28], $0x0, s16, s28, $0x38;
	[tilespmem:$0xC100] =	vst v63  }
0xd8: {  	s19 =	sand.u32 $0x1FFFFFF0, s21;
	s1 =	spop (v2sf)  }
0xd9: {  	(v2sf) =	vpush v1, $0xB;
	[tilespmem:s26], [sflag:$0x1] =	stream.linear.gather [hbm4b:s14+s29], $0x40, $0x38;
	[tilespmem:$0xC100] =	vst v63  }
0xda: {  	s21 =	sand.u32 $0x1FFFFFF0, s22;
	s22 =	sadd.s32 $0x340, s2;
	s23 =	sadd.s32 s3, s9  }
0xdb: {  	(v2sf) =	vpush v63, $0xB;
	[tilespmem:s22], [sflag:$0x1] =	stream.strided.gather [hbm4b:s23+s28], $0x0, s16, s28, $0x38;
	[tilespmem:$0xC100] =	vst v63  }
0xdc: {  	s18 =	sadd.s32 $0x380, s2  }
0xdd: {  	[tilespmem:s22], [sflag:$0x1] =	stream.linear.gather [hbm4b:s23+s29], $0x40, $0x38;
	[tilespmem:$0xC100] =	vst v63  }
0xde: {  	s11 =	sand.u32 $0x1FFFFFF0, s25;
	s25 =	sadd.s32 s4, s19;
	s15 =	spop (v2sf)  }
0xdf: {  	(v2sf) =	vpush v1, $0xC;
	[tilespmem:s18], [sflag:$0x1] =	stream.strided.gather [hbm4b:s25+s28], $0x0, s16, s28, $0x38;
	[tilespmem:$0xC100] =	vst v63  }
0xe0: {  	s13 =	sand.u32 $0x1FFFFFF0, s24;
	s9 =	sand.u32 $0x1FFFFFF0, s1;
	s24 =	spop (v2sf)  }
0xe1: {  	(v2sf) =	vpush v63, $0xC;
	[tilespmem:s18], [sflag:$0x1] =	stream.linear.gather [hbm4b:s25+s29], $0x40, $0x38;
	[tilespmem:$0xC100] =	vst v63  }
0xe2: {  	s1 =	sadd.s32 s3, s21;
	s26 =	sadd.s32 $0x3C0, s2;
	s22 =	spop (v2sf)  }
0xe3: {  	(v2sf) =	vpush v1, $0xD;
	[tilespmem:s26], [sflag:$0x1] =	stream.strided.gather [hbm4b:s1+s28], $0x0, s16, s28, $0x38;
	[tilespmem:$0xC100] =	vst v63  }
0xe4: {  	s13 =	sadd.s32 s4, s13;
	s18 =	spop (v2sf)  }
0xe5: {  	(v2sf) =	vpush v63, $0xD;
	[tilespmem:s26], [sflag:$0x1] =	stream.linear.gather [hbm4b:s1+s29], $0x40, $0x38;
	[tilespmem:$0xC100] =	vst v63  }
0xe6: {  	s12 =	sand.u32 $0x1FFFFFF0, s12;
	s23 =	sadd.s32 $0x400, s2;
	s25 =	spop (v2sf)  }
0xe7: {  	(v2sf) =	vpush v1, $0xE;
	[tilespmem:s23], [sflag:$0x1] =	stream.strided.gather [hbm4b:s13+s28], $0x0, s16, s28, $0x38;
	[tilespmem:$0xC100] =	vst v63  }
0xe8: {  	s12 =	sadd.s32 s3, s12;
	s11 =	sadd.s32 s4, s11;
	s26 =	spop (v2sf)  }
0xe9: {  	[tilespmem:s23], [sflag:$0x1] =	stream.linear.gather [hbm4b:s13+s29], $0x40, $0x38;
	[tilespmem:$0xC100] =	vst v63  }
0xea: {  	s19 =	sand.u32 $0x1FFFFFF0, s25;
	s1 =	sadd.s32 $0x440, s2;
	s25 =	spop (v2sf)  }
0xeb: {  	(v2sf) =	vpush v63, $0xE;
	[tilespmem:s1], [sflag:$0x1] =	stream.strided.gather [hbm4b:s12+s28], $0x0, s16, s28, $0x38;
	[tilespmem:$0xC100] =	vst v63  }
0xec: {  	s10 =	sand.u32 $0x1FFFFFF0, s20;
	s20 =	sand.u32 $0x1FFFFFF0, s15;
	s14 =	sand.u32 $0x1FFFFFF0, s25  }
0xed: {  	(v2sf) =	vpush v1, $0xF;
	[tilespmem:s1], [sflag:$0x1] =	stream.linear.gather [hbm4b:s12+s29], $0x40, $0x38;
	[tilespmem:$0xC100] =	vst v63  }
0xee: {  	s25 =	sadd.s32 $0x480, s2;
	s23 =	sand.u32 $0x1FFFFFF0, s26;
	s26 =	spop (v2sf)  }
0xef: {  	[tilespmem:s25], [sflag:$0x1] =	stream.strided.gather [hbm4b:s11+s28], $0x0, s16, s28, $0x38;
	[tilespmem:$0xC100] =	vst v63  }
0xf0: {  	s15 =	sand.u32 $0x1FFFFFF0, s22;
	s22 =	sadd.s32 $0x4C0, s2;
	s13 =	spop (v2sf)  }
0xf1: {  	[tilespmem:s25], [sflag:$0x1] =	stream.linear.gather [hbm4b:s11+s29], $0x40, $0x38;
	[tilespmem:$0xC100] =	vst v63  }
0xf2: {  	s21 =	sand.u32 $0x1FFFFFF0, s26;
	s26 =	sadd.s32 s3, s10;
	s12 =	spop (v2sf)  }
0xf3: {  	[tilespmem:s22], [sflag:$0x1] =	stream.strided.gather [hbm4b:s26+s28], $0x0, s16, s28, $0x38;
	[tilespmem:$0xC100] =	vst v63  }
0xf4: {  	s9 =	sadd.s32 s4, s9;
	s1 =	spop (v2sf)  }
0xf5: {  	[tilespmem:s22], [sflag:$0x1] =	stream.linear.gather [hbm4b:s26+s29], $0x40, $0x38;
	[tilespmem:$0xC100] =	vst v63  }
0xf6: {  	s10 =	sand.u32 $0x1FFFFFF0, s1;
	s3 =	spop (v2sf);
	s25 =	sadd.s32 $0x500, s2  }
0xf7: {  	[tilespmem:s25], [sflag:$0x1] =	stream.strided.gather [hbm4b:s9+s28], $0x0, s16, s28, $0x38;
	[tilespmem:$0xC100] =	vst v63  }
0xf8: {  	s11 =	sand.u32 $0x1FFFFFF0, s12;
	s12 =	sand.u32 $0x1FFFFFF0, s3;
	s3 =	rddreg [dreg:$0x5]  }
0xf9: {  	(v2sf) =	vpush v63, $0xF;
	[tilespmem:s25], [sflag:$0x1] =	stream.linear.gather [hbm4b:s9+s29], $0x40, $0x38;
	[tilespmem:$0xC100] =	vst v63  }
0xfa: {  	s1 =	spop (v2sf);
	s3 =	sadd.s32 s3, s20;
	s26 =	sadd.s32 $0x540, s2  }
0xfb: {  	[tilespmem:s26], [sflag:$0x1] =	stream.strided.gather [hbm4b:s3+s28], $0x0, s16, s28, $0x38;
	[tilespmem:$0xC100] =	vst v63  }
0xfc: {  	s22 =	sand.u32 $0x1FFFFFF0, s1;
	s1 =	spop (v2sf);
	s9 =	sand.u32 $0x1FFFFFF0, s24  }
0xfd: {  	[tilespmem:s26], [sflag:$0x1] =	stream.linear.gather [hbm4b:s3+s29], $0x40, $0x38;
	[tilespmem:$0xC100] =	vst v63  }
0xfe: {  	s20 =	sand.u32 $0x1FFFFFF0, s1;
	s24 =	sadd.s32 $0x580, s2;
	s1 =	sadd.s32 s4, s9  }
0xff: {  	[tilespmem:s24], [sflag:$0x1] =	stream.strided.gather [hbm4b:s1+s28], $0x0, s16, s28, $0x38;
	[tilespmem:$0xC100] =	vst v63  }
0x100: {  	s26 =	rddreg [dreg:$0x5]  }
0x101: {  	[tilespmem:s24], [sflag:$0x1] =	stream.linear.gather [hbm4b:s1+s29], $0x40, $0x38;
	[tilespmem:$0xC100] =	vst v63  }
0x102: {  	s3 =	sadd.s32 $0x5C0, s2;
	s15 =	sadd.s32 s26, s15  }
0x103: {  	[tilespmem:s3], [sflag:$0x1] =	stream.strided.gather [hbm4b:s15+s28], $0x0, s16, s28, $0x38;
	[tilespmem:$0xC100] =	vst v63  }
0x104: {  	s18 =	sand.u32 $0x1FFFFFF0, s18  }
0x105: {  	[tilespmem:s3], [sflag:$0x1] =	stream.linear.gather [hbm4b:s15+s29], $0x40, $0x38;
	[tilespmem:$0xC100] =	vst v63  }
0x106: {  	s24 =	sadd.s32 $0x600, s2;
	s1 =	sadd.s32 s4, s18  }
0x107: {  	[tilespmem:s24], [sflag:$0x1] =	stream.strided.gather [hbm4b:s1+s28], $0x0, s16, s28, $0x38;
	[tilespmem:$0xC100] =	vst v63  }
0x108: {  	s25 =	spop (v2sf);
	s26 =	rddreg [dreg:$0x5]  }
0x109: {  	[tilespmem:s24], [sflag:$0x1] =	stream.linear.gather [hbm4b:s1+s29], $0x40, $0x38;
	[tilespmem:$0xC100] =	vst v63  }
0x10a: {  	s9 =	sand.u32 $0x1FFFFFF0, s25;
	s25 =	sadd.s32 $0x640, s2;
	s15 =	sadd.s32 s26, s19  }
0x10b: {  	[tilespmem:s25], [sflag:$0x1] =	stream.strided.gather [hbm4b:s15+s28], $0x0, s16, s28, $0x38;
	[tilespmem:$0xC100] =	vst v63  }
0x10c: {  	_ = 	snop  }
0x10d: {  	[tilespmem:s25], [sflag:$0x1] =	stream.linear.gather [hbm4b:s15+s29], $0x40, $0x38;
	[tilespmem:$0xC100] =	vst v63  }
0x10e: {  	s19 =	sadd.s32 $0x680, s2;
	s24 =	sadd.s32 s4, s23  }
0x10f: {  	[tilespmem:s19], [sflag:$0x1] =	stream.strided.gather [hbm4b:s24+s28], $0x0, s16, s28, $0x38;
	[tilespmem:$0xC100] =	vst v63  }
0x110: {  	s26 =	rddreg [dreg:$0x5]  }
0x111: {  	[tilespmem:s19], [sflag:$0x1] =	stream.linear.gather [hbm4b:s24+s29], $0x40, $0x38;
	[tilespmem:$0xC100] =	vst v63  }
0x112: {  	s14 =	sadd.s32 s26, s14;
	s25 =	sadd.s32 $0x6C0, s2  }
0x113: {  	[tilespmem:s25], [sflag:$0x1] =	stream.strided.gather [hbm4b:s14+s28], $0x0, s16, s28, $0x38;
	[tilespmem:$0xC100] =	vst v63  }
0x114: {  	_ = 	snop  }
0x115: {  	[tilespmem:s25], [sflag:$0x1] =	stream.linear.gather [hbm4b:s14+s29], $0x40, $0x38;
	[tilespmem:$0xC100] =	vst v63  }
0x116: {  	s23 =	sadd.s32 s4, s21;
	s19 =	sadd.s32 $0x700, s2  }
0x117: {  	[tilespmem:s19], [sflag:$0x1] =	stream.strided.gather [hbm4b:s23+s28], $0x0, s16, s28, $0x38;
	[tilespmem:$0xC100] =	vst v63  }
0x118: {  	s26 =	rddreg [dreg:$0x5];
	s24 =	sand.u32 $0x1FFFFFF0, s13  }
0x119: {  	[tilespmem:s19], [sflag:$0x1] =	stream.linear.gather [hbm4b:s23+s29], $0x40, $0x38;
	[tilespmem:$0xC100] =	vst v63  }
0x11a: {  	s3 =	sadd.s32 s26, s24;
	s25 =	sadd.s32 $0x740, s2  }
0x11b: {  	[tilespmem:s25], [sflag:$0x1] =	stream.strided.gather [hbm4b:s3+s28], $0x0, s16, s28, $0x38;
	[tilespmem:$0xC100] =	vst v63  }
0x11c: {  	_ = 	snop  }
0x11d: {  	[tilespmem:s25], [sflag:$0x1] =	stream.linear.gather [hbm4b:s3+s29], $0x40, $0x38;
	[tilespmem:$0xC100] =	vst v63  }
0x11e: {  	s11 =	sadd.s32 s4, s11;
	s14 =	sadd.s32 $0x780, s2  }
0x11f: {  	[tilespmem:s14], [sflag:$0x1] =	stream.strided.gather [hbm4b:s11+s28], $0x0, s16, s28, $0x38;
	[tilespmem:$0xC100] =	vst v63  }
0x120: {  	s18 =	rddreg [dreg:$0x5]  }
0x121: {  	[tilespmem:s14], [sflag:$0x1] =	stream.linear.gather [hbm4b:s11+s29], $0x40, $0x38;
	[tilespmem:$0xC100] =	vst v63  }
0x122: {  	s10 =	sadd.s32 s18, s10;
	s15 =	sadd.s32 $0x7C0, s2  }
0x123: {  	[tilespmem:s15], [sflag:$0x1] =	stream.strided.gather [hbm4b:s10+s28], $0x0, s16, s28, $0x38;
	[tilespmem:$0xC100] =	vst v63  }
0x124: {  	_ = 	snop  }
0x125: {  	[tilespmem:s15], [sflag:$0x1] =	stream.linear.gather [hbm4b:s10+s29], $0x40, $0x38;
	[tilespmem:$0xC100] =	vst v63  }
0x126: {  	s21 =	sadd.s32 s4, s12;
	s19 =	sadd.s32 $0x800, s2  }
0x127: {  	[tilespmem:s19], [sflag:$0x1] =	stream.strided.gather [hbm4b:s21+s28], $0x0, s16, s28, $0x38;
	[tilespmem:$0xC100] =	vst v63  }
0x128: {  	s24 =	rddreg [dreg:$0x5]  }
0x129: {  	[tilespmem:s19], [sflag:$0x1] =	stream.linear.gather [hbm4b:s21+s29], $0x40, $0x38;
	[tilespmem:$0xC100] =	vst v63  }
0x12a: {  	s23 =	sadd.s32 $0x840, s2;
	s10 =	sadd.s32 s24, s22  }
0x12b: {  	[tilespmem:s23], [sflag:$0x1] =	stream.strided.gather [hbm4b:s10+s28], $0x0, s16, s28, $0x38;
	[tilespmem:$0xC100] =	vst v63  }
0x12c: {  	_ = 	snop  }
0x12d: {  	[tilespmem:s23], [sflag:$0x1] =	stream.linear.gather [hbm4b:s10+s29], $0x40, $0x38;
	[tilespmem:$0xC100] =	vst v63  }
0x12e: {  	p0 =	sne.s32 s30, $0xE000;
	s26 =	sadd.s32 s4, s20;
	s25 =	sadd.s32 $0x880, s2  }
0x12f: {  	[tilespmem:s25], [sflag:$0x1] =	stream.strided.gather [hbm4b:s26+s28], $0x0, s16, s28, $0x38;
	[tilespmem:$0xC100] =	vst v63  }
.Ltmp0:
0x130: {  	_ = 	snop;
	(pc) =	sbr.rel @p0 .LBB2_2-.Ltmp0, $4  }
0x131: {  	s3 =	rddreg [dreg:$0x5]  }
0x132: {  	[tilespmem:s25], [sflag:$0x1] =	stream.linear.gather [hbm4b:s26+s29], $0x40, $0x38;
	[tilespmem:$0xC100] =	vst v63  }
0x133: {  	s30 =	sadd.s32 $0x2000, s30;
	s2 =	sadd.s32 $0x8C0, s2;
	s9 =	sadd.s32 s3, s9  }
0x134: {  	[tilespmem:s2], [sflag:$0x1] =	stream.strided.gather [hbm4b:s9+s28], $0x0, s16, s28, $0x38;
	[tilespmem:$0xC100] =	vst v63  }
0x135: {  	[tilespmem:s2], [sflag:$0x1] =	stream.linear.gather [hbm4b:s9+s29], $0x40, $0x38;
	[tilespmem:$0xC100] =	vst v63  }
0x136: {  	v0 =	vld [tilespmem:s29+$0x0];
	_ =	sdelay $0x3  }
0x137: {  	v2 =	vld [tilespmem:s28+$0x0]  }
0x138: {  	v1 =	vshll.u32 v0, $0x4  }
0x139: {  	(v2sf) =	vpush v1, $0x0  }
0x13a: {  	(v2sf) =	vpush v1, $0x1  }
0x13b: {  	(v2sf) =	vpush v1, $0x2  }
0x13c: {  	v63 =	vshll.u32 v2, $0x4  }
0x13d: {  	(v2sf) =	vpush v63, $0x0;
	_ =	sdelay $0x6  }
0x13e: {  	(v2sf) =	vpush v63, $0x1;
	_ =	sdelay $0x3  }
0x13f: {  	s0 =	spop (v2sf)  }
0x140: {  	s0 =	sand.u32 $0x1FFFFFF0, s0;
	s1 =	spop (v2sf)  }
0x141: {  	s19 =	simm.s32 $0x4100;
	s0 =	sadd.s32 s5, s0;
	s3 =	spop (v2sf)  }
0x142: {  	[tilespmem:s19], [sflag:$0x2] =	stream.strided.gather [hbm4b:s0+s28], $0x0, s16, s28, $0x38;
	[tilespmem:$0xC100] =	vst v63  }
0x143: {  	(v2sf) =	vpush v63, $0x2;
	s20 =	spop (v2sf)  }
0x144: {  	s21 =	sand.u32 $0x1FFFFFF0, s20  }
0x145: {  	[tilespmem:s19], [sflag:$0x2] =	stream.linear.gather [hbm4b:s0+s29], $0x40, $0x38;
	[tilespmem:$0xC100] =	vst v63  }
0x146: {  	s22 =	simm.s32 $0x4140;
	s0 =	sadd.s32 s6, s21  }
0x147: {  	(v2sf) =	vpush v1, $0x3;
	[tilespmem:s22], [sflag:$0x2] =	stream.strided.gather [hbm4b:s0+s28], $0x0, s16, s28, $0x38;
	[tilespmem:$0xC100] =	vst v63  }
0x148: {  	s1 =	sand.u32 $0x1FFFFFF0, s1  }
0x149: {  	[tilespmem:s22], [sflag:$0x2] =	stream.linear.gather [hbm4b:s0+s29], $0x40, $0x38;
	[tilespmem:$0xC100] =	vst v63  }
0x14a: {  	s24 =	simm.s32 $0x4180;
	s1 =	sadd.s32 s5, s1;
	s23 =	spop (v2sf)  }
0x14b: {  	(v2sf) =	vpush v63, $0x3;
	[tilespmem:s24], [sflag:$0x2] =	stream.strided.gather [hbm4b:s1+s28], $0x0, s16, s28, $0x38;
	[tilespmem:$0xC100] =	vst v63  }
0x14c: {  	s0 =	sand.u32 $0x1FFFFFF0, s23  }
0x14d: {  	[tilespmem:s24], [sflag:$0x2] =	stream.linear.gather [hbm4b:s1+s29], $0x40, $0x38;
	[tilespmem:$0xC100] =	vst v63  }
0x14e: {  	s25 =	simm.s32 $0x41C0;
	s0 =	sadd.s32 s6, s0  }
0x14f: {  	(v2sf) =	vpush v1, $0x4;
	[tilespmem:s25], [sflag:$0x2] =	stream.strided.gather [hbm4b:s0+s28], $0x0, s16, s28, $0x38;
	[tilespmem:$0xC100] =	vst v63  }
0x150: {  	s26 =	sand.u32 $0x1FFFFFF0, s3  }
0x151: {  	[tilespmem:s25], [sflag:$0x2] =	stream.linear.gather [hbm4b:s0+s29], $0x40, $0x38;
	[tilespmem:$0xC100] =	vst v63  }
0x152: {  	s4 =	simm.s32 $0x4200;
	s2 =	sadd.s32 s5, s26;
	s3 =	spop (v2sf)  }
0x153: {  	(v2sf) =	vpush v63, $0x4;
	[tilespmem:s4], [sflag:$0x2] =	stream.strided.gather [hbm4b:s2+s28], $0x0, s16, s28, $0x38;
	[tilespmem:$0xC100] =	vst v63  }
0x154: {  	s0 =	sand.u32 $0x1FFFFFF0, s3  }
0x155: {  	[tilespmem:s4], [sflag:$0x2] =	stream.linear.gather [hbm4b:s2+s29], $0x40, $0x38;
	[tilespmem:$0xC100] =	vst v63  }
0x156: {  	s10 =	simm.s32 $0x4240;
	s9 =	spop (v2sf);
	s0 =	sadd.s32 s6, s0  }
0x157: {  	(v2sf) =	vpush v1, $0x5;
	[tilespmem:s10], [sflag:$0x2] =	stream.strided.gather [hbm4b:s0+s28], $0x0, s16, s28, $0x38;
	[tilespmem:$0xC100] =	vst v63  }
0x158: {  	s1 =	sand.u32 $0x1FFFFFF0, s9  }
0x159: {  	[tilespmem:s10], [sflag:$0x2] =	stream.linear.gather [hbm4b:s0+s29], $0x40, $0x38;
	[tilespmem:$0xC100] =	vst v63  }
0x15a: {  	s12 =	simm.s32 $0x4280;
	s11 =	spop (v2sf);
	s1 =	sadd.s32 s5, s1  }
0x15b: {  	(v2sf) =	vpush v63, $0x5;
	[tilespmem:s12], [sflag:$0x2] =	stream.strided.gather [hbm4b:s1+s28], $0x0, s16, s28, $0x38;
	[tilespmem:$0xC100] =	vst v63  }
0x15c: {  	s0 =	sand.u32 $0x1FFFFFF0, s11  }
0x15d: {  	[tilespmem:s12], [sflag:$0x2] =	stream.linear.gather [hbm4b:s1+s29], $0x40, $0x38;
	[tilespmem:$0xC100] =	vst v63  }
0x15e: {  	s14 =	simm.s32 $0x42C0;
	s13 =	spop (v2sf);
	s0 =	sadd.s32 s6, s0  }
0x15f: {  	(v2sf) =	vpush v1, $0x6;
	[tilespmem:s14], [sflag:$0x2] =	stream.strided.gather [hbm4b:s0+s28], $0x0, s16, s28, $0x38;
	[tilespmem:$0xC100] =	vst v63  }
0x160: {  	s1 =	sand.u32 $0x1FFFFFF0, s13  }
0x161: {  	[tilespmem:s14], [sflag:$0x2] =	stream.linear.gather [hbm4b:s0+s29], $0x40, $0x38;
	[tilespmem:$0xC100] =	vst v63  }
0x162: {  	s18 =	simm.s32 $0x4300;
	s15 =	spop (v2sf);
	s1 =	sadd.s32 s5, s1  }
0x163: {  	(v2sf) =	vpush v63, $0x6;
	[tilespmem:s18], [sflag:$0x2] =	stream.strided.gather [hbm4b:s1+s28], $0x0, s16, s28, $0x38;
	[tilespmem:$0xC100] =	vst v63  }
0x164: {  	s0 =	sand.u32 $0x1FFFFFF0, s15  }
0x165: {  	[tilespmem:s18], [sflag:$0x2] =	stream.linear.gather [hbm4b:s1+s29], $0x40, $0x38;
	[tilespmem:$0xC100] =	vst v63  }
0x166: {  	s20 =	simm.s32 $0x4340;
	s19 =	spop (v2sf);
	s0 =	sadd.s32 s6, s0  }
0x167: {  	(v2sf) =	vpush v1, $0x7;
	[tilespmem:s20], [sflag:$0x2] =	stream.strided.gather [hbm4b:s0+s28], $0x0, s16, s28, $0x38;
	[tilespmem:$0xC100] =	vst v63  }
0x168: {  	s1 =	sand.u32 $0x1FFFFFF0, s19  }
0x169: {  	[tilespmem:s20], [sflag:$0x2] =	stream.linear.gather [hbm4b:s0+s29], $0x40, $0x38;
	[tilespmem:$0xC100] =	vst v63  }
0x16a: {  	s22 =	simm.s32 $0x4380;
	s21 =	spop (v2sf);
	s1 =	sadd.s32 s5, s1  }
0x16b: {  	(v2sf) =	vpush v63, $0x7;
	[tilespmem:s22], [sflag:$0x2] =	stream.strided.gather [hbm4b:s1+s28], $0x0, s16, s28, $0x38;
	[tilespmem:$0xC100] =	vst v63  }
0x16c: {  	s0 =	sand.u32 $0x1FFFFFF0, s21  }
0x16d: {  	[tilespmem:s22], [sflag:$0x2] =	stream.linear.gather [hbm4b:s1+s29], $0x40, $0x38;
	[tilespmem:$0xC100] =	vst v63  }
0x16e: {  	s24 =	simm.s32 $0x43C0;
	s23 =	spop (v2sf);
	s0 =	sadd.s32 s6, s0  }
0x16f: {  	(v2sf) =	vpush v1, $0x8;
	[tilespmem:s24], [sflag:$0x2] =	stream.strided.gather [hbm4b:s0+s28], $0x0, s16, s28, $0x38;
	[tilespmem:$0xC100] =	vst v63  }
0x170: {  	s1 =	sand.u32 $0x1FFFFFF0, s23  }
0x171: {  	[tilespmem:s24], [sflag:$0x2] =	stream.linear.gather [hbm4b:s0+s29], $0x40, $0x38;
	[tilespmem:$0xC100] =	vst v63  }
0x172: {  	s26 =	simm.s32 $0x4400;
	s25 =	spop (v2sf);
	s1 =	sadd.s32 s5, s1  }
0x173: {  	(v2sf) =	vpush v63, $0x8;
	[tilespmem:s26], [sflag:$0x2] =	stream.strided.gather [hbm4b:s1+s28], $0x0, s16, s28, $0x38;
	[tilespmem:$0xC100] =	vst v63  }
0x174: {  	s0 =	sand.u32 $0x1FFFFFF0, s25  }
0x175: {  	[tilespmem:s26], [sflag:$0x2] =	stream.linear.gather [hbm4b:s1+s29], $0x40, $0x38;
	[tilespmem:$0xC100] =	vst v63  }
0x176: {  	s4 =	simm.s32 $0x4440;
	s3 =	spop (v2sf);
	s0 =	sadd.s32 s6, s0  }
0x177: {  	(v2sf) =	vpush v1, $0x9;
	[tilespmem:s4], [sflag:$0x2] =	stream.strided.gather [hbm4b:s0+s28], $0x0, s16, s28, $0x38;
	[tilespmem:$0xC100] =	vst v63  }
0x178: {  	s1 =	sand.u32 $0x1FFFFFF0, s3  }
0x179: {  	[tilespmem:s4], [sflag:$0x2] =	stream.linear.gather [hbm4b:s0+s29], $0x40, $0x38;
	[tilespmem:$0xC100] =	vst v63  }
0x17a: {  	s10 =	simm.s32 $0x4480;
	s9 =	spop (v2sf);
	s1 =	sadd.s32 s5, s1  }
0x17b: {  	(v2sf) =	vpush v63, $0x9;
	[tilespmem:s10], [sflag:$0x2] =	stream.strided.gather [hbm4b:s1+s28], $0x0, s16, s28, $0x38;
	[tilespmem:$0xC100] =	vst v63  }
0x17c: {  	s0 =	sand.u32 $0x1FFFFFF0, s9  }
0x17d: {  	[tilespmem:s10], [sflag:$0x2] =	stream.linear.gather [hbm4b:s1+s29], $0x40, $0x38;
	[tilespmem:$0xC100] =	vst v63  }
0x17e: {  	s12 =	simm.s32 $0x44C0;
	s11 =	spop (v2sf);
	s0 =	sadd.s32 s6, s0  }
0x17f: {  	(v2sf) =	vpush v1, $0xA;
	[tilespmem:s12], [sflag:$0x2] =	stream.strided.gather [hbm4b:s0+s28], $0x0, s16, s28, $0x38;
	[tilespmem:$0xC100] =	vst v63  }
0x180: {  	s1 =	sand.u32 $0x1FFFFFF0, s11  }
0x181: {  	[tilespmem:s12], [sflag:$0x2] =	stream.linear.gather [hbm4b:s0+s29], $0x40, $0x38;
	[tilespmem:$0xC100] =	vst v63  }
0x182: {  	s14 =	simm.s32 $0x4500;
	s13 =	spop (v2sf);
	s1 =	sadd.s32 s5, s1  }
0x183: {  	(v2sf) =	vpush v63, $0xA;
	[tilespmem:s14], [sflag:$0x2] =	stream.strided.gather [hbm4b:s1+s28], $0x0, s16, s28, $0x38;
	[tilespmem:$0xC100] =	vst v63  }
0x184: {  	s0 =	sand.u32 $0x1FFFFFF0, s13  }
0x185: {  	[tilespmem:s14], [sflag:$0x2] =	stream.linear.gather [hbm4b:s1+s29], $0x40, $0x38;
	[tilespmem:$0xC100] =	vst v63  }
0x186: {  	s18 =	simm.s32 $0x4540;
	s15 =	spop (v2sf);
	s0 =	sadd.s32 s6, s0  }
0x187: {  	(v2sf) =	vpush v1, $0xB;
	[tilespmem:s18], [sflag:$0x2] =	stream.strided.gather [hbm4b:s0+s28], $0x0, s16, s28, $0x38;
	[tilespmem:$0xC100] =	vst v63  }
0x188: {  	s1 =	sand.u32 $0x1FFFFFF0, s15  }
0x189: {  	[tilespmem:s18], [sflag:$0x2] =	stream.linear.gather [hbm4b:s0+s29], $0x40, $0x38;
	[tilespmem:$0xC100] =	vst v63  }
0x18a: {  	s20 =	simm.s32 $0x4580;
	s19 =	spop (v2sf);
	s1 =	sadd.s32 s5, s1  }
0x18b: {  	(v2sf) =	vpush v63, $0xB;
	[tilespmem:s20], [sflag:$0x2] =	stream.strided.gather [hbm4b:s1+s28], $0x0, s16, s28, $0x38;
	[tilespmem:$0xC100] =	vst v63  }
0x18c: {  	s0 =	sand.u32 $0x1FFFFFF0, s19  }
0x18d: {  	[tilespmem:s20], [sflag:$0x2] =	stream.linear.gather [hbm4b:s1+s29], $0x40, $0x38;
	[tilespmem:$0xC100] =	vst v63  }
0x18e: {  	s22 =	simm.s32 $0x45C0;
	s21 =	spop (v2sf);
	s0 =	sadd.s32 s6, s0  }
0x18f: {  	(v2sf) =	vpush v1, $0xC;
	[tilespmem:s22], [sflag:$0x2] =	stream.strided.gather [hbm4b:s0+s28], $0x0, s16, s28, $0x38;
	[tilespmem:$0xC100] =	vst v63  }
0x190: {  	s1 =	sand.u32 $0x1FFFFFF0, s21  }
0x191: {  	[tilespmem:s22], [sflag:$0x2] =	stream.linear.gather [hbm4b:s0+s29], $0x40, $0x38;
	[tilespmem:$0xC100] =	vst v63  }
0x192: {  	s24 =	simm.s32 $0x4600;
	s23 =	spop (v2sf);
	s1 =	sadd.s32 s5, s1  }
0x193: {  	(v2sf) =	vpush v63, $0xC;
	[tilespmem:s24], [sflag:$0x2] =	stream.strided.gather [hbm4b:s1+s28], $0x0, s16, s28, $0x38;
	[tilespmem:$0xC100] =	vst v63  }
0x194: {  	s0 =	sand.u32 $0x1FFFFFF0, s23  }
0x195: {  	[tilespmem:s24], [sflag:$0x2] =	stream.linear.gather [hbm4b:s1+s29], $0x40, $0x38;
	[tilespmem:$0xC100] =	vst v63  }
0x196: {  	s26 =	simm.s32 $0x4640;
	s25 =	spop (v2sf);
	s0 =	sadd.s32 s6, s0  }
0x197: {  	(v2sf) =	vpush v1, $0xD;
	[tilespmem:s26], [sflag:$0x2] =	stream.strided.gather [hbm4b:s0+s28], $0x0, s16, s28, $0x38;
	[tilespmem:$0xC100] =	vst v63  }
0x198: {  	s1 =	sand.u32 $0x1FFFFFF0, s25  }
0x199: {  	[tilespmem:s26], [sflag:$0x2] =	stream.linear.gather [hbm4b:s0+s29], $0x40, $0x38;
	[tilespmem:$0xC100] =	vst v63  }
0x19a: {  	s4 =	simm.s32 $0x4680;
	s3 =	spop (v2sf);
	s1 =	sadd.s32 s5, s1  }
0x19b: {  	(v2sf) =	vpush v63, $0xD;
	[tilespmem:s4], [sflag:$0x2] =	stream.strided.gather [hbm4b:s1+s28], $0x0, s16, s28, $0x38;
	[tilespmem:$0xC100] =	vst v63  }
0x19c: {  	s0 =	sand.u32 $0x1FFFFFF0, s3  }
0x19d: {  	[tilespmem:s4], [sflag:$0x2] =	stream.linear.gather [hbm4b:s1+s29], $0x40, $0x38;
	[tilespmem:$0xC100] =	vst v63  }
0x19e: {  	s10 =	simm.s32 $0x46C0;
	s9 =	spop (v2sf);
	s0 =	sadd.s32 s6, s0  }
0x19f: {  	(v2sf) =	vpush v1, $0xE;
	[tilespmem:s10], [sflag:$0x2] =	stream.strided.gather [hbm4b:s0+s28], $0x0, s16, s28, $0x38;
	[tilespmem:$0xC100] =	vst v63  }
0x1a0: {  	s1 =	sand.u32 $0x1FFFFFF0, s9  }
0x1a1: {  	[tilespmem:s10], [sflag:$0x2] =	stream.linear.gather [hbm4b:s0+s29], $0x40, $0x38;
	[tilespmem:$0xC100] =	vst v63  }
0x1a2: {  	s12 =	simm.s32 $0x4700;
	s11 =	spop (v2sf);
	s1 =	sadd.s32 s5, s1  }
0x1a3: {  	(v2sf) =	vpush v63, $0xE;
	[tilespmem:s12], [sflag:$0x2] =	stream.strided.gather [hbm4b:s1+s28], $0x0, s16, s28, $0x38;
	[tilespmem:$0xC100] =	vst v63  }
0x1a4: {  	s0 =	sand.u32 $0x1FFFFFF0, s11  }
0x1a5: {  	[tilespmem:s12], [sflag:$0x2] =	stream.linear.gather [hbm4b:s1+s29], $0x40, $0x38;
	[tilespmem:$0xC100] =	vst v63  }
0x1a6: {  	s14 =	simm.s32 $0x4740;
	s13 =	spop (v2sf);
	s0 =	sadd.s32 s6, s0  }
0x1a7: {  	(v2sf) =	vpush v1, $0xF;
	[tilespmem:s14], [sflag:$0x2] =	stream.strided.gather [hbm4b:s0+s28], $0x0, s16, s28, $0x38;
	[tilespmem:$0xC100] =	vst v63  }
0x1a8: {  	s1 =	sand.u32 $0x1FFFFFF0, s13  }
0x1a9: {  	[tilespmem:s14], [sflag:$0x2] =	stream.linear.gather [hbm4b:s0+s29], $0x40, $0x38;
	[tilespmem:$0xC100] =	vst v63  }
0x1aa: {  	s18 =	simm.s32 $0x4780;
	s15 =	spop (v2sf);
	s1 =	sadd.s32 s5, s1  }
0x1ab: {  	(v2sf) =	vpush v63, $0xF;
	[tilespmem:s18], [sflag:$0x2] =	stream.strided.gather [hbm4b:s1+s28], $0x0, s16, s28, $0x38;
	[tilespmem:$0xC100] =	vst v63  }
0x1ac: {  	s0 =	sand.u32 $0x1FFFFFF0, s15  }
0x1ad: {  	[tilespmem:s18], [sflag:$0x2] =	stream.linear.gather [hbm4b:s1+s29], $0x40, $0x38;
	[tilespmem:$0xC100] =	vst v63  }
0x1ae: {  	s20 =	simm.s32 $0x47C0;
	s19 =	spop (v2sf);
	s0 =	sadd.s32 s6, s0  }
0x1af: {  	[tilespmem:s20], [sflag:$0x2] =	stream.strided.gather [hbm4b:s0+s28], $0x0, s16, s28, $0x38;
	[tilespmem:$0xC100] =	vst v63  }
0x1b0: {  	s1 =	sand.u32 $0x1FFFFFF0, s19  }
0x1b1: {  	[tilespmem:s20], [sflag:$0x2] =	stream.linear.gather [hbm4b:s0+s29], $0x40, $0x38;
	[tilespmem:$0xC100] =	vst v63  }
0x1b2: {  	s22 =	simm.s32 $0x4800;
	s21 =	spop (v2sf);
	s1 =	sadd.s32 s5, s1  }
0x1b3: {  	[tilespmem:s22], [sflag:$0x2] =	stream.strided.gather [hbm4b:s1+s28], $0x0, s16, s28, $0x38;
	[tilespmem:$0xC100] =	vst v63  }
0x1b4: {  	s0 =	sand.u32 $0x1FFFFFF0, s21  }
0x1b5: {  	[tilespmem:s22], [sflag:$0x2] =	stream.linear.gather [hbm4b:s1+s29], $0x40, $0x38;
	[tilespmem:$0xC100] =	vst v63  }
0x1b6: {  	s24 =	simm.s32 $0x4840;
	s23 =	spop (v2sf);
	s0 =	sadd.s32 s6, s0  }
0x1b7: {  	[tilespmem:s24], [sflag:$0x2] =	stream.strided.gather [hbm4b:s0+s28], $0x0, s16, s28, $0x38;
	[tilespmem:$0xC100] =	vst v63  }
0x1b8: {  	s1 =	sand.u32 $0x1FFFFFF0, s23  }
0x1b9: {  	[tilespmem:s24], [sflag:$0x2] =	stream.linear.gather [hbm4b:s0+s29], $0x40, $0x38;
	[tilespmem:$0xC100] =	vst v63  }
0x1ba: {  	s26 =	simm.s32 $0x4880;
	s25 =	spop (v2sf);
	s1 =	sadd.s32 s5, s1  }
0x1bb: {  	[tilespmem:s26], [sflag:$0x2] =	stream.strided.gather [hbm4b:s1+s28], $0x0, s16, s28, $0x38;
	[tilespmem:$0xC100] =	vst v63  }
0x1bc: {  	s30 =	simm.s32 $0x0;
	s31 =	simm.s32 $0x80;
	s0 =	sand.u32 $0x1FFFFFF0, s25  }
0x1bd: {  	[tilespmem:s26], [sflag:$0x2] =	stream.linear.gather [hbm4b:s1+s29], $0x40, $0x38;
	[tilespmem:$0xC100] =	vst v63  }
0x1be: {  	s2 =	simm.s32 $0x48C0;
	s9 =	sadd.s32 s6, s0;
	s0 =	simm.s32 $0x2000  }
0x1bf: {  	[tilespmem:s2], [sflag:$0x2] =	stream.strided.gather [hbm4b:s9+s28], $0x0, s16, s28, $0x38;
	[tilespmem:$0xC100] =	vst v63  }
.LBB2_4:
0x1c0: {  	p0 =	sne.s32 s0, $0xE000;
	s30 =	sadd.s32 $0x10, s30;
	s31 =	sadd.s32 $0x10, s31  }
0x1c1: {  	[tilespmem:s2], [sflag:$0x2] =	stream.linear.gather [hbm4b:s9+s29], $0x40, $0x38;
	[tilespmem:$0xC100] =	vst v63  }
0x1c2: {  	s1 =	smov.u32 s0;
	s0 =	sadd.s32 $0x2000, s0;
	v0 =	vld [tilespmem:s30+$0x0];
	_ =	sdelay $0x3  }
0x1c3: {  	v1 =	vld [tilespmem:s31+$0x0]  }
0x1c4: {  	v0 =	vshll.u32 v0, $0x4  }
0x1c5: {  	(v2sf) =	vpush v0, $0x0  }
0x1c6: {  	(v2sf) =	vpush v0, $0x1  }
0x1c7: {  	(v2sf) =	vpush v0, $0x2  }
0x1c8: {  	v1 =	vshll.u32 v1, $0x4  }
0x1c9: {  	(v2sf) =	vpush v1, $0x0;
	_ =	sdelay $0x1  }
0x1ca: {  	(v2sf) =	vpush v1, $0x1  }
0x1cb: {  	(v2sf) =	vpush v1, $0x2;
	_ =	sdelay $0x3  }
0x1cc: {  	(v2sf) =	vpush v0, $0x3;
	_ =	sdelay $0x3  }
0x1cd: {  	s3 =	spop (v2sf);
	(v2sf) =	vpush v1, $0x3  }
0x1ce: {  	s2 =	sshra.s32 s1, $0x2;
	s1 =	sand.u32 $0x1FFFFFF0, s3;
	s3 =	spop (v2sf)  }
0x1cf: {  	s9 =	sadd.s32 $0x4100, s2;
	s1 =	sadd.s32 s5, s1;
	s10 =	spop (v2sf)  }
0x1d0: {  	[tilespmem:s9], [sflag:$0x2] =	stream.strided.gather [hbm4b:s1+s28], $0x0, s16, s28, $0x38;
	[tilespmem:$0xC100] =	vst v63  }
0x1d1: {  	s3 =	sand.u32 $0x1FFFFFF0, s3;
	s10 =	sand.u32 $0x1FFFFFF0, s10;
	s11 =	spop (v2sf);
	(v2sf) =	vpush v0, $0x4  }
0x1d2: {  	[tilespmem:s9], [sflag:$0x2] =	stream.linear.gather [hbm4b:s1+s29], $0x40, $0x38;
	[tilespmem:$0xC100] =	vst v63  }
0x1d3: {  	s1 =	sadd.s32 $0x4140, s2;
	s9 =	sand.u32 $0x1FFFFFF0, s11;
	s11 =	spop (v2sf);
	(v2sf) =	vpush v1, $0x4  }
0x1d4: {  	s9 =	sadd.s32 s6, s9;
	s11 =	sand.u32 $0x1FFFFFF0, s11;
	s12 =	spop (v2sf)  }
0x1d5: {  	[tilespmem:s1], [sflag:$0x2] =	stream.strided.gather [hbm4b:s9+s28], $0x0, s16, s28, $0x38;
	(v2sf) =	vpush v0, $0x5;
	[tilespmem:$0xC100] =	vst v63  }
0x1d6: {  	s13 =	sadd.s32 $0x4180, s2;
	s3 =	sadd.s32 s5, s3;
	s12 =	sand.u32 $0x1FFFFFF0, s12  }
0x1d7: {  	[tilespmem:s1], [sflag:$0x2] =	stream.linear.gather [hbm4b:s9+s29], $0x40, $0x38;
	(v2sf) =	vpush v1, $0x5;
	[tilespmem:$0xC100] =	vst v63  }
0x1d8: {  	s1 =	spop (v2sf)  }
0x1d9: {  	[tilespmem:s13], [sflag:$0x2] =	stream.strided.gather [hbm4b:s3+s28], $0x0, s16, s28, $0x38;
	(v2sf) =	vpush v0, $0x6;
	[tilespmem:$0xC100] =	vst v63  }
0x1da: {  	s11 =	sadd.s32 s6, s11;
	s9 =	sadd.s32 $0x41C0, s2;
	s1 =	sand.u32 $0x1FFFFFF0, s1  }
0x1db: {  	[tilespmem:s13], [sflag:$0x2] =	stream.linear.gather [hbm4b:s3+s29], $0x40, $0x38;
	(v2sf) =	vpush v1, $0x6;
	[tilespmem:$0xC100] =	vst v63  }
0x1dc: {  	s3 =	spop (v2sf)  }
0x1dd: {  	[tilespmem:s9], [sflag:$0x2] =	stream.strided.gather [hbm4b:s11+s28], $0x0, s16, s28, $0x38;
	(v2sf) =	vpush v0, $0x7;
	[tilespmem:$0xC100] =	vst v63  }
0x1de: {  	s10 =	sadd.s32 s5, s10;
	s13 =	sadd.s32 $0x4200, s2;
	s3 =	sand.u32 $0x1FFFFFF0, s3  }
0x1df: {  	[tilespmem:s9], [sflag:$0x2] =	stream.linear.gather [hbm4b:s11+s29], $0x40, $0x38;
	(v2sf) =	vpush v1, $0x7;
	[tilespmem:$0xC100] =	vst v63  }
0x1e0: {  	s9 =	spop (v2sf)  }
0x1e1: {  	[tilespmem:s13], [sflag:$0x2] =	stream.strided.gather [hbm4b:s10+s28], $0x0, s16, s28, $0x38;
	(v2sf) =	vpush v0, $0x8;
	[tilespmem:$0xC100] =	vst v63  }
0x1e2: {  	s12 =	sadd.s32 s6, s12;
	s11 =	sadd.s32 $0x4240, s2;
	s14 =	spop (v2sf)  }
0x1e3: {  	[tilespmem:s13], [sflag:$0x2] =	stream.linear.gather [hbm4b:s10+s29], $0x40, $0x38;
	(v2sf) =	vpush v1, $0x8;
	[tilespmem:$0xC100] =	vst v63  }
0x1e4: {  	s9 =	sand.u32 $0x1FFFFFF0, s9;
	s13 =	sand.u32 $0x1FFFFFF0, s14;
	s10 =	spop (v2sf)  }
0x1e5: {  	[tilespmem:s11], [sflag:$0x2] =	stream.strided.gather [hbm4b:s12+s28], $0x0, s16, s28, $0x38;
	(v2sf) =	vpush v0, $0x9;
	[tilespmem:$0xC100] =	vst v63  }
0x1e6: {  	s1 =	sadd.s32 s5, s1;
	s14 =	sadd.s32 $0x4280, s2;
	s15 =	spop (v2sf)  }
0x1e7: {  	[tilespmem:s11], [sflag:$0x2] =	stream.linear.gather [hbm4b:s12+s29], $0x40, $0x38;
	(v2sf) =	vpush v1, $0x9;
	[tilespmem:$0xC100] =	vst v63  }
0x1e8: {  	s18 =	sand.u32 $0x1FFFFFF0, s10;
	s11 =	sand.u32 $0x1FFFFFF0, s15;
	s10 =	spop (v2sf)  }
0x1e9: {  	[tilespmem:s14], [sflag:$0x2] =	stream.strided.gather [hbm4b:s1+s28], $0x0, s16, s28, $0x38;
	(v2sf) =	vpush v0, $0xA;
	[tilespmem:$0xC100] =	vst v63  }
0x1ea: {  	s3 =	sadd.s32 s6, s3;
	s15 =	sadd.s32 $0x42C0, s2;
	s19 =	spop (v2sf)  }
0x1eb: {  	[tilespmem:s14], [sflag:$0x2] =	stream.linear.gather [hbm4b:s1+s29], $0x40, $0x38;
	(v2sf) =	vpush v1, $0xA;
	[tilespmem:$0xC100] =	vst v63  }
0x1ec: {  	s12 =	sand.u32 $0x1FFFFFF0, s10;
	s10 =	sand.u32 $0x1FFFFFF0, s19;
	s1 =	spop (v2sf)  }
0x1ed: {  	[tilespmem:s15], [sflag:$0x2] =	stream.strided.gather [hbm4b:s3+s28], $0x0, s16, s28, $0x38;
	(v2sf) =	vpush v0, $0xB;
	[tilespmem:$0xC100] =	vst v63  }
0x1ee: {  	s20 =	sadd.s32 s5, s9;
	s19 =	sadd.s32 $0x4300, s2;
	s9 =	spop (v2sf)  }
0x1ef: {  	[tilespmem:s15], [sflag:$0x2] =	stream.linear.gather [hbm4b:s3+s29], $0x40, $0x38;
	(v2sf) =	vpush v1, $0xB;
	[tilespmem:$0xC100] =	vst v63  }
0x1f0: {  	s14 =	sand.u32 $0x1FFFFFF0, s1;
	s9 =	sand.u32 $0x1FFFFFF0, s9;
	s1 =	spop (v2sf)  }
0x1f1: {  	[tilespmem:s19], [sflag:$0x2] =	stream.strided.gather [hbm4b:s20+s28], $0x0, s16, s28, $0x38;
	(v2sf) =	vpush v0, $0xC;
	[tilespmem:$0xC100] =	vst v63  }
0x1f2: {  	s13 =	sadd.s32 s6, s13;
	s3 =	sadd.s32 $0x4340, s2;
	s15 =	spop (v2sf)  }
0x1f3: {  	[tilespmem:s19], [sflag:$0x2] =	stream.linear.gather [hbm4b:s20+s29], $0x40, $0x38;
	(v2sf) =	vpush v1, $0xC;
	[tilespmem:$0xC100] =	vst v63  }
0x1f4: {  	s20 =	sand.u32 $0x1FFFFFF0, s1;
	s21 =	sand.u32 $0x1FFFFFF0, s15;
	s1 =	spop (v2sf)  }
0x1f5: {  	[tilespmem:s3], [sflag:$0x2] =	stream.strided.gather [hbm4b:s13+s28], $0x0, s16, s28, $0x38;
	(v2sf) =	vpush v0, $0xD;
	[tilespmem:$0xC100] =	vst v63  }
0x1f6: {  	s18 =	sadd.s32 s5, s18;
	s15 =	sadd.s32 $0x4380, s2;
	s19 =	spop (v2sf)  }
0x1f7: {  	[tilespmem:s3], [sflag:$0x2] =	stream.linear.gather [hbm4b:s13+s29], $0x40, $0x38;
	(v2sf) =	vpush v1, $0xD;
	[tilespmem:$0xC100] =	vst v63  }
0x1f8: {  	s25 =	sand.u32 $0x1FFFFFF0, s1;
	s19 =	sand.u32 $0x1FFFFFF0, s19;
	s1 =	spop (v2sf)  }
0x1f9: {  	[tilespmem:s15], [sflag:$0x2] =	stream.strided.gather [hbm4b:s18+s28], $0x0, s16, s28, $0x38;
	(v2sf) =	vpush v0, $0xE;
	[tilespmem:$0xC100] =	vst v63  }
0x1fa: {  	s3 =	sadd.s32 $0x43C0, s2;
	s13 =	sadd.s32 s6, s11;
	s11 =	spop (v2sf)  }
0x1fb: {  	[tilespmem:s15], [sflag:$0x2] =	stream.linear.gather [hbm4b:s18+s29], $0x40, $0x38;
	[tilespmem:$0xC100] =	vst v63  }
0x1fc: {  	s15 =	sand.u32 $0x1FFFFFF0, s1;
	s11 =	sand.u32 $0x1FFFFFF0, s11;
	s1 =	spop (v2sf)  }
0x1fd: {  	[tilespmem:s3], [sflag:$0x2] =	stream.strided.gather [hbm4b:s13+s28], $0x0, s16, s28, $0x38;
	(v2sf) =	vpush v1, $0xE;
	[tilespmem:$0xC100] =	vst v63  }
0x1fe: {  	s12 =	sadd.s32 s5, s12;
	s18 =	sadd.s32 $0x4400, s2;
	s22 =	spop (v2sf)  }
0x1ff: {  	[tilespmem:s3], [sflag:$0x2] =	stream.linear.gather [hbm4b:s13+s29], $0x40, $0x38;
	(v2sf) =	vpush v0, $0xF;
	[tilespmem:$0xC100] =	vst v63  }
0x200: {  	s23 =	sand.u32 $0x1FFFFFF0, s1;
	s13 =	sand.u32 $0x1FFFFFF0, s22;
	s1 =	spop (v2sf)  }
0x201: {  	[tilespmem:s18], [sflag:$0x2] =	stream.strided.gather [hbm4b:s12+s28], $0x0, s16, s28, $0x38;
	(v2sf) =	vpush v1, $0xF;
	[tilespmem:$0xC100] =	vst v63  }
0x202: {  	s10 =	sadd.s32 s6, s10;
	s3 =	sadd.s32 $0x4440, s2;
	s22 =	spop (v2sf)  }
0x203: {  	[tilespmem:s18], [sflag:$0x2] =	stream.linear.gather [hbm4b:s12+s29], $0x40, $0x38;
	[tilespmem:$0xC100] =	vst v63  }
0x204: {  	s18 =	sand.u32 $0x1FFFFFF0, s1;
	s12 =	sand.u32 $0x1FFFFFF0, s22;
	s1 =	spop (v2sf)  }
0x205: {  	[tilespmem:s3], [sflag:$0x2] =	stream.strided.gather [hbm4b:s10+s28], $0x0, s16, s28, $0x38;
	[tilespmem:$0xC100] =	vst v63  }
0x206: {  	s26 =	sadd.s32 s5, s14;
	s22 =	sadd.s32 $0x4480, s2;
	s24 =	spop (v2sf)  }
0x207: {  	[tilespmem:s3], [sflag:$0x2] =	stream.linear.gather [hbm4b:s10+s29], $0x40, $0x38;
	[tilespmem:$0xC100] =	vst v63  }
0x208: {  	s14 =	sand.u32 $0x1FFFFFF0, s1;
	s10 =	sand.u32 $0x1FFFFFF0, s24;
	s1 =	spop (v2sf)  }
0x209: {  	[tilespmem:s22], [sflag:$0x2] =	stream.strided.gather [hbm4b:s26+s28], $0x0, s16, s28, $0x38;
	[tilespmem:$0xC100] =	vst v63  }
0x20a: {  	s4 =	sadd.s32 s6, s9;
	s3 =	sadd.s32 $0x44C0, s2;
	s24 =	sand.u32 $0x1FFFFFF0, s1  }
0x20b: {  	[tilespmem:s22], [sflag:$0x2] =	stream.linear.gather [hbm4b:s26+s29], $0x40, $0x38;
	[tilespmem:$0xC100] =	vst v63  }
0x20c: {  	s9 =	spop (v2sf)  }
0x20d: {  	[tilespmem:s3], [sflag:$0x2] =	stream.strided.gather [hbm4b:s4+s28], $0x0, s16, s28, $0x38;
	[tilespmem:$0xC100] =	vst v63  }
0x20e: {  	s1 =	sadd.s32 $0x4500, s2;
	s26 =	sadd.s32 s5, s20;
	s20 =	spop (v2sf)  }
0x20f: {  	[tilespmem:s3], [sflag:$0x2] =	stream.linear.gather [hbm4b:s4+s29], $0x40, $0x38;
	[tilespmem:$0xC100] =	vst v63  }
0x210: {  	s22 =	sand.u32 $0x1FFFFFF0, s20;
	s20 =	spop (v2sf)  }
0x211: {  	[tilespmem:s1], [sflag:$0x2] =	stream.strided.gather [hbm4b:s26+s28], $0x0, s16, s28, $0x38;
	[tilespmem:$0xC100] =	vst v63  }
0x212: {  	s3 =	sadd.s32 $0x4540, s2;
	s4 =	sadd.s32 s6, s21  }
0x213: {  	[tilespmem:s1], [sflag:$0x2] =	stream.linear.gather [hbm4b:s26+s29], $0x40, $0x38;
	[tilespmem:$0xC100] =	vst v63  }
0x214: {  	_ = 	snop  }
0x215: {  	[tilespmem:s3], [sflag:$0x2] =	stream.strided.gather [hbm4b:s4+s28], $0x0, s16, s28, $0x38;
	[tilespmem:$0xC100] =	vst v63  }
0x216: {  	s21 =	sadd.s32 s5, s25;
	s1 =	sadd.s32 $0x4580, s2  }
0x217: {  	[tilespmem:s3], [sflag:$0x2] =	stream.linear.gather [hbm4b:s4+s29], $0x40, $0x38;
	[tilespmem:$0xC100] =	vst v63  }
0x218: {  	_ = 	snop  }
0x219: {  	[tilespmem:s1], [sflag:$0x2] =	stream.strided.gather [hbm4b:s21+s28], $0x0, s16, s28, $0x38;
	[tilespmem:$0xC100] =	vst v63  }
0x21a: {  	s3 =	sadd.s32 $0x45C0, s2;
	s4 =	sadd.s32 s6, s19  }
0x21b: {  	[tilespmem:s1], [sflag:$0x2] =	stream.linear.gather [hbm4b:s21+s29], $0x40, $0x38;
	[tilespmem:$0xC100] =	vst v63  }
0x21c: {  	_ = 	snop  }
0x21d: {  	[tilespmem:s3], [sflag:$0x2] =	stream.strided.gather [hbm4b:s4+s28], $0x0, s16, s28, $0x38;
	[tilespmem:$0xC100] =	vst v63  }
0x21e: {  	s15 =	sadd.s32 s5, s15;
	s1 =	sadd.s32 $0x4600, s2  }
0x21f: {  	[tilespmem:s3], [sflag:$0x2] =	stream.linear.gather [hbm4b:s4+s29], $0x40, $0x38;
	[tilespmem:$0xC100] =	vst v63  }
0x220: {  	_ = 	snop  }
0x221: {  	[tilespmem:s1], [sflag:$0x2] =	stream.strided.gather [hbm4b:s15+s28], $0x0, s16, s28, $0x38;
	[tilespmem:$0xC100] =	vst v63  }
0x222: {  	s3 =	sadd.s32 $0x4640, s2;
	s4 =	sadd.s32 s6, s11  }
0x223: {  	[tilespmem:s1], [sflag:$0x2] =	stream.linear.gather [hbm4b:s15+s29], $0x40, $0x38;
	[tilespmem:$0xC100] =	vst v63  }
0x224: {  	_ = 	snop  }
0x225: {  	[tilespmem:s3], [sflag:$0x2] =	stream.strided.gather [hbm4b:s4+s28], $0x0, s16, s28, $0x38;
	[tilespmem:$0xC100] =	vst v63  }
0x226: {  	s11 =	sadd.s32 s5, s23;
	s1 =	sadd.s32 $0x4680, s2  }
0x227: {  	[tilespmem:s3], [sflag:$0x2] =	stream.linear.gather [hbm4b:s4+s29], $0x40, $0x38;
	[tilespmem:$0xC100] =	vst v63  }
0x228: {  	_ = 	snop  }
0x229: {  	[tilespmem:s1], [sflag:$0x2] =	stream.strided.gather [hbm4b:s11+s28], $0x0, s16, s28, $0x38;
	[tilespmem:$0xC100] =	vst v63  }
0x22a: {  	s3 =	sadd.s32 $0x46C0, s2;
	s4 =	sadd.s32 s6, s13  }
0x22b: {  	[tilespmem:s1], [sflag:$0x2] =	stream.linear.gather [hbm4b:s11+s29], $0x40, $0x38;
	[tilespmem:$0xC100] =	vst v63  }
0x22c: {  	_ = 	snop  }
0x22d: {  	[tilespmem:s3], [sflag:$0x2] =	stream.strided.gather [hbm4b:s4+s28], $0x0, s16, s28, $0x38;
	[tilespmem:$0xC100] =	vst v63  }
0x22e: {  	s1 =	sadd.s32 $0x4700, s2;
	s11 =	sadd.s32 s5, s18  }
0x22f: {  	[tilespmem:s3], [sflag:$0x2] =	stream.linear.gather [hbm4b:s4+s29], $0x40, $0x38;
	[tilespmem:$0xC100] =	vst v63  }
0x230: {  	_ = 	snop  }
0x231: {  	[tilespmem:s1], [sflag:$0x2] =	stream.strided.gather [hbm4b:s11+s28], $0x0, s16, s28, $0x38;
	[tilespmem:$0xC100] =	vst v63  }
0x232: {  	s3 =	sadd.s32 $0x4740, s2;
	s4 =	sadd.s32 s6, s12  }
0x233: {  	[tilespmem:s1], [sflag:$0x2] =	stream.linear.gather [hbm4b:s11+s29], $0x40, $0x38;
	[tilespmem:$0xC100] =	vst v63  }
0x234: {  	_ = 	snop  }
0x235: {  	[tilespmem:s3], [sflag:$0x2] =	stream.strided.gather [hbm4b:s4+s28], $0x0, s16, s28, $0x38;
	[tilespmem:$0xC100] =	vst v63  }
0x236: {  	s1 =	sadd.s32 $0x4780, s2;
	s11 =	sadd.s32 s5, s14  }
0x237: {  	[tilespmem:s3], [sflag:$0x2] =	stream.linear.gather [hbm4b:s4+s29], $0x40, $0x38;
	[tilespmem:$0xC100] =	vst v63  }
0x238: {  	_ = 	snop  }
0x239: {  	[tilespmem:s1], [sflag:$0x2] =	stream.strided.gather [hbm4b:s11+s28], $0x0, s16, s28, $0x38;
	[tilespmem:$0xC100] =	vst v63  }
0x23a: {  	s3 =	sadd.s32 $0x47C0, s2;
	s4 =	sadd.s32 s6, s10  }
0x23b: {  	[tilespmem:s1], [sflag:$0x2] =	stream.linear.gather [hbm4b:s11+s29], $0x40, $0x38;
	[tilespmem:$0xC100] =	vst v63  }
0x23c: {  	_ = 	snop  }
0x23d: {  	[tilespmem:s3], [sflag:$0x2] =	stream.strided.gather [hbm4b:s4+s28], $0x0, s16, s28, $0x38;
	[tilespmem:$0xC100] =	vst v63  }
0x23e: {  	s10 =	sadd.s32 s5, s24;
	s1 =	sadd.s32 $0x4800, s2  }
0x23f: {  	[tilespmem:s3], [sflag:$0x2] =	stream.linear.gather [hbm4b:s4+s29], $0x40, $0x38;
	[tilespmem:$0xC100] =	vst v63  }
0x240: {  	s3 =	sand.u32 $0x1FFFFFF0, s9  }
0x241: {  	[tilespmem:s1], [sflag:$0x2] =	stream.strided.gather [hbm4b:s10+s28], $0x0, s16, s28, $0x38;
	[tilespmem:$0xC100] =	vst v63  }
0x242: {  	s4 =	sadd.s32 $0x4840, s2;
	s3 =	sadd.s32 s6, s3  }
0x243: {  	[tilespmem:s1], [sflag:$0x2] =	stream.linear.gather [hbm4b:s10+s29], $0x40, $0x38;
	[tilespmem:$0xC100] =	vst v63  }
0x244: {  	_ = 	snop  }
0x245: {  	[tilespmem:s4], [sflag:$0x2] =	stream.strided.gather [hbm4b:s3+s28], $0x0, s16, s28, $0x38;
	[tilespmem:$0xC100] =	vst v63  }
0x246: {  	s1 =	sadd.s32 $0x4880, s2;
	s10 =	sadd.s32 s5, s22  }
0x247: {  	[tilespmem:s4], [sflag:$0x2] =	stream.linear.gather [hbm4b:s3+s29], $0x40, $0x38;
	[tilespmem:$0xC100] =	vst v63  }
0x248: {  	s3 =	sand.u32 $0x1FFFFFF0, s20  }
0x249: {  	[tilespmem:s1], [sflag:$0x2] =	stream.strided.gather [hbm4b:s10+s28], $0x0, s16, s28, $0x38;
	[tilespmem:$0xC100] =	vst v63  }
.Ltmp1:
0x24a: {  	_ = 	snop;
	(pc) =	sbr.rel @p0 .LBB2_4-.Ltmp1, $4  }
0x24b: {  	s2 =	sadd.s32 $0x48C0, s2;
	s9 =	sadd.s32 s6, s3  }
0x24c: {  	[tilespmem:s1], [sflag:$0x2] =	stream.linear.gather [hbm4b:s10+s29], $0x40, $0x38;
	[tilespmem:$0xC100] =	vst v63  }
0x24d: {  	_ = 	snop  }
0x24e: {  	[tilespmem:s2], [sflag:$0x2] =	stream.strided.gather [hbm4b:s9+s28], $0x0, s16, s28, $0x38;
	[tilespmem:$0xC100] =	vst v63  }
0x24f: {  	[tilespmem:s2], [sflag:$0x2] =	stream.linear.gather [hbm4b:s9+s29], $0x40, $0x38;
	[tilespmem:$0xC100] =	vst v63  }
0x250: {  	v0 =	vld [tilespmem:s29+$0x0];
	_ =	sdelay $0x3  }
0x251: {  	v2 =	vld [tilespmem:s28+$0x0]  }
0x252: {  	v1 =	vshll.u32 v0, $0x4  }
0x253: {  	(v2sf) =	vpush v1, $0x0  }
0x254: {  	(v2sf) =	vpush v1, $0x1  }
0x255: {  	(v2sf) =	vpush v1, $0x2  }
0x256: {  	v63 =	vshll.u32 v2, $0x4  }
0x257: {  	(v2sf) =	vpush v63, $0x0;
	_ =	sdelay $0x6  }
0x258: {  	(v2sf) =	vpush v63, $0x1;
	_ =	sdelay $0x3  }
0x259: {  	s0 =	spop (v2sf)  }
0x25a: {  	s0 =	sand.u32 $0x1FFFFFF0, s0;
	s1 =	spop (v2sf)  }
0x25b: {  	s25 =	simm.s32 $0x8100;
	s0 =	sadd.s32 s7, s0;
	s3 =	spop (v2sf)  }
0x25c: {  	[tilespmem:s25], [sflag:$0x3] =	stream.strided.gather [hbm4b:s0+s17], $0x0, s16, s17, $0x38;
	[tilespmem:$0xC100] =	vst v63  }
0x25d: {  	(v2sf) =	vpush v63, $0x2;
	s4 =	spop (v2sf)  }
0x25e: {  	s30 =	simm.s32 $0x0;
	s26 =	sand.u32 $0x1FFFFFF0, s4  }
0x25f: {  	[tilespmem:s25], [sflag:$0x3] =	stream.linear.gather [hbm4b:s0+s30], $0x40, $0x38;
	[tilespmem:$0xC100] =	vst v63  }
0x260: {  	s31 =	simm.s32 $0x8140;
	s0 =	sadd.s32 s8, s26  }
0x261: {  	(v2sf) =	vpush v1, $0x3;
	[tilespmem:s31], [sflag:$0x3] =	stream.strided.gather [hbm4b:s0+s17], $0x0, s16, s17, $0x38;
	[tilespmem:$0xC100] =	vst v63  }
0x262: {  	s1 =	sand.u32 $0x1FFFFFF0, s1  }
0x263: {  	[tilespmem:s31], [sflag:$0x3] =	stream.linear.gather [hbm4b:s0+s30], $0x40, $0x38;
	[tilespmem:$0xC100] =	vst v63  }
0x264: {  	s9 =	simm.s32 $0x8180;
	s1 =	sadd.s32 s7, s1;
	s4 =	spop (v2sf)  }
0x265: {  	(v2sf) =	vpush v63, $0x3;
	[tilespmem:s9], [sflag:$0x3] =	stream.strided.gather [hbm4b:s1+s17], $0x0, s16, s17, $0x38;
	[tilespmem:$0xC100] =	vst v63  }
0x266: {  	s0 =	sand.u32 $0x1FFFFFF0, s4  }
0x267: {  	[tilespmem:s9], [sflag:$0x3] =	stream.linear.gather [hbm4b:s1+s30], $0x40, $0x38;
	[tilespmem:$0xC100] =	vst v63  }
0x268: {  	s10 =	simm.s32 $0x81C0;
	s0 =	sadd.s32 s8, s0  }
0x269: {  	(v2sf) =	vpush v1, $0x4;
	[tilespmem:s10], [sflag:$0x3] =	stream.strided.gather [hbm4b:s0+s17], $0x0, s16, s17, $0x38;
	[tilespmem:$0xC100] =	vst v63  }
0x26a: {  	s11 =	sand.u32 $0x1FFFFFF0, s3  }
0x26b: {  	[tilespmem:s10], [sflag:$0x3] =	stream.linear.gather [hbm4b:s0+s30], $0x40, $0x38;
	[tilespmem:$0xC100] =	vst v63  }
0x26c: {  	s13 =	simm.s32 $0x8200;
	s2 =	sadd.s32 s7, s11;
	s12 =	spop (v2sf)  }
0x26d: {  	(v2sf) =	vpush v63, $0x4;
	[tilespmem:s13], [sflag:$0x3] =	stream.strided.gather [hbm4b:s2+s17], $0x0, s16, s17, $0x38;
	[tilespmem:$0xC100] =	vst v63  }
0x26e: {  	s0 =	sand.u32 $0x1FFFFFF0, s12  }
0x26f: {  	[tilespmem:s13], [sflag:$0x3] =	stream.linear.gather [hbm4b:s2+s30], $0x40, $0x38;
	[tilespmem:$0xC100] =	vst v63  }
0x270: {  	s15 =	simm.s32 $0x8240;
	s14 =	spop (v2sf);
	s0 =	sadd.s32 s8, s0  }
0x271: {  	(v2sf) =	vpush v1, $0x5;
	[tilespmem:s15], [sflag:$0x3] =	stream.strided.gather [hbm4b:s0+s17], $0x0, s16, s17, $0x38;
	[tilespmem:$0xC100] =	vst v63  }
0x272: {  	s1 =	sand.u32 $0x1FFFFFF0, s14  }
0x273: {  	[tilespmem:s15], [sflag:$0x3] =	stream.linear.gather [hbm4b:s0+s30], $0x40, $0x38;
	[tilespmem:$0xC100] =	vst v63  }
0x274: {  	s19 =	simm.s32 $0x8280;
	s18 =	spop (v2sf);
	s1 =	sadd.s32 s7, s1  }
0x275: {  	(v2sf) =	vpush v63, $0x5;
	[tilespmem:s19], [sflag:$0x3] =	stream.strided.gather [hbm4b:s1+s17], $0x0, s16, s17, $0x38;
	[tilespmem:$0xC100] =	vst v63  }
0x276: {  	s0 =	sand.u32 $0x1FFFFFF0, s18  }
0x277: {  	[tilespmem:s19], [sflag:$0x3] =	stream.linear.gather [hbm4b:s1+s30], $0x40, $0x38;
	[tilespmem:$0xC100] =	vst v63  }
0x278: {  	s21 =	simm.s32 $0x82C0;
	s20 =	spop (v2sf);
	s0 =	sadd.s32 s8, s0  }
0x279: {  	(v2sf) =	vpush v1, $0x6;
	[tilespmem:s21], [sflag:$0x3] =	stream.strided.gather [hbm4b:s0+s17], $0x0, s16, s17, $0x38;
	[tilespmem:$0xC100] =	vst v63  }
0x27a: {  	s1 =	sand.u32 $0x1FFFFFF0, s20  }
0x27b: {  	[tilespmem:s21], [sflag:$0x3] =	stream.linear.gather [hbm4b:s0+s30], $0x40, $0x38;
	[tilespmem:$0xC100] =	vst v63  }
0x27c: {  	s23 =	simm.s32 $0x8300;
	s22 =	spop (v2sf);
	s1 =	sadd.s32 s7, s1  }
0x27d: {  	(v2sf) =	vpush v63, $0x6;
	[tilespmem:s23], [sflag:$0x3] =	stream.strided.gather [hbm4b:s1+s17], $0x0, s16, s17, $0x38;
	[tilespmem:$0xC100] =	vst v63  }
0x27e: {  	s0 =	sand.u32 $0x1FFFFFF0, s22  }
0x27f: {  	[tilespmem:s23], [sflag:$0x3] =	stream.linear.gather [hbm4b:s1+s30], $0x40, $0x38;
	[tilespmem:$0xC100] =	vst v63  }
0x280: {  	s25 =	simm.s32 $0x8340;
	s24 =	spop (v2sf);
	s0 =	sadd.s32 s8, s0  }
0x281: {  	(v2sf) =	vpush v1, $0x7;
	[tilespmem:s25], [sflag:$0x3] =	stream.strided.gather [hbm4b:s0+s17], $0x0, s16, s17, $0x38;
	[tilespmem:$0xC100] =	vst v63  }
0x282: {  	s1 =	sand.u32 $0x1FFFFFF0, s24  }
0x283: {  	[tilespmem:s25], [sflag:$0x3] =	stream.linear.gather [hbm4b:s0+s30], $0x40, $0x38;
	[tilespmem:$0xC100] =	vst v63  }
0x284: {  	s31 =	simm.s32 $0x8380;
	s26 =	spop (v2sf);
	s1 =	sadd.s32 s7, s1  }
0x285: {  	(v2sf) =	vpush v63, $0x7;
	[tilespmem:s31], [sflag:$0x3] =	stream.strided.gather [hbm4b:s1+s17], $0x0, s16, s17, $0x38;
	[tilespmem:$0xC100] =	vst v63  }
0x286: {  	s0 =	sand.u32 $0x1FFFFFF0, s26  }
0x287: {  	[tilespmem:s31], [sflag:$0x3] =	stream.linear.gather [hbm4b:s1+s30], $0x40, $0x38;
	[tilespmem:$0xC100] =	vst v63  }
0x288: {  	s3 =	simm.s32 $0x83C0;
	s2 =	spop (v2sf);
	s0 =	sadd.s32 s8, s0  }
0x289: {  	(v2sf) =	vpush v1, $0x8;
	[tilespmem:s3], [sflag:$0x3] =	stream.strided.gather [hbm4b:s0+s17], $0x0, s16, s17, $0x38;
	[tilespmem:$0xC100] =	vst v63  }
0x28a: {  	s1 =	sand.u32 $0x1FFFFFF0, s2  }
0x28b: {  	[tilespmem:s3], [sflag:$0x3] =	stream.linear.gather [hbm4b:s0+s30], $0x40, $0x38;
	[tilespmem:$0xC100] =	vst v63  }
0x28c: {  	s9 =	simm.s32 $0x8400;
	s4 =	spop (v2sf);
	s1 =	sadd.s32 s7, s1  }
0x28d: {  	(v2sf) =	vpush v63, $0x8;
	[tilespmem:s9], [sflag:$0x3] =	stream.strided.gather [hbm4b:s1+s17], $0x0, s16, s17, $0x38;
	[tilespmem:$0xC100] =	vst v63  }
0x28e: {  	s0 =	sand.u32 $0x1FFFFFF0, s4  }
0x28f: {  	[tilespmem:s9], [sflag:$0x3] =	stream.linear.gather [hbm4b:s1+s30], $0x40, $0x38;
	[tilespmem:$0xC100] =	vst v63  }
0x290: {  	s11 =	simm.s32 $0x8440;
	s10 =	spop (v2sf);
	s0 =	sadd.s32 s8, s0  }
0x291: {  	(v2sf) =	vpush v1, $0x9;
	[tilespmem:s11], [sflag:$0x3] =	stream.strided.gather [hbm4b:s0+s17], $0x0, s16, s17, $0x38;
	[tilespmem:$0xC100] =	vst v63  }
0x292: {  	s1 =	sand.u32 $0x1FFFFFF0, s10  }
0x293: {  	[tilespmem:s11], [sflag:$0x3] =	stream.linear.gather [hbm4b:s0+s30], $0x40, $0x38;
	[tilespmem:$0xC100] =	vst v63  }
0x294: {  	s13 =	simm.s32 $0x8480;
	s12 =	spop (v2sf);
	s1 =	sadd.s32 s7, s1  }
0x295: {  	(v2sf) =	vpush v63, $0x9;
	[tilespmem:s13], [sflag:$0x3] =	stream.strided.gather [hbm4b:s1+s17], $0x0, s16, s17, $0x38;
	[tilespmem:$0xC100] =	vst v63  }
0x296: {  	s0 =	sand.u32 $0x1FFFFFF0, s12  }
0x297: {  	[tilespmem:s13], [sflag:$0x3] =	stream.linear.gather [hbm4b:s1+s30], $0x40, $0x38;
	[tilespmem:$0xC100] =	vst v63  }
0x298: {  	s15 =	simm.s32 $0x84C0;
	s14 =	spop (v2sf);
	s0 =	sadd.s32 s8, s0  }
0x299: {  	(v2sf) =	vpush v1, $0xA;
	[tilespmem:s15], [sflag:$0x3] =	stream.strided.gather [hbm4b:s0+s17], $0x0, s16, s17, $0x38;
	[tilespmem:$0xC100] =	vst v63  }
0x29a: {  	s1 =	sand.u32 $0x1FFFFFF0, s14  }
0x29b: {  	[tilespmem:s15], [sflag:$0x3] =	stream.linear.gather [hbm4b:s0+s30], $0x40, $0x38;
	[tilespmem:$0xC100] =	vst v63  }
0x29c: {  	s19 =	simm.s32 $0x8500;
	s18 =	spop (v2sf);
	s1 =	sadd.s32 s7, s1  }
0x29d: {  	(v2sf) =	vpush v63, $0xA;
	[tilespmem:s19], [sflag:$0x3] =	stream.strided.gather [hbm4b:s1+s17], $0x0, s16, s17, $0x38;
	[tilespmem:$0xC100] =	vst v63  }
0x29e: {  	s0 =	sand.u32 $0x1FFFFFF0, s18  }
0x29f: {  	[tilespmem:s19], [sflag:$0x3] =	stream.linear.gather [hbm4b:s1+s30], $0x40, $0x38;
	[tilespmem:$0xC100] =	vst v63  }
0x2a0: {  	s21 =	simm.s32 $0x8540;
	s20 =	spop (v2sf);
	s0 =	sadd.s32 s8, s0  }
0x2a1: {  	(v2sf) =	vpush v1, $0xB;
	[tilespmem:s21], [sflag:$0x3] =	stream.strided.gather [hbm4b:s0+s17], $0x0, s16, s17, $0x38;
	[tilespmem:$0xC100] =	vst v63  }
0x2a2: {  	s1 =	sand.u32 $0x1FFFFFF0, s20  }
0x2a3: {  	[tilespmem:s21], [sflag:$0x3] =	stream.linear.gather [hbm4b:s0+s30], $0x40, $0x38;
	[tilespmem:$0xC100] =	vst v63  }
0x2a4: {  	s23 =	simm.s32 $0x8580;
	s22 =	spop (v2sf);
	s1 =	sadd.s32 s7, s1  }
0x2a5: {  	(v2sf) =	vpush v63, $0xB;
	[tilespmem:s23], [sflag:$0x3] =	stream.strided.gather [hbm4b:s1+s17], $0x0, s16, s17, $0x38;
	[tilespmem:$0xC100] =	vst v63  }
0x2a6: {  	s0 =	sand.u32 $0x1FFFFFF0, s22  }
0x2a7: {  	[tilespmem:s23], [sflag:$0x3] =	stream.linear.gather [hbm4b:s1+s30], $0x40, $0x38;
	[tilespmem:$0xC100] =	vst v63  }
0x2a8: {  	s25 =	simm.s32 $0x85C0;
	s24 =	spop (v2sf);
	s0 =	sadd.s32 s8, s0  }
0x2a9: {  	(v2sf) =	vpush v1, $0xC;
	[tilespmem:s25], [sflag:$0x3] =	stream.strided.gather [hbm4b:s0+s17], $0x0, s16, s17, $0x38;
	[tilespmem:$0xC100] =	vst v63  }
0x2aa: {  	s1 =	sand.u32 $0x1FFFFFF0, s24  }
0x2ab: {  	[tilespmem:s25], [sflag:$0x3] =	stream.linear.gather [hbm4b:s0+s30], $0x40, $0x38;
	[tilespmem:$0xC100] =	vst v63  }
0x2ac: {  	s31 =	simm.s32 $0x8600;
	s26 =	spop (v2sf);
	s1 =	sadd.s32 s7, s1  }
0x2ad: {  	(v2sf) =	vpush v63, $0xC;
	[tilespmem:s31], [sflag:$0x3] =	stream.strided.gather [hbm4b:s1+s17], $0x0, s16, s17, $0x38;
	[tilespmem:$0xC100] =	vst v63  }
0x2ae: {  	s0 =	sand.u32 $0x1FFFFFF0, s26  }
0x2af: {  	[tilespmem:s31], [sflag:$0x3] =	stream.linear.gather [hbm4b:s1+s30], $0x40, $0x38;
	[tilespmem:$0xC100] =	vst v63  }
0x2b0: {  	s3 =	simm.s32 $0x8640;
	s2 =	spop (v2sf);
	s0 =	sadd.s32 s8, s0  }
0x2b1: {  	(v2sf) =	vpush v1, $0xD;
	[tilespmem:s3], [sflag:$0x3] =	stream.strided.gather [hbm4b:s0+s17], $0x0, s16, s17, $0x38;
	[tilespmem:$0xC100] =	vst v63  }
0x2b2: {  	s1 =	sand.u32 $0x1FFFFFF0, s2  }
0x2b3: {  	[tilespmem:s3], [sflag:$0x3] =	stream.linear.gather [hbm4b:s0+s30], $0x40, $0x38;
	[tilespmem:$0xC100] =	vst v63  }
0x2b4: {  	s9 =	simm.s32 $0x8680;
	s4 =	spop (v2sf);
	s1 =	sadd.s32 s7, s1  }
0x2b5: {  	(v2sf) =	vpush v63, $0xD;
	[tilespmem:s9], [sflag:$0x3] =	stream.strided.gather [hbm4b:s1+s17], $0x0, s16, s17, $0x38;
	[tilespmem:$0xC100] =	vst v63  }
0x2b6: {  	s0 =	sand.u32 $0x1FFFFFF0, s4  }
0x2b7: {  	[tilespmem:s9], [sflag:$0x3] =	stream.linear.gather [hbm4b:s1+s30], $0x40, $0x38;
	[tilespmem:$0xC100] =	vst v63  }
0x2b8: {  	s11 =	simm.s32 $0x86C0;
	s10 =	spop (v2sf);
	s0 =	sadd.s32 s8, s0  }
0x2b9: {  	(v2sf) =	vpush v1, $0xE;
	[tilespmem:s11], [sflag:$0x3] =	stream.strided.gather [hbm4b:s0+s17], $0x0, s16, s17, $0x38;
	[tilespmem:$0xC100] =	vst v63  }
0x2ba: {  	s1 =	sand.u32 $0x1FFFFFF0, s10  }
0x2bb: {  	[tilespmem:s11], [sflag:$0x3] =	stream.linear.gather [hbm4b:s0+s30], $0x40, $0x38;
	[tilespmem:$0xC100] =	vst v63  }
0x2bc: {  	s13 =	simm.s32 $0x8700;
	s12 =	spop (v2sf);
	s1 =	sadd.s32 s7, s1  }
0x2bd: {  	(v2sf) =	vpush v63, $0xE;
	[tilespmem:s13], [sflag:$0x3] =	stream.strided.gather [hbm4b:s1+s17], $0x0, s16, s17, $0x38;
	[tilespmem:$0xC100] =	vst v63  }
0x2be: {  	s0 =	sand.u32 $0x1FFFFFF0, s12  }
0x2bf: {  	[tilespmem:s13], [sflag:$0x3] =	stream.linear.gather [hbm4b:s1+s30], $0x40, $0x38;
	[tilespmem:$0xC100] =	vst v63  }
0x2c0: {  	s15 =	simm.s32 $0x8740;
	s14 =	spop (v2sf);
	s0 =	sadd.s32 s8, s0  }
0x2c1: {  	(v2sf) =	vpush v1, $0xF;
	[tilespmem:s15], [sflag:$0x3] =	stream.strided.gather [hbm4b:s0+s17], $0x0, s16, s17, $0x38;
	[tilespmem:$0xC100] =	vst v63  }
0x2c2: {  	s1 =	sand.u32 $0x1FFFFFF0, s14  }
0x2c3: {  	[tilespmem:s15], [sflag:$0x3] =	stream.linear.gather [hbm4b:s0+s30], $0x40, $0x38;
	[tilespmem:$0xC100] =	vst v63  }
0x2c4: {  	s19 =	simm.s32 $0x8780;
	s18 =	spop (v2sf);
	s1 =	sadd.s32 s7, s1  }
0x2c5: {  	(v2sf) =	vpush v63, $0xF;
	[tilespmem:s19], [sflag:$0x3] =	stream.strided.gather [hbm4b:s1+s17], $0x0, s16, s17, $0x38;
	[tilespmem:$0xC100] =	vst v63  }
0x2c6: {  	s0 =	sand.u32 $0x1FFFFFF0, s18  }
0x2c7: {  	[tilespmem:s19], [sflag:$0x3] =	stream.linear.gather [hbm4b:s1+s30], $0x40, $0x38;
	[tilespmem:$0xC100] =	vst v63  }
0x2c8: {  	s21 =	simm.s32 $0x87C0;
	s20 =	spop (v2sf);
	s0 =	sadd.s32 s8, s0  }
0x2c9: {  	[tilespmem:s21], [sflag:$0x3] =	stream.strided.gather [hbm4b:s0+s17], $0x0, s16, s17, $0x38;
	[tilespmem:$0xC100] =	vst v63  }
0x2ca: {  	s1 =	sand.u32 $0x1FFFFFF0, s20  }
0x2cb: {  	[tilespmem:s21], [sflag:$0x3] =	stream.linear.gather [hbm4b:s0+s30], $0x40, $0x38;
	[tilespmem:$0xC100] =	vst v63  }
0x2cc: {  	s23 =	simm.s32 $0x8800;
	s22 =	spop (v2sf);
	s1 =	sadd.s32 s7, s1  }
0x2cd: {  	[tilespmem:s23], [sflag:$0x3] =	stream.strided.gather [hbm4b:s1+s17], $0x0, s16, s17, $0x38;
	[tilespmem:$0xC100] =	vst v63  }
0x2ce: {  	s0 =	sand.u32 $0x1FFFFFF0, s22  }
0x2cf: {  	[tilespmem:s23], [sflag:$0x3] =	stream.linear.gather [hbm4b:s1+s30], $0x40, $0x38;
	[tilespmem:$0xC100] =	vst v63  }
0x2d0: {  	s25 =	simm.s32 $0x8840;
	s24 =	spop (v2sf);
	s0 =	sadd.s32 s8, s0  }
0x2d1: {  	[tilespmem:s25], [sflag:$0x3] =	stream.strided.gather [hbm4b:s0+s17], $0x0, s16, s17, $0x38;
	[tilespmem:$0xC100] =	vst v63  }
0x2d2: {  	s1 =	sand.u32 $0x1FFFFFF0, s24  }
0x2d3: {  	[tilespmem:s25], [sflag:$0x3] =	stream.linear.gather [hbm4b:s0+s30], $0x40, $0x38;
	[tilespmem:$0xC100] =	vst v63  }
0x2d4: {  	s31 =	simm.s32 $0x8880;
	s26 =	spop (v2sf);
	s1 =	sadd.s32 s7, s1  }
0x2d5: {  	[tilespmem:s31], [sflag:$0x3] =	stream.strided.gather [hbm4b:s1+s17], $0x0, s16, s17, $0x38;
	[tilespmem:$0xC100] =	vst v63  }
0x2d6: {  	s0 =	sand.u32 $0x1FFFFFF0, s26  }
0x2d7: {  	[tilespmem:s31], [sflag:$0x3] =	stream.linear.gather [hbm4b:s1+s30], $0x40, $0x38;
	[tilespmem:$0xC100] =	vst v63  }
0x2d8: {  	s2 =	simm.s32 $0x88C0;
	s9 =	sadd.s32 s8, s0;
	s0 =	simm.s32 $0x2000  }
0x2d9: {  	[tilespmem:s2], [sflag:$0x3] =	stream.strided.gather [hbm4b:s9+s17], $0x0, s16, s17, $0x38;
	[tilespmem:$0xC100] =	vst v63  }
.LBB2_6:
0x2da: {  	p0 =	sne.s32 s0, $0xE000;
	s29 =	sadd.s32 $0x10, s29;
	s28 =	sadd.s32 $0x10, s28  }
0x2db: {  	[tilespmem:s2], [sflag:$0x3] =	stream.linear.gather [hbm4b:s9+s30], $0x40, $0x38;
	[tilespmem:$0xC100] =	vst v63  }
0x2dc: {  	s1 =	smov.u32 s0;
	s0 =	sadd.s32 $0x2000, s0;
	v0 =	vld [tilespmem:s29+$0x0];
	_ =	sdelay $0x3  }
0x2dd: {  	v1 =	vld [tilespmem:s28+$0x0]  }
0x2de: {  	v0 =	vshll.u32 v0, $0x4  }
0x2df: {  	(v2sf) =	vpush v0, $0x0  }
0x2e0: {  	(v2sf) =	vpush v0, $0x1  }
0x2e1: {  	(v2sf) =	vpush v0, $0x2  }
0x2e2: {  	v1 =	vshll.u32 v1, $0x4  }
0x2e3: {  	(v2sf) =	vpush v1, $0x0;
	_ =	sdelay $0x1  }
0x2e4: {  	(v2sf) =	vpush v1, $0x1  }
0x2e5: {  	(v2sf) =	vpush v1, $0x2;
	_ =	sdelay $0x3  }
0x2e6: {  	(v2sf) =	vpush v0, $0x3;
	_ =	sdelay $0x3  }
0x2e7: {  	s3 =	spop (v2sf);
	(v2sf) =	vpush v1, $0x3  }
0x2e8: {  	s2 =	sshra.s32 s1, $0x2;
	s1 =	sand.u32 $0x1FFFFFF0, s3;
	s3 =	spop (v2sf)  }
0x2e9: {  	s4 =	sadd.s32 $0x8100, s2;
	s1 =	sadd.s32 s7, s1;
	s9 =	spop (v2sf)  }
0x2ea: {  	[tilespmem:s4], [sflag:$0x3] =	stream.strided.gather [hbm4b:s1+s17], $0x0, s16, s17, $0x38;
	[tilespmem:$0xC100] =	vst v63  }
0x2eb: {  	s3 =	sand.u32 $0x1FFFFFF0, s3;
	s9 =	sand.u32 $0x1FFFFFF0, s9;
	s10 =	spop (v2sf);
	(v2sf) =	vpush v0, $0x4  }
0x2ec: {  	[tilespmem:s4], [sflag:$0x3] =	stream.linear.gather [hbm4b:s1+s30], $0x40, $0x38;
	[tilespmem:$0xC100] =	vst v63  }
0x2ed: {  	s1 =	sadd.s32 $0x8140, s2;
	s4 =	sand.u32 $0x1FFFFFF0, s10;
	s10 =	spop (v2sf);
	(v2sf) =	vpush v1, $0x4  }
0x2ee: {  	s4 =	sadd.s32 s8, s4;
	s10 =	sand.u32 $0x1FFFFFF0, s10;
	s11 =	spop (v2sf)  }
0x2ef: {  	[tilespmem:s1], [sflag:$0x3] =	stream.strided.gather [hbm4b:s4+s17], $0x0, s16, s17, $0x38;
	(v2sf) =	vpush v0, $0x5;
	[tilespmem:$0xC100] =	vst v63  }
0x2f0: {  	s12 =	sadd.s32 $0x8180, s2;
	s3 =	sadd.s32 s7, s3;
	s11 =	sand.u32 $0x1FFFFFF0, s11  }
0x2f1: {  	[tilespmem:s1], [sflag:$0x3] =	stream.linear.gather [hbm4b:s4+s30], $0x40, $0x38;
	(v2sf) =	vpush v1, $0x5;
	[tilespmem:$0xC100] =	vst v63  }
0x2f2: {  	s1 =	spop (v2sf)  }
0x2f3: {  	[tilespmem:s12], [sflag:$0x3] =	stream.strided.gather [hbm4b:s3+s17], $0x0, s16, s17, $0x38;
	(v2sf) =	vpush v0, $0x6;
	[tilespmem:$0xC100] =	vst v63  }
0x2f4: {  	s10 =	sadd.s32 s8, s10;
	s4 =	sadd.s32 $0x81C0, s2;
	s1 =	sand.u32 $0x1FFFFFF0, s1  }
0x2f5: {  	[tilespmem:s12], [sflag:$0x3] =	stream.linear.gather [hbm4b:s3+s30], $0x40, $0x38;
	(v2sf) =	vpush v1, $0x6;
	[tilespmem:$0xC100] =	vst v63  }
0x2f6: {  	s3 =	spop (v2sf)  }
0x2f7: {  	[tilespmem:s4], [sflag:$0x3] =	stream.strided.gather [hbm4b:s10+s17], $0x0, s16, s17, $0x38;
	(v2sf) =	vpush v0, $0x7;
	[tilespmem:$0xC100] =	vst v63  }
0x2f8: {  	s9 =	sadd.s32 s7, s9;
	s12 =	sadd.s32 $0x8200, s2;
	s3 =	sand.u32 $0x1FFFFFF0, s3  }
0x2f9: {  	[tilespmem:s4], [sflag:$0x3] =	stream.linear.gather [hbm4b:s10+s30], $0x40, $0x38;
	(v2sf) =	vpush v1, $0x7;
	[tilespmem:$0xC100] =	vst v63  }
0x2fa: {  	s4 =	spop (v2sf)  }
0x2fb: {  	[tilespmem:s12], [sflag:$0x3] =	stream.strided.gather [hbm4b:s9+s17], $0x0, s16, s17, $0x38;
	(v2sf) =	vpush v0, $0x8;
	[tilespmem:$0xC100] =	vst v63  }
0x2fc: {  	s11 =	sadd.s32 s8, s11;
	s10 =	sadd.s32 $0x8240, s2;
	s13 =	spop (v2sf)  }
0x2fd: {  	[tilespmem:s12], [sflag:$0x3] =	stream.linear.gather [hbm4b:s9+s30], $0x40, $0x38;
	(v2sf) =	vpush v1, $0x8;
	[tilespmem:$0xC100] =	vst v63  }
0x2fe: {  	s4 =	sand.u32 $0x1FFFFFF0, s4;
	s13 =	sand.u32 $0x1FFFFFF0, s13;
	s9 =	spop (v2sf)  }
0x2ff: {  	[tilespmem:s10], [sflag:$0x3] =	stream.strided.gather [hbm4b:s11+s17], $0x0, s16, s17, $0x38;
	(v2sf) =	vpush v0, $0x9;
	[tilespmem:$0xC100] =	vst v63  }
0x300: {  	s1 =	sadd.s32 s7, s1;
	s12 =	sadd.s32 $0x8280, s2;
	s14 =	spop (v2sf)  }
0x301: {  	[tilespmem:s10], [sflag:$0x3] =	stream.linear.gather [hbm4b:s11+s30], $0x40, $0x38;
	(v2sf) =	vpush v1, $0x9;
	[tilespmem:$0xC100] =	vst v63  }
0x302: {  	s15 =	sand.u32 $0x1FFFFFF0, s9;
	s11 =	sand.u32 $0x1FFFFFF0, s14;
	s9 =	spop (v2sf)  }
0x303: {  	[tilespmem:s12], [sflag:$0x3] =	stream.strided.gather [hbm4b:s1+s17], $0x0, s16, s17, $0x38;
	(v2sf) =	vpush v0, $0xA;
	[tilespmem:$0xC100] =	vst v63  }
0x304: {  	s3 =	sadd.s32 s8, s3;
	s14 =	sadd.s32 $0x82C0, s2;
	s10 =	spop (v2sf)  }
0x305: {  	[tilespmem:s12], [sflag:$0x3] =	stream.linear.gather [hbm4b:s1+s30], $0x40, $0x38;
	(v2sf) =	vpush v1, $0xA;
	[tilespmem:$0xC100] =	vst v63  }
0x306: {  	s12 =	sand.u32 $0x1FFFFFF0, s9;
	s10 =	sand.u32 $0x1FFFFFF0, s10;
	s1 =	spop (v2sf)  }
0x307: {  	[tilespmem:s14], [sflag:$0x3] =	stream.strided.gather [hbm4b:s3+s17], $0x0, s16, s17, $0x38;
	(v2sf) =	vpush v0, $0xB;
	[tilespmem:$0xC100] =	vst v63  }
0x308: {  	s18 =	sadd.s32 $0x8300, s2;
	s4 =	sadd.s32 s7, s4;
	s9 =	spop (v2sf)  }
0x309: {  	[tilespmem:s14], [sflag:$0x3] =	stream.linear.gather [hbm4b:s3+s30], $0x40, $0x38;
	(v2sf) =	vpush v1, $0xB;
	[tilespmem:$0xC100] =	vst v63  }
0x30a: {  	s14 =	sand.u32 $0x1FFFFFF0, s1;
	s9 =	sand.u32 $0x1FFFFFF0, s9;
	s1 =	spop (v2sf)  }
0x30b: {  	[tilespmem:s18], [sflag:$0x3] =	stream.strided.gather [hbm4b:s4+s17], $0x0, s16, s17, $0x38;
	(v2sf) =	vpush v0, $0xC;
	[tilespmem:$0xC100] =	vst v63  }
0x30c: {  	s13 =	sadd.s32 s8, s13;
	s3 =	sadd.s32 $0x8340, s2;
	s19 =	spop (v2sf)  }
0x30d: {  	[tilespmem:s18], [sflag:$0x3] =	stream.linear.gather [hbm4b:s4+s30], $0x40, $0x38;
	(v2sf) =	vpush v1, $0xC;
	[tilespmem:$0xC100] =	vst v63  }
0x30e: {  	s20 =	sand.u32 $0x1FFFFFF0, s1;
	s21 =	sand.u32 $0x1FFFFFF0, s19;
	s1 =	spop (v2sf)  }
0x30f: {  	[tilespmem:s3], [sflag:$0x3] =	stream.strided.gather [hbm4b:s13+s17], $0x0, s16, s17, $0x38;
	(v2sf) =	vpush v0, $0xD;
	[tilespmem:$0xC100] =	vst v63  }
0x310: {  	s15 =	sadd.s32 s7, s15;
	s4 =	sadd.s32 $0x8380, s2;
	s18 =	spop (v2sf)  }
0x311: {  	[tilespmem:s3], [sflag:$0x3] =	stream.linear.gather [hbm4b:s13+s30], $0x40, $0x38;
	(v2sf) =	vpush v1, $0xD;
	[tilespmem:$0xC100] =	vst v63  }
0x312: {  	s25 =	sand.u32 $0x1FFFFFF0, s1;
	s19 =	sand.u32 $0x1FFFFFF0, s18;
	s1 =	spop (v2sf)  }
0x313: {  	[tilespmem:s4], [sflag:$0x3] =	stream.strided.gather [hbm4b:s15+s17], $0x0, s16, s17, $0x38;
	(v2sf) =	vpush v0, $0xE;
	[tilespmem:$0xC100] =	vst v63  }
0x314: {  	s3 =	sadd.s32 $0x83C0, s2;
	s13 =	sadd.s32 s8, s11;
	s11 =	spop (v2sf)  }
0x315: {  	[tilespmem:s4], [sflag:$0x3] =	stream.linear.gather [hbm4b:s15+s30], $0x40, $0x38;
	[tilespmem:$0xC100] =	vst v63  }
0x316: {  	s15 =	sand.u32 $0x1FFFFFF0, s1;
	s11 =	sand.u32 $0x1FFFFFF0, s11;
	s1 =	spop (v2sf)  }
0x317: {  	[tilespmem:s3], [sflag:$0x3] =	stream.strided.gather [hbm4b:s13+s17], $0x0, s16, s17, $0x38;
	(v2sf) =	vpush v1, $0xE;
	[tilespmem:$0xC100] =	vst v63  }
0x318: {  	s12 =	sadd.s32 s7, s12;
	s4 =	sadd.s32 $0x8400, s2;
	s18 =	spop (v2sf)  }
0x319: {  	[tilespmem:s3], [sflag:$0x3] =	stream.linear.gather [hbm4b:s13+s30], $0x40, $0x38;
	(v2sf) =	vpush v0, $0xF;
	[tilespmem:$0xC100] =	vst v63  }
0x31a: {  	s23 =	sand.u32 $0x1FFFFFF0, s1;
	s13 =	sand.u32 $0x1FFFFFF0, s18;
	s1 =	spop (v2sf)  }
0x31b: {  	[tilespmem:s4], [sflag:$0x3] =	stream.strided.gather [hbm4b:s12+s17], $0x0, s16, s17, $0x38;
	(v2sf) =	vpush v1, $0xF;
	[tilespmem:$0xC100] =	vst v63  }
0x31c: {  	s10 =	sadd.s32 s8, s10;
	s3 =	sadd.s32 $0x8440, s2;
	s22 =	spop (v2sf)  }
0x31d: {  	[tilespmem:s4], [sflag:$0x3] =	stream.linear.gather [hbm4b:s12+s30], $0x40, $0x38;
	[tilespmem:$0xC100] =	vst v63  }
0x31e: {  	s18 =	sand.u32 $0x1FFFFFF0, s1;
	s12 =	sand.u32 $0x1FFFFFF0, s22;
	s1 =	spop (v2sf)  }
0x31f: {  	[tilespmem:s3], [sflag:$0x3] =	stream.strided.gather [hbm4b:s10+s17], $0x0, s16, s17, $0x38;
	[tilespmem:$0xC100] =	vst v63  }
0x320: {  	s4 =	sadd.s32 $0x8480, s2;
	s22 =	sadd.s32 s7, s14;
	s24 =	spop (v2sf)  }
0x321: {  	[tilespmem:s3], [sflag:$0x3] =	stream.linear.gather [hbm4b:s10+s30], $0x40, $0x38;
	[tilespmem:$0xC100] =	vst v63  }
0x322: {  	s14 =	sand.u32 $0x1FFFFFF0, s1;
	s10 =	sand.u32 $0x1FFFFFF0, s24;
	s1 =	spop (v2sf)  }
0x323: {  	[tilespmem:s4], [sflag:$0x3] =	stream.strided.gather [hbm4b:s22+s17], $0x0, s16, s17, $0x38;
	[tilespmem:$0xC100] =	vst v63  }
0x324: {  	s26 =	sadd.s32 s8, s9;
	s3 =	sadd.s32 $0x84C0, s2;
	s9 =	sand.u32 $0x1FFFFFF0, s1  }
0x325: {  	[tilespmem:s4], [sflag:$0x3] =	stream.linear.gather [hbm4b:s22+s30], $0x40, $0x38;
	[tilespmem:$0xC100] =	vst v63  }
0x326: {  	s24 =	spop (v2sf)  }
0x327: {  	[tilespmem:s3], [sflag:$0x3] =	stream.strided.gather [hbm4b:s26+s17], $0x0, s16, s17, $0x38;
	[tilespmem:$0xC100] =	vst v63  }
0x328: {  	s1 =	sadd.s32 $0x8500, s2;
	s4 =	sadd.s32 s7, s20;
	s20 =	spop (v2sf)  }
0x329: {  	[tilespmem:s3], [sflag:$0x3] =	stream.linear.gather [hbm4b:s26+s30], $0x40, $0x38;
	[tilespmem:$0xC100] =	vst v63  }
0x32a: {  	s22 =	sand.u32 $0x1FFFFFF0, s20;
	s20 =	spop (v2sf)  }
0x32b: {  	[tilespmem:s1], [sflag:$0x3] =	stream.strided.gather [hbm4b:s4+s17], $0x0, s16, s17, $0x38;
	[tilespmem:$0xC100] =	vst v63  }
0x32c: {  	s21 =	sadd.s32 s8, s21;
	s3 =	sadd.s32 $0x8540, s2  }
0x32d: {  	[tilespmem:s1], [sflag:$0x3] =	stream.linear.gather [hbm4b:s4+s30], $0x40, $0x38;
	[tilespmem:$0xC100] =	vst v63  }
0x32e: {  	_ = 	snop  }
0x32f: {  	[tilespmem:s3], [sflag:$0x3] =	stream.strided.gather [hbm4b:s21+s17], $0x0, s16, s17, $0x38;
	[tilespmem:$0xC100] =	vst v63  }
0x330: {  	s1 =	sadd.s32 $0x8580, s2;
	s4 =	sadd.s32 s7, s25  }
0x331: {  	[tilespmem:s3], [sflag:$0x3] =	stream.linear.gather [hbm4b:s21+s30], $0x40, $0x38;
	[tilespmem:$0xC100] =	vst v63  }
0x332: {  	_ = 	snop  }
0x333: {  	[tilespmem:s1], [sflag:$0x3] =	stream.strided.gather [hbm4b:s4+s17], $0x0, s16, s17, $0x38;
	[tilespmem:$0xC100] =	vst v63  }
0x334: {  	s19 =	sadd.s32 s8, s19;
	s3 =	sadd.s32 $0x85C0, s2  }
0x335: {  	[tilespmem:s1], [sflag:$0x3] =	stream.linear.gather [hbm4b:s4+s30], $0x40, $0x38;
	[tilespmem:$0xC100] =	vst v63  }
0x336: {  	_ = 	snop  }
0x337: {  	[tilespmem:s3], [sflag:$0x3] =	stream.strided.gather [hbm4b:s19+s17], $0x0, s16, s17, $0x38;
	[tilespmem:$0xC100] =	vst v63  }
0x338: {  	s1 =	sadd.s32 $0x8600, s2;
	s4 =	sadd.s32 s7, s15  }
0x339: {  	[tilespmem:s3], [sflag:$0x3] =	stream.linear.gather [hbm4b:s19+s30], $0x40, $0x38;
	[tilespmem:$0xC100] =	vst v63  }
0x33a: {  	_ = 	snop  }
0x33b: {  	[tilespmem:s1], [sflag:$0x3] =	stream.strided.gather [hbm4b:s4+s17], $0x0, s16, s17, $0x38;
	[tilespmem:$0xC100] =	vst v63  }
0x33c: {  	s11 =	sadd.s32 s8, s11;
	s3 =	sadd.s32 $0x8640, s2  }
0x33d: {  	[tilespmem:s1], [sflag:$0x3] =	stream.linear.gather [hbm4b:s4+s30], $0x40, $0x38;
	[tilespmem:$0xC100] =	vst v63  }
0x33e: {  	_ = 	snop  }
0x33f: {  	[tilespmem:s3], [sflag:$0x3] =	stream.strided.gather [hbm4b:s11+s17], $0x0, s16, s17, $0x38;
	[tilespmem:$0xC100] =	vst v63  }
0x340: {  	s1 =	sadd.s32 $0x8680, s2;
	s4 =	sadd.s32 s7, s23  }
0x341: {  	[tilespmem:s3], [sflag:$0x3] =	stream.linear.gather [hbm4b:s11+s30], $0x40, $0x38;
	[tilespmem:$0xC100] =	vst v63  }
0x342: {  	_ = 	snop  }
0x343: {  	[tilespmem:s1], [sflag:$0x3] =	stream.strided.gather [hbm4b:s4+s17], $0x0, s16, s17, $0x38;
	[tilespmem:$0xC100] =	vst v63  }
0x344: {  	s3 =	sadd.s32 $0x86C0, s2;
	s11 =	sadd.s32 s8, s13  }
0x345: {  	[tilespmem:s1], [sflag:$0x3] =	stream.linear.gather [hbm4b:s4+s30], $0x40, $0x38;
	[tilespmem:$0xC100] =	vst v63  }
0x346: {  	_ = 	snop  }
0x347: {  	[tilespmem:s3], [sflag:$0x3] =	stream.strided.gather [hbm4b:s11+s17], $0x0, s16, s17, $0x38;
	[tilespmem:$0xC100] =	vst v63  }
0x348: {  	s1 =	sadd.s32 $0x8700, s2;
	s4 =	sadd.s32 s7, s18  }
0x349: {  	[tilespmem:s3], [sflag:$0x3] =	stream.linear.gather [hbm4b:s11+s30], $0x40, $0x38;
	[tilespmem:$0xC100] =	vst v63  }
0x34a: {  	_ = 	snop  }
0x34b: {  	[tilespmem:s1], [sflag:$0x3] =	stream.strided.gather [hbm4b:s4+s17], $0x0, s16, s17, $0x38;
	[tilespmem:$0xC100] =	vst v63  }
0x34c: {  	s3 =	sadd.s32 $0x8740, s2;
	s11 =	sadd.s32 s8, s12  }
0x34d: {  	[tilespmem:s1], [sflag:$0x3] =	stream.linear.gather [hbm4b:s4+s30], $0x40, $0x38;
	[tilespmem:$0xC100] =	vst v63  }
0x34e: {  	_ = 	snop  }
0x34f: {  	[tilespmem:s3], [sflag:$0x3] =	stream.strided.gather [hbm4b:s11+s17], $0x0, s16, s17, $0x38;
	[tilespmem:$0xC100] =	vst v63  }
0x350: {  	s1 =	sadd.s32 $0x8780, s2;
	s4 =	sadd.s32 s7, s14  }
0x351: {  	[tilespmem:s3], [sflag:$0x3] =	stream.linear.gather [hbm4b:s11+s30], $0x40, $0x38;
	[tilespmem:$0xC100] =	vst v63  }
0x352: {  	_ = 	snop  }
0x353: {  	[tilespmem:s1], [sflag:$0x3] =	stream.strided.gather [hbm4b:s4+s17], $0x0, s16, s17, $0x38;
	[tilespmem:$0xC100] =	vst v63  }
0x354: {  	s10 =	sadd.s32 s8, s10;
	s3 =	sadd.s32 $0x87C0, s2  }
0x355: {  	[tilespmem:s1], [sflag:$0x3] =	stream.linear.gather [hbm4b:s4+s30], $0x40, $0x38;
	[tilespmem:$0xC100] =	vst v63  }
0x356: {  	_ = 	snop  }
0x357: {  	[tilespmem:s3], [sflag:$0x3] =	stream.strided.gather [hbm4b:s10+s17], $0x0, s16, s17, $0x38;
	[tilespmem:$0xC100] =	vst v63  }
0x358: {  	s1 =	sadd.s32 $0x8800, s2;
	s4 =	sadd.s32 s7, s9  }
0x359: {  	[tilespmem:s3], [sflag:$0x3] =	stream.linear.gather [hbm4b:s10+s30], $0x40, $0x38;
	[tilespmem:$0xC100] =	vst v63  }
0x35a: {  	s3 =	sand.u32 $0x1FFFFFF0, s24  }
0x35b: {  	[tilespmem:s1], [sflag:$0x3] =	stream.strided.gather [hbm4b:s4+s17], $0x0, s16, s17, $0x38;
	[tilespmem:$0xC100] =	vst v63  }
0x35c: {  	s9 =	sadd.s32 $0x8840, s2;
	s3 =	sadd.s32 s8, s3  }
0x35d: {  	[tilespmem:s1], [sflag:$0x3] =	stream.linear.gather [hbm4b:s4+s30], $0x40, $0x38;
	[tilespmem:$0xC100] =	vst v63  }
0x35e: {  	_ = 	snop  }
0x35f: {  	[tilespmem:s9], [sflag:$0x3] =	stream.strided.gather [hbm4b:s3+s17], $0x0, s16, s17, $0x38;
	[tilespmem:$0xC100] =	vst v63  }
0x360: {  	s1 =	sadd.s32 $0x8880, s2;
	s4 =	sadd.s32 s7, s22  }
0x361: {  	[tilespmem:s9], [sflag:$0x3] =	stream.linear.gather [hbm4b:s3+s30], $0x40, $0x38;
	[tilespmem:$0xC100] =	vst v63  }
0x362: {  	s3 =	sand.u32 $0x1FFFFFF0, s20  }
0x363: {  	[tilespmem:s1], [sflag:$0x3] =	stream.strided.gather [hbm4b:s4+s17], $0x0, s16, s17, $0x38;
	[tilespmem:$0xC100] =	vst v63  }
.Ltmp2:
0x364: {  	_ = 	snop;
	(pc) =	sbr.rel @p0 .LBB2_6-.Ltmp2, $4  }
0x365: {  	s2 =	sadd.s32 $0x88C0, s2;
	s9 =	sadd.s32 s8, s3  }
0x366: {  	[tilespmem:s1], [sflag:$0x3] =	stream.linear.gather [hbm4b:s4+s30], $0x40, $0x38;
	[tilespmem:$0xC100] =	vst v63  }
0x367: {  	_ = 	snop  }
0x368: {  	[tilespmem:s2], [sflag:$0x3] =	stream.strided.gather [hbm4b:s9+s17], $0x0, s16, s17, $0x38;
	[tilespmem:$0xC100] =	vst v63  }
0x369: {  	[tilespmem:s2], [sflag:$0x3] =	stream.linear.gather [hbm4b:s9+s30], $0x40, $0x38;
	[tilespmem:$0xC100] =	vst v63  }
0x36a: {  	s0 =	simm.s32 $0x1  }
0x36b: {  	_ =	swait.ge [sflag:s0], $0x4000  }
0x36c: {  	s1 =	simm.s32 $0xC00;
	s20 =	simm.s32 $0x100;
	[sflag:s0] =	ssyncset.done $0x0  }
0x36d: {  	s21 =	simm.s32 $0x2;
	s19 =	rddreg [dreg:$0x9];
	[sflag:s0] =	ssyncadd.s32 $0xFFFFC000  }
0x36e: {  	[hbm4b:s19+s16] =	stream.strided.scatter [tilespmem:s20], [sflag:$0x4], $0x4000, s1, s16, $0x38;
	[tilespmem:$0xC100] =	vst v63  }
0x36f: {  	_ =	swait.ge [sflag:s21], $0x4000  }
0x370: {  	s23 =	simm.s32 $0x4100;
	[sflag:s21] =	ssyncset.done $0x0  }
0x371: {  	s24 =	simm.s32 $0x3;
	s22 =	rddreg [dreg:$0xa];
	[sflag:s21] =	ssyncadd.s32 $0xFFFFC000  }
0x372: {  	[hbm4b:s22+s16] =	stream.strided.scatter [tilespmem:s23], [sflag:$0x4], $0x4000, s1, s16, $0x38;
	[tilespmem:$0xC100] =	vst v63  }
0x373: {  	_ =	swait.ge [sflag:s24], $0x4000  }
0x374: {  	s26 =	simm.s32 $0x8100;
	[sflag:s24] =	ssyncset.done $0x0  }
0x375: {  	s28 =	simm.s32 $0x4;
	s25 =	rddreg [dreg:$0xb];
	[sflag:s24] =	ssyncadd.s32 $0xFFFFC000  }
0x376: {  	[hbm4b:s25+s16] =	stream.strided.scatter [tilespmem:s26], [sflag:$0x4], $0x4000, s1, s16, $0x38;
	[tilespmem:$0xC100] =	vst v63  }
0x377: {  	_ =	swait.ge [sflag:s28], $0x4000  }
0x378: {  	[sflag:s28] =	ssyncset.done $0x0  }
0x379: {  	[sflag:s28] =	ssyncadd.s32 $0xFFFFC000  }
0x37a: {  	_ =	swait.ge [sflag:s28], $0x4000  }
0x37b: {  	[sflag:s28] =	ssyncset.done $0x0  }
0x37c: {  	[sflag:s28] =	ssyncadd.s32 $0xFFFFC000  }
0x37d: {  	_ =	swait.ge [sflag:s28], $0x4000  }
0x37e: {  	s29 =	rddreg [dreg:$0xd]  }
0x37f: {  	s31 =	rddreg [dreg:$0xc];
	s2 =	sadd.s32 $0x1, s29  }
0x380: {  	p0 =	sne.s32 s2, s31  }
.Ltmp3:
0x381: {  	_ = 	snop;
	(pc) =	sbr.rel @p0 .LBB2_1-.Ltmp3, $3  }
0x382: {  	_ =	sdelay $0x1  }
0x383: {  	[sflag:s28] =	ssyncset.done $0x0  }
0x384: {  	s3 =	rddreg [dreg:$0x5];
	[sflag:s28] =	ssyncadd.s32 $0xFFFFC000  }
0x385: {  	_ =	sfence.sel $0x180000  }
0x386: {  	[bflag:$0x0] =	sbarrier.arrive $0xFFFF  }
0x387: {  	_ =	strace $0x90000047  }
0x388: {  	s0 =	stileid.u32;
	[bflag:$0x2] =	sbarrier.arrive $0xFFFF  }
0x389: {  	p0 =	sne.s32 s0, $0x0;
	s0 =	rddreg [dreg:$0x4]  }
0x38a: {  	s0 =	sadd.s32 @!p0 $0x100000, s0  }
0x38b: {  	[sflag:s0] =	ssyncadd.tile.s32 @!p0 $0x1;
	_ =	shalt  }
.Lfunc_end2:
_tile_overlayer_lowered:
.L_overlay_start_2:
0x38c: {  	(tag) =	ssettag $0x2  }
0x38d: {  	s0 =	rddreg [dreg:$0x0];
	s2 =	stileid.u32  }
0x38e: {  	s1 =	rddreg [dreg:$0x1];
	p0 =	sne.s32 s2, $0x0  }
0x38f: {  	s3 =	rddreg [dreg:$0x2];
	[bflag:$0x3] =	sbarrier.arrive $0xFFFF;
	s2 =	simm.s32 @!p0 $0x1C05  }
0x390: {  	[timem:s3], [sflag:s2] =	dma.local @!p0 [hbm:s0], s1  }
0x391: {  	s0 =	simm.s32 @!p0 $0x5  }
0x392: {  	_ =	swait.ge @!p0 [sflag:s0], s1  }
0x393: {  	s1 =	ssub.s32 @!p0 $0x0, s1;
	[sflag:s0] =	ssyncset.done @!p0 $0x0  }
0x394: {  	[sflag:s0] =	ssyncadd.s32 @!p0 s1  }
0x395: {  	[bflag:$0x3] =	sbarrier.arrive $0xFFFF  }
0x396: {  	_ =	shalt  }

</sc_bundles>
